<compile_context>
chip_gen: v7x
topology: tpu7x:2x2x1
jax: 0.10.2.dev20260603
libtpu: 0.0.44.dev20260713+nightly
codegen_flags: <defaults>
</compile_context>

<pallas_src>
import functools

import jax
import jax.numpy as jnp
from jax import lax
from jax.experimental import pallas as pl
from jax.experimental.pallas import tpu as pltpu
from jax.experimental.pallas import tpu_sc as plsc

N = 10000
E = 160000
DH = 256
H = 3
DM = H * DH
NCB = DM // 128

ETOT = E + N
SEG = 2560
NSEG = 5
EPAD = SEG * NSEG * 16

NCHUNK = 14
CSTRIDE = 720
CPAD = 768
RPT = 48
DUMP = 728
FRT = 48
CW = 128
BATCH = 64
PEND = 2640
PTOT = 2656
GROUPS = SEG // 16

_i32 = jnp.int32
_f32 = jnp.float32



def _tc1_body(x_ref, wt_ref, att_ref, h_ref, asd_ref):
    h = jnp.dot(x_ref[...], wt_ref[...], preferred_element_type=_f32)
    for c in range(NCB):
        h_ref[c] = h[:, c * CW:(c + 1) * CW]
    asd_ref[...] = jnp.dot(h, att_ref[...], preferred_element_type=_f32)


def _norm(o_blocks, d, b_row):
    halves = []
    for half in range(2):
        acc = o_blocks[half][...] / d[:, 0:1]
        for k in range(1, H):
            acc = acc + o_blocks[2 * k + half][...] / d[:, k:k + 1]
        halves.append(acc * (1.0 / H) + b_row[:, half * CW:(half + 1) * CW])
    return jnp.concatenate(halves, axis=1)


def _tc2_body(o0, o1, o2, o3, o4, o5, d_ref, b_ref, wt_ref, att_ref, h_ref, asd_ref):
    x2 = jnp.maximum(_norm((o0, o1, o2, o3, o4, o5), d_ref[...], b_ref[...]), 0.0)
    h = jnp.dot(x2, wt_ref[...], preferred_element_type=_f32)
    for c in range(NCB):
        h_ref[c] = h[:, c * CW:(c + 1) * CW]
    asd_ref[...] = jnp.dot(h, att_ref[...], preferred_element_type=_f32)


def _tc3_body(o0, o1, o2, o3, o4, o5, d_ref, b_ref, out_ref):
    out_ref[...] = _norm((o0, o1, o2, o3, o4, o5), d_ref[...], b_ref[...])


_BN = 2000

_HSPEC = pl.BlockSpec((_BN, CW), lambda i: (i, 0))
_HOUT = [jax.ShapeDtypeStruct((N, CW), _f32)] * NCB


def _tc1(x, wt, attc):
    return pl.pallas_call(
        _tc1_body,
        grid=(N // _BN,),
        in_specs=[
            pl.BlockSpec((_BN, DH), lambda i: (i, 0)),
            pl.BlockSpec((DH, DM), lambda i: (0, 0)),
            pl.BlockSpec((DM, CW), lambda i: (0, 0)),
        ],
        out_specs=[pl.BlockSpec((NCB, _BN, CW), lambda i: (0, i, 0)), _HSPEC],
        out_shape=[jax.ShapeDtypeStruct((NCB, N, CW), _f32),
                   jax.ShapeDtypeStruct((N, CW), _f32)],
    )(x, wt, attc)


def _tc2(o_and_d, b_row, wt, attc):
    return pl.pallas_call(
        _tc2_body,
        grid=(N // _BN,),
        in_specs=[_HSPEC] * (NCB + 1) + [
            pl.BlockSpec((1, DH), lambda i: (0, 0)),
            pl.BlockSpec((DH, DM), lambda i: (0, 0)),
            pl.BlockSpec((DM, CW), lambda i: (0, 0)),
        ],
        out_specs=[pl.BlockSpec((NCB, _BN, CW), lambda i: (0, i, 0)), _HSPEC],
        out_shape=[jax.ShapeDtypeStruct((NCB, N, CW), _f32),
                   jax.ShapeDtypeStruct((N, CW), _f32)],
    )(*o_and_d, b_row, wt, attc)


def _tc3(o_and_d, b_row):
    return pl.pallas_call(
        _tc3_body,
        grid=(N // _BN,),
        in_specs=[_HSPEC] * (NCB + 1) + [
            pl.BlockSpec((1, DH), lambda i: (0, 0)),
        ],
        out_specs=pl.BlockSpec((_BN, DH), lambda i: (i, 0)),
        out_shape=jax.ShapeDtypeStruct((N, DH), _f32),
    )(*o_and_d, b_row)



def _sc_body(src_hbm, dst_hbm, asd_hbm, h6_hbm, zden_hbm,
             o0, o1, o2, o3, o4, o5, den_hbm,
             srcbuf, dstbuf, psrc, pdstg, pdstl, pdstb, pidx, pdst6,
             asds, asdd, hbuf, erows, ssp, sden, sem, sem2, sem3):
    o_hbms = (o0, o1, o2, o3, o4, o5)
    cid = lax.axis_index("c")
    sid = lax.axis_index("s")
    lanes0 = lax.iota(_i32, 16)
    ones16 = jnp.full((16,), 1, _i32)
    zeros16 = jnp.zeros((16,), _i32)
    zf = jnp.zeros((16,), _f32)


    def ez_body(i, c):
        for j in range(CW // 16):
            erows[i, pl.ds(j * 16, 16)] = zf
        return c
    lax.fori_loop(0, BATCH, ez_body, 0)

    def batch_body(b, base):
        b64 = pl.multiple_of(b * BATCH, BATCH)
        for j in range(BATCH // 16):
            sv = psrc[pl.ds(b64 + j * 16, 16)]
            dv = pdstl[pl.ds(b64 + j * 16, 16)]
            pdstb[pl.ds(j * 16, 16)] = dv
            for c in range(NCB):
                pidx[c // 2, pl.ds((c % 2) * BATCH + j * 16, 16)] = sv + c * N
                pdst6[c // 2, pl.ds((c % 2) * BATCH + j * 16, 16)] = dv + c * CPAD
        hgets = [pltpu.async_copy(h6_hbm.at[pidx.at[j]],
                                  hbuf.at[pl.ds(j * 2 * BATCH, 2 * BATCH)], sem)
                 for j in range(NCB // 2)]
        ga = pltpu.async_copy(asd_hbm.at[psrc.at[pl.ds(b64, BATCH)]], asds, sem3)
        gb = pltpu.async_copy(asd_hbm.at[pdstg.at[pl.ds(b64, BATCH)]], asdd, sem3)
        ga.wait()
        gb.wait()
        for g in range(BATCH // 16):
            lanes = lanes0 + g * 16
            for k in range(H):
                a_s = plsc.load_gather(asds, [lanes, jnp.full((16,), k, _i32)])
                a_d = plsc.load_gather(asdd, [lanes, jnp.full((16,), 3 + k, _i32)])
                al = a_s + a_d
                al = jnp.where(al >= 0.0, al, al * 0.2)
                plsc.store_scatter(erows, [lanes, jnp.full((16,), k, _i32)],
                                   jnp.exp(al))
        for g in hgets:
            g.wait()
        def scale_body(i, c):
            ib = zeros16 + i
            for k in range(H):
                ev = plsc.load_gather(erows, [ib, jnp.full((16,), k, _i32)])
                for c2 in range(2):
                    r = (2 * k + c2) * BATCH + i
                    for j in range(CW // 16):
                        hbuf[r, pl.ds(j * 16, 16)] = hbuf[r, pl.ds(j * 16, 16)] * ev
            return c
        lax.fori_loop(0, 0, scale_body, 0)
        puts = [pltpu.async_copy(hbuf.at[pl.ds(j * 2 * BATCH, 2 * BATCH)],
                                 ssp.at[pdst6.at[j]], sem2, add=True)
                for j in range(NCB // 2)]
        puts.append(pltpu.async_copy(erows, sden.at[pdstb], sem2, add=True))
        for p in puts:
            p.wait()
        return base

    def seg_body(s, base):
        off = pl.multiple_of((s * 16 + sid) * SEG, SEG)
        pltpu.sync_copy(src_hbm.at[pl.ds(off, SEG)], srcbuf)
        pltpu.sync_copy(dst_hbm.at[pl.ds(off, SEG)], dstbuf)
        upper = jnp.minimum(base + CSTRIDE, jnp.int32(N))

        def compact_body(g, wp):
            s16 = srcbuf[pl.ds(g * 16, 16)]
            d16 = dstbuf[pl.ds(g * 16, 16)]
            m = (d16 >= base) & (d16 < upper)
            mi = jnp.where(m, ones16, zeros16)
            incl = plsc.cumsum(mi)
            pos = jnp.where(m, wp + incl - mi, PEND + lanes0)
            plsc.store_scatter(psrc, [pos], s16)
            plsc.store_scatter(pdstg, [pos], d16)
            plsc.store_scatter(pdstl, [pos], d16 - base)
            return wp + jnp.max(incl)
        wp = lax.fori_loop(0, GROUPS, compact_body, jnp.zeros((), _i32))
        rp = jnp.full((16,), DUMP, _i32)

        def fill_body(q, c):
            at = pl.ds(wp + q * 16, 16)
            psrc[at] = zeros16
            pdstg[at] = zeros16
            pdstl[at] = rp
            return c
        lax.fori_loop(0, 5, fill_body, 0)
        nb = (wp + (BATCH - 1)) // BATCH
        lax.fori_loop(0, nb, batch_body, base)
        return base

    def chunk_body(p, c):
        chunk = cid * (NCHUNK // 2) + p
        base = chunk * CSTRIDE
        for c2 in range(NCB):
            pltpu.sync_copy(zden_hbm, ssp.at[pl.ds(c2 * CPAD + sid * RPT, RPT)])
        pltpu.sync_copy(zden_hbm, sden.at[pl.ds(sid * RPT, RPT)])
        plsc.subcore_barrier()
        lax.fori_loop(0, NSEG, seg_body, base)
        plsc.subcore_barrier()

        @pl.when((sid <= 12) | ((chunk < NCHUNK - 1) & (sid <= 14)))
        def _():
            for c2 in range(NCB):
                pltpu.sync_copy(ssp.at[pl.ds(c2 * CPAD + sid * FRT, FRT)],
                                o_hbms[c2].at[pl.ds(base + sid * FRT, FRT)])
            pltpu.sync_copy(sden.at[pl.ds(sid * FRT, FRT)],
                            den_hbm.at[pl.ds(base + sid * FRT, FRT)])

        @pl.when((chunk == NCHUNK - 1) & (sid == 13))
        def _():
            last = 13 * FRT
            tail = N - (NCHUNK - 1) * CSTRIDE - last
            for c2 in range(NCB):
                pltpu.sync_copy(ssp.at[pl.ds(c2 * CPAD + last, tail)],
                                o_hbms[c2].at[pl.ds(base + last, tail)])
            pltpu.sync_copy(sden.at[pl.ds(last, tail)],
                            den_hbm.at[pl.ds(base + last, tail)])
        return c

    lax.fori_loop(0, NCHUNK // 2, chunk_body, 0)


@functools.partial(
    pl.kernel,
    out_type=[jax.ShapeDtypeStruct((N, CW), _f32)] * (NCB + 1),
    mesh=plsc.VectorSubcoreMesh(core_axis_name="c", subcore_axis_name="s"),
    compiler_params=pltpu.CompilerParams(needs_layout_passes=False),
    scratch_types=[
        pltpu.VMEM((SEG,), _i32),
        pltpu.VMEM((SEG,), _i32),
        pltpu.VMEM((PTOT,), _i32),
        pltpu.VMEM((PTOT,), _i32),
        pltpu.VMEM((PTOT,), _i32),
        pltpu.VMEM((BATCH,), _i32),
        pltpu.VMEM((NCB // 2, 2 * BATCH), _i32),
        pltpu.VMEM((NCB // 2, 2 * BATCH), _i32),
        pltpu.VMEM((BATCH, CW), _f32),
        pltpu.VMEM((BATCH, CW), _f32),
        pltpu.VMEM((NCB * BATCH, CW), _f32),
        pltpu.VMEM((BATCH, CW), _f32),
        pltpu.VMEM_SHARED((NCB * CPAD, CW), _f32),
        pltpu.VMEM_SHARED((CPAD, CW), _f32),
        pltpu.SemaphoreType.DMA, pltpu.SemaphoreType.DMA,
        pltpu.SemaphoreType.DMA,
    ],
)
def _sc_edges(src, dst, asd, h6, zden, *rest):
    _sc_body(src, dst, asd, h6, zden, *rest)



def _attcat(att_s, att_d):
    a = jnp.zeros((DM, CW), _f32)
    for k in range(H):
        a = a.at[k * DH:(k + 1) * DH, k].set(att_s[k])
        a = a.at[k * DH:(k + 1) * DH, k + 3].set(att_d[k])
    return a


def kernel(x, edge_index, W1, att_src1, att_dst1, b1, W2, att_src2, att_dst2, b2):
    loop = jnp.arange(N, dtype=_i32)
    pad = EPAD - ETOT
    src = jnp.concatenate([edge_index[0], loop, jnp.zeros((pad,), _i32)])
    dst = jnp.concatenate([edge_index[1], loop, jnp.full((pad,), N, _i32)])
    zden = jnp.zeros((RPT, CW), _f32)

    h61, asd1 = _tc1(x, W1.T, _attcat(att_src1, att_dst1))
    sc1 = _sc_edges(src, dst, asd1, h61.reshape(NCB * N, CW), zden)
    o1s, den1 = sc1[:NCB], sc1[NCB]
    h62, asd2 = _tc2(list(o1s) + [den1], b1.reshape(1, DH), W2.T,
                     _attcat(att_src2, att_dst2))
    sc2 = _sc_edges(src, dst, asd2, h62.reshape(NCB * N, CW), zden)
    o2s, den2 = sc2[:NCB], sc2[NCB]
    return _tc3(list(o2s) + [den2], b2.reshape(1, DH))

# --- scband reference (transcript-rebuilt; emitter-appended) ---
"""Pipeline reference for scband-gatmodel-10428180595388 (READ-ONLY COPY).

The authoritative reference and input builder live on the scoring server;
editing this copy changes nothing except your own understanding.
"""

import jax, jax.numpy as jnp
import numpy as np

N = 10000
E = 160000
D_IN = 256
D_HID = 256
HEADS = 3


def setup_inputs(seed: int = 0) -> dict:
    key = jax.random.key(seed)
    ks = jax.random.split(key, 12)
    x = jax.random.normal(ks[0], (N, D_IN), dtype=jnp.float32)
    edge_index = jax.random.randint(ks[1], (2, E), 0, N, dtype=jnp.int32)
    s1 = 1.0 / np.sqrt(D_IN)
    s2 = 1.0 / np.sqrt(D_HID)
    W1 = jax.random.normal(ks[2], (HEADS * D_HID, D_IN), dtype=jnp.float32) * s1
    att_src1 = jax.random.normal(ks[3], (HEADS, D_HID), dtype=jnp.float32) * s2
    att_dst1 = jax.random.normal(ks[4], (HEADS, D_HID), dtype=jnp.float32) * s2
    b1 = jnp.zeros((D_HID,), dtype=jnp.float32)
    W2 = jax.random.normal(ks[5], (HEADS * D_HID, D_HID), dtype=jnp.float32) * s2
    att_src2 = jax.random.normal(ks[6], (HEADS, D_HID), dtype=jnp.float32) * s2
    att_dst2 = jax.random.normal(ks[7], (HEADS, D_HID), dtype=jnp.float32) * s2
    b2 = jnp.zeros((D_HID,), dtype=jnp.float32)
    return {"x": x, "edge_index": edge_index, "W1": W1, "att_src1": att_src1,
            "att_dst1": att_dst1, "b1": b1, "W2": W2, "att_src2": att_src2,
            "att_dst2": att_dst2, "b2": b2}


def gat_conv(x, edge_index, W, att_s, att_d, b):
    # PyG GATConv, heads=HEADS, concat=False, negative_slope=0.2, add_self_loops=True
    n = x.shape[0]
    loop = jnp.arange(n, dtype=edge_index.dtype)
    src = jnp.concatenate([edge_index[0], loop])
    dst = jnp.concatenate([edge_index[1], loop])
    H, C = att_s.shape
    h = (x @ W.T).reshape(n, H, C)
    a_s = (h * att_s[None, :, :]).sum(-1)  # [n, H]
    a_d = (h * att_d[None, :, :]).sum(-1)  # [n, H]
    alpha = a_s[src] + a_d[dst]            # [Etot, H]
    alpha = jax.nn.leaky_relu(alpha, negative_slope=0.2)
    amax = jax.ops.segment_max(alpha, dst, num_segments=n)
    amax = jnp.where(jnp.isfinite(amax), amax, 0.0)
    amax = jax.lax.stop_gradient(amax)
    ealpha = jnp.exp(alpha - amax[dst])
    denom = jax.ops.segment_sum(ealpha, dst, num_segments=n)
    attn = ealpha / jnp.maximum(denom[dst], 1e-16)
    msg = h[src] * attn[:, :, None]
    out = jax.ops.segment_sum(msg, dst, num_segments=n)  # [n, H, C]
    out = out.mean(axis=1) + b  # concat=False -> mean over heads
    return out


def reference(x, edge_index, W1, att_src1, att_dst1, b1, W2, att_src2, att_dst2, b2):
    o1 = gat_conv(x, edge_index, W1, att_src1, att_dst1, b1)
    o1 = jax.nn.relu(o1)  # dropout p=0.2 is identity in eval mode
    o2 = gat_conv(o1, edge_index, W2, att_src2, att_dst2, b2)
    return o2

if __name__ == "__main__":
    import jax
    _d = setup_inputs()
    print(jax.jit(kernel)(*tuple(_d.values())))

</pallas_src>

<mosaic_0001>
#map = affine_map<(d0, d1) -> (0)>
#map1 = affine_map<(d0, d1) -> (0, 0)>
module attributes {stable_mosaic.version = 14 : i64} {
  func.func @_sc_edges(%arg0: i32, %arg1: i32, %arg2: memref<204800xi32, #tpu.memory_space<hbm>>, %arg3: memref<204800xi32, #tpu.memory_space<hbm>>, %arg4: memref<10000x128xf32, #tpu.memory_space<hbm>>, %arg5: memref<60000x128xf32, #tpu.memory_space<hbm>>, %arg6: memref<48x128xf32, #tpu.memory_space<hbm>>, %arg7: memref<10000x128xf32, #tpu.memory_space<hbm>>, %arg8: memref<10000x128xf32, #tpu.memory_space<hbm>>, %arg9: memref<10000x128xf32, #tpu.memory_space<hbm>>, %arg10: memref<10000x128xf32, #tpu.memory_space<hbm>>, %arg11: memref<10000x128xf32, #tpu.memory_space<hbm>>, %arg12: memref<10000x128xf32, #tpu.memory_space<hbm>>, %arg13: memref<10000x128xf32, #tpu.memory_space<hbm>>, %arg14: memref<2560xi32, #tpu.memory_space<vmem>>, %arg15: memref<2560xi32, #tpu.memory_space<vmem>>, %arg16: memref<2656xi32, #tpu.memory_space<vmem>>, %arg17: memref<2656xi32, #tpu.memory_space<vmem>>, %arg18: memref<2656xi32, #tpu.memory_space<vmem>>, %arg19: memref<64xi32, #tpu.memory_space<vmem>>, %arg20: memref<3x128xi32, #tpu.memory_space<vmem>>, %arg21: memref<3x128xi32, #tpu.memory_space<vmem>>, %arg22: memref<64x128xf32, #tpu.memory_space<vmem>>, %arg23: memref<64x128xf32, #tpu.memory_space<vmem>>, %arg24: memref<384x128xf32, #tpu.memory_space<vmem>>, %arg25: memref<64x128xf32, #tpu.memory_space<vmem>>, %arg26: memref<4608x128xf32, #tpu.memory_space<vmem_shared>>, %arg27: memref<768x128xf32, #tpu.memory_space<vmem_shared>>, %arg28: memref<!tpu.dma_semaphore, #tpu.memory_space<semaphore_mem>>, %arg29: memref<!tpu.dma_semaphore, #tpu.memory_space<semaphore_mem>>, %arg30: memref<!tpu.dma_semaphore, #tpu.memory_space<semaphore_mem>>) attributes {dimension_semantics = [#tpu.dimension_semantics<core_parallel>, #tpu.dimension_semantics<subcore_parallel>], iteration_bounds = array<i64: 2, 16>, scalar_prefetch = 0 : i64, scratch_operands = 17 : i64, tpu.core_type = #tpu.core_type<sc_vector_subcore>, window_params = [{transform_indices = #map}, {transform_indices = #map}, {transform_indices = #map1}, {transform_indices = #map1}, {transform_indices = #map1}, {transform_indices = #map1}, {transform_indices = #map1}, {transform_indices = #map1}, {transform_indices = #map1}, {transform_indices = #map1}, {transform_indices = #map1}, {transform_indices = #map1}]} {
    %iota3A = tpu.iota {dimensions = array<i32: 0>} : vector<16xi32>
    %broadcast_in_dim3A = arith.constant 1 : i32
    %broadcast_in_dim3A_0 = vector.broadcast %broadcast_in_dim3A : i32 to vector<16xi32>
    %broadcast_in_dim3A_1 = arith.constant 0 : i32
    %broadcast_in_dim3A_2 = vector.broadcast %broadcast_in_dim3A_1 : i32 to vector<16xi32>
    %broadcast_in_dim3A_3 = arith.constant 0.000000e+00 : f32
    %broadcast_in_dim3A_4 = vector.broadcast %broadcast_in_dim3A_3 : f32 to vector<16xf32>
    %scan3A = arith.constant 0 : i32
    %scan3A_5 = arith.constant 0 : i32
    %scan3A_6 = arith.constant 64 : i32
    %scan3A_7 = arith.addi %scan3A_5, %scan3A_6 : i32
    %scan3A_8 = arith.constant 1 : i32
    scf.for %scan3A_16 = %scan3A_5 to %scan3A_7 step %scan3A_8  : i32 {
      %swap3A = arith.index_cast %scan3A_16 : i32 to index
      %swap3A_17 = arith.constant 0 : index
      %swap3A_18 = tpu.vector_load %arg25[%swap3A, %swap3A_17] {strides = array<i32>} : memref<64x128xf32, #tpu.memory_space<vmem>>, vector<16xf32>,
      tpu.vector_store %arg25[%swap3A, %swap3A_17], %broadcast_in_dim3A_4 {strides = array<i32>} : memref<64x128xf32, #tpu.memory_space<vmem>>, vector<16xf32>,
      %swap3A_19 = arith.index_cast %scan3A_16 : i32 to index
      %swap3A_20 = arith.constant 16 : index
      %swap3A_21 = tpu.vector_load %arg25[%swap3A_19, %swap3A_20] {strides = array<i32>} : memref<64x128xf32, #tpu.memory_space<vmem>>, vector<16xf32>,
      tpu.vector_store %arg25[%swap3A_19, %swap3A_20], %broadcast_in_dim3A_4 {strides = array<i32>} : memref<64x128xf32, #tpu.memory_space<vmem>>, vector<16xf32>,
      %swap3A_22 = arith.index_cast %scan3A_16 : i32 to index
      %swap3A_23 = arith.constant 32 : index
      %swap3A_24 = tpu.vector_load %arg25[%swap3A_22, %swap3A_23] {strides = array<i32>} : memref<64x128xf32, #tpu.memory_space<vmem>>, vector<16xf32>,
      tpu.vector_store %arg25[%swap3A_22, %swap3A_23], %broadcast_in_dim3A_4 {strides = array<i32>} : memref<64x128xf32, #tpu.memory_space<vmem>>, vector<16xf32>,
      %swap3A_25 = arith.index_cast %scan3A_16 : i32 to index
      %swap3A_26 = arith.constant 48 : index
      %swap3A_27 = tpu.vector_load %arg25[%swap3A_25, %swap3A_26] {strides = array<i32>} : memref<64x128xf32, #tpu.memory_space<vmem>>, vector<16xf32>,
      tpu.vector_store %arg25[%swap3A_25, %swap3A_26], %broadcast_in_dim3A_4 {strides = array<i32>} : memref<64x128xf32, #tpu.memory_space<vmem>>, vector<16xf32>,
      %swap3A_28 = arith.index_cast %scan3A_16 : i32 to index
      %swap3A_29 = arith.constant 64 : index
      %swap3A_30 = tpu.vector_load %arg25[%swap3A_28, %swap3A_29] {strides = array<i32>} : memref<64x128xf32, #tpu.memory_space<vmem>>, vector<16xf32>,
      tpu.vector_store %arg25[%swap3A_28, %swap3A_29], %broadcast_in_dim3A_4 {strides = array<i32>} : memref<64x128xf32, #tpu.memory_space<vmem>>, vector<16xf32>,
      %swap3A_31 = arith.index_cast %scan3A_16 : i32 to index
      %swap3A_32 = arith.constant 80 : index
      %swap3A_33 = tpu.vector_load %arg25[%swap3A_31, %swap3A_32] {strides = array<i32>} : memref<64x128xf32, #tpu.memory_space<vmem>>, vector<16xf32>,
      tpu.vector_store %arg25[%swap3A_31, %swap3A_32], %broadcast_in_dim3A_4 {strides = array<i32>} : memref<64x128xf32, #tpu.memory_space<vmem>>, vector<16xf32>,
      %swap3A_34 = arith.index_cast %scan3A_16 : i32 to index
      %swap3A_35 = arith.constant 96 : index
      %swap3A_36 = tpu.vector_load %arg25[%swap3A_34, %swap3A_35] {strides = array<i32>} : memref<64x128xf32, #tpu.memory_space<vmem>>, vector<16xf32>,
      tpu.vector_store %arg25[%swap3A_34, %swap3A_35], %broadcast_in_dim3A_4 {strides = array<i32>} : memref<64x128xf32, #tpu.memory_space<vmem>>, vector<16xf32>,
      %swap3A_37 = arith.index_cast %scan3A_16 : i32 to index
      %swap3A_38 = arith.constant 112 : index
      %swap3A_39 = tpu.vector_load %arg25[%swap3A_37, %swap3A_38] {strides = array<i32>} : memref<64x128xf32, #tpu.memory_space<vmem>>, vector<16xf32>,
      tpu.vector_store %arg25[%swap3A_37, %swap3A_38], %broadcast_in_dim3A_4 {strides = array<i32>} : memref<64x128xf32, #tpu.memory_space<vmem>>, vector<16xf32>,
    }
    %scan3A_9 = arith.constant 64 : i32
    %scan3A_10 = arith.constant 0 : i32
    %scan3A_11 = arith.constant 0 : i32
    %scan3A_12 = arith.constant 7 : i32
    %scan3A_13 = arith.addi %scan3A_11, %scan3A_12 : i32
    %scan3A_14 = arith.constant 1 : i32
    scf.for %scan3A_16 = %scan3A_11 to %scan3A_13 step %scan3A_14  : i32 {
      %mul3A = arith.constant 7 : i32
      %mul3A_17 = arith.muli %arg0, %mul3A : i32
      %add3A = arith.addi %mul3A_17, %scan3A_16 : i32
      %mul3A_18 = arith.constant 720 : i32
      %mul3A_19 = arith.muli %add3A, %mul3A_18 : i32
      %mul3A_20 = arith.constant 48 : i32
      %mul3A_21 = arith.muli %arg1, %mul3A_20 : i32
      %add3A_22 = arith.constant 0 : i32
      %add3A_23 = arith.addi %add3A_22, %mul3A_21 : i32
      "tpu.region"() ({
        %run_scoped3A = tpu.sem_alloc : memref<!tpu.dma_semaphore, #tpu.memory_space<semaphore_mem>>
        %dma_start3A = arith.constant 0 : i32
        %dma_start3A_64 = tpu.memref_slice %arg26[%add3A_23, %dma_start3A] : memref<4608x128xf32, #tpu.memory_space<vmem_shared>> -> memref<48x128xf32, #tpu.memory_space<vmem_shared>>
        tpu.enqueue_dma source(%arg6 : memref<48x128xf32, #tpu.memory_space<hbm>>) target(%dma_start3A_64 : memref<48x128xf32, #tpu.memory_space<vmem_shared>>) target_semaphore(%run_scoped3A : memref<!tpu.dma_semaphore, #tpu.memory_space<semaphore_mem>>)
        %dma_wait3A = arith.constant 0 : i32
        %dma_wait3A_65 = tpu.memref_slice %arg26[%add3A_23, %dma_wait3A] : memref<4608x128xf32, #tpu.memory_space<vmem_shared>> -> memref<48x128xf32, #tpu.memory_space<vmem_shared>>
        tpu.wait_dma2 semaphore(%run_scoped3A : memref<!tpu.dma_semaphore, #tpu.memory_space<semaphore_mem>>) src(%arg6 : memref<48x128xf32, #tpu.memory_space<hbm>>) dst(%dma_wait3A_65 : memref<48x128xf32, #tpu.memory_space<vmem_shared>>)
        tpu.yield
      }) : () -> ()
      %mul3A_24 = arith.constant 48 : i32
      %mul3A_25 = arith.muli %arg1, %mul3A_24 : i32
      %add3A_26 = arith.constant 768 : i32
      %add3A_27 = arith.addi %add3A_26, %mul3A_25 : i32
      "tpu.region"() ({
        %run_scoped3A = tpu.sem_alloc : memref<!tpu.dma_semaphore, #tpu.memory_space<semaphore_mem>>
        %dma_start3A = arith.constant 0 : i32
        %dma_start3A_64 = tpu.memref_slice %arg26[%add3A_27, %dma_start3A] : memref<4608x128xf32, #tpu.memory_space<vmem_shared>> -> memref<48x128xf32, #tpu.memory_space<vmem_shared>>
        tpu.enqueue_dma source(%arg6 : memref<48x128xf32, #tpu.memory_space<hbm>>) target(%dma_start3A_64 : memref<48x128xf32, #tpu.memory_space<vmem_shared>>) target_semaphore(%run_scoped3A : memref<!tpu.dma_semaphore, #tpu.memory_space<semaphore_mem>>)
        %dma_wait3A = arith.constant 0 : i32
        %dma_wait3A_65 = tpu.memref_slice %arg26[%add3A_27, %dma_wait3A] : memref<4608x128xf32, #tpu.memory_space<vmem_shared>> -> memref<48x128xf32, #tpu.memory_space<vmem_shared>>
        tpu.wait_dma2 semaphore(%run_scoped3A : memref<!tpu.dma_semaphore, #tpu.memory_space<semaphore_mem>>) src(%arg6 : memref<48x128xf32, #tpu.memory_space<hbm>>) dst(%dma_wait3A_65 : memref<48x128xf32, #tpu.memory_space<vmem_shared>>)
        tpu.yield
      }) : () -> ()
      %mul3A_28 = arith.constant 48 : i32
      %mul3A_29 = arith.muli %arg1, %mul3A_28 : i32
      %add3A_30 = arith.constant 1536 : i32
      %add3A_31 = arith.addi %add3A_30, %mul3A_29 : i32
      "tpu.region"() ({
        %run_scoped3A = tpu.sem_alloc : memref<!tpu.dma_semaphore, #tpu.memory_space<semaphore_mem>>
        %dma_start3A = arith.constant 0 : i32
        %dma_start3A_64 = tpu.memref_slice %arg26[%add3A_31, %dma_start3A] : memref<4608x128xf32, #tpu.memory_space<vmem_shared>> -> memref<48x128xf32, #tpu.memory_space<vmem_shared>>
        tpu.enqueue_dma source(%arg6 : memref<48x128xf32, #tpu.memory_space<hbm>>) target(%dma_start3A_64 : memref<48x128xf32, #tpu.memory_space<vmem_shared>>) target_semaphore(%run_scoped3A : memref<!tpu.dma_semaphore, #tpu.memory_space<semaphore_mem>>)
        %dma_wait3A = arith.constant 0 : i32
        %dma_wait3A_65 = tpu.memref_slice %arg26[%add3A_31, %dma_wait3A] : memref<4608x128xf32, #tpu.memory_space<vmem_shared>> -> memref<48x128xf32, #tpu.memory_space<vmem_shared>>
        tpu.wait_dma2 semaphore(%run_scoped3A : memref<!tpu.dma_semaphore, #tpu.memory_space<semaphore_mem>>) src(%arg6 : memref<48x128xf32, #tpu.memory_space<hbm>>) dst(%dma_wait3A_65 : memref<48x128xf32, #tpu.memory_space<vmem_shared>>)
        tpu.yield
      }) : () -> ()
      %mul3A_32 = arith.constant 48 : i32
      %mul3A_33 = arith.muli %arg1, %mul3A_32 : i32
      %add3A_34 = arith.constant 2304 : i32
      %add3A_35 = arith.addi %add3A_34, %mul3A_33 : i32
      "tpu.region"() ({
        %run_scoped3A = tpu.sem_alloc : memref<!tpu.dma_semaphore, #tpu.memory_space<semaphore_mem>>
        %dma_start3A = arith.constant 0 : i32
        %dma_start3A_64 = tpu.memref_slice %arg26[%add3A_35, %dma_start3A] : memref<4608x128xf32, #tpu.memory_space<vmem_shared>> -> memref<48x128xf32, #tpu.memory_space<vmem_shared>>
        tpu.enqueue_dma source(%arg6 : memref<48x128xf32, #tpu.memory_space<hbm>>) target(%dma_start3A_64 : memref<48x128xf32, #tpu.memory_space<vmem_shared>>) target_semaphore(%run_scoped3A : memref<!tpu.dma_semaphore, #tpu.memory_space<semaphore_mem>>)
        %dma_wait3A = arith.constant 0 : i32
        %dma_wait3A_65 = tpu.memref_slice %arg26[%add3A_35, %dma_wait3A] : memref<4608x128xf32, #tpu.memory_space<vmem_shared>> -> memref<48x128xf32, #tpu.memory_space<vmem_shared>>
        tpu.wait_dma2 semaphore(%run_scoped3A : memref<!tpu.dma_semaphore, #tpu.memory_space<semaphore_mem>>) src(%arg6 : memref<48x128xf32, #tpu.memory_space<hbm>>) dst(%dma_wait3A_65 : memref<48x128xf32, #tpu.memory_space<vmem_shared>>)
        tpu.yield
      }) : () -> ()
      %mul3A_36 = arith.constant 48 : i32
      %mul3A_37 = arith.muli %arg1, %mul3A_36 : i32
      %add3A_38 = arith.constant 3072 : i32
      %add3A_39 = arith.addi %add3A_38, %mul3A_37 : i32
      "tpu.region"() ({
        %run_scoped3A = tpu.sem_alloc : memref<!tpu.dma_semaphore, #tpu.memory_space<semaphore_mem>>
        %dma_start3A = arith.constant 0 : i32
        %dma_start3A_64 = tpu.memref_slice %arg26[%add3A_39, %dma_start3A] : memref<4608x128xf32, #tpu.memory_space<vmem_shared>> -> memref<48x128xf32, #tpu.memory_space<vmem_shared>>
        tpu.enqueue_dma source(%arg6 : memref<48x128xf32, #tpu.memory_space<hbm>>) target(%dma_start3A_64 : memref<48x128xf32, #tpu.memory_space<vmem_shared>>) target_semaphore(%run_scoped3A : memref<!tpu.dma_semaphore, #tpu.memory_space<semaphore_mem>>)
        %dma_wait3A = arith.constant 0 : i32
        %dma_wait3A_65 = tpu.memref_slice %arg26[%add3A_39, %dma_wait3A] : memref<4608x128xf32, #tpu.memory_space<vmem_shared>> -> memref<48x128xf32, #tpu.memory_space<vmem_shared>>
        tpu.wait_dma2 semaphore(%run_scoped3A : memref<!tpu.dma_semaphore, #tpu.memory_space<semaphore_mem>>) src(%arg6 : memref<48x128xf32, #tpu.memory_space<hbm>>) dst(%dma_wait3A_65 : memref<48x128xf32, #tpu.memory_space<vmem_shared>>)
        tpu.yield
      }) : () -> ()
      %mul3A_40 = arith.constant 48 : i32
      %mul3A_41 = arith.muli %arg1, %mul3A_40 : i32
      %add3A_42 = arith.constant 3840 : i32
      %add3A_43 = arith.addi %add3A_42, %mul3A_41 : i32
      "tpu.region"() ({
        %run_scoped3A = tpu.sem_alloc : memref<!tpu.dma_semaphore, #tpu.memory_space<semaphore_mem>>
        %dma_start3A = arith.constant 0 : i32
        %dma_start3A_64 = tpu.memref_slice %arg26[%add3A_43, %dma_start3A] : memref<4608x128xf32, #tpu.memory_space<vmem_shared>> -> memref<48x128xf32, #tpu.memory_space<vmem_shared>>
        tpu.enqueue_dma source(%arg6 : memref<48x128xf32, #tpu.memory_space<hbm>>) target(%dma_start3A_64 : memref<48x128xf32, #tpu.memory_space<vmem_shared>>) target_semaphore(%run_scoped3A : memref<!tpu.dma_semaphore, #tpu.memory_space<semaphore_mem>>)
        %dma_wait3A = arith.constant 0 : i32
        %dma_wait3A_65 = tpu.memref_slice %arg26[%add3A_43, %dma_wait3A] : memref<4608x128xf32, #tpu.memory_space<vmem_shared>> -> memref<48x128xf32, #tpu.memory_space<vmem_shared>>
        tpu.wait_dma2 semaphore(%run_scoped3A : memref<!tpu.dma_semaphore, #tpu.memory_space<semaphore_mem>>) src(%arg6 : memref<48x128xf32, #tpu.memory_space<hbm>>) dst(%dma_wait3A_65 : memref<48x128xf32, #tpu.memory_space<vmem_shared>>)
        tpu.yield
      }) : () -> ()
      %mul3A_44 = arith.constant 48 : i32
      %mul3A_45 = arith.muli %arg1, %mul3A_44 : i32
      "tpu.region"() ({
        %run_scoped3A = tpu.sem_alloc : memref<!tpu.dma_semaphore, #tpu.memory_space<semaphore_mem>>
        %dma_start3A = arith.constant 0 : i32
        %dma_start3A_64 = tpu.memref_slice %arg27[%mul3A_45, %dma_start3A] : memref<768x128xf32, #tpu.memory_space<vmem_shared>> -> memref<48x128xf32, #tpu.memory_space<vmem_shared>>
        tpu.enqueue_dma source(%arg6 : memref<48x128xf32, #tpu.memory_space<hbm>>) target(%dma_start3A_64 : memref<48x128xf32, #tpu.memory_space<vmem_shared>>) target_semaphore(%run_scoped3A : memref<!tpu.dma_semaphore, #tpu.memory_space<semaphore_mem>>)
        %dma_wait3A = arith.constant 0 : i32
        %dma_wait3A_65 = tpu.memref_slice %arg27[%mul3A_45, %dma_wait3A] : memref<768x128xf32, #tpu.memory_space<vmem_shared>> -> memref<48x128xf32, #tpu.memory_space<vmem_shared>>
        tpu.wait_dma2 semaphore(%run_scoped3A : memref<!tpu.dma_semaphore, #tpu.memory_space<semaphore_mem>>) src(%arg6 : memref<48x128xf32, #tpu.memory_space<hbm>>) dst(%dma_wait3A_65 : memref<48x128xf32, #tpu.memory_space<vmem_shared>>)
        tpu.yield
      }) : () -> ()
      %barrier3A = arith.constant 0 : index
      tpu.barrier barrier_id(%barrier3A)
      %scan3A_46 = arith.constant 0 : i32
      %scan3A_47 = arith.constant 5 : i32
      %scan3A_48 = arith.addi %scan3A_46, %scan3A_47 : i32
      %scan3A_49 = arith.constant 1 : i32
      scf.for %scan3A_64 = %scan3A_46 to %scan3A_48 step %scan3A_49  : i32 {
        %mul3A_65 = arith.constant 16 : i32
        %mul3A_66 = arith.muli %scan3A_64, %mul3A_65 : i32
        %add3A_67 = arith.addi %mul3A_66, %arg1 : i32
        %mul3A_68 = arith.constant 2560 : i32
        %mul3A_69 = arith.muli %add3A_67, %mul3A_68 : i32
        %multiple_of3A = tpu.assume_multiple %mul3A_69, 2560 : i32
        "tpu.region"() ({
          %run_scoped3A = tpu.sem_alloc : memref<!tpu.dma_semaphore, #tpu.memory_space<semaphore_mem>>
          %dma_start3A = tpu.memref_slice %arg2[%multiple_of3A] : memref<204800xi32, #tpu.memory_space<hbm>> -> memref<2560xi32, #tpu.memory_space<hbm>>
          %dma_start3A_115 = tpu.memref_slice %arg2[%multiple_of3A] : memref<204800xi32, #tpu.memory_space<hbm>> -> memref<2560xi32, #tpu.memory_space<hbm>>
          tpu.enqueue_dma source(%dma_start3A_115 : memref<2560xi32, #tpu.memory_space<hbm>>) target(%arg14 : memref<2560xi32, #tpu.memory_space<vmem>>) target_semaphore(%run_scoped3A : memref<!tpu.dma_semaphore, #tpu.memory_space<semaphore_mem>>)
          %dma_wait3A = tpu.memref_slice %arg2[%multiple_of3A] : memref<204800xi32, #tpu.memory_space<hbm>> -> memref<2560xi32, #tpu.memory_space<hbm>>
          %dma_wait3A_116 = tpu.memref_slice %arg2[%multiple_of3A] : memref<204800xi32, #tpu.memory_space<hbm>> -> memref<2560xi32, #tpu.memory_space<hbm>>
          tpu.wait_dma2 semaphore(%run_scoped3A : memref<!tpu.dma_semaphore, #tpu.memory_space<semaphore_mem>>) src(%dma_wait3A_116 : memref<2560xi32, #tpu.memory_space<hbm>>) dst(%arg14 : memref<2560xi32, #tpu.memory_space<vmem>>)
          tpu.yield
        }) : () -> ()
        "tpu.region"() ({
          %run_scoped3A = tpu.sem_alloc : memref<!tpu.dma_semaphore, #tpu.memory_space<semaphore_mem>>
          %dma_start3A = tpu.memref_slice %arg3[%multiple_of3A] : memref<204800xi32, #tpu.memory_space<hbm>> -> memref<2560xi32, #tpu.memory_space<hbm>>
          %dma_start3A_115 = tpu.memref_slice %arg3[%multiple_of3A] : memref<204800xi32, #tpu.memory_space<hbm>> -> memref<2560xi32, #tpu.memory_space<hbm>>
          tpu.enqueue_dma source(%dma_start3A_115 : memref<2560xi32, #tpu.memory_space<hbm>>) target(%arg15 : memref<2560xi32, #tpu.memory_space<vmem>>) target_semaphore(%run_scoped3A : memref<!tpu.dma_semaphore, #tpu.memory_space<semaphore_mem>>)
          %dma_wait3A = tpu.memref_slice %arg3[%multiple_of3A] : memref<204800xi32, #tpu.memory_space<hbm>> -> memref<2560xi32, #tpu.memory_space<hbm>>
          %dma_wait3A_116 = tpu.memref_slice %arg3[%multiple_of3A] : memref<204800xi32, #tpu.memory_space<hbm>> -> memref<2560xi32, #tpu.memory_space<hbm>>
          tpu.wait_dma2 semaphore(%run_scoped3A : memref<!tpu.dma_semaphore, #tpu.memory_space<semaphore_mem>>) src(%dma_wait3A_116 : memref<2560xi32, #tpu.memory_space<hbm>>) dst(%arg15 : memref<2560xi32, #tpu.memory_space<vmem>>)
          tpu.yield
        }) : () -> ()
        %add3A_70 = arith.constant 720 : i32
        %add3A_71 = arith.addi %mul3A_19, %add3A_70 : i32
        %min3A = arith.constant 10000 : i32
        %min3A_72 = arith.minsi %add3A_71, %min3A : i32
        %scan3A_73 = arith.constant 0 : i32
        %scan3A_74 = arith.constant 0 : i32
        %scan3A_75 = arith.constant 160 : i32
        %scan3A_76 = arith.addi %scan3A_74, %scan3A_75 : i32
        %scan3A_77 = arith.constant 1 : i32
        %scan3A_78 = scf.for %scan3A_115 = %scan3A_74 to %scan3A_76 step %scan3A_77 iter_args(%scan3A_116 = %scan3A_73) -> (i32)  : i32 {
          %mul3A_117 = arith.constant 16 : i32
          %mul3A_118 = arith.muli %scan3A_115, %mul3A_117 : i32
          %get3A = arith.index_cast %mul3A_118 : i32 to index
          %get3A_119 = tpu.vector_load %arg14[%get3A] {strides = array<i32>} : memref<2560xi32, #tpu.memory_space<vmem>>, vector<16xi32>,
          %mul3A_120 = arith.constant 16 : i32
          %mul3A_121 = arith.muli %scan3A_115, %mul3A_120 : i32
          %get3A_122 = arith.index_cast %mul3A_121 : i32 to index
          %get3A_123 = tpu.vector_load %arg15[%get3A_122] {strides = array<i32>} : memref<2560xi32, #tpu.memory_space<vmem>>, vector<16xi32>,
          %ge3A = vector.broadcast %mul3A_19 : i32 to vector<16xi32>
          %ge3A_124 = arith.cmpi sge, %get3A_123, %ge3A : vector<16xi32>
          %lt3A_125 = vector.broadcast %min3A_72 : i32 to vector<16xi32>
          %lt3A_126 = arith.cmpi slt, %get3A_123, %lt3A_125 : vector<16xi32>
          %and3A_127 = arith.andi %ge3A_124, %lt3A_126 : vector<16xi1>
          %select_n3A_128 = arith.select %and3A_127, %broadcast_in_dim3A_0, %broadcast_in_dim3A_2 : vector<16xi1>, vector<16xi32>
          %broadcast_in_dim3A_129 = arith.constant true
          %broadcast_in_dim3A_130 = vector.broadcast %broadcast_in_dim3A_129 : i1 to vector<16xi1>
          %masked_cumsum3A = tpu.scan <sum>, %select_n3A_128 masked %broadcast_in_dim3A_130 : vector<16xi32>, vector<16xi1> -> vector<16xi32>
          %add3A_131 = vector.broadcast %scan3A_116 : i32 to vector<16xi32>
          %add3A_132 = arith.addi %add3A_131, %masked_cumsum3A : vector<16xi32>
          %sub3A_133 = arith.subi %add3A_132, %select_n3A_128 : vector<16xi32>
          %add3A_134 = arith.constant 2640 : i32
          %add3A_135 = vector.broadcast %add3A_134 : i32 to vector<16xi32>
          %add3A_136 = arith.addi %add3A_135, %iota3A : vector<16xi32>
          %select_n3A_137 = arith.select %and3A_127, %sub3A_133, %add3A_136 : vector<16xi1>, vector<16xi32>
          tpu.vector_store_idx %arg16[%select_n3A_137], %get3A_119 : memref<2656xi32, #tpu.memory_space<vmem>>[vector<16xi32>], vector<16xi32>,
          tpu.vector_store_idx %arg17[%select_n3A_137], %get3A_123 : memref<2656xi32, #tpu.memory_space<vmem>>[vector<16xi32>], vector<16xi32>,
          %sub3A_138 = vector.broadcast %mul3A_19 : i32 to vector<16xi32>
          %sub3A_139 = arith.subi %get3A_123, %sub3A_138 : vector<16xi32>
          tpu.vector_store_idx %arg18[%select_n3A_137], %sub3A_139 : memref<2656xi32, #tpu.memory_space<vmem>>[vector<16xi32>], vector<16xi32>,
          %reduce_max3A = arith.constant true
          %reduce_max3A_140 = vector.broadcast %reduce_max3A : i1 to vector<16xi1>
          %reduce_max3A_141 = arith.constant -2147483648 : i32
          %reduce_max3A_142 = vector.broadcast %reduce_max3A_141 : i32 to vector<16xi32>
          %reduce_max3A_143 = arith.xori %masked_cumsum3A, %reduce_max3A_142 : vector<16xi32>
          %reduce_max3A_144 = tpu.scan <max>, %reduce_max3A_143 masked %reduce_max3A_140 : vector<16xi32>, vector<16xi1> -> vector<16xi32>
          %reduce_max3A_145 = arith.xori %reduce_max3A_144, %reduce_max3A_142 : vector<16xi32>
          %reduce_max3A_146 = vector.extract %reduce_max3A_145[15] : i32 from vector<16xi32>
          %add3A_147 = arith.addi %scan3A_116, %reduce_max3A_146 : i32
          scf.yield %add3A_147 : i32
        }
        %scan3A_79 = arith.constant 160 : i32
        %broadcast_in_dim3A_80 = arith.constant 728 : i32
        %broadcast_in_dim3A_81 = vector.broadcast %broadcast_in_dim3A_80 : i32 to vector<16xi32>
        %scan3A_82 = arith.constant 0 : i32
        %scan3A_83 = arith.constant 0 : i32
        %scan3A_84 = arith.constant 5 : i32
        %scan3A_85 = arith.addi %scan3A_83, %scan3A_84 : i32
        %scan3A_86 = arith.constant 1 : i32
        scf.for %scan3A_115 = %scan3A_83 to %scan3A_85 step %scan3A_86  : i32 {
          %mul3A_116 = arith.constant 16 : i32
          %mul3A_117 = arith.muli %scan3A_115, %mul3A_116 : i32
          %add3A_118 = arith.addi %scan3A_78, %mul3A_117 : i32
          %swap3A = arith.index_cast %add3A_118 : i32 to index
          %swap3A_119 = tpu.vector_load %arg16[%swap3A] {strides = array<i32>} : memref<2656xi32, #tpu.memory_space<vmem>>, vector<16xi32>,
          tpu.vector_store %arg16[%swap3A], %broadcast_in_dim3A_2 {strides = array<i32>} : memref<2656xi32, #tpu.memory_space<vmem>>, vector<16xi32>,
          %swap3A_120 = arith.index_cast %add3A_118 : i32 to index
          %swap3A_121 = tpu.vector_load %arg17[%swap3A_120] {strides = array<i32>} : memref<2656xi32, #tpu.memory_space<vmem>>, vector<16xi32>,
          tpu.vector_store %arg17[%swap3A_120], %broadcast_in_dim3A_2 {strides = array<i32>} : memref<2656xi32, #tpu.memory_space<vmem>>, vector<16xi32>,
          %swap3A_122 = arith.index_cast %add3A_118 : i32 to index
          %swap3A_123 = tpu.vector_load %arg18[%swap3A_122] {strides = array<i32>} : memref<2656xi32, #tpu.memory_space<vmem>>, vector<16xi32>,
          tpu.vector_store %arg18[%swap3A_122], %broadcast_in_dim3A_81 {strides = array<i32>} : memref<2656xi32, #tpu.memory_space<vmem>>, vector<16xi32>,
        }
        %scan3A_87 = arith.constant 5 : i32
        %add3A_88 = arith.constant 63 : i32
        %add3A_89 = arith.addi %scan3A_78, %add3A_88 : i32
        %jit3A = arith.constant 64 : i32
        %div3A = arith.divsi %add3A_89, %jit3A : i32
        %sign3A = arith.constant 0 : i32
        %sign3A_90 = arith.cmpi sgt, %add3A_89, %sign3A : i32
        %sign3A_91 = arith.extui %sign3A_90 : i1 to i32
        %sign3A_92 = arith.constant 0 : i32
        %sign3A_93 = arith.cmpi slt, %add3A_89, %sign3A_92 : i32
        %sign3A_94 = arith.extui %sign3A_93 : i1 to i32
        %sign3A_95 = arith.subi %sign3A_91, %sign3A_94 : i32
        %sign3A_96 = arith.constant 0 : i32
        %sign3A_97 = arith.cmpi sgt, %jit3A, %sign3A_96 : i32
        %sign3A_98 = arith.extui %sign3A_97 : i1 to i32
        %sign3A_99 = arith.constant 0 : i32
        %sign3A_100 = arith.cmpi slt, %jit3A, %sign3A_99 : i32
        %sign3A_101 = arith.extui %sign3A_100 : i1 to i32
        %sign3A_102 = arith.subi %sign3A_98, %sign3A_101 : i32
        %ne3A = arith.cmpi ne, %sign3A_95, %sign3A_102 : i32
        %rem3A = arith.remsi %add3A_89, %jit3A : i32
        %ne3A_103 = arith.constant 0 : i32
        %ne3A_104 = arith.cmpi ne, %rem3A, %ne3A_103 : i32
        %and3A_105 = arith.andi %ne3A, %ne3A_104 : i1
        %sub3A = arith.constant 1 : i32
        %sub3A_106 = arith.subi %div3A, %sub3A : i32
        %select_n3A = arith.select %and3A_105, %sub3A_106, %div3A : i32
        %while3A = arith.constant 0 : i32
        %while3A_107 = arith.subi %select_n3A, %while3A : i32
        %while3A_108 = arith.addi %while3A, %while3A_107 : i32
        %while3A_109 = arith.constant 1 : i32
        %while3A_110 = arith.divsi %while3A_107, %while3A_109 : i32
        %while3A_111 = arith.muli %while3A_110, %while3A_109 : i32
        %while3A_112 = arith.addi %while3A, %while3A_111 : i32
        %while3A_113 = arith.constant 1 : i32
        scf.for %while3A_115 = %while3A to %while3A_112 step %while3A_113  : i32 {
          %mul3A_116 = arith.constant 64 : i32
          %mul3A_117 = arith.muli %while3A_115, %mul3A_116 : i32
          %multiple_of3A_118 = tpu.assume_multiple %mul3A_117, 64 : i32
          %add3A_119 = arith.constant 0 : i32
          %add3A_120 = arith.addi %multiple_of3A_118, %add3A_119 : i32
          %get3A = arith.index_cast %add3A_120 : i32 to index
          %get3A_121 = tpu.vector_load %arg16[%get3A] {strides = array<i32>} : memref<2656xi32, #tpu.memory_space<vmem>>, vector<16xi32>,
          %add3A_122 = arith.constant 0 : i32
          %add3A_123 = arith.addi %multiple_of3A_118, %add3A_122 : i32
          %get3A_124 = arith.index_cast %add3A_123 : i32 to index
          %get3A_125 = tpu.vector_load %arg18[%get3A_124] {strides = array<i32>} : memref<2656xi32, #tpu.memory_space<vmem>>, vector<16xi32>,
          %swap3A = arith.constant 0 : index
          %swap3A_126 = tpu.vector_load %arg19[%swap3A] {strides = array<i32>} : memref<64xi32, #tpu.memory_space<vmem>>, vector<16xi32>,
          tpu.vector_store %arg19[%swap3A], %get3A_125 {strides = array<i32>} : memref<64xi32, #tpu.memory_space<vmem>>, vector<16xi32>,
          %add3A_127 = arith.constant 0 : i32
          %add3A_128 = vector.broadcast %add3A_127 : i32 to vector<16xi32>
          %add3A_129 = arith.addi %get3A_121, %add3A_128 : vector<16xi32>
          %swap3A_130 = arith.constant 0 : i32
          %swap3A_131 = arith.index_cast %swap3A_130 : i32 to index
          %swap3A_132 = arith.constant 0 : index
          %swap3A_133 = tpu.vector_load %arg20[%swap3A_131, %swap3A_132] {strides = array<i32>} : memref<3x128xi32, #tpu.memory_space<vmem>>, vector<16xi32>,
          tpu.vector_store %arg20[%swap3A_131, %swap3A_132], %add3A_129 {strides = array<i32>} : memref<3x128xi32, #tpu.memory_space<vmem>>, vector<16xi32>,
          %add3A_134 = arith.constant 0 : i32
          %add3A_135 = vector.broadcast %add3A_134 : i32 to vector<16xi32>
          %add3A_136 = arith.addi %get3A_125, %add3A_135 : vector<16xi32>
          %swap3A_137 = arith.constant 0 : i32
          %swap3A_138 = arith.index_cast %swap3A_137 : i32 to index
          %swap3A_139 = arith.constant 0 : index
          %swap3A_140 = tpu.vector_load %arg21[%swap3A_138, %swap3A_139] {strides = array<i32>} : memref<3x128xi32, #tpu.memory_space<vmem>>, vector<16xi32>,
          tpu.vector_store %arg21[%swap3A_138, %swap3A_139], %add3A_136 {strides = array<i32>} : memref<3x128xi32, #tpu.memory_space<vmem>>, vector<16xi32>,
          %add3A_141 = arith.constant 10000 : i32
          %add3A_142 = vector.broadcast %add3A_141 : i32 to vector<16xi32>
          %add3A_143 = arith.addi %get3A_121, %add3A_142 : vector<16xi32>
          %swap3A_144 = arith.constant 0 : i32
          %swap3A_145 = arith.index_cast %swap3A_144 : i32 to index
          %swap3A_146 = arith.constant 64 : index
          %swap3A_147 = tpu.vector_load %arg20[%swap3A_145, %swap3A_146] {strides = array<i32>} : memref<3x128xi32, #tpu.memory_space<vmem>>, vector<16xi32>,
          tpu.vector_store %arg20[%swap3A_145, %swap3A_146], %add3A_143 {strides = array<i32>} : memref<3x128xi32, #tpu.memory_space<vmem>>, vector<16xi32>,
          %add3A_148 = arith.constant 768 : i32
          %add3A_149 = vector.broadcast %add3A_148 : i32 to vector<16xi32>
          %add3A_150 = arith.addi %get3A_125, %add3A_149 : vector<16xi32>
          %swap3A_151 = arith.constant 0 : i32
          %swap3A_152 = arith.index_cast %swap3A_151 : i32 to index
          %swap3A_153 = arith.constant 64 : index
          %swap3A_154 = tpu.vector_load %arg21[%swap3A_152, %swap3A_153] {strides = array<i32>} : memref<3x128xi32, #tpu.memory_space<vmem>>, vector<16xi32>,
          tpu.vector_store %arg21[%swap3A_152, %swap3A_153], %add3A_150 {strides = array<i32>} : memref<3x128xi32, #tpu.memory_space<vmem>>, vector<16xi32>,
          %add3A_155 = arith.constant 20000 : i32
          %add3A_156 = vector.broadcast %add3A_155 : i32 to vector<16xi32>
          %add3A_157 = arith.addi %get3A_121, %add3A_156 : vector<16xi32>
          %swap3A_158 = arith.constant 1 : i32
          %swap3A_159 = arith.index_cast %swap3A_158 : i32 to index
          %swap3A_160 = arith.constant 0 : index
          %swap3A_161 = tpu.vector_load %arg20[%swap3A_159, %swap3A_160] {strides = array<i32>} : memref<3x128xi32, #tpu.memory_space<vmem>>, vector<16xi32>,
          tpu.vector_store %arg20[%swap3A_159, %swap3A_160], %add3A_157 {strides = array<i32>} : memref<3x128xi32, #tpu.memory_space<vmem>>, vector<16xi32>,
          %add3A_162 = arith.constant 1536 : i32
          %add3A_163 = vector.broadcast %add3A_162 : i32 to vector<16xi32>
          %add3A_164 = arith.addi %get3A_125, %add3A_163 : vector<16xi32>
          %swap3A_165 = arith.constant 1 : i32
          %swap3A_166 = arith.index_cast %swap3A_165 : i32 to index
          %swap3A_167 = arith.constant 0 : index
          %swap3A_168 = tpu.vector_load %arg21[%swap3A_166, %swap3A_167] {strides = array<i32>} : memref<3x128xi32, #tpu.memory_space<vmem>>, vector<16xi32>,
          tpu.vector_store %arg21[%swap3A_166, %swap3A_167], %add3A_164 {strides = array<i32>} : memref<3x128xi32, #tpu.memory_space<vmem>>, vector<16xi32>,
          %add3A_169 = arith.constant 30000 : i32
          %add3A_170 = vector.broadcast %add3A_169 : i32 to vector<16xi32>
          %add3A_171 = arith.addi %get3A_121, %add3A_170 : vector<16xi32>
          %swap3A_172 = arith.constant 1 : i32
          %swap3A_173 = arith.index_cast %swap3A_172 : i32 to index
          %swap3A_174 = arith.constant 64 : index
          %swap3A_175 = tpu.vector_load %arg20[%swap3A_173, %swap3A_174] {strides = array<i32>} : memref<3x128xi32, #tpu.memory_space<vmem>>, vector<16xi32>,
          tpu.vector_store %arg20[%swap3A_173, %swap3A_174], %add3A_171 {strides = array<i32>} : memref<3x128xi32, #tpu.memory_space<vmem>>, vector<16xi32>,
          %add3A_176 = arith.constant 2304 : i32
          %add3A_177 = vector.broadcast %add3A_176 : i32 to vector<16xi32>
          %add3A_178 = arith.addi %get3A_125, %add3A_177 : vector<16xi32>
          %swap3A_179 = arith.constant 1 : i32
          %swap3A_180 = arith.index_cast %swap3A_179 : i32 to index
          %swap3A_181 = arith.constant 64 : index
          %swap3A_182 = tpu.vector_load %arg21[%swap3A_180, %swap3A_181] {strides = array<i32>} : memref<3x128xi32, #tpu.memory_space<vmem>>, vector<16xi32>,
          tpu.vector_store %arg21[%swap3A_180, %swap3A_181], %add3A_178 {strides = array<i32>} : memref<3x128xi32, #tpu.memory_space<vmem>>, vector<16xi32>,
          %add3A_183 = arith.constant 40000 : i32
          %add3A_184 = vector.broadcast %add3A_183 : i32 to vector<16xi32>
          %add3A_185 = arith.addi %get3A_121, %add3A_184 : vector<16xi32>
          %swap3A_186 = arith.constant 2 : i32
          %swap3A_187 = arith.index_cast %swap3A_186 : i32 to index
          %swap3A_188 = arith.constant 0 : index
          %swap3A_189 = tpu.vector_load %arg20[%swap3A_187, %swap3A_188] {strides = array<i32>} : memref<3x128xi32, #tpu.memory_space<vmem>>, vector<16xi32>,
          tpu.vector_store %arg20[%swap3A_187, %swap3A_188], %add3A_185 {strides = array<i32>} : memref<3x128xi32, #tpu.memory_space<vmem>>, vector<16xi32>,
          %add3A_190 = arith.constant 3072 : i32
          %add3A_191 = vector.broadcast %add3A_190 : i32 to vector<16xi32>
          %add3A_192 = arith.addi %get3A_125, %add3A_191 : vector<16xi32>
          %swap3A_193 = arith.constant 2 : i32
          %swap3A_194 = arith.index_cast %swap3A_193 : i32 to index
          %swap3A_195 = arith.constant 0 : index
          %swap3A_196 = tpu.vector_load %arg21[%swap3A_194, %swap3A_195] {strides = array<i32>} : memref<3x128xi32, #tpu.memory_space<vmem>>, vector<16xi32>,
          tpu.vector_store %arg21[%swap3A_194, %swap3A_195], %add3A_192 {strides = array<i32>} : memref<3x128xi32, #tpu.memory_space<vmem>>, vector<16xi32>,
          %add3A_197 = arith.constant 50000 : i32
          %add3A_198 = vector.broadcast %add3A_197 : i32 to vector<16xi32>
          %add3A_199 = arith.addi %get3A_121, %add3A_198 : vector<16xi32>
          %swap3A_200 = arith.constant 2 : i32
          %swap3A_201 = arith.index_cast %swap3A_200 : i32 to index
          %swap3A_202 = arith.constant 64 : index
          %swap3A_203 = tpu.vector_load %arg20[%swap3A_201, %swap3A_202] {strides = array<i32>} : memref<3x128xi32, #tpu.memory_space<vmem>>, vector<16xi32>,
          tpu.vector_store %arg20[%swap3A_201, %swap3A_202], %add3A_199 {strides = array<i32>} : memref<3x128xi32, #tpu.memory_space<vmem>>, vector<16xi32>,
          %add3A_204 = arith.constant 3840 : i32
          %add3A_205 = vector.broadcast %add3A_204 : i32 to vector<16xi32>
          %add3A_206 = arith.addi %get3A_125, %add3A_205 : vector<16xi32>
          %swap3A_207 = arith.constant 2 : i32
          %swap3A_208 = arith.index_cast %swap3A_207 : i32 to index
          %swap3A_209 = arith.constant 64 : index
          %swap3A_210 = tpu.vector_load %arg21[%swap3A_208, %swap3A_209] {strides = array<i32>} : memref<3x128xi32, #tpu.memory_space<vmem>>, vector<16xi32>,
          tpu.vector_store %arg21[%swap3A_208, %swap3A_209], %add3A_206 {strides = array<i32>} : memref<3x128xi32, #tpu.memory_space<vmem>>, vector<16xi32>,
          %add3A_211 = arith.constant 16 : i32
          %add3A_212 = arith.addi %multiple_of3A_118, %add3A_211 : i32
          %get3A_213 = arith.index_cast %add3A_212 : i32 to index
          %get3A_214 = tpu.vector_load %arg16[%get3A_213] {strides = array<i32>} : memref<2656xi32, #tpu.memory_space<vmem>>, vector<16xi32>,
          %add3A_215 = arith.constant 16 : i32
          %add3A_216 = arith.addi %multiple_of3A_118, %add3A_215 : i32
          %get3A_217 = arith.index_cast %add3A_216 : i32 to index
          %get3A_218 = tpu.vector_load %arg18[%get3A_217] {strides = array<i32>} : memref<2656xi32, #tpu.memory_space<vmem>>, vector<16xi32>,
          %swap3A_219 = arith.constant 16 : index
          %swap3A_220 = tpu.vector_load %arg19[%swap3A_219] {strides = array<i32>} : memref<64xi32, #tpu.memory_space<vmem>>, vector<16xi32>,
          tpu.vector_store %arg19[%swap3A_219], %get3A_218 {strides = array<i32>} : memref<64xi32, #tpu.memory_space<vmem>>, vector<16xi32>,
          %add3A_221 = arith.constant 0 : i32
          %add3A_222 = vector.broadcast %add3A_221 : i32 to vector<16xi32>
          %add3A_223 = arith.addi %get3A_214, %add3A_222 : vector<16xi32>
          %swap3A_224 = arith.constant 0 : i32
          %swap3A_225 = arith.index_cast %swap3A_224 : i32 to index
          %swap3A_226 = arith.constant 16 : index
          %swap3A_227 = tpu.vector_load %arg20[%swap3A_225, %swap3A_226] {strides = array<i32>} : memref<3x128xi32, #tpu.memory_space<vmem>>, vector<16xi32>,
          tpu.vector_store %arg20[%swap3A_225, %swap3A_226], %add3A_223 {strides = array<i32>} : memref<3x128xi32, #tpu.memory_space<vmem>>, vector<16xi32>,
          %add3A_228 = arith.constant 0 : i32
          %add3A_229 = vector.broadcast %add3A_228 : i32 to vector<16xi32>
          %add3A_230 = arith.addi %get3A_218, %add3A_229 : vector<16xi32>
          %swap3A_231 = arith.constant 0 : i32
          %swap3A_232 = arith.index_cast %swap3A_231 : i32 to index
          %swap3A_233 = arith.constant 16 : index
          %swap3A_234 = tpu.vector_load %arg21[%swap3A_232, %swap3A_233] {strides = array<i32>} : memref<3x128xi32, #tpu.memory_space<vmem>>, vector<16xi32>,
          tpu.vector_store %arg21[%swap3A_232, %swap3A_233], %add3A_230 {strides = array<i32>} : memref<3x128xi32, #tpu.memory_space<vmem>>, vector<16xi32>,
          %add3A_235 = arith.constant 10000 : i32
          %add3A_236 = vector.broadcast %add3A_235 : i32 to vector<16xi32>
          %add3A_237 = arith.addi %get3A_214, %add3A_236 : vector<16xi32>
          %swap3A_238 = arith.constant 0 : i32
          %swap3A_239 = arith.index_cast %swap3A_238 : i32 to index
          %swap3A_240 = arith.constant 80 : index
          %swap3A_241 = tpu.vector_load %arg20[%swap3A_239, %swap3A_240] {strides = array<i32>} : memref<3x128xi32, #tpu.memory_space<vmem>>, vector<16xi32>,
          tpu.vector_store %arg20[%swap3A_239, %swap3A_240], %add3A_237 {strides = array<i32>} : memref<3x128xi32, #tpu.memory_space<vmem>>, vector<16xi32>,
          %add3A_242 = arith.constant 768 : i32
          %add3A_243 = vector.broadcast %add3A_242 : i32 to vector<16xi32>
          %add3A_244 = arith.addi %get3A_218, %add3A_243 : vector<16xi32>
          %swap3A_245 = arith.constant 0 : i32
          %swap3A_246 = arith.index_cast %swap3A_245 : i32 to index
          %swap3A_247 = arith.constant 80 : index
          %swap3A_248 = tpu.vector_load %arg21[%swap3A_246, %swap3A_247] {strides = array<i32>} : memref<3x128xi32, #tpu.memory_space<vmem>>, vector<16xi32>,
          tpu.vector_store %arg21[%swap3A_246, %swap3A_247], %add3A_244 {strides = array<i32>} : memref<3x128xi32, #tpu.memory_space<vmem>>, vector<16xi32>,
          %add3A_249 = arith.constant 20000 : i32
          %add3A_250 = vector.broadcast %add3A_249 : i32 to vector<16xi32>
          %add3A_251 = arith.addi %get3A_214, %add3A_250 : vector<16xi32>
          %swap3A_252 = arith.constant 1 : i32
          %swap3A_253 = arith.index_cast %swap3A_252 : i32 to index
          %swap3A_254 = arith.constant 16 : index
          %swap3A_255 = tpu.vector_load %arg20[%swap3A_253, %swap3A_254] {strides = array<i32>} : memref<3x128xi32, #tpu.memory_space<vmem>>, vector<16xi32>,
          tpu.vector_store %arg20[%swap3A_253, %swap3A_254], %add3A_251 {strides = array<i32>} : memref<3x128xi32, #tpu.memory_space<vmem>>, vector<16xi32>,
          %add3A_256 = arith.constant 1536 : i32
          %add3A_257 = vector.broadcast %add3A_256 : i32 to vector<16xi32>
          %add3A_258 = arith.addi %get3A_218, %add3A_257 : vector<16xi32>
          %swap3A_259 = arith.constant 1 : i32
          %swap3A_260 = arith.index_cast %swap3A_259 : i32 to index
          %swap3A_261 = arith.constant 16 : index
          %swap3A_262 = tpu.vector_load %arg21[%swap3A_260, %swap3A_261] {strides = array<i32>} : memref<3x128xi32, #tpu.memory_space<vmem>>, vector<16xi32>,
          tpu.vector_store %arg21[%swap3A_260, %swap3A_261], %add3A_258 {strides = array<i32>} : memref<3x128xi32, #tpu.memory_space<vmem>>, vector<16xi32>,
          %add3A_263 = arith.constant 30000 : i32
          %add3A_264 = vector.broadcast %add3A_263 : i32 to vector<16xi32>
          %add3A_265 = arith.addi %get3A_214, %add3A_264 : vector<16xi32>
          %swap3A_266 = arith.constant 1 : i32
          %swap3A_267 = arith.index_cast %swap3A_266 : i32 to index
          %swap3A_268 = arith.constant 80 : index
          %swap3A_269 = tpu.vector_load %arg20[%swap3A_267, %swap3A_268] {strides = array<i32>} : memref<3x128xi32, #tpu.memory_space<vmem>>, vector<16xi32>,
          tpu.vector_store %arg20[%swap3A_267, %swap3A_268], %add3A_265 {strides = array<i32>} : memref<3x128xi32, #tpu.memory_space<vmem>>, vector<16xi32>,
          %add3A_270 = arith.constant 2304 : i32
          %add3A_271 = vector.broadcast %add3A_270 : i32 to vector<16xi32>
          %add3A_272 = arith.addi %get3A_218, %add3A_271 : vector<16xi32>
          %swap3A_273 = arith.constant 1 : i32
          %swap3A_274 = arith.index_cast %swap3A_273 : i32 to index
          %swap3A_275 = arith.constant 80 : index
          %swap3A_276 = tpu.vector_load %arg21[%swap3A_274, %swap3A_275] {strides = array<i32>} : memref<3x128xi32, #tpu.memory_space<vmem>>, vector<16xi32>,
          tpu.vector_store %arg21[%swap3A_274, %swap3A_275], %add3A_272 {strides = array<i32>} : memref<3x128xi32, #tpu.memory_space<vmem>>, vector<16xi32>,
          %add3A_277 = arith.constant 40000 : i32
          %add3A_278 = vector.broadcast %add3A_277 : i32 to vector<16xi32>
          %add3A_279 = arith.addi %get3A_214, %add3A_278 : vector<16xi32>
          %swap3A_280 = arith.constant 2 : i32
          %swap3A_281 = arith.index_cast %swap3A_280 : i32 to index
          %swap3A_282 = arith.constant 16 : index
          %swap3A_283 = tpu.vector_load %arg20[%swap3A_281, %swap3A_282] {strides = array<i32>} : memref<3x128xi32, #tpu.memory_space<vmem>>, vector<16xi32>,
          tpu.vector_store %arg20[%swap3A_281, %swap3A_282], %add3A_279 {strides = array<i32>} : memref<3x128xi32, #tpu.memory_space<vmem>>, vector<16xi32>,
          %add3A_284 = arith.constant 3072 : i32
          %add3A_285 = vector.broadcast %add3A_284 : i32 to vector<16xi32>
          %add3A_286 = arith.addi %get3A_218, %add3A_285 : vector<16xi32>
          %swap3A_287 = arith.constant 2 : i32
          %swap3A_288 = arith.index_cast %swap3A_287 : i32 to index
          %swap3A_289 = arith.constant 16 : index
          %swap3A_290 = tpu.vector_load %arg21[%swap3A_288, %swap3A_289] {strides = array<i32>} : memref<3x128xi32, #tpu.memory_space<vmem>>, vector<16xi32>,
          tpu.vector_store %arg21[%swap3A_288, %swap3A_289], %add3A_286 {strides = array<i32>} : memref<3x128xi32, #tpu.memory_space<vmem>>, vector<16xi32>,
          %add3A_291 = arith.constant 50000 : i32
          %add3A_292 = vector.broadcast %add3A_291 : i32 to vector<16xi32>
          %add3A_293 = arith.addi %get3A_214, %add3A_292 : vector<16xi32>
          %swap3A_294 = arith.constant 2 : i32
          %swap3A_295 = arith.index_cast %swap3A_294 : i32 to index
          %swap3A_296 = arith.constant 80 : index
          %swap3A_297 = tpu.vector_load %arg20[%swap3A_295, %swap3A_296] {strides = array<i32>} : memref<3x128xi32, #tpu.memory_space<vmem>>, vector<16xi32>,
          tpu.vector_store %arg20[%swap3A_295, %swap3A_296], %add3A_293 {strides = array<i32>} : memref<3x128xi32, #tpu.memory_space<vmem>>, vector<16xi32>,
          %add3A_298 = arith.constant 3840 : i32
          %add3A_299 = vector.broadcast %add3A_298 : i32 to vector<16xi32>
          %add3A_300 = arith.addi %get3A_218, %add3A_299 : vector<16xi32>
          %swap3A_301 = arith.constant 2 : i32
          %swap3A_302 = arith.index_cast %swap3A_301 : i32 to index
          %swap3A_303 = arith.constant 80 : index
          %swap3A_304 = tpu.vector_load %arg21[%swap3A_302, %swap3A_303] {strides = array<i32>} : memref<3x128xi32, #tpu.memory_space<vmem>>, vector<16xi32>,
          tpu.vector_store %arg21[%swap3A_302, %swap3A_303], %add3A_300 {strides = array<i32>} : memref<3x128xi32, #tpu.memory_space<vmem>>, vector<16xi32>,
          %add3A_305 = arith.constant 32 : i32
          %add3A_306 = arith.addi %multiple_of3A_118, %add3A_305 : i32
          %get3A_307 = arith.index_cast %add3A_306 : i32 to index
          %get3A_308 = tpu.vector_load %arg16[%get3A_307] {strides = array<i32>} : memref<2656xi32, #tpu.memory_space<vmem>>, vector<16xi32>,
          %add3A_309 = arith.constant 32 : i32
          %add3A_310 = arith.addi %multiple_of3A_118, %add3A_309 : i32
          %get3A_311 = arith.index_cast %add3A_310 : i32 to index
          %get3A_312 = tpu.vector_load %arg18[%get3A_311] {strides = array<i32>} : memref<2656xi32, #tpu.memory_space<vmem>>, vector<16xi32>,
          %swap3A_313 = arith.constant 32 : index
          %swap3A_314 = tpu.vector_load %arg19[%swap3A_313] {strides = array<i32>} : memref<64xi32, #tpu.memory_space<vmem>>, vector<16xi32>,
          tpu.vector_store %arg19[%swap3A_313], %get3A_312 {strides = array<i32>} : memref<64xi32, #tpu.memory_space<vmem>>, vector<16xi32>,
          %add3A_315 = arith.constant 0 : i32
          %add3A_316 = vector.broadcast %add3A_315 : i32 to vector<16xi32>
          %add3A_317 = arith.addi %get3A_308, %add3A_316 : vector<16xi32>
          %swap3A_318 = arith.constant 0 : i32
          %swap3A_319 = arith.index_cast %swap3A_318 : i32 to index
          %swap3A_320 = arith.constant 32 : index
          %swap3A_321 = tpu.vector_load %arg20[%swap3A_319, %swap3A_320] {strides = array<i32>} : memref<3x128xi32, #tpu.memory_space<vmem>>, vector<16xi32>,
          tpu.vector_store %arg20[%swap3A_319, %swap3A_320], %add3A_317 {strides = array<i32>} : memref<3x128xi32, #tpu.memory_space<vmem>>, vector<16xi32>,
          %add3A_322 = arith.constant 0 : i32
          %add3A_323 = vector.broadcast %add3A_322 : i32 to vector<16xi32>
          %add3A_324 = arith.addi %get3A_312, %add3A_323 : vector<16xi32>
          %swap3A_325 = arith.constant 0 : i32
          %swap3A_326 = arith.index_cast %swap3A_325 : i32 to index
          %swap3A_327 = arith.constant 32 : index
          %swap3A_328 = tpu.vector_load %arg21[%swap3A_326, %swap3A_327] {strides = array<i32>} : memref<3x128xi32, #tpu.memory_space<vmem>>, vector<16xi32>,
          tpu.vector_store %arg21[%swap3A_326, %swap3A_327], %add3A_324 {strides = array<i32>} : memref<3x128xi32, #tpu.memory_space<vmem>>, vector<16xi32>,
          %add3A_329 = arith.constant 10000 : i32
          %add3A_330 = vector.broadcast %add3A_329 : i32 to vector<16xi32>
          %add3A_331 = arith.addi %get3A_308, %add3A_330 : vector<16xi32>
          %swap3A_332 = arith.constant 0 : i32
          %swap3A_333 = arith.index_cast %swap3A_332 : i32 to index
          %swap3A_334 = arith.constant 96 : index
          %swap3A_335 = tpu.vector_load %arg20[%swap3A_333, %swap3A_334] {strides = array<i32>} : memref<3x128xi32, #tpu.memory_space<vmem>>, vector<16xi32>,
          tpu.vector_store %arg20[%swap3A_333, %swap3A_334], %add3A_331 {strides = array<i32>} : memref<3x128xi32, #tpu.memory_space<vmem>>, vector<16xi32>,
          %add3A_336 = arith.constant 768 : i32
          %add3A_337 = vector.broadcast %add3A_336 : i32 to vector<16xi32>
          %add3A_338 = arith.addi %get3A_312, %add3A_337 : vector<16xi32>
          %swap3A_339 = arith.constant 0 : i32
          %swap3A_340 = arith.index_cast %swap3A_339 : i32 to index
          %swap3A_341 = arith.constant 96 : index
          %swap3A_342 = tpu.vector_load %arg21[%swap3A_340, %swap3A_341] {strides = array<i32>} : memref<3x128xi32, #tpu.memory_space<vmem>>, vector<16xi32>,
          tpu.vector_store %arg21[%swap3A_340, %swap3A_341], %add3A_338 {strides = array<i32>} : memref<3x128xi32, #tpu.memory_space<vmem>>, vector<16xi32>,
          %add3A_343 = arith.constant 20000 : i32
          %add3A_344 = vector.broadcast %add3A_343 : i32 to vector<16xi32>
          %add3A_345 = arith.addi %get3A_308, %add3A_344 : vector<16xi32>
          %swap3A_346 = arith.constant 1 : i32
          %swap3A_347 = arith.index_cast %swap3A_346 : i32 to index
          %swap3A_348 = arith.constant 32 : index
          %swap3A_349 = tpu.vector_load %arg20[%swap3A_347, %swap3A_348] {strides = array<i32>} : memref<3x128xi32, #tpu.memory_space<vmem>>, vector<16xi32>,
          tpu.vector_store %arg20[%swap3A_347, %swap3A_348], %add3A_345 {strides = array<i32>} : memref<3x128xi32, #tpu.memory_space<vmem>>, vector<16xi32>,
          %add3A_350 = arith.constant 1536 : i32
          %add3A_351 = vector.broadcast %add3A_350 : i32 to vector<16xi32>
          %add3A_352 = arith.addi %get3A_312, %add3A_351 : vector<16xi32>
          %swap3A_353 = arith.constant 1 : i32
          %swap3A_354 = arith.index_cast %swap3A_353 : i32 to index
          %swap3A_355 = arith.constant 32 : index
          %swap3A_356 = tpu.vector_load %arg21[%swap3A_354, %swap3A_355] {strides = array<i32>} : memref<3x128xi32, #tpu.memory_space<vmem>>, vector<16xi32>,
          tpu.vector_store %arg21[%swap3A_354, %swap3A_355], %add3A_352 {strides = array<i32>} : memref<3x128xi32, #tpu.memory_space<vmem>>, vector<16xi32>,
          %add3A_357 = arith.constant 30000 : i32
          %add3A_358 = vector.broadcast %add3A_357 : i32 to vector<16xi32>
          %add3A_359 = arith.addi %get3A_308, %add3A_358 : vector<16xi32>
          %swap3A_360 = arith.constant 1 : i32
          %swap3A_361 = arith.index_cast %swap3A_360 : i32 to index
          %swap3A_362 = arith.constant 96 : index
          %swap3A_363 = tpu.vector_load %arg20[%swap3A_361, %swap3A_362] {strides = array<i32>} : memref<3x128xi32, #tpu.memory_space<vmem>>, vector<16xi32>,
          tpu.vector_store %arg20[%swap3A_361, %swap3A_362], %add3A_359 {strides = array<i32>} : memref<3x128xi32, #tpu.memory_space<vmem>>, vector<16xi32>,
          %add3A_364 = arith.constant 2304 : i32
          %add3A_365 = vector.broadcast %add3A_364 : i32 to vector<16xi32>
          %add3A_366 = arith.addi %get3A_312, %add3A_365 : vector<16xi32>
          %swap3A_367 = arith.constant 1 : i32
          %swap3A_368 = arith.index_cast %swap3A_367 : i32 to index
          %swap3A_369 = arith.constant 96 : index
          %swap3A_370 = tpu.vector_load %arg21[%swap3A_368, %swap3A_369] {strides = array<i32>} : memref<3x128xi32, #tpu.memory_space<vmem>>, vector<16xi32>,
          tpu.vector_store %arg21[%swap3A_368, %swap3A_369], %add3A_366 {strides = array<i32>} : memref<3x128xi32, #tpu.memory_space<vmem>>, vector<16xi32>,
          %add3A_371 = arith.constant 40000 : i32
          %add3A_372 = vector.broadcast %add3A_371 : i32 to vector<16xi32>
          %add3A_373 = arith.addi %get3A_308, %add3A_372 : vector<16xi32>
          %swap3A_374 = arith.constant 2 : i32
          %swap3A_375 = arith.index_cast %swap3A_374 : i32 to index
          %swap3A_376 = arith.constant 32 : index
          %swap3A_377 = tpu.vector_load %arg20[%swap3A_375, %swap3A_376] {strides = array<i32>} : memref<3x128xi32, #tpu.memory_space<vmem>>, vector<16xi32>,
          tpu.vector_store %arg20[%swap3A_375, %swap3A_376], %add3A_373 {strides = array<i32>} : memref<3x128xi32, #tpu.memory_space<vmem>>, vector<16xi32>,
          %add3A_378 = arith.constant 3072 : i32
          %add3A_379 = vector.broadcast %add3A_378 : i32 to vector<16xi32>
          %add3A_380 = arith.addi %get3A_312, %add3A_379 : vector<16xi32>
          %swap3A_381 = arith.constant 2 : i32
          %swap3A_382 = arith.index_cast %swap3A_381 : i32 to index
          %swap3A_383 = arith.constant 32 : index
          %swap3A_384 = tpu.vector_load %arg21[%swap3A_382, %swap3A_383] {strides = array<i32>} : memref<3x128xi32, #tpu.memory_space<vmem>>, vector<16xi32>,
          tpu.vector_store %arg21[%swap3A_382, %swap3A_383], %add3A_380 {strides = array<i32>} : memref<3x128xi32, #tpu.memory_space<vmem>>, vector<16xi32>,
          %add3A_385 = arith.constant 50000 : i32
          %add3A_386 = vector.broadcast %add3A_385 : i32 to vector<16xi32>
          %add3A_387 = arith.addi %get3A_308, %add3A_386 : vector<16xi32>
          %swap3A_388 = arith.constant 2 : i32
          %swap3A_389 = arith.index_cast %swap3A_388 : i32 to index
          %swap3A_390 = arith.constant 96 : index
          %swap3A_391 = tpu.vector_load %arg20[%swap3A_389, %swap3A_390] {strides = array<i32>} : memref<3x128xi32, #tpu.memory_space<vmem>>, vector<16xi32>,
          tpu.vector_store %arg20[%swap3A_389, %swap3A_390], %add3A_387 {strides = array<i32>} : memref<3x128xi32, #tpu.memory_space<vmem>>, vector<16xi32>,
          %add3A_392 = arith.constant 3840 : i32
          %add3A_393 = vector.broadcast %add3A_392 : i32 to vector<16xi32>
          %add3A_394 = arith.addi %get3A_312, %add3A_393 : vector<16xi32>
          %swap3A_395 = arith.constant 2 : i32
          %swap3A_396 = arith.index_cast %swap3A_395 : i32 to index
          %swap3A_397 = arith.constant 96 : index
          %swap3A_398 = tpu.vector_load %arg21[%swap3A_396, %swap3A_397] {strides = array<i32>} : memref<3x128xi32, #tpu.memory_space<vmem>>, vector<16xi32>,
          tpu.vector_store %arg21[%swap3A_396, %swap3A_397], %add3A_394 {strides = array<i32>} : memref<3x128xi32, #tpu.memory_space<vmem>>, vector<16xi32>,
          %add3A_399 = arith.constant 48 : i32
          %add3A_400 = arith.addi %multiple_of3A_118, %add3A_399 : i32
          %get3A_401 = arith.index_cast %add3A_400 : i32 to index
          %get3A_402 = tpu.vector_load %arg16[%get3A_401] {strides = array<i32>} : memref<2656xi32, #tpu.memory_space<vmem>>, vector<16xi32>,
          %add3A_403 = arith.constant 48 : i32
          %add3A_404 = arith.addi %multiple_of3A_118, %add3A_403 : i32
          %get3A_405 = arith.index_cast %add3A_404 : i32 to index
          %get3A_406 = tpu.vector_load %arg18[%get3A_405] {strides = array<i32>} : memref<2656xi32, #tpu.memory_space<vmem>>, vector<16xi32>,
          %swap3A_407 = arith.constant 48 : index
          %swap3A_408 = tpu.vector_load %arg19[%swap3A_407] {strides = array<i32>} : memref<64xi32, #tpu.memory_space<vmem>>, vector<16xi32>,
          tpu.vector_store %arg19[%swap3A_407], %get3A_406 {strides = array<i32>} : memref<64xi32, #tpu.memory_space<vmem>>, vector<16xi32>,
          %add3A_409 = arith.constant 0 : i32
          %add3A_410 = vector.broadcast %add3A_409 : i32 to vector<16xi32>
          %add3A_411 = arith.addi %get3A_402, %add3A_410 : vector<16xi32>
          %swap3A_412 = arith.constant 0 : i32
          %swap3A_413 = arith.index_cast %swap3A_412 : i32 to index
          %swap3A_414 = arith.constant 48 : index
          %swap3A_415 = tpu.vector_load %arg20[%swap3A_413, %swap3A_414] {strides = array<i32>} : memref<3x128xi32, #tpu.memory_space<vmem>>, vector<16xi32>,
          tpu.vector_store %arg20[%swap3A_413, %swap3A_414], %add3A_411 {strides = array<i32>} : memref<3x128xi32, #tpu.memory_space<vmem>>, vector<16xi32>,
          %add3A_416 = arith.constant 0 : i32
          %add3A_417 = vector.broadcast %add3A_416 : i32 to vector<16xi32>
          %add3A_418 = arith.addi %get3A_406, %add3A_417 : vector<16xi32>
          %swap3A_419 = arith.constant 0 : i32
          %swap3A_420 = arith.index_cast %swap3A_419 : i32 to index
          %swap3A_421 = arith.constant 48 : index
          %swap3A_422 = tpu.vector_load %arg21[%swap3A_420, %swap3A_421] {strides = array<i32>} : memref<3x128xi32, #tpu.memory_space<vmem>>, vector<16xi32>,
          tpu.vector_store %arg21[%swap3A_420, %swap3A_421], %add3A_418 {strides = array<i32>} : memref<3x128xi32, #tpu.memory_space<vmem>>, vector<16xi32>,
          %add3A_423 = arith.constant 10000 : i32
          %add3A_424 = vector.broadcast %add3A_423 : i32 to vector<16xi32>
          %add3A_425 = arith.addi %get3A_402, %add3A_424 : vector<16xi32>
          %swap3A_426 = arith.constant 0 : i32
          %swap3A_427 = arith.index_cast %swap3A_426 : i32 to index
          %swap3A_428 = arith.constant 112 : index
          %swap3A_429 = tpu.vector_load %arg20[%swap3A_427, %swap3A_428] {strides = array<i32>} : memref<3x128xi32, #tpu.memory_space<vmem>>, vector<16xi32>,
          tpu.vector_store %arg20[%swap3A_427, %swap3A_428], %add3A_425 {strides = array<i32>} : memref<3x128xi32, #tpu.memory_space<vmem>>, vector<16xi32>,
          %add3A_430 = arith.constant 768 : i32
          %add3A_431 = vector.broadcast %add3A_430 : i32 to vector<16xi32>
          %add3A_432 = arith.addi %get3A_406, %add3A_431 : vector<16xi32>
          %swap3A_433 = arith.constant 0 : i32
          %swap3A_434 = arith.index_cast %swap3A_433 : i32 to index
          %swap3A_435 = arith.constant 112 : index
          %swap3A_436 = tpu.vector_load %arg21[%swap3A_434, %swap3A_435] {strides = array<i32>} : memref<3x128xi32, #tpu.memory_space<vmem>>, vector<16xi32>,
          tpu.vector_store %arg21[%swap3A_434, %swap3A_435], %add3A_432 {strides = array<i32>} : memref<3x128xi32, #tpu.memory_space<vmem>>, vector<16xi32>,
          %add3A_437 = arith.constant 20000 : i32
          %add3A_438 = vector.broadcast %add3A_437 : i32 to vector<16xi32>
          %add3A_439 = arith.addi %get3A_402, %add3A_438 : vector<16xi32>
          %swap3A_440 = arith.constant 1 : i32
          %swap3A_441 = arith.index_cast %swap3A_440 : i32 to index
          %swap3A_442 = arith.constant 48 : index
          %swap3A_443 = tpu.vector_load %arg20[%swap3A_441, %swap3A_442] {strides = array<i32>} : memref<3x128xi32, #tpu.memory_space<vmem>>, vector<16xi32>,
          tpu.vector_store %arg20[%swap3A_441, %swap3A_442], %add3A_439 {strides = array<i32>} : memref<3x128xi32, #tpu.memory_space<vmem>>, vector<16xi32>,
          %add3A_444 = arith.constant 1536 : i32
          %add3A_445 = vector.broadcast %add3A_444 : i32 to vector<16xi32>
          %add3A_446 = arith.addi %get3A_406, %add3A_445 : vector<16xi32>
          %swap3A_447 = arith.constant 1 : i32
          %swap3A_448 = arith.index_cast %swap3A_447 : i32 to index
          %swap3A_449 = arith.constant 48 : index
          %swap3A_450 = tpu.vector_load %arg21[%swap3A_448, %swap3A_449] {strides = array<i32>} : memref<3x128xi32, #tpu.memory_space<vmem>>, vector<16xi32>,
          tpu.vector_store %arg21[%swap3A_448, %swap3A_449], %add3A_446 {strides = array<i32>} : memref<3x128xi32, #tpu.memory_space<vmem>>, vector<16xi32>,
          %add3A_451 = arith.constant 30000 : i32
          %add3A_452 = vector.broadcast %add3A_451 : i32 to vector<16xi32>
          %add3A_453 = arith.addi %get3A_402, %add3A_452 : vector<16xi32>
          %swap3A_454 = arith.constant 1 : i32
          %swap3A_455 = arith.index_cast %swap3A_454 : i32 to index
          %swap3A_456 = arith.constant 112 : index
          %swap3A_457 = tpu.vector_load %arg20[%swap3A_455, %swap3A_456] {strides = array<i32>} : memref<3x128xi32, #tpu.memory_space<vmem>>, vector<16xi32>,
          tpu.vector_store %arg20[%swap3A_455, %swap3A_456], %add3A_453 {strides = array<i32>} : memref<3x128xi32, #tpu.memory_space<vmem>>, vector<16xi32>,
          %add3A_458 = arith.constant 2304 : i32
          %add3A_459 = vector.broadcast %add3A_458 : i32 to vector<16xi32>
          %add3A_460 = arith.addi %get3A_406, %add3A_459 : vector<16xi32>
          %swap3A_461 = arith.constant 1 : i32
          %swap3A_462 = arith.index_cast %swap3A_461 : i32 to index
          %swap3A_463 = arith.constant 112 : index
          %swap3A_464 = tpu.vector_load %arg21[%swap3A_462, %swap3A_463] {strides = array<i32>} : memref<3x128xi32, #tpu.memory_space<vmem>>, vector<16xi32>,
          tpu.vector_store %arg21[%swap3A_462, %swap3A_463], %add3A_460 {strides = array<i32>} : memref<3x128xi32, #tpu.memory_space<vmem>>, vector<16xi32>,
          %add3A_465 = arith.constant 40000 : i32
          %add3A_466 = vector.broadcast %add3A_465 : i32 to vector<16xi32>
          %add3A_467 = arith.addi %get3A_402, %add3A_466 : vector<16xi32>
          %swap3A_468 = arith.constant 2 : i32
          %swap3A_469 = arith.index_cast %swap3A_468 : i32 to index
          %swap3A_470 = arith.constant 48 : index
          %swap3A_471 = tpu.vector_load %arg20[%swap3A_469, %swap3A_470] {strides = array<i32>} : memref<3x128xi32, #tpu.memory_space<vmem>>, vector<16xi32>,
          tpu.vector_store %arg20[%swap3A_469, %swap3A_470], %add3A_467 {strides = array<i32>} : memref<3x128xi32, #tpu.memory_space<vmem>>, vector<16xi32>,
          %add3A_472 = arith.constant 3072 : i32
          %add3A_473 = vector.broadcast %add3A_472 : i32 to vector<16xi32>
          %add3A_474 = arith.addi %get3A_406, %add3A_473 : vector<16xi32>
          %swap3A_475 = arith.constant 2 : i32
          %swap3A_476 = arith.index_cast %swap3A_475 : i32 to index
          %swap3A_477 = arith.constant 48 : index
          %swap3A_478 = tpu.vector_load %arg21[%swap3A_476, %swap3A_477] {strides = array<i32>} : memref<3x128xi32, #tpu.memory_space<vmem>>, vector<16xi32>,
          tpu.vector_store %arg21[%swap3A_476, %swap3A_477], %add3A_474 {strides = array<i32>} : memref<3x128xi32, #tpu.memory_space<vmem>>, vector<16xi32>,
          %add3A_479 = arith.constant 50000 : i32
          %add3A_480 = vector.broadcast %add3A_479 : i32 to vector<16xi32>
          %add3A_481 = arith.addi %get3A_402, %add3A_480 : vector<16xi32>
          %swap3A_482 = arith.constant 2 : i32
          %swap3A_483 = arith.index_cast %swap3A_482 : i32 to index
          %swap3A_484 = arith.constant 112 : index
          %swap3A_485 = tpu.vector_load %arg20[%swap3A_483, %swap3A_484] {strides = array<i32>} : memref<3x128xi32, #tpu.memory_space<vmem>>, vector<16xi32>,
          tpu.vector_store %arg20[%swap3A_483, %swap3A_484], %add3A_481 {strides = array<i32>} : memref<3x128xi32, #tpu.memory_space<vmem>>, vector<16xi32>,
          %add3A_486 = arith.constant 3840 : i32
          %add3A_487 = vector.broadcast %add3A_486 : i32 to vector<16xi32>
          %add3A_488 = arith.addi %get3A_406, %add3A_487 : vector<16xi32>
          %swap3A_489 = arith.constant 2 : i32
          %swap3A_490 = arith.index_cast %swap3A_489 : i32 to index
          %swap3A_491 = arith.constant 112 : index
          %swap3A_492 = tpu.vector_load %arg21[%swap3A_490, %swap3A_491] {strides = array<i32>} : memref<3x128xi32, #tpu.memory_space<vmem>>, vector<16xi32>,
          tpu.vector_store %arg21[%swap3A_490, %swap3A_491], %add3A_488 {strides = array<i32>} : memref<3x128xi32, #tpu.memory_space<vmem>>, vector<16xi32>,
          %dma_start3A = arith.constant 0 : i32
          %dma_start3A_493 = arith.constant 0 : i32
          %dma_start3A_494 = arith.constant 0 : i32
          %dma_start3A_495 = tpu.memref_slice %arg24[%dma_start3A_493, %dma_start3A_494] : memref<384x128xf32, #tpu.memory_space<vmem>> -> memref<128x128xf32, #tpu.memory_space<vmem>>
          %dma_start3A_496 = arith.constant 0 : i32
          %dma_start3A_497 = tpu.memref_slice %arg20[%dma_start3A, %dma_start3A_496] : memref<3x128xi32, #tpu.memory_space<vmem>> -> memref<1x128xi32, #tpu.memory_space<vmem>>
          %dma_start3A_498 = tpu.memref_squeeze %dma_start3A_497 : memref<1x128xi32, #tpu.memory_space<vmem>> -> memref<128xi32, #tpu.memory_space<vmem>>
          %dma_start3A_499 = arith.constant 0 : i32
          %dma_start3A_500 = arith.constant 0 : i32
          %dma_start3A_501 = tpu.memref_slice %arg5[%dma_start3A_499, %dma_start3A_500] : memref<60000x128xf32, #tpu.memory_space<hbm>> -> memref<60000x128xf32, #tpu.memory_space<hbm>>
          tpu.enqueue_indirect_dma source(%dma_start3A_501 : memref<60000x128xf32, #tpu.memory_space<hbm>>) target(%dma_start3A_495 : memref<128x128xf32, #tpu.memory_space<vmem>>) offsets(%dma_start3A_498 : memref<128xi32, #tpu.memory_space<vmem>>) semaphore(%arg28 : memref<!tpu.dma_semaphore, #tpu.memory_space<semaphore_mem>>)
          %dma_start3A_502 = arith.constant 1 : i32
          %dma_start3A_503 = arith.constant 128 : i32
          %dma_start3A_504 = arith.constant 0 : i32
          %dma_start3A_505 = tpu.memref_slice %arg24[%dma_start3A_503, %dma_start3A_504] : memref<384x128xf32, #tpu.memory_space<vmem>> -> memref<128x128xf32, #tpu.memory_space<vmem>>
          %dma_start3A_506 = arith.constant 0 : i32
          %dma_start3A_507 = tpu.memref_slice %arg20[%dma_start3A_502, %dma_start3A_506] : memref<3x128xi32, #tpu.memory_space<vmem>> -> memref<1x128xi32, #tpu.memory_space<vmem>>
          %dma_start3A_508 = tpu.memref_squeeze %dma_start3A_507 : memref<1x128xi32, #tpu.memory_space<vmem>> -> memref<128xi32, #tpu.memory_space<vmem>>
          %dma_start3A_509 = arith.constant 0 : i32
          %dma_start3A_510 = arith.constant 0 : i32
          %dma_start3A_511 = tpu.memref_slice %arg5[%dma_start3A_509, %dma_start3A_510] : memref<60000x128xf32, #tpu.memory_space<hbm>> -> memref<60000x128xf32, #tpu.memory_space<hbm>>
          tpu.enqueue_indirect_dma source(%dma_start3A_511 : memref<60000x128xf32, #tpu.memory_space<hbm>>) target(%dma_start3A_505 : memref<128x128xf32, #tpu.memory_space<vmem>>) offsets(%dma_start3A_508 : memref<128xi32, #tpu.memory_space<vmem>>) semaphore(%arg28 : memref<!tpu.dma_semaphore, #tpu.memory_space<semaphore_mem>>)
          %dma_start3A_512 = arith.constant 2 : i32
          %dma_start3A_513 = arith.constant 256 : i32
          %dma_start3A_514 = arith.constant 0 : i32
          %dma_start3A_515 = tpu.memref_slice %arg24[%dma_start3A_513, %dma_start3A_514] : memref<384x128xf32, #tpu.memory_space<vmem>> -> memref<128x128xf32, #tpu.memory_space<vmem>>
          %dma_start3A_516 = arith.constant 0 : i32
          %dma_start3A_517 = tpu.memref_slice %arg20[%dma_start3A_512, %dma_start3A_516] : memref<3x128xi32, #tpu.memory_space<vmem>> -> memref<1x128xi32, #tpu.memory_space<vmem>>
          %dma_start3A_518 = tpu.memref_squeeze %dma_start3A_517 : memref<1x128xi32, #tpu.memory_space<vmem>> -> memref<128xi32, #tpu.memory_space<vmem>>
          %dma_start3A_519 = arith.constant 0 : i32
          %dma_start3A_520 = arith.constant 0 : i32
          %dma_start3A_521 = tpu.memref_slice %arg5[%dma_start3A_519, %dma_start3A_520] : memref<60000x128xf32, #tpu.memory_space<hbm>> -> memref<60000x128xf32, #tpu.memory_space<hbm>>
          tpu.enqueue_indirect_dma source(%dma_start3A_521 : memref<60000x128xf32, #tpu.memory_space<hbm>>) target(%dma_start3A_515 : memref<128x128xf32, #tpu.memory_space<vmem>>) offsets(%dma_start3A_518 : memref<128xi32, #tpu.memory_space<vmem>>) semaphore(%arg28 : memref<!tpu.dma_semaphore, #tpu.memory_space<semaphore_mem>>)
          %dma_start3A_522 = tpu.memref_slice %arg16[%multiple_of3A_118] : memref<2656xi32, #tpu.memory_space<vmem>> -> memref<64xi32, #tpu.memory_space<vmem>>
          %dma_start3A_523 = arith.constant 0 : i32
          %dma_start3A_524 = arith.constant 0 : i32
          %dma_start3A_525 = tpu.memref_slice %arg4[%dma_start3A_523, %dma_start3A_524] : memref<10000x128xf32, #tpu.memory_space<hbm>> -> memref<10000x128xf32, #tpu.memory_space<hbm>>
          tpu.enqueue_indirect_dma source(%dma_start3A_525 : memref<10000x128xf32, #tpu.memory_space<hbm>>) target(%arg22 : memref<64x128xf32, #tpu.memory_space<vmem>>) offsets(%dma_start3A_522 : memref<64xi32, #tpu.memory_space<vmem>>) semaphore(%arg30 : memref<!tpu.dma_semaphore, #tpu.memory_space<semaphore_mem>>)
          %dma_start3A_526 = tpu.memref_slice %arg17[%multiple_of3A_118] : memref<2656xi32, #tpu.memory_space<vmem>> -> memref<64xi32, #tpu.memory_space<vmem>>
          %dma_start3A_527 = arith.constant 0 : i32
          %dma_start3A_528 = arith.constant 0 : i32
          %dma_start3A_529 = tpu.memref_slice %arg4[%dma_start3A_527, %dma_start3A_528] : memref<10000x128xf32, #tpu.memory_space<hbm>> -> memref<10000x128xf32, #tpu.memory_space<hbm>>
          tpu.enqueue_indirect_dma source(%dma_start3A_529 : memref<10000x128xf32, #tpu.memory_space<hbm>>) target(%arg23 : memref<64x128xf32, #tpu.memory_space<vmem>>) offsets(%dma_start3A_526 : memref<64xi32, #tpu.memory_space<vmem>>) semaphore(%arg30 : memref<!tpu.dma_semaphore, #tpu.memory_space<semaphore_mem>>)
          %dma_wait3A = tpu.memref_slice %arg16[%multiple_of3A_118] : memref<2656xi32, #tpu.memory_space<vmem>> -> memref<64xi32, #tpu.memory_space<vmem>>
          %dma_wait3A_530 = arith.constant 0 : i32
          %dma_wait3A_531 = arith.constant 0 : i32
          %dma_wait3A_532 = tpu.memref_slice %arg4[%dma_wait3A_530, %dma_wait3A_531] : memref<10000x128xf32, #tpu.memory_space<hbm>> -> memref<10000x128xf32, #tpu.memory_space<hbm>>
          tpu.wait_indirect_dma semaphore(%arg30 : memref<!tpu.dma_semaphore, #tpu.memory_space<semaphore_mem>>) src(%dma_wait3A_532 : memref<10000x128xf32, #tpu.memory_space<hbm>>) dst(%arg22 : memref<64x128xf32, #tpu.memory_space<vmem>>)
          %dma_wait3A_533 = tpu.memref_slice %arg17[%multiple_of3A_118] : memref<2656xi32, #tpu.memory_space<vmem>> -> memref<64xi32, #tpu.memory_space<vmem>>
          %dma_wait3A_534 = arith.constant 0 : i32
          %dma_wait3A_535 = arith.constant 0 : i32
          %dma_wait3A_536 = tpu.memref_slice %arg4[%dma_wait3A_534, %dma_wait3A_535] : memref<10000x128xf32, #tpu.memory_space<hbm>> -> memref<10000x128xf32, #tpu.memory_space<hbm>>
          tpu.wait_indirect_dma semaphore(%arg30 : memref<!tpu.dma_semaphore, #tpu.memory_space<semaphore_mem>>) src(%dma_wait3A_536 : memref<10000x128xf32, #tpu.memory_space<hbm>>) dst(%arg23 : memref<64x128xf32, #tpu.memory_space<vmem>>)
          %add3A_537 = arith.constant 0 : i32
          %add3A_538 = vector.broadcast %add3A_537 : i32 to vector<16xi32>
          %add3A_539 = arith.addi %iota3A, %add3A_538 : vector<16xi32>
          %broadcast_in_dim3A_540 = arith.constant 0 : i32
          %broadcast_in_dim3A_541 = vector.broadcast %broadcast_in_dim3A_540 : i32 to vector<16xi32>
          %gather3A = tpu.vector_load_idx %arg22[%add3A_539, %broadcast_in_dim3A_541] : memref<64x128xf32, #tpu.memory_space<vmem>>[vector<16xi32>, vector<16xi32>], vector<16xf32>,
          %broadcast_in_dim3A_542 = arith.constant 3 : i32
          %broadcast_in_dim3A_543 = vector.broadcast %broadcast_in_dim3A_542 : i32 to vector<16xi32>
          %gather3A_544 = tpu.vector_load_idx %arg23[%add3A_539, %broadcast_in_dim3A_543] : memref<64x128xf32, #tpu.memory_space<vmem>>[vector<16xi32>, vector<16xi32>], vector<16xf32>,
          %add3A_545 = arith.addf %gather3A, %gather3A_544 : vector<16xf32>
          %ge3A = arith.constant 0.000000e+00 : f32
          %ge3A_546 = vector.broadcast %ge3A : f32 to vector<16xf32>
          %ge3A_547 = arith.cmpf oge, %add3A_545, %ge3A_546 : vector<16xf32>
          %mul3A_548 = arith.constant 2.000000e-01 : f32
          %mul3A_549 = vector.broadcast %mul3A_548 : f32 to vector<16xf32>
          %mul3A_550 = arith.mulf %add3A_545, %mul3A_549 : vector<16xf32>
          %select_n3A_551 = arith.select %ge3A_547, %add3A_545, %mul3A_550 : vector<16xi1>, vector<16xf32>
          %broadcast_in_dim3A_552 = arith.constant 0 : i32
          %broadcast_in_dim3A_553 = vector.broadcast %broadcast_in_dim3A_552 : i32 to vector<16xi32>
          %exp3A = math.exp %select_n3A_551 : vector<16xf32>
          tpu.vector_store_idx %arg25[%add3A_539, %broadcast_in_dim3A_553], %exp3A : memref<64x128xf32, #tpu.memory_space<vmem>>[vector<16xi32>, vector<16xi32>], vector<16xf32>,
          %broadcast_in_dim3A_554 = arith.constant 1 : i32
          %broadcast_in_dim3A_555 = vector.broadcast %broadcast_in_dim3A_554 : i32 to vector<16xi32>
          %gather3A_556 = tpu.vector_load_idx %arg22[%add3A_539, %broadcast_in_dim3A_555] : memref<64x128xf32, #tpu.memory_space<vmem>>[vector<16xi32>, vector<16xi32>], vector<16xf32>,
          %broadcast_in_dim3A_557 = arith.constant 4 : i32
          %broadcast_in_dim3A_558 = vector.broadcast %broadcast_in_dim3A_557 : i32 to vector<16xi32>
          %gather3A_559 = tpu.vector_load_idx %arg23[%add3A_539, %broadcast_in_dim3A_558] : memref<64x128xf32, #tpu.memory_space<vmem>>[vector<16xi32>, vector<16xi32>], vector<16xf32>,
          %add3A_560 = arith.addf %gather3A_556, %gather3A_559 : vector<16xf32>
          %ge3A_561 = arith.constant 0.000000e+00 : f32
          %ge3A_562 = vector.broadcast %ge3A_561 : f32 to vector<16xf32>
          %ge3A_563 = arith.cmpf oge, %add3A_560, %ge3A_562 : vector<16xf32>
          %mul3A_564 = arith.constant 2.000000e-01 : f32
          %mul3A_565 = vector.broadcast %mul3A_564 : f32 to vector<16xf32>
          %mul3A_566 = arith.mulf %add3A_560, %mul3A_565 : vector<16xf32>
          %select_n3A_567 = arith.select %ge3A_563, %add3A_560, %mul3A_566 : vector<16xi1>, vector<16xf32>
          %broadcast_in_dim3A_568 = arith.constant 1 : i32
          %broadcast_in_dim3A_569 = vector.broadcast %broadcast_in_dim3A_568 : i32 to vector<16xi32>
          %exp3A_570 = math.exp %select_n3A_567 : vector<16xf32>
          tpu.vector_store_idx %arg25[%add3A_539, %broadcast_in_dim3A_569], %exp3A_570 : memref<64x128xf32, #tpu.memory_space<vmem>>[vector<16xi32>, vector<16xi32>], vector<16xf32>,
          %broadcast_in_dim3A_571 = arith.constant 2 : i32
          %broadcast_in_dim3A_572 = vector.broadcast %broadcast_in_dim3A_571 : i32 to vector<16xi32>
          %gather3A_573 = tpu.vector_load_idx %arg22[%add3A_539, %broadcast_in_dim3A_572] : memref<64x128xf32, #tpu.memory_space<vmem>>[vector<16xi32>, vector<16xi32>], vector<16xf32>,
          %broadcast_in_dim3A_574 = arith.constant 5 : i32
          %broadcast_in_dim3A_575 = vector.broadcast %broadcast_in_dim3A_574 : i32 to vector<16xi32>
          %gather3A_576 = tpu.vector_load_idx %arg23[%add3A_539, %broadcast_in_dim3A_575] : memref<64x128xf32, #tpu.memory_space<vmem>>[vector<16xi32>, vector<16xi32>], vector<16xf32>,
          %add3A_577 = arith.addf %gather3A_573, %gather3A_576 : vector<16xf32>
          %ge3A_578 = arith.constant 0.000000e+00 : f32
          %ge3A_579 = vector.broadcast %ge3A_578 : f32 to vector<16xf32>
          %ge3A_580 = arith.cmpf oge, %add3A_577, %ge3A_579 : vector<16xf32>
          %mul3A_581 = arith.constant 2.000000e-01 : f32
          %mul3A_582 = vector.broadcast %mul3A_581 : f32 to vector<16xf32>
          %mul3A_583 = arith.mulf %add3A_577, %mul3A_582 : vector<16xf32>
          %select_n3A_584 = arith.select %ge3A_580, %add3A_577, %mul3A_583 : vector<16xi1>, vector<16xf32>
          %broadcast_in_dim3A_585 = arith.constant 2 : i32
          %broadcast_in_dim3A_586 = vector.broadcast %broadcast_in_dim3A_585 : i32 to vector<16xi32>
          %exp3A_587 = math.exp %select_n3A_584 : vector<16xf32>
          tpu.vector_store_idx %arg25[%add3A_539, %broadcast_in_dim3A_586], %exp3A_587 : memref<64x128xf32, #tpu.memory_space<vmem>>[vector<16xi32>, vector<16xi32>], vector<16xf32>,
          %add3A_588 = arith.constant 16 : i32
          %add3A_589 = vector.broadcast %add3A_588 : i32 to vector<16xi32>
          %add3A_590 = arith.addi %iota3A, %add3A_589 : vector<16xi32>
          %broadcast_in_dim3A_591 = arith.constant 0 : i32
          %broadcast_in_dim3A_592 = vector.broadcast %broadcast_in_dim3A_591 : i32 to vector<16xi32>
          %gather3A_593 = tpu.vector_load_idx %arg22[%add3A_590, %broadcast_in_dim3A_592] : memref<64x128xf32, #tpu.memory_space<vmem>>[vector<16xi32>, vector<16xi32>], vector<16xf32>,
          %broadcast_in_dim3A_594 = arith.constant 3 : i32
          %broadcast_in_dim3A_595 = vector.broadcast %broadcast_in_dim3A_594 : i32 to vector<16xi32>
          %gather3A_596 = tpu.vector_load_idx %arg23[%add3A_590, %broadcast_in_dim3A_595] : memref<64x128xf32, #tpu.memory_space<vmem>>[vector<16xi32>, vector<16xi32>], vector<16xf32>,
          %add3A_597 = arith.addf %gather3A_593, %gather3A_596 : vector<16xf32>
          %ge3A_598 = arith.constant 0.000000e+00 : f32
          %ge3A_599 = vector.broadcast %ge3A_598 : f32 to vector<16xf32>
          %ge3A_600 = arith.cmpf oge, %add3A_597, %ge3A_599 : vector<16xf32>
          %mul3A_601 = arith.constant 2.000000e-01 : f32
          %mul3A_602 = vector.broadcast %mul3A_601 : f32 to vector<16xf32>
          %mul3A_603 = arith.mulf %add3A_597, %mul3A_602 : vector<16xf32>
          %select_n3A_604 = arith.select %ge3A_600, %add3A_597, %mul3A_603 : vector<16xi1>, vector<16xf32>
          %broadcast_in_dim3A_605 = arith.constant 0 : i32
          %broadcast_in_dim3A_606 = vector.broadcast %broadcast_in_dim3A_605 : i32 to vector<16xi32>
          %exp3A_607 = math.exp %select_n3A_604 : vector<16xf32>
          tpu.vector_store_idx %arg25[%add3A_590, %broadcast_in_dim3A_606], %exp3A_607 : memref<64x128xf32, #tpu.memory_space<vmem>>[vector<16xi32>, vector<16xi32>], vector<16xf32>,
          %broadcast_in_dim3A_608 = arith.constant 1 : i32
          %broadcast_in_dim3A_609 = vector.broadcast %broadcast_in_dim3A_608 : i32 to vector<16xi32>
          %gather3A_610 = tpu.vector_load_idx %arg22[%add3A_590, %broadcast_in_dim3A_609] : memref<64x128xf32, #tpu.memory_space<vmem>>[vector<16xi32>, vector<16xi32>], vector<16xf32>,
          %broadcast_in_dim3A_611 = arith.constant 4 : i32
          %broadcast_in_dim3A_612 = vector.broadcast %broadcast_in_dim3A_611 : i32 to vector<16xi32>
          %gather3A_613 = tpu.vector_load_idx %arg23[%add3A_590, %broadcast_in_dim3A_612] : memref<64x128xf32, #tpu.memory_space<vmem>>[vector<16xi32>, vector<16xi32>], vector<16xf32>,
          %add3A_614 = arith.addf %gather3A_610, %gather3A_613 : vector<16xf32>
          %ge3A_615 = arith.constant 0.000000e+00 : f32
          %ge3A_616 = vector.broadcast %ge3A_615 : f32 to vector<16xf32>
          %ge3A_617 = arith.cmpf oge, %add3A_614, %ge3A_616 : vector<16xf32>
          %mul3A_618 = arith.constant 2.000000e-01 : f32
          %mul3A_619 = vector.broadcast %mul3A_618 : f32 to vector<16xf32>
          %mul3A_620 = arith.mulf %add3A_614, %mul3A_619 : vector<16xf32>
          %select_n3A_621 = arith.select %ge3A_617, %add3A_614, %mul3A_620 : vector<16xi1>, vector<16xf32>
          %broadcast_in_dim3A_622 = arith.constant 1 : i32
          %broadcast_in_dim3A_623 = vector.broadcast %broadcast_in_dim3A_622 : i32 to vector<16xi32>
          %exp3A_624 = math.exp %select_n3A_621 : vector<16xf32>
          tpu.vector_store_idx %arg25[%add3A_590, %broadcast_in_dim3A_623], %exp3A_624 : memref<64x128xf32, #tpu.memory_space<vmem>>[vector<16xi32>, vector<16xi32>], vector<16xf32>,
          %broadcast_in_dim3A_625 = arith.constant 2 : i32
          %broadcast_in_dim3A_626 = vector.broadcast %broadcast_in_dim3A_625 : i32 to vector<16xi32>
          %gather3A_627 = tpu.vector_load_idx %arg22[%add3A_590, %broadcast_in_dim3A_626] : memref<64x128xf32, #tpu.memory_space<vmem>>[vector<16xi32>, vector<16xi32>], vector<16xf32>,
          %broadcast_in_dim3A_628 = arith.constant 5 : i32
          %broadcast_in_dim3A_629 = vector.broadcast %broadcast_in_dim3A_628 : i32 to vector<16xi32>
          %gather3A_630 = tpu.vector_load_idx %arg23[%add3A_590, %broadcast_in_dim3A_629] : memref<64x128xf32, #tpu.memory_space<vmem>>[vector<16xi32>, vector<16xi32>], vector<16xf32>,
          %add3A_631 = arith.addf %gather3A_627, %gather3A_630 : vector<16xf32>
          %ge3A_632 = arith.constant 0.000000e+00 : f32
          %ge3A_633 = vector.broadcast %ge3A_632 : f32 to vector<16xf32>
          %ge3A_634 = arith.cmpf oge, %add3A_631, %ge3A_633 : vector<16xf32>
          %mul3A_635 = arith.constant 2.000000e-01 : f32
          %mul3A_636 = vector.broadcast %mul3A_635 : f32 to vector<16xf32>
          %mul3A_637 = arith.mulf %add3A_631, %mul3A_636 : vector<16xf32>
          %select_n3A_638 = arith.select %ge3A_634, %add3A_631, %mul3A_637 : vector<16xi1>, vector<16xf32>
          %broadcast_in_dim3A_639 = arith.constant 2 : i32
          %broadcast_in_dim3A_640 = vector.broadcast %broadcast_in_dim3A_639 : i32 to vector<16xi32>
          %exp3A_641 = math.exp %select_n3A_638 : vector<16xf32>
          tpu.vector_store_idx %arg25[%add3A_590, %broadcast_in_dim3A_640], %exp3A_641 : memref<64x128xf32, #tpu.memory_space<vmem>>[vector<16xi32>, vector<16xi32>], vector<16xf32>,
          %add3A_642 = arith.constant 32 : i32
          %add3A_643 = vector.broadcast %add3A_642 : i32 to vector<16xi32>
          %add3A_644 = arith.addi %iota3A, %add3A_643 : vector<16xi32>
          %broadcast_in_dim3A_645 = arith.constant 0 : i32
          %broadcast_in_dim3A_646 = vector.broadcast %broadcast_in_dim3A_645 : i32 to vector<16xi32>
          %gather3A_647 = tpu.vector_load_idx %arg22[%add3A_644, %broadcast_in_dim3A_646] : memref<64x128xf32, #tpu.memory_space<vmem>>[vector<16xi32>, vector<16xi32>], vector<16xf32>,
          %broadcast_in_dim3A_648 = arith.constant 3 : i32
          %broadcast_in_dim3A_649 = vector.broadcast %broadcast_in_dim3A_648 : i32 to vector<16xi32>
          %gather3A_650 = tpu.vector_load_idx %arg23[%add3A_644, %broadcast_in_dim3A_649] : memref<64x128xf32, #tpu.memory_space<vmem>>[vector<16xi32>, vector<16xi32>], vector<16xf32>,
          %add3A_651 = arith.addf %gather3A_647, %gather3A_650 : vector<16xf32>
          %ge3A_652 = arith.constant 0.000000e+00 : f32
          %ge3A_653 = vector.broadcast %ge3A_652 : f32 to vector<16xf32>
          %ge3A_654 = arith.cmpf oge, %add3A_651, %ge3A_653 : vector<16xf32>
          %mul3A_655 = arith.constant 2.000000e-01 : f32
          %mul3A_656 = vector.broadcast %mul3A_655 : f32 to vector<16xf32>
          %mul3A_657 = arith.mulf %add3A_651, %mul3A_656 : vector<16xf32>
          %select_n3A_658 = arith.select %ge3A_654, %add3A_651, %mul3A_657 : vector<16xi1>, vector<16xf32>
          %broadcast_in_dim3A_659 = arith.constant 0 : i32
          %broadcast_in_dim3A_660 = vector.broadcast %broadcast_in_dim3A_659 : i32 to vector<16xi32>
          %exp3A_661 = math.exp %select_n3A_658 : vector<16xf32>
          tpu.vector_store_idx %arg25[%add3A_644, %broadcast_in_dim3A_660], %exp3A_661 : memref<64x128xf32, #tpu.memory_space<vmem>>[vector<16xi32>, vector<16xi32>], vector<16xf32>,
          %broadcast_in_dim3A_662 = arith.constant 1 : i32
          %broadcast_in_dim3A_663 = vector.broadcast %broadcast_in_dim3A_662 : i32 to vector<16xi32>
          %gather3A_664 = tpu.vector_load_idx %arg22[%add3A_644, %broadcast_in_dim3A_663] : memref<64x128xf32, #tpu.memory_space<vmem>>[vector<16xi32>, vector<16xi32>], vector<16xf32>,
          %broadcast_in_dim3A_665 = arith.constant 4 : i32
          %broadcast_in_dim3A_666 = vector.broadcast %broadcast_in_dim3A_665 : i32 to vector<16xi32>
          %gather3A_667 = tpu.vector_load_idx %arg23[%add3A_644, %broadcast_in_dim3A_666] : memref<64x128xf32, #tpu.memory_space<vmem>>[vector<16xi32>, vector<16xi32>], vector<16xf32>,
          %add3A_668 = arith.addf %gather3A_664, %gather3A_667 : vector<16xf32>
          %ge3A_669 = arith.constant 0.000000e+00 : f32
          %ge3A_670 = vector.broadcast %ge3A_669 : f32 to vector<16xf32>
          %ge3A_671 = arith.cmpf oge, %add3A_668, %ge3A_670 : vector<16xf32>
          %mul3A_672 = arith.constant 2.000000e-01 : f32
          %mul3A_673 = vector.broadcast %mul3A_672 : f32 to vector<16xf32>
          %mul3A_674 = arith.mulf %add3A_668, %mul3A_673 : vector<16xf32>
          %select_n3A_675 = arith.select %ge3A_671, %add3A_668, %mul3A_674 : vector<16xi1>, vector<16xf32>
          %broadcast_in_dim3A_676 = arith.constant 1 : i32
          %broadcast_in_dim3A_677 = vector.broadcast %broadcast_in_dim3A_676 : i32 to vector<16xi32>
          %exp3A_678 = math.exp %select_n3A_675 : vector<16xf32>
          tpu.vector_store_idx %arg25[%add3A_644, %broadcast_in_dim3A_677], %exp3A_678 : memref<64x128xf32, #tpu.memory_space<vmem>>[vector<16xi32>, vector<16xi32>], vector<16xf32>,
          %broadcast_in_dim3A_679 = arith.constant 2 : i32
          %broadcast_in_dim3A_680 = vector.broadcast %broadcast_in_dim3A_679 : i32 to vector<16xi32>
          %gather3A_681 = tpu.vector_load_idx %arg22[%add3A_644, %broadcast_in_dim3A_680] : memref<64x128xf32, #tpu.memory_space<vmem>>[vector<16xi32>, vector<16xi32>], vector<16xf32>,
          %broadcast_in_dim3A_682 = arith.constant 5 : i32
          %broadcast_in_dim3A_683 = vector.broadcast %broadcast_in_dim3A_682 : i32 to vector<16xi32>
          %gather3A_684 = tpu.vector_load_idx %arg23[%add3A_644, %broadcast_in_dim3A_683] : memref<64x128xf32, #tpu.memory_space<vmem>>[vector<16xi32>, vector<16xi32>], vector<16xf32>,
          %add3A_685 = arith.addf %gather3A_681, %gather3A_684 : vector<16xf32>
          %ge3A_686 = arith.constant 0.000000e+00 : f32
          %ge3A_687 = vector.broadcast %ge3A_686 : f32 to vector<16xf32>
          %ge3A_688 = arith.cmpf oge, %add3A_685, %ge3A_687 : vector<16xf32>
          %mul3A_689 = arith.constant 2.000000e-01 : f32
          %mul3A_690 = vector.broadcast %mul3A_689 : f32 to vector<16xf32>
          %mul3A_691 = arith.mulf %add3A_685, %mul3A_690 : vector<16xf32>
          %select_n3A_692 = arith.select %ge3A_688, %add3A_685, %mul3A_691 : vector<16xi1>, vector<16xf32>
          %broadcast_in_dim3A_693 = arith.constant 2 : i32
          %broadcast_in_dim3A_694 = vector.broadcast %broadcast_in_dim3A_693 : i32 to vector<16xi32>
          %exp3A_695 = math.exp %select_n3A_692 : vector<16xf32>
          tpu.vector_store_idx %arg25[%add3A_644, %broadcast_in_dim3A_694], %exp3A_695 : memref<64x128xf32, #tpu.memory_space<vmem>>[vector<16xi32>, vector<16xi32>], vector<16xf32>,
          %add3A_696 = arith.constant 48 : i32
          %add3A_697 = vector.broadcast %add3A_696 : i32 to vector<16xi32>
          %add3A_698 = arith.addi %iota3A, %add3A_697 : vector<16xi32>
          %broadcast_in_dim3A_699 = arith.constant 0 : i32
          %broadcast_in_dim3A_700 = vector.broadcast %broadcast_in_dim3A_699 : i32 to vector<16xi32>
          %gather3A_701 = tpu.vector_load_idx %arg22[%add3A_698, %broadcast_in_dim3A_700] : memref<64x128xf32, #tpu.memory_space<vmem>>[vector<16xi32>, vector<16xi32>], vector<16xf32>,
          %broadcast_in_dim3A_702 = arith.constant 3 : i32
          %broadcast_in_dim3A_703 = vector.broadcast %broadcast_in_dim3A_702 : i32 to vector<16xi32>
          %gather3A_704 = tpu.vector_load_idx %arg23[%add3A_698, %broadcast_in_dim3A_703] : memref<64x128xf32, #tpu.memory_space<vmem>>[vector<16xi32>, vector<16xi32>], vector<16xf32>,
          %add3A_705 = arith.addf %gather3A_701, %gather3A_704 : vector<16xf32>
          %ge3A_706 = arith.constant 0.000000e+00 : f32
          %ge3A_707 = vector.broadcast %ge3A_706 : f32 to vector<16xf32>
          %ge3A_708 = arith.cmpf oge, %add3A_705, %ge3A_707 : vector<16xf32>
          %mul3A_709 = arith.constant 2.000000e-01 : f32
          %mul3A_710 = vector.broadcast %mul3A_709 : f32 to vector<16xf32>
          %mul3A_711 = arith.mulf %add3A_705, %mul3A_710 : vector<16xf32>
          %select_n3A_712 = arith.select %ge3A_708, %add3A_705, %mul3A_711 : vector<16xi1>, vector<16xf32>
          %broadcast_in_dim3A_713 = arith.constant 0 : i32
          %broadcast_in_dim3A_714 = vector.broadcast %broadcast_in_dim3A_713 : i32 to vector<16xi32>
          %exp3A_715 = math.exp %select_n3A_712 : vector<16xf32>
          tpu.vector_store_idx %arg25[%add3A_698, %broadcast_in_dim3A_714], %exp3A_715 : memref<64x128xf32, #tpu.memory_space<vmem>>[vector<16xi32>, vector<16xi32>], vector<16xf32>,
          %broadcast_in_dim3A_716 = arith.constant 1 : i32
          %broadcast_in_dim3A_717 = vector.broadcast %broadcast_in_dim3A_716 : i32 to vector<16xi32>
          %gather3A_718 = tpu.vector_load_idx %arg22[%add3A_698, %broadcast_in_dim3A_717] : memref<64x128xf32, #tpu.memory_space<vmem>>[vector<16xi32>, vector<16xi32>], vector<16xf32>,
          %broadcast_in_dim3A_719 = arith.constant 4 : i32
          %broadcast_in_dim3A_720 = vector.broadcast %broadcast_in_dim3A_719 : i32 to vector<16xi32>
          %gather3A_721 = tpu.vector_load_idx %arg23[%add3A_698, %broadcast_in_dim3A_720] : memref<64x128xf32, #tpu.memory_space<vmem>>[vector<16xi32>, vector<16xi32>], vector<16xf32>,
          %add3A_722 = arith.addf %gather3A_718, %gather3A_721 : vector<16xf32>
          %ge3A_723 = arith.constant 0.000000e+00 : f32
          %ge3A_724 = vector.broadcast %ge3A_723 : f32 to vector<16xf32>
          %ge3A_725 = arith.cmpf oge, %add3A_722, %ge3A_724 : vector<16xf32>
          %mul3A_726 = arith.constant 2.000000e-01 : f32
          %mul3A_727 = vector.broadcast %mul3A_726 : f32 to vector<16xf32>
          %mul3A_728 = arith.mulf %add3A_722, %mul3A_727 : vector<16xf32>
          %select_n3A_729 = arith.select %ge3A_725, %add3A_722, %mul3A_728 : vector<16xi1>, vector<16xf32>
          %broadcast_in_dim3A_730 = arith.constant 1 : i32
          %broadcast_in_dim3A_731 = vector.broadcast %broadcast_in_dim3A_730 : i32 to vector<16xi32>
          %exp3A_732 = math.exp %select_n3A_729 : vector<16xf32>
          tpu.vector_store_idx %arg25[%add3A_698, %broadcast_in_dim3A_731], %exp3A_732 : memref<64x128xf32, #tpu.memory_space<vmem>>[vector<16xi32>, vector<16xi32>], vector<16xf32>,
          %broadcast_in_dim3A_733 = arith.constant 2 : i32
          %broadcast_in_dim3A_734 = vector.broadcast %broadcast_in_dim3A_733 : i32 to vector<16xi32>
          %gather3A_735 = tpu.vector_load_idx %arg22[%add3A_698, %broadcast_in_dim3A_734] : memref<64x128xf32, #tpu.memory_space<vmem>>[vector<16xi32>, vector<16xi32>], vector<16xf32>,
          %broadcast_in_dim3A_736 = arith.constant 5 : i32
          %broadcast_in_dim3A_737 = vector.broadcast %broadcast_in_dim3A_736 : i32 to vector<16xi32>
          %gather3A_738 = tpu.vector_load_idx %arg23[%add3A_698, %broadcast_in_dim3A_737] : memref<64x128xf32, #tpu.memory_space<vmem>>[vector<16xi32>, vector<16xi32>], vector<16xf32>,
          %add3A_739 = arith.addf %gather3A_735, %gather3A_738 : vector<16xf32>
          %ge3A_740 = arith.constant 0.000000e+00 : f32
          %ge3A_741 = vector.broadcast %ge3A_740 : f32 to vector<16xf32>
          %ge3A_742 = arith.cmpf oge, %add3A_739, %ge3A_741 : vector<16xf32>
          %mul3A_743 = arith.constant 2.000000e-01 : f32
          %mul3A_744 = vector.broadcast %mul3A_743 : f32 to vector<16xf32>
          %mul3A_745 = arith.mulf %add3A_739, %mul3A_744 : vector<16xf32>
          %select_n3A_746 = arith.select %ge3A_742, %add3A_739, %mul3A_745 : vector<16xi1>, vector<16xf32>
          %broadcast_in_dim3A_747 = arith.constant 2 : i32
          %broadcast_in_dim3A_748 = vector.broadcast %broadcast_in_dim3A_747 : i32 to vector<16xi32>
          %exp3A_749 = math.exp %select_n3A_746 : vector<16xf32>
          tpu.vector_store_idx %arg25[%add3A_698, %broadcast_in_dim3A_748], %exp3A_749 : memref<64x128xf32, #tpu.memory_space<vmem>>[vector<16xi32>, vector<16xi32>], vector<16xf32>,
          %dma_wait3A_750 = arith.constant 0 : i32
          %dma_wait3A_751 = arith.constant 0 : i32
          %dma_wait3A_752 = arith.constant 0 : i32
          %dma_wait3A_753 = tpu.memref_slice %arg24[%dma_wait3A_751, %dma_wait3A_752] : memref<384x128xf32, #tpu.memory_space<vmem>> -> memref<128x128xf32, #tpu.memory_space<vmem>>
          %dma_wait3A_754 = arith.constant 0 : i32
          %dma_wait3A_755 = tpu.memref_slice %arg20[%dma_wait3A_750, %dma_wait3A_754] : memref<3x128xi32, #tpu.memory_space<vmem>> -> memref<1x128xi32, #tpu.memory_space<vmem>>
          %dma_wait3A_756 = tpu.memref_squeeze %dma_wait3A_755 : memref<1x128xi32, #tpu.memory_space<vmem>> -> memref<128xi32, #tpu.memory_space<vmem>>
          %dma_wait3A_757 = arith.constant 0 : i32
          %dma_wait3A_758 = arith.constant 0 : i32
          %dma_wait3A_759 = tpu.memref_slice %arg5[%dma_wait3A_757, %dma_wait3A_758] : memref<60000x128xf32, #tpu.memory_space<hbm>> -> memref<60000x128xf32, #tpu.memory_space<hbm>>
          tpu.wait_indirect_dma semaphore(%arg28 : memref<!tpu.dma_semaphore, #tpu.memory_space<semaphore_mem>>) src(%dma_wait3A_759 : memref<60000x128xf32, #tpu.memory_space<hbm>>) dst(%dma_wait3A_753 : memref<128x128xf32, #tpu.memory_space<vmem>>)
          %dma_wait3A_760 = arith.constant 1 : i32
          %dma_wait3A_761 = arith.constant 128 : i32
          %dma_wait3A_762 = arith.constant 0 : i32
          %dma_wait3A_763 = tpu.memref_slice %arg24[%dma_wait3A_761, %dma_wait3A_762] : memref<384x128xf32, #tpu.memory_space<vmem>> -> memref<128x128xf32, #tpu.memory_space<vmem>>
          %dma_wait3A_764 = arith.constant 0 : i32
          %dma_wait3A_765 = tpu.memref_slice %arg20[%dma_wait3A_760, %dma_wait3A_764] : memref<3x128xi32, #tpu.memory_space<vmem>> -> memref<1x128xi32, #tpu.memory_space<vmem>>
          %dma_wait3A_766 = tpu.memref_squeeze %dma_wait3A_765 : memref<1x128xi32, #tpu.memory_space<vmem>> -> memref<128xi32, #tpu.memory_space<vmem>>
          %dma_wait3A_767 = arith.constant 0 : i32
          %dma_wait3A_768 = arith.constant 0 : i32
          %dma_wait3A_769 = tpu.memref_slice %arg5[%dma_wait3A_767, %dma_wait3A_768] : memref<60000x128xf32, #tpu.memory_space<hbm>> -> memref<60000x128xf32, #tpu.memory_space<hbm>>
          tpu.wait_indirect_dma semaphore(%arg28 : memref<!tpu.dma_semaphore, #tpu.memory_space<semaphore_mem>>) src(%dma_wait3A_769 : memref<60000x128xf32, #tpu.memory_space<hbm>>) dst(%dma_wait3A_763 : memref<128x128xf32, #tpu.memory_space<vmem>>)
          %dma_wait3A_770 = arith.constant 2 : i32
          %dma_wait3A_771 = arith.constant 256 : i32
          %dma_wait3A_772 = arith.constant 0 : i32
          %dma_wait3A_773 = tpu.memref_slice %arg24[%dma_wait3A_771, %dma_wait3A_772] : memref<384x128xf32, #tpu.memory_space<vmem>> -> memref<128x128xf32, #tpu.memory_space<vmem>>
          %dma_wait3A_774 = arith.constant 0 : i32
          %dma_wait3A_775 = tpu.memref_slice %arg20[%dma_wait3A_770, %dma_wait3A_774] : memref<3x128xi32, #tpu.memory_space<vmem>> -> memref<1x128xi32, #tpu.memory_space<vmem>>
          %dma_wait3A_776 = tpu.memref_squeeze %dma_wait3A_775 : memref<1x128xi32, #tpu.memory_space<vmem>> -> memref<128xi32, #tpu.memory_space<vmem>>
          %dma_wait3A_777 = arith.constant 0 : i32
          %dma_wait3A_778 = arith.constant 0 : i32
          %dma_wait3A_779 = tpu.memref_slice %arg5[%dma_wait3A_777, %dma_wait3A_778] : memref<60000x128xf32, #tpu.memory_space<hbm>> -> memref<60000x128xf32, #tpu.memory_space<hbm>>
          tpu.wait_indirect_dma semaphore(%arg28 : memref<!tpu.dma_semaphore, #tpu.memory_space<semaphore_mem>>) src(%dma_wait3A_779 : memref<60000x128xf32, #tpu.memory_space<hbm>>) dst(%dma_wait3A_773 : memref<128x128xf32, #tpu.memory_space<vmem>>)
          %scan3A_780 = arith.constant 0 : i32
          %scan3A_781 = arith.constant 0 : i32
          %scan3A_782 = arith.constant 0 : i32
          %scan3A_783 = arith.addi %scan3A_781, %scan3A_782 : i32
          %scan3A_784 = arith.constant 0 : i32
          %dma_start3A_785 = arith.constant 0 : i32
          %dma_start3A_786 = arith.constant 0 : i32
          %dma_start3A_787 = arith.constant 0 : i32
          %dma_start3A_788 = tpu.memref_slice %arg24[%dma_start3A_786, %dma_start3A_787] : memref<384x128xf32, #tpu.memory_space<vmem>> -> memref<128x128xf32, #tpu.memory_space<vmem>>
          %dma_start3A_789 = arith.constant 0 : i32
          %dma_start3A_790 = tpu.memref_slice %arg21[%dma_start3A_785, %dma_start3A_789] : memref<3x128xi32, #tpu.memory_space<vmem>> -> memref<1x128xi32, #tpu.memory_space<vmem>>
          %dma_start3A_791 = tpu.memref_squeeze %dma_start3A_790 : memref<1x128xi32, #tpu.memory_space<vmem>> -> memref<128xi32, #tpu.memory_space<vmem>>
          %dma_start3A_792 = arith.constant 0 : i32
          %dma_start3A_793 = arith.constant 0 : i32
          %dma_start3A_794 = tpu.memref_slice %arg26[%dma_start3A_792, %dma_start3A_793] : memref<4608x128xf32, #tpu.memory_space<vmem_shared>> -> memref<4608x128xf32, #tpu.memory_space<vmem_shared>>
          tpu.enqueue_indirect_dma source(%dma_start3A_788 : memref<128x128xf32, #tpu.memory_space<vmem>>) target(%dma_start3A_794 : memref<4608x128xf32, #tpu.memory_space<vmem_shared>>) offsets(%dma_start3A_791 : memref<128xi32, #tpu.memory_space<vmem>>) semaphore(%arg29 : memref<!tpu.dma_semaphore, #tpu.memory_space<semaphore_mem>>) {add = true}
          %dma_start3A_795 = arith.constant 1 : i32
          %dma_start3A_796 = arith.constant 128 : i32
          %dma_start3A_797 = arith.constant 0 : i32
          %dma_start3A_798 = tpu.memref_slice %arg24[%dma_start3A_796, %dma_start3A_797] : memref<384x128xf32, #tpu.memory_space<vmem>> -> memref<128x128xf32, #tpu.memory_space<vmem>>
          %dma_start3A_799 = arith.constant 0 : i32
          %dma_start3A_800 = tpu.memref_slice %arg21[%dma_start3A_795, %dma_start3A_799] : memref<3x128xi32, #tpu.memory_space<vmem>> -> memref<1x128xi32, #tpu.memory_space<vmem>>
          %dma_start3A_801 = tpu.memref_squeeze %dma_start3A_800 : memref<1x128xi32, #tpu.memory_space<vmem>> -> memref<128xi32, #tpu.memory_space<vmem>>
          %dma_start3A_802 = arith.constant 0 : i32
          %dma_start3A_803 = arith.constant 0 : i32
          %dma_start3A_804 = tpu.memref_slice %arg26[%dma_start3A_802, %dma_start3A_803] : memref<4608x128xf32, #tpu.memory_space<vmem_shared>> -> memref<4608x128xf32, #tpu.memory_space<vmem_shared>>
          tpu.enqueue_indirect_dma source(%dma_start3A_798 : memref<128x128xf32, #tpu.memory_space<vmem>>) target(%dma_start3A_804 : memref<4608x128xf32, #tpu.memory_space<vmem_shared>>) offsets(%dma_start3A_801 : memref<128xi32, #tpu.memory_space<vmem>>) semaphore(%arg29 : memref<!tpu.dma_semaphore, #tpu.memory_space<semaphore_mem>>) {add = true}
          %dma_start3A_805 = arith.constant 2 : i32
          %dma_start3A_806 = arith.constant 256 : i32
          %dma_start3A_807 = arith.constant 0 : i32
          %dma_start3A_808 = tpu.memref_slice %arg24[%dma_start3A_806, %dma_start3A_807] : memref<384x128xf32, #tpu.memory_space<vmem>> -> memref<128x128xf32, #tpu.memory_space<vmem>>
          %dma_start3A_809 = arith.constant 0 : i32
          %dma_start3A_810 = tpu.memref_slice %arg21[%dma_start3A_805, %dma_start3A_809] : memref<3x128xi32, #tpu.memory_space<vmem>> -> memref<1x128xi32, #tpu.memory_space<vmem>>
          %dma_start3A_811 = tpu.memref_squeeze %dma_start3A_810 : memref<1x128xi32, #tpu.memory_space<vmem>> -> memref<128xi32, #tpu.memory_space<vmem>>
          %dma_start3A_812 = arith.constant 0 : i32
          %dma_start3A_813 = arith.constant 0 : i32
          %dma_start3A_814 = tpu.memref_slice %arg26[%dma_start3A_812, %dma_start3A_813] : memref<4608x128xf32, #tpu.memory_space<vmem_shared>> -> memref<4608x128xf32, #tpu.memory_space<vmem_shared>>
          tpu.enqueue_indirect_dma source(%dma_start3A_808 : memref<128x128xf32, #tpu.memory_space<vmem>>) target(%dma_start3A_814 : memref<4608x128xf32, #tpu.memory_space<vmem_shared>>) offsets(%dma_start3A_811 : memref<128xi32, #tpu.memory_space<vmem>>) semaphore(%arg29 : memref<!tpu.dma_semaphore, #tpu.memory_space<semaphore_mem>>) {add = true}
          %dma_start3A_815 = arith.constant 0 : i32
          %dma_start3A_816 = arith.constant 0 : i32
          %dma_start3A_817 = tpu.memref_slice %arg27[%dma_start3A_815, %dma_start3A_816] : memref<768x128xf32, #tpu.memory_space<vmem_shared>> -> memref<768x128xf32, #tpu.memory_space<vmem_shared>>
          tpu.enqueue_indirect_dma source(%arg25 : memref<64x128xf32, #tpu.memory_space<vmem>>) target(%dma_start3A_817 : memref<768x128xf32, #tpu.memory_space<vmem_shared>>) offsets(%arg19 : memref<64xi32, #tpu.memory_space<vmem>>) semaphore(%arg29 : memref<!tpu.dma_semaphore, #tpu.memory_space<semaphore_mem>>) {add = true}
          %dma_wait3A_818 = arith.constant 0 : i32
          %dma_wait3A_819 = arith.constant 0 : i32
          %dma_wait3A_820 = arith.constant 0 : i32
          %dma_wait3A_821 = tpu.memref_slice %arg24[%dma_wait3A_819, %dma_wait3A_820] : memref<384x128xf32, #tpu.memory_space<vmem>> -> memref<128x128xf32, #tpu.memory_space<vmem>>
          %dma_wait3A_822 = arith.constant 0 : i32
          %dma_wait3A_823 = tpu.memref_slice %arg21[%dma_wait3A_818, %dma_wait3A_822] : memref<3x128xi32, #tpu.memory_space<vmem>> -> memref<1x128xi32, #tpu.memory_space<vmem>>
          %dma_wait3A_824 = tpu.memref_squeeze %dma_wait3A_823 : memref<1x128xi32, #tpu.memory_space<vmem>> -> memref<128xi32, #tpu.memory_space<vmem>>
          %dma_wait3A_825 = arith.constant 0 : i32
          %dma_wait3A_826 = arith.constant 0 : i32
          %dma_wait3A_827 = tpu.memref_slice %arg26[%dma_wait3A_825, %dma_wait3A_826] : memref<4608x128xf32, #tpu.memory_space<vmem_shared>> -> memref<4608x128xf32, #tpu.memory_space<vmem_shared>>
          tpu.wait_indirect_dma semaphore(%arg29 : memref<!tpu.dma_semaphore, #tpu.memory_space<semaphore_mem>>) src(%dma_wait3A_821 : memref<128x128xf32, #tpu.memory_space<vmem>>) dst(%dma_wait3A_827 : memref<4608x128xf32, #tpu.memory_space<vmem_shared>>)
          %dma_wait3A_828 = arith.constant 1 : i32
          %dma_wait3A_829 = arith.constant 128 : i32
          %dma_wait3A_830 = arith.constant 0 : i32
          %dma_wait3A_831 = tpu.memref_slice %arg24[%dma_wait3A_829, %dma_wait3A_830] : memref<384x128xf32, #tpu.memory_space<vmem>> -> memref<128x128xf32, #tpu.memory_space<vmem>>
          %dma_wait3A_832 = arith.constant 0 : i32
          %dma_wait3A_833 = tpu.memref_slice %arg21[%dma_wait3A_828, %dma_wait3A_832] : memref<3x128xi32, #tpu.memory_space<vmem>> -> memref<1x128xi32, #tpu.memory_space<vmem>>
          %dma_wait3A_834 = tpu.memref_squeeze %dma_wait3A_833 : memref<1x128xi32, #tpu.memory_space<vmem>> -> memref<128xi32, #tpu.memory_space<vmem>>
          %dma_wait3A_835 = arith.constant 0 : i32
          %dma_wait3A_836 = arith.constant 0 : i32
          %dma_wait3A_837 = tpu.memref_slice %arg26[%dma_wait3A_835, %dma_wait3A_836] : memref<4608x128xf32, #tpu.memory_space<vmem_shared>> -> memref<4608x128xf32, #tpu.memory_space<vmem_shared>>
          tpu.wait_indirect_dma semaphore(%arg29 : memref<!tpu.dma_semaphore, #tpu.memory_space<semaphore_mem>>) src(%dma_wait3A_831 : memref<128x128xf32, #tpu.memory_space<vmem>>) dst(%dma_wait3A_837 : memref<4608x128xf32, #tpu.memory_space<vmem_shared>>)
          %dma_wait3A_838 = arith.constant 2 : i32
          %dma_wait3A_839 = arith.constant 256 : i32
          %dma_wait3A_840 = arith.constant 0 : i32
          %dma_wait3A_841 = tpu.memref_slice %arg24[%dma_wait3A_839, %dma_wait3A_840] : memref<384x128xf32, #tpu.memory_space<vmem>> -> memref<128x128xf32, #tpu.memory_space<vmem>>
          %dma_wait3A_842 = arith.constant 0 : i32
          %dma_wait3A_843 = tpu.memref_slice %arg21[%dma_wait3A_838, %dma_wait3A_842] : memref<3x128xi32, #tpu.memory_space<vmem>> -> memref<1x128xi32, #tpu.memory_space<vmem>>
          %dma_wait3A_844 = tpu.memref_squeeze %dma_wait3A_843 : memref<1x128xi32, #tpu.memory_space<vmem>> -> memref<128xi32, #tpu.memory_space<vmem>>
          %dma_wait3A_845 = arith.constant 0 : i32
          %dma_wait3A_846 = arith.constant 0 : i32
          %dma_wait3A_847 = tpu.memref_slice %arg26[%dma_wait3A_845, %dma_wait3A_846] : memref<4608x128xf32, #tpu.memory_space<vmem_shared>> -> memref<4608x128xf32, #tpu.memory_space<vmem_shared>>
          tpu.wait_indirect_dma semaphore(%arg29 : memref<!tpu.dma_semaphore, #tpu.memory_space<semaphore_mem>>) src(%dma_wait3A_841 : memref<128x128xf32, #tpu.memory_space<vmem>>) dst(%dma_wait3A_847 : memref<4608x128xf32, #tpu.memory_space<vmem_shared>>)
          %dma_wait3A_848 = arith.constant 0 : i32
          %dma_wait3A_849 = arith.constant 0 : i32
          %dma_wait3A_850 = tpu.memref_slice %arg27[%dma_wait3A_848, %dma_wait3A_849] : memref<768x128xf32, #tpu.memory_space<vmem_shared>> -> memref<768x128xf32, #tpu.memory_space<vmem_shared>>
          tpu.wait_indirect_dma semaphore(%arg29 : memref<!tpu.dma_semaphore, #tpu.memory_space<semaphore_mem>>) src(%arg25 : memref<64x128xf32, #tpu.memory_space<vmem>>) dst(%dma_wait3A_850 : memref<768x128xf32, #tpu.memory_space<vmem_shared>>)
        }
        %while3A_114 = arith.constant 1 : i32
        scf.for %while3A_115 = %while3A_112 to %while3A_108 step %while3A_114  : i32 {
          %mul3A_116 = arith.constant 64 : i32
          %mul3A_117 = arith.muli %while3A_115, %mul3A_116 : i32
          %multiple_of3A_118 = tpu.assume_multiple %mul3A_117, 64 : i32
          %add3A_119 = arith.constant 0 : i32
          %add3A_120 = arith.addi %multiple_of3A_118, %add3A_119 : i32
          %get3A = arith.index_cast %add3A_120 : i32 to index
          %get3A_121 = tpu.vector_load %arg16[%get3A] {strides = array<i32>} : memref<2656xi32, #tpu.memory_space<vmem>>, vector<16xi32>,
          %add3A_122 = arith.constant 0 : i32
          %add3A_123 = arith.addi %multiple_of3A_118, %add3A_122 : i32
          %get3A_124 = arith.index_cast %add3A_123 : i32 to index
          %get3A_125 = tpu.vector_load %arg18[%get3A_124] {strides = array<i32>} : memref<2656xi32, #tpu.memory_space<vmem>>, vector<16xi32>,
          %swap3A = arith.constant 0 : index
          %swap3A_126 = tpu.vector_load %arg19[%swap3A] {strides = array<i32>} : memref<64xi32, #tpu.memory_space<vmem>>, vector<16xi32>,
          tpu.vector_store %arg19[%swap3A], %get3A_125 {strides = array<i32>} : memref<64xi32, #tpu.memory_space<vmem>>, vector<16xi32>,
          %add3A_127 = arith.constant 0 : i32
          %add3A_128 = vector.broadcast %add3A_127 : i32 to vector<16xi32>
          %add3A_129 = arith.addi %get3A_121, %add3A_128 : vector<16xi32>
          %swap3A_130 = arith.constant 0 : i32
          %swap3A_131 = arith.index_cast %swap3A_130 : i32 to index
          %swap3A_132 = arith.constant 0 : index
          %swap3A_133 = tpu.vector_load %arg20[%swap3A_131, %swap3A_132] {strides = array<i32>} : memref<3x128xi32, #tpu.memory_space<vmem>>, vector<16xi32>,
          tpu.vector_store %arg20[%swap3A_131, %swap3A_132], %add3A_129 {strides = array<i32>} : memref<3x128xi32, #tpu.memory_space<vmem>>, vector<16xi32>,
          %add3A_134 = arith.constant 0 : i32
          %add3A_135 = vector.broadcast %add3A_134 : i32 to vector<16xi32>
          %add3A_136 = arith.addi %get3A_125, %add3A_135 : vector<16xi32>
          %swap3A_137 = arith.constant 0 : i32
          %swap3A_138 = arith.index_cast %swap3A_137 : i32 to index
          %swap3A_139 = arith.constant 0 : index
          %swap3A_140 = tpu.vector_load %arg21[%swap3A_138, %swap3A_139] {strides = array<i32>} : memref<3x128xi32, #tpu.memory_space<vmem>>, vector<16xi32>,
          tpu.vector_store %arg21[%swap3A_138, %swap3A_139], %add3A_136 {strides = array<i32>} : memref<3x128xi32, #tpu.memory_space<vmem>>, vector<16xi32>,
          %add3A_141 = arith.constant 10000 : i32
          %add3A_142 = vector.broadcast %add3A_141 : i32 to vector<16xi32>
          %add3A_143 = arith.addi %get3A_121, %add3A_142 : vector<16xi32>
          %swap3A_144 = arith.constant 0 : i32
          %swap3A_145 = arith.index_cast %swap3A_144 : i32 to index
          %swap3A_146 = arith.constant 64 : index
          %swap3A_147 = tpu.vector_load %arg20[%swap3A_145, %swap3A_146] {strides = array<i32>} : memref<3x128xi32, #tpu.memory_space<vmem>>, vector<16xi32>,
          tpu.vector_store %arg20[%swap3A_145, %swap3A_146], %add3A_143 {strides = array<i32>} : memref<3x128xi32, #tpu.memory_space<vmem>>, vector<16xi32>,
          %add3A_148 = arith.constant 768 : i32
          %add3A_149 = vector.broadcast %add3A_148 : i32 to vector<16xi32>
          %add3A_150 = arith.addi %get3A_125, %add3A_149 : vector<16xi32>
          %swap3A_151 = arith.constant 0 : i32
          %swap3A_152 = arith.index_cast %swap3A_151 : i32 to index
          %swap3A_153 = arith.constant 64 : index
          %swap3A_154 = tpu.vector_load %arg21[%swap3A_152, %swap3A_153] {strides = array<i32>} : memref<3x128xi32, #tpu.memory_space<vmem>>, vector<16xi32>,
          tpu.vector_store %arg21[%swap3A_152, %swap3A_153], %add3A_150 {strides = array<i32>} : memref<3x128xi32, #tpu.memory_space<vmem>>, vector<16xi32>,
          %add3A_155 = arith.constant 20000 : i32
          %add3A_156 = vector.broadcast %add3A_155 : i32 to vector<16xi32>
          %add3A_157 = arith.addi %get3A_121, %add3A_156 : vector<16xi32>
          %swap3A_158 = arith.constant 1 : i32
          %swap3A_159 = arith.index_cast %swap3A_158 : i32 to index
          %swap3A_160 = arith.constant 0 : index
          %swap3A_161 = tpu.vector_load %arg20[%swap3A_159, %swap3A_160] {strides = array<i32>} : memref<3x128xi32, #tpu.memory_space<vmem>>, vector<16xi32>,
          tpu.vector_store %arg20[%swap3A_159, %swap3A_160], %add3A_157 {strides = array<i32>} : memref<3x128xi32, #tpu.memory_space<vmem>>, vector<16xi32>,
          %add3A_162 = arith.constant 1536 : i32
          %add3A_163 = vector.broadcast %add3A_162 : i32 to vector<16xi32>
          %add3A_164 = arith.addi %get3A_125, %add3A_163 : vector<16xi32>
          %swap3A_165 = arith.constant 1 : i32
          %swap3A_166 = arith.index_cast %swap3A_165 : i32 to index
          %swap3A_167 = arith.constant 0 : index
          %swap3A_168 = tpu.vector_load %arg21[%swap3A_166, %swap3A_167] {strides = array<i32>} : memref<3x128xi32, #tpu.memory_space<vmem>>, vector<16xi32>,
          tpu.vector_store %arg21[%swap3A_166, %swap3A_167], %add3A_164 {strides = array<i32>} : memref<3x128xi32, #tpu.memory_space<vmem>>, vector<16xi32>,
          %add3A_169 = arith.constant 30000 : i32
          %add3A_170 = vector.broadcast %add3A_169 : i32 to vector<16xi32>
          %add3A_171 = arith.addi %get3A_121, %add3A_170 : vector<16xi32>
          %swap3A_172 = arith.constant 1 : i32
          %swap3A_173 = arith.index_cast %swap3A_172 : i32 to index
          %swap3A_174 = arith.constant 64 : index
          %swap3A_175 = tpu.vector_load %arg20[%swap3A_173, %swap3A_174] {strides = array<i32>} : memref<3x128xi32, #tpu.memory_space<vmem>>, vector<16xi32>,
          tpu.vector_store %arg20[%swap3A_173, %swap3A_174], %add3A_171 {strides = array<i32>} : memref<3x128xi32, #tpu.memory_space<vmem>>, vector<16xi32>,
          %add3A_176 = arith.constant 2304 : i32
          %add3A_177 = vector.broadcast %add3A_176 : i32 to vector<16xi32>
          %add3A_178 = arith.addi %get3A_125, %add3A_177 : vector<16xi32>
          %swap3A_179 = arith.constant 1 : i32
          %swap3A_180 = arith.index_cast %swap3A_179 : i32 to index
          %swap3A_181 = arith.constant 64 : index
          %swap3A_182 = tpu.vector_load %arg21[%swap3A_180, %swap3A_181] {strides = array<i32>} : memref<3x128xi32, #tpu.memory_space<vmem>>, vector<16xi32>,
          tpu.vector_store %arg21[%swap3A_180, %swap3A_181], %add3A_178 {strides = array<i32>} : memref<3x128xi32, #tpu.memory_space<vmem>>, vector<16xi32>,
          %add3A_183 = arith.constant 40000 : i32
          %add3A_184 = vector.broadcast %add3A_183 : i32 to vector<16xi32>
          %add3A_185 = arith.addi %get3A_121, %add3A_184 : vector<16xi32>
          %swap3A_186 = arith.constant 2 : i32
          %swap3A_187 = arith.index_cast %swap3A_186 : i32 to index
          %swap3A_188 = arith.constant 0 : index
          %swap3A_189 = tpu.vector_load %arg20[%swap3A_187, %swap3A_188] {strides = array<i32>} : memref<3x128xi32, #tpu.memory_space<vmem>>, vector<16xi32>,
          tpu.vector_store %arg20[%swap3A_187, %swap3A_188], %add3A_185 {strides = array<i32>} : memref<3x128xi32, #tpu.memory_space<vmem>>, vector<16xi32>,
          %add3A_190 = arith.constant 3072 : i32
          %add3A_191 = vector.broadcast %add3A_190 : i32 to vector<16xi32>
          %add3A_192 = arith.addi %get3A_125, %add3A_191 : vector<16xi32>
          %swap3A_193 = arith.constant 2 : i32
          %swap3A_194 = arith.index_cast %swap3A_193 : i32 to index
          %swap3A_195 = arith.constant 0 : index
          %swap3A_196 = tpu.vector_load %arg21[%swap3A_194, %swap3A_195] {strides = array<i32>} : memref<3x128xi32, #tpu.memory_space<vmem>>, vector<16xi32>,
          tpu.vector_store %arg21[%swap3A_194, %swap3A_195], %add3A_192 {strides = array<i32>} : memref<3x128xi32, #tpu.memory_space<vmem>>, vector<16xi32>,
          %add3A_197 = arith.constant 50000 : i32
          %add3A_198 = vector.broadcast %add3A_197 : i32 to vector<16xi32>
          %add3A_199 = arith.addi %get3A_121, %add3A_198 : vector<16xi32>
          %swap3A_200 = arith.constant 2 : i32
          %swap3A_201 = arith.index_cast %swap3A_200 : i32 to index
          %swap3A_202 = arith.constant 64 : index
          %swap3A_203 = tpu.vector_load %arg20[%swap3A_201, %swap3A_202] {strides = array<i32>} : memref<3x128xi32, #tpu.memory_space<vmem>>, vector<16xi32>,
          tpu.vector_store %arg20[%swap3A_201, %swap3A_202], %add3A_199 {strides = array<i32>} : memref<3x128xi32, #tpu.memory_space<vmem>>, vector<16xi32>,
          %add3A_204 = arith.constant 3840 : i32
          %add3A_205 = vector.broadcast %add3A_204 : i32 to vector<16xi32>
          %add3A_206 = arith.addi %get3A_125, %add3A_205 : vector<16xi32>
          %swap3A_207 = arith.constant 2 : i32
          %swap3A_208 = arith.index_cast %swap3A_207 : i32 to index
          %swap3A_209 = arith.constant 64 : index
          %swap3A_210 = tpu.vector_load %arg21[%swap3A_208, %swap3A_209] {strides = array<i32>} : memref<3x128xi32, #tpu.memory_space<vmem>>, vector<16xi32>,
          tpu.vector_store %arg21[%swap3A_208, %swap3A_209], %add3A_206 {strides = array<i32>} : memref<3x128xi32, #tpu.memory_space<vmem>>, vector<16xi32>,
          %add3A_211 = arith.constant 16 : i32
          %add3A_212 = arith.addi %multiple_of3A_118, %add3A_211 : i32
          %get3A_213 = arith.index_cast %add3A_212 : i32 to index
          %get3A_214 = tpu.vector_load %arg16[%get3A_213] {strides = array<i32>} : memref<2656xi32, #tpu.memory_space<vmem>>, vector<16xi32>,
          %add3A_215 = arith.constant 16 : i32
          %add3A_216 = arith.addi %multiple_of3A_118, %add3A_215 : i32
          %get3A_217 = arith.index_cast %add3A_216 : i32 to index
          %get3A_218 = tpu.vector_load %arg18[%get3A_217] {strides = array<i32>} : memref<2656xi32, #tpu.memory_space<vmem>>, vector<16xi32>,
          %swap3A_219 = arith.constant 16 : index
          %swap3A_220 = tpu.vector_load %arg19[%swap3A_219] {strides = array<i32>} : memref<64xi32, #tpu.memory_space<vmem>>, vector<16xi32>,
          tpu.vector_store %arg19[%swap3A_219], %get3A_218 {strides = array<i32>} : memref<64xi32, #tpu.memory_space<vmem>>, vector<16xi32>,
          %add3A_221 = arith.constant 0 : i32
          %add3A_222 = vector.broadcast %add3A_221 : i32 to vector<16xi32>
          %add3A_223 = arith.addi %get3A_214, %add3A_222 : vector<16xi32>
          %swap3A_224 = arith.constant 0 : i32
          %swap3A_225 = arith.index_cast %swap3A_224 : i32 to index
          %swap3A_226 = arith.constant 16 : index
          %swap3A_227 = tpu.vector_load %arg20[%swap3A_225, %swap3A_226] {strides = array<i32>} : memref<3x128xi32, #tpu.memory_space<vmem>>, vector<16xi32>,
          tpu.vector_store %arg20[%swap3A_225, %swap3A_226], %add3A_223 {strides = array<i32>} : memref<3x128xi32, #tpu.memory_space<vmem>>, vector<16xi32>,
          %add3A_228 = arith.constant 0 : i32
          %add3A_229 = vector.broadcast %add3A_228 : i32 to vector<16xi32>
          %add3A_230 = arith.addi %get3A_218, %add3A_229 : vector<16xi32>
          %swap3A_231 = arith.constant 0 : i32
          %swap3A_232 = arith.index_cast %swap3A_231 : i32 to index
          %swap3A_233 = arith.constant 16 : index
          %swap3A_234 = tpu.vector_load %arg21[%swap3A_232, %swap3A_233] {strides = array<i32>} : memref<3x128xi32, #tpu.memory_space<vmem>>, vector<16xi32>,
          tpu.vector_store %arg21[%swap3A_232, %swap3A_233], %add3A_230 {strides = array<i32>} : memref<3x128xi32, #tpu.memory_space<vmem>>, vector<16xi32>,
          %add3A_235 = arith.constant 10000 : i32
          %add3A_236 = vector.broadcast %add3A_235 : i32 to vector<16xi32>
          %add3A_237 = arith.addi %get3A_214, %add3A_236 : vector<16xi32>
          %swap3A_238 = arith.constant 0 : i32
          %swap3A_239 = arith.index_cast %swap3A_238 : i32 to index
          %swap3A_240 = arith.constant 80 : index
          %swap3A_241 = tpu.vector_load %arg20[%swap3A_239, %swap3A_240] {strides = array<i32>} : memref<3x128xi32, #tpu.memory_space<vmem>>, vector<16xi32>,
          tpu.vector_store %arg20[%swap3A_239, %swap3A_240], %add3A_237 {strides = array<i32>} : memref<3x128xi32, #tpu.memory_space<vmem>>, vector<16xi32>,
          %add3A_242 = arith.constant 768 : i32
          %add3A_243 = vector.broadcast %add3A_242 : i32 to vector<16xi32>
          %add3A_244 = arith.addi %get3A_218, %add3A_243 : vector<16xi32>
          %swap3A_245 = arith.constant 0 : i32
          %swap3A_246 = arith.index_cast %swap3A_245 : i32 to index
          %swap3A_247 = arith.constant 80 : index
          %swap3A_248 = tpu.vector_load %arg21[%swap3A_246, %swap3A_247] {strides = array<i32>} : memref<3x128xi32, #tpu.memory_space<vmem>>, vector<16xi32>,
          tpu.vector_store %arg21[%swap3A_246, %swap3A_247], %add3A_244 {strides = array<i32>} : memref<3x128xi32, #tpu.memory_space<vmem>>, vector<16xi32>,
          %add3A_249 = arith.constant 20000 : i32
          %add3A_250 = vector.broadcast %add3A_249 : i32 to vector<16xi32>
          %add3A_251 = arith.addi %get3A_214, %add3A_250 : vector<16xi32>
          %swap3A_252 = arith.constant 1 : i32
          %swap3A_253 = arith.index_cast %swap3A_252 : i32 to index
          %swap3A_254 = arith.constant 16 : index
          %swap3A_255 = tpu.vector_load %arg20[%swap3A_253, %swap3A_254] {strides = array<i32>} : memref<3x128xi32, #tpu.memory_space<vmem>>, vector<16xi32>,
          tpu.vector_store %arg20[%swap3A_253, %swap3A_254], %add3A_251 {strides = array<i32>} : memref<3x128xi32, #tpu.memory_space<vmem>>, vector<16xi32>,
          %add3A_256 = arith.constant 1536 : i32
          %add3A_257 = vector.broadcast %add3A_256 : i32 to vector<16xi32>
          %add3A_258 = arith.addi %get3A_218, %add3A_257 : vector<16xi32>
          %swap3A_259 = arith.constant 1 : i32
          %swap3A_260 = arith.index_cast %swap3A_259 : i32 to index
          %swap3A_261 = arith.constant 16 : index
          %swap3A_262 = tpu.vector_load %arg21[%swap3A_260, %swap3A_261] {strides = array<i32>} : memref<3x128xi32, #tpu.memory_space<vmem>>, vector<16xi32>,
          tpu.vector_store %arg21[%swap3A_260, %swap3A_261], %add3A_258 {strides = array<i32>} : memref<3x128xi32, #tpu.memory_space<vmem>>, vector<16xi32>,
          %add3A_263 = arith.constant 30000 : i32
          %add3A_264 = vector.broadcast %add3A_263 : i32 to vector<16xi32>
          %add3A_265 = arith.addi %get3A_214, %add3A_264 : vector<16xi32>
          %swap3A_266 = arith.constant 1 : i32
          %swap3A_267 = arith.index_cast %swap3A_266 : i32 to index
          %swap3A_268 = arith.constant 80 : index
          %swap3A_269 = tpu.vector_load %arg20[%swap3A_267, %swap3A_268] {strides = array<i32>} : memref<3x128xi32, #tpu.memory_space<vmem>>, vector<16xi32>,
          tpu.vector_store %arg20[%swap3A_267, %swap3A_268], %add3A_265 {strides = array<i32>} : memref<3x128xi32, #tpu.memory_space<vmem>>, vector<16xi32>,
          %add3A_270 = arith.constant 2304 : i32
          %add3A_271 = vector.broadcast %add3A_270 : i32 to vector<16xi32>
          %add3A_272 = arith.addi %get3A_218, %add3A_271 : vector<16xi32>
          %swap3A_273 = arith.constant 1 : i32
          %swap3A_274 = arith.index_cast %swap3A_273 : i32 to index
          %swap3A_275 = arith.constant 80 : index
          %swap3A_276 = tpu.vector_load %arg21[%swap3A_274, %swap3A_275] {strides = array<i32>} : memref<3x128xi32, #tpu.memory_space<vmem>>, vector<16xi32>,
          tpu.vector_store %arg21[%swap3A_274, %swap3A_275], %add3A_272 {strides = array<i32>} : memref<3x128xi32, #tpu.memory_space<vmem>>, vector<16xi32>,
          %add3A_277 = arith.constant 40000 : i32
          %add3A_278 = vector.broadcast %add3A_277 : i32 to vector<16xi32>
          %add3A_279 = arith.addi %get3A_214, %add3A_278 : vector<16xi32>
          %swap3A_280 = arith.constant 2 : i32
          %swap3A_281 = arith.index_cast %swap3A_280 : i32 to index
          %swap3A_282 = arith.constant 16 : index
          %swap3A_283 = tpu.vector_load %arg20[%swap3A_281, %swap3A_282] {strides = array<i32>} : memref<3x128xi32, #tpu.memory_space<vmem>>, vector<16xi32>,
          tpu.vector_store %arg20[%swap3A_281, %swap3A_282], %add3A_279 {strides = array<i32>} : memref<3x128xi32, #tpu.memory_space<vmem>>, vector<16xi32>,
          %add3A_284 = arith.constant 3072 : i32
          %add3A_285 = vector.broadcast %add3A_284 : i32 to vector<16xi32>
          %add3A_286 = arith.addi %get3A_218, %add3A_285 : vector<16xi32>
          %swap3A_287 = arith.constant 2 : i32
          %swap3A_288 = arith.index_cast %swap3A_287 : i32 to index
          %swap3A_289 = arith.constant 16 : index
          %swap3A_290 = tpu.vector_load %arg21[%swap3A_288, %swap3A_289] {strides = array<i32>} : memref<3x128xi32, #tpu.memory_space<vmem>>, vector<16xi32>,
          tpu.vector_store %arg21[%swap3A_288, %swap3A_289], %add3A_286 {strides = array<i32>} : memref<3x128xi32, #tpu.memory_space<vmem>>, vector<16xi32>,
          %add3A_291 = arith.constant 50000 : i32
          %add3A_292 = vector.broadcast %add3A_291 : i32 to vector<16xi32>
          %add3A_293 = arith.addi %get3A_214, %add3A_292 : vector<16xi32>
          %swap3A_294 = arith.constant 2 : i32
          %swap3A_295 = arith.index_cast %swap3A_294 : i32 to index
          %swap3A_296 = arith.constant 80 : index
          %swap3A_297 = tpu.vector_load %arg20[%swap3A_295, %swap3A_296] {strides = array<i32>} : memref<3x128xi32, #tpu.memory_space<vmem>>, vector<16xi32>,
          tpu.vector_store %arg20[%swap3A_295, %swap3A_296], %add3A_293 {strides = array<i32>} : memref<3x128xi32, #tpu.memory_space<vmem>>, vector<16xi32>,
          %add3A_298 = arith.constant 3840 : i32
          %add3A_299 = vector.broadcast %add3A_298 : i32 to vector<16xi32>
          %add3A_300 = arith.addi %get3A_218, %add3A_299 : vector<16xi32>
          %swap3A_301 = arith.constant 2 : i32
          %swap3A_302 = arith.index_cast %swap3A_301 : i32 to index
          %swap3A_303 = arith.constant 80 : index
          %swap3A_304 = tpu.vector_load %arg21[%swap3A_302, %swap3A_303] {strides = array<i32>} : memref<3x128xi32, #tpu.memory_space<vmem>>, vector<16xi32>,
          tpu.vector_store %arg21[%swap3A_302, %swap3A_303], %add3A_300 {strides = array<i32>} : memref<3x128xi32, #tpu.memory_space<vmem>>, vector<16xi32>,
          %add3A_305 = arith.constant 32 : i32
          %add3A_306 = arith.addi %multiple_of3A_118, %add3A_305 : i32
          %get3A_307 = arith.index_cast %add3A_306 : i32 to index
          %get3A_308 = tpu.vector_load %arg16[%get3A_307] {strides = array<i32>} : memref<2656xi32, #tpu.memory_space<vmem>>, vector<16xi32>,
          %add3A_309 = arith.constant 32 : i32
          %add3A_310 = arith.addi %multiple_of3A_118, %add3A_309 : i32
          %get3A_311 = arith.index_cast %add3A_310 : i32 to index
          %get3A_312 = tpu.vector_load %arg18[%get3A_311] {strides = array<i32>} : memref<2656xi32, #tpu.memory_space<vmem>>, vector<16xi32>,
          %swap3A_313 = arith.constant 32 : index
          %swap3A_314 = tpu.vector_load %arg19[%swap3A_313] {strides = array<i32>} : memref<64xi32, #tpu.memory_space<vmem>>, vector<16xi32>,
          tpu.vector_store %arg19[%swap3A_313], %get3A_312 {strides = array<i32>} : memref<64xi32, #tpu.memory_space<vmem>>, vector<16xi32>,
          %add3A_315 = arith.constant 0 : i32
          %add3A_316 = vector.broadcast %add3A_315 : i32 to vector<16xi32>
          %add3A_317 = arith.addi %get3A_308, %add3A_316 : vector<16xi32>
          %swap3A_318 = arith.constant 0 : i32
          %swap3A_319 = arith.index_cast %swap3A_318 : i32 to index
          %swap3A_320 = arith.constant 32 : index
          %swap3A_321 = tpu.vector_load %arg20[%swap3A_319, %swap3A_320] {strides = array<i32>} : memref<3x128xi32, #tpu.memory_space<vmem>>, vector<16xi32>,
          tpu.vector_store %arg20[%swap3A_319, %swap3A_320], %add3A_317 {strides = array<i32>} : memref<3x128xi32, #tpu.memory_space<vmem>>, vector<16xi32>,
          %add3A_322 = arith.constant 0 : i32
          %add3A_323 = vector.broadcast %add3A_322 : i32 to vector<16xi32>
          %add3A_324 = arith.addi %get3A_312, %add3A_323 : vector<16xi32>
          %swap3A_325 = arith.constant 0 : i32
          %swap3A_326 = arith.index_cast %swap3A_325 : i32 to index
          %swap3A_327 = arith.constant 32 : index
          %swap3A_328 = tpu.vector_load %arg21[%swap3A_326, %swap3A_327] {strides = array<i32>} : memref<3x128xi32, #tpu.memory_space<vmem>>, vector<16xi32>,
          tpu.vector_store %arg21[%swap3A_326, %swap3A_327], %add3A_324 {strides = array<i32>} : memref<3x128xi32, #tpu.memory_space<vmem>>, vector<16xi32>,
          %add3A_329 = arith.constant 10000 : i32
          %add3A_330 = vector.broadcast %add3A_329 : i32 to vector<16xi32>
          %add3A_331 = arith.addi %get3A_308, %add3A_330 : vector<16xi32>
          %swap3A_332 = arith.constant 0 : i32
          %swap3A_333 = arith.index_cast %swap3A_332 : i32 to index
          %swap3A_334 = arith.constant 96 : index
          %swap3A_335 = tpu.vector_load %arg20[%swap3A_333, %swap3A_334] {strides = array<i32>} : memref<3x128xi32, #tpu.memory_space<vmem>>, vector<16xi32>,
          tpu.vector_store %arg20[%swap3A_333, %swap3A_334], %add3A_331 {strides = array<i32>} : memref<3x128xi32, #tpu.memory_space<vmem>>, vector<16xi32>,
          %add3A_336 = arith.constant 768 : i32
          %add3A_337 = vector.broadcast %add3A_336 : i32 to vector<16xi32>
          %add3A_338 = arith.addi %get3A_312, %add3A_337 : vector<16xi32>
          %swap3A_339 = arith.constant 0 : i32
          %swap3A_340 = arith.index_cast %swap3A_339 : i32 to index
          %swap3A_341 = arith.constant 96 : index
          %swap3A_342 = tpu.vector_load %arg21[%swap3A_340, %swap3A_341] {strides = array<i32>} : memref<3x128xi32, #tpu.memory_space<vmem>>, vector<16xi32>,
          tpu.vector_store %arg21[%swap3A_340, %swap3A_341], %add3A_338 {strides = array<i32>} : memref<3x128xi32, #tpu.memory_space<vmem>>, vector<16xi32>,
          %add3A_343 = arith.constant 20000 : i32
          %add3A_344 = vector.broadcast %add3A_343 : i32 to vector<16xi32>
          %add3A_345 = arith.addi %get3A_308, %add3A_344 : vector<16xi32>
          %swap3A_346 = arith.constant 1 : i32
          %swap3A_347 = arith.index_cast %swap3A_346 : i32 to index
          %swap3A_348 = arith.constant 32 : index
          %swap3A_349 = tpu.vector_load %arg20[%swap3A_347, %swap3A_348] {strides = array<i32>} : memref<3x128xi32, #tpu.memory_space<vmem>>, vector<16xi32>,
          tpu.vector_store %arg20[%swap3A_347, %swap3A_348], %add3A_345 {strides = array<i32>} : memref<3x128xi32, #tpu.memory_space<vmem>>, vector<16xi32>,
          %add3A_350 = arith.constant 1536 : i32
          %add3A_351 = vector.broadcast %add3A_350 : i32 to vector<16xi32>
          %add3A_352 = arith.addi %get3A_312, %add3A_351 : vector<16xi32>
          %swap3A_353 = arith.constant 1 : i32
          %swap3A_354 = arith.index_cast %swap3A_353 : i32 to index
          %swap3A_355 = arith.constant 32 : index
          %swap3A_356 = tpu.vector_load %arg21[%swap3A_354, %swap3A_355] {strides = array<i32>} : memref<3x128xi32, #tpu.memory_space<vmem>>, vector<16xi32>,
          tpu.vector_store %arg21[%swap3A_354, %swap3A_355], %add3A_352 {strides = array<i32>} : memref<3x128xi32, #tpu.memory_space<vmem>>, vector<16xi32>,
          %add3A_357 = arith.constant 30000 : i32
          %add3A_358 = vector.broadcast %add3A_357 : i32 to vector<16xi32>
          %add3A_359 = arith.addi %get3A_308, %add3A_358 : vector<16xi32>
          %swap3A_360 = arith.constant 1 : i32
          %swap3A_361 = arith.index_cast %swap3A_360 : i32 to index
          %swap3A_362 = arith.constant 96 : index
          %swap3A_363 = tpu.vector_load %arg20[%swap3A_361, %swap3A_362] {strides = array<i32>} : memref<3x128xi32, #tpu.memory_space<vmem>>, vector<16xi32>,
          tpu.vector_store %arg20[%swap3A_361, %swap3A_362], %add3A_359 {strides = array<i32>} : memref<3x128xi32, #tpu.memory_space<vmem>>, vector<16xi32>,
          %add3A_364 = arith.constant 2304 : i32
          %add3A_365 = vector.broadcast %add3A_364 : i32 to vector<16xi32>
          %add3A_366 = arith.addi %get3A_312, %add3A_365 : vector<16xi32>
          %swap3A_367 = arith.constant 1 : i32
          %swap3A_368 = arith.index_cast %swap3A_367 : i32 to index
          %swap3A_369 = arith.constant 96 : index
          %swap3A_370 = tpu.vector_load %arg21[%swap3A_368, %swap3A_369] {strides = array<i32>} : memref<3x128xi32, #tpu.memory_space<vmem>>, vector<16xi32>,
          tpu.vector_store %arg21[%swap3A_368, %swap3A_369], %add3A_366 {strides = array<i32>} : memref<3x128xi32, #tpu.memory_space<vmem>>, vector<16xi32>,
          %add3A_371 = arith.constant 40000 : i32
          %add3A_372 = vector.broadcast %add3A_371 : i32 to vector<16xi32>
          %add3A_373 = arith.addi %get3A_308, %add3A_372 : vector<16xi32>
          %swap3A_374 = arith.constant 2 : i32
          %swap3A_375 = arith.index_cast %swap3A_374 : i32 to index
          %swap3A_376 = arith.constant 32 : index
          %swap3A_377 = tpu.vector_load %arg20[%swap3A_375, %swap3A_376] {strides = array<i32>} : memref<3x128xi32, #tpu.memory_space<vmem>>, vector<16xi32>,
          tpu.vector_store %arg20[%swap3A_375, %swap3A_376], %add3A_373 {strides = array<i32>} : memref<3x128xi32, #tpu.memory_space<vmem>>, vector<16xi32>,
          %add3A_378 = arith.constant 3072 : i32
          %add3A_379 = vector.broadcast %add3A_378 : i32 to vector<16xi32>
          %add3A_380 = arith.addi %get3A_312, %add3A_379 : vector<16xi32>
          %swap3A_381 = arith.constant 2 : i32
          %swap3A_382 = arith.index_cast %swap3A_381 : i32 to index
          %swap3A_383 = arith.constant 32 : index
          %swap3A_384 = tpu.vector_load %arg21[%swap3A_382, %swap3A_383] {strides = array<i32>} : memref<3x128xi32, #tpu.memory_space<vmem>>, vector<16xi32>,
          tpu.vector_store %arg21[%swap3A_382, %swap3A_383], %add3A_380 {strides = array<i32>} : memref<3x128xi32, #tpu.memory_space<vmem>>, vector<16xi32>,
          %add3A_385 = arith.constant 50000 : i32
          %add3A_386 = vector.broadcast %add3A_385 : i32 to vector<16xi32>
          %add3A_387 = arith.addi %get3A_308, %add3A_386 : vector<16xi32>
          %swap3A_388 = arith.constant 2 : i32
          %swap3A_389 = arith.index_cast %swap3A_388 : i32 to index
          %swap3A_390 = arith.constant 96 : index
          %swap3A_391 = tpu.vector_load %arg20[%swap3A_389, %swap3A_390] {strides = array<i32>} : memref<3x128xi32, #tpu.memory_space<vmem>>, vector<16xi32>,
          tpu.vector_store %arg20[%swap3A_389, %swap3A_390], %add3A_387 {strides = array<i32>} : memref<3x128xi32, #tpu.memory_space<vmem>>, vector<16xi32>,
          %add3A_392 = arith.constant 3840 : i32
          %add3A_393 = vector.broadcast %add3A_392 : i32 to vector<16xi32>
          %add3A_394 = arith.addi %get3A_312, %add3A_393 : vector<16xi32>
          %swap3A_395 = arith.constant 2 : i32
          %swap3A_396 = arith.index_cast %swap3A_395 : i32 to index
          %swap3A_397 = arith.constant 96 : index
          %swap3A_398 = tpu.vector_load %arg21[%swap3A_396, %swap3A_397] {strides = array<i32>} : memref<3x128xi32, #tpu.memory_space<vmem>>, vector<16xi32>,
          tpu.vector_store %arg21[%swap3A_396, %swap3A_397], %add3A_394 {strides = array<i32>} : memref<3x128xi32, #tpu.memory_space<vmem>>, vector<16xi32>,
          %add3A_399 = arith.constant 48 : i32
          %add3A_400 = arith.addi %multiple_of3A_118, %add3A_399 : i32
          %get3A_401 = arith.index_cast %add3A_400 : i32 to index
          %get3A_402 = tpu.vector_load %arg16[%get3A_401] {strides = array<i32>} : memref<2656xi32, #tpu.memory_space<vmem>>, vector<16xi32>,
          %add3A_403 = arith.constant 48 : i32
          %add3A_404 = arith.addi %multiple_of3A_118, %add3A_403 : i32
          %get3A_405 = arith.index_cast %add3A_404 : i32 to index
          %get3A_406 = tpu.vector_load %arg18[%get3A_405] {strides = array<i32>} : memref<2656xi32, #tpu.memory_space<vmem>>, vector<16xi32>,
          %swap3A_407 = arith.constant 48 : index
          %swap3A_408 = tpu.vector_load %arg19[%swap3A_407] {strides = array<i32>} : memref<64xi32, #tpu.memory_space<vmem>>, vector<16xi32>,
          tpu.vector_store %arg19[%swap3A_407], %get3A_406 {strides = array<i32>} : memref<64xi32, #tpu.memory_space<vmem>>, vector<16xi32>,
          %add3A_409 = arith.constant 0 : i32
          %add3A_410 = vector.broadcast %add3A_409 : i32 to vector<16xi32>
          %add3A_411 = arith.addi %get3A_402, %add3A_410 : vector<16xi32>
          %swap3A_412 = arith.constant 0 : i32
          %swap3A_413 = arith.index_cast %swap3A_412 : i32 to index
          %swap3A_414 = arith.constant 48 : index
          %swap3A_415 = tpu.vector_load %arg20[%swap3A_413, %swap3A_414] {strides = array<i32>} : memref<3x128xi32, #tpu.memory_space<vmem>>, vector<16xi32>,
          tpu.vector_store %arg20[%swap3A_413, %swap3A_414], %add3A_411 {strides = array<i32>} : memref<3x128xi32, #tpu.memory_space<vmem>>, vector<16xi32>,
          %add3A_416 = arith.constant 0 : i32
          %add3A_417 = vector.broadcast %add3A_416 : i32 to vector<16xi32>
          %add3A_418 = arith.addi %get3A_406, %add3A_417 : vector<16xi32>
          %swap3A_419 = arith.constant 0 : i32
          %swap3A_420 = arith.index_cast %swap3A_419 : i32 to index
          %swap3A_421 = arith.constant 48 : index
          %swap3A_422 = tpu.vector_load %arg21[%swap3A_420, %swap3A_421] {strides = array<i32>} : memref<3x128xi32, #tpu.memory_space<vmem>>, vector<16xi32>,
          tpu.vector_store %arg21[%swap3A_420, %swap3A_421], %add3A_418 {strides = array<i32>} : memref<3x128xi32, #tpu.memory_space<vmem>>, vector<16xi32>,
          %add3A_423 = arith.constant 10000 : i32
          %add3A_424 = vector.broadcast %add3A_423 : i32 to vector<16xi32>
          %add3A_425 = arith.addi %get3A_402, %add3A_424 : vector<16xi32>
          %swap3A_426 = arith.constant 0 : i32
          %swap3A_427 = arith.index_cast %swap3A_426 : i32 to index
          %swap3A_428 = arith.constant 112 : index
          %swap3A_429 = tpu.vector_load %arg20[%swap3A_427, %swap3A_428] {strides = array<i32>} : memref<3x128xi32, #tpu.memory_space<vmem>>, vector<16xi32>,
          tpu.vector_store %arg20[%swap3A_427, %swap3A_428], %add3A_425 {strides = array<i32>} : memref<3x128xi32, #tpu.memory_space<vmem>>, vector<16xi32>,
          %add3A_430 = arith.constant 768 : i32
          %add3A_431 = vector.broadcast %add3A_430 : i32 to vector<16xi32>
          %add3A_432 = arith.addi %get3A_406, %add3A_431 : vector<16xi32>
          %swap3A_433 = arith.constant 0 : i32
          %swap3A_434 = arith.index_cast %swap3A_433 : i32 to index
          %swap3A_435 = arith.constant 112 : index
          %swap3A_436 = tpu.vector_load %arg21[%swap3A_434, %swap3A_435] {strides = array<i32>} : memref<3x128xi32, #tpu.memory_space<vmem>>, vector<16xi32>,
          tpu.vector_store %arg21[%swap3A_434, %swap3A_435], %add3A_432 {strides = array<i32>} : memref<3x128xi32, #tpu.memory_space<vmem>>, vector<16xi32>,
          %add3A_437 = arith.constant 20000 : i32
          %add3A_438 = vector.broadcast %add3A_437 : i32 to vector<16xi32>
          %add3A_439 = arith.addi %get3A_402, %add3A_438 : vector<16xi32>
          %swap3A_440 = arith.constant 1 : i32
          %swap3A_441 = arith.index_cast %swap3A_440 : i32 to index
          %swap3A_442 = arith.constant 48 : index
          %swap3A_443 = tpu.vector_load %arg20[%swap3A_441, %swap3A_442] {strides = array<i32>} : memref<3x128xi32, #tpu.memory_space<vmem>>, vector<16xi32>,
          tpu.vector_store %arg20[%swap3A_441, %swap3A_442], %add3A_439 {strides = array<i32>} : memref<3x128xi32, #tpu.memory_space<vmem>>, vector<16xi32>,
          %add3A_444 = arith.constant 1536 : i32
          %add3A_445 = vector.broadcast %add3A_444 : i32 to vector<16xi32>
          %add3A_446 = arith.addi %get3A_406, %add3A_445 : vector<16xi32>
          %swap3A_447 = arith.constant 1 : i32
          %swap3A_448 = arith.index_cast %swap3A_447 : i32 to index
          %swap3A_449 = arith.constant 48 : index
          %swap3A_450 = tpu.vector_load %arg21[%swap3A_448, %swap3A_449] {strides = array<i32>} : memref<3x128xi32, #tpu.memory_space<vmem>>, vector<16xi32>,
          tpu.vector_store %arg21[%swap3A_448, %swap3A_449], %add3A_446 {strides = array<i32>} : memref<3x128xi32, #tpu.memory_space<vmem>>, vector<16xi32>,
          %add3A_451 = arith.constant 30000 : i32
          %add3A_452 = vector.broadcast %add3A_451 : i32 to vector<16xi32>
          %add3A_453 = arith.addi %get3A_402, %add3A_452 : vector<16xi32>
          %swap3A_454 = arith.constant 1 : i32
          %swap3A_455 = arith.index_cast %swap3A_454 : i32 to index
          %swap3A_456 = arith.constant 112 : index
          %swap3A_457 = tpu.vector_load %arg20[%swap3A_455, %swap3A_456] {strides = array<i32>} : memref<3x128xi32, #tpu.memory_space<vmem>>, vector<16xi32>,
          tpu.vector_store %arg20[%swap3A_455, %swap3A_456], %add3A_453 {strides = array<i32>} : memref<3x128xi32, #tpu.memory_space<vmem>>, vector<16xi32>,
          %add3A_458 = arith.constant 2304 : i32
          %add3A_459 = vector.broadcast %add3A_458 : i32 to vector<16xi32>
          %add3A_460 = arith.addi %get3A_406, %add3A_459 : vector<16xi32>
          %swap3A_461 = arith.constant 1 : i32
          %swap3A_462 = arith.index_cast %swap3A_461 : i32 to index
          %swap3A_463 = arith.constant 112 : index
          %swap3A_464 = tpu.vector_load %arg21[%swap3A_462, %swap3A_463] {strides = array<i32>} : memref<3x128xi32, #tpu.memory_space<vmem>>, vector<16xi32>,
          tpu.vector_store %arg21[%swap3A_462, %swap3A_463], %add3A_460 {strides = array<i32>} : memref<3x128xi32, #tpu.memory_space<vmem>>, vector<16xi32>,
          %add3A_465 = arith.constant 40000 : i32
          %add3A_466 = vector.broadcast %add3A_465 : i32 to vector<16xi32>
          %add3A_467 = arith.addi %get3A_402, %add3A_466 : vector<16xi32>
          %swap3A_468 = arith.constant 2 : i32
          %swap3A_469 = arith.index_cast %swap3A_468 : i32 to index
          %swap3A_470 = arith.constant 48 : index
          %swap3A_471 = tpu.vector_load %arg20[%swap3A_469, %swap3A_470] {strides = array<i32>} : memref<3x128xi32, #tpu.memory_space<vmem>>, vector<16xi32>,
          tpu.vector_store %arg20[%swap3A_469, %swap3A_470], %add3A_467 {strides = array<i32>} : memref<3x128xi32, #tpu.memory_space<vmem>>, vector<16xi32>,
          %add3A_472 = arith.constant 3072 : i32
          %add3A_473 = vector.broadcast %add3A_472 : i32 to vector<16xi32>
          %add3A_474 = arith.addi %get3A_406, %add3A_473 : vector<16xi32>
          %swap3A_475 = arith.constant 2 : i32
          %swap3A_476 = arith.index_cast %swap3A_475 : i32 to index
          %swap3A_477 = arith.constant 48 : index
          %swap3A_478 = tpu.vector_load %arg21[%swap3A_476, %swap3A_477] {strides = array<i32>} : memref<3x128xi32, #tpu.memory_space<vmem>>, vector<16xi32>,
          tpu.vector_store %arg21[%swap3A_476, %swap3A_477], %add3A_474 {strides = array<i32>} : memref<3x128xi32, #tpu.memory_space<vmem>>, vector<16xi32>,
          %add3A_479 = arith.constant 50000 : i32
          %add3A_480 = vector.broadcast %add3A_479 : i32 to vector<16xi32>
          %add3A_481 = arith.addi %get3A_402, %add3A_480 : vector<16xi32>
          %swap3A_482 = arith.constant 2 : i32
          %swap3A_483 = arith.index_cast %swap3A_482 : i32 to index
          %swap3A_484 = arith.constant 112 : index
          %swap3A_485 = tpu.vector_load %arg20[%swap3A_483, %swap3A_484] {strides = array<i32>} : memref<3x128xi32, #tpu.memory_space<vmem>>, vector<16xi32>,
          tpu.vector_store %arg20[%swap3A_483, %swap3A_484], %add3A_481 {strides = array<i32>} : memref<3x128xi32, #tpu.memory_space<vmem>>, vector<16xi32>,
          %add3A_486 = arith.constant 3840 : i32
          %add3A_487 = vector.broadcast %add3A_486 : i32 to vector<16xi32>
          %add3A_488 = arith.addi %get3A_406, %add3A_487 : vector<16xi32>
          %swap3A_489 = arith.constant 2 : i32
          %swap3A_490 = arith.index_cast %swap3A_489 : i32 to index
          %swap3A_491 = arith.constant 112 : index
          %swap3A_492 = tpu.vector_load %arg21[%swap3A_490, %swap3A_491] {strides = array<i32>} : memref<3x128xi32, #tpu.memory_space<vmem>>, vector<16xi32>,
          tpu.vector_store %arg21[%swap3A_490, %swap3A_491], %add3A_488 {strides = array<i32>} : memref<3x128xi32, #tpu.memory_space<vmem>>, vector<16xi32>,
          %dma_start3A = arith.constant 0 : i32
          %dma_start3A_493 = arith.constant 0 : i32
          %dma_start3A_494 = arith.constant 0 : i32
          %dma_start3A_495 = tpu.memref_slice %arg24[%dma_start3A_493, %dma_start3A_494] : memref<384x128xf32, #tpu.memory_space<vmem>> -> memref<128x128xf32, #tpu.memory_space<vmem>>
          %dma_start3A_496 = arith.constant 0 : i32
          %dma_start3A_497 = tpu.memref_slice %arg20[%dma_start3A, %dma_start3A_496] : memref<3x128xi32, #tpu.memory_space<vmem>> -> memref<1x128xi32, #tpu.memory_space<vmem>>
          %dma_start3A_498 = tpu.memref_squeeze %dma_start3A_497 : memref<1x128xi32, #tpu.memory_space<vmem>> -> memref<128xi32, #tpu.memory_space<vmem>>
          %dma_start3A_499 = arith.constant 0 : i32
          %dma_start3A_500 = arith.constant 0 : i32
          %dma_start3A_501 = tpu.memref_slice %arg5[%dma_start3A_499, %dma_start3A_500] : memref<60000x128xf32, #tpu.memory_space<hbm>> -> memref<60000x128xf32, #tpu.memory_space<hbm>>
          tpu.enqueue_indirect_dma source(%dma_start3A_501 : memref<60000x128xf32, #tpu.memory_space<hbm>>) target(%dma_start3A_495 : memref<128x128xf32, #tpu.memory_space<vmem>>) offsets(%dma_start3A_498 : memref<128xi32, #tpu.memory_space<vmem>>) semaphore(%arg28 : memref<!tpu.dma_semaphore, #tpu.memory_space<semaphore_mem>>)
          %dma_start3A_502 = arith.constant 1 : i32
          %dma_start3A_503 = arith.constant 128 : i32
          %dma_start3A_504 = arith.constant 0 : i32
          %dma_start3A_505 = tpu.memref_slice %arg24[%dma_start3A_503, %dma_start3A_504] : memref<384x128xf32, #tpu.memory_space<vmem>> -> memref<128x128xf32, #tpu.memory_space<vmem>>
          %dma_start3A_506 = arith.constant 0 : i32
          %dma_start3A_507 = tpu.memref_slice %arg20[%dma_start3A_502, %dma_start3A_506] : memref<3x128xi32, #tpu.memory_space<vmem>> -> memref<1x128xi32, #tpu.memory_space<vmem>>
          %dma_start3A_508 = tpu.memref_squeeze %dma_start3A_507 : memref<1x128xi32, #tpu.memory_space<vmem>> -> memref<128xi32, #tpu.memory_space<vmem>>
          %dma_start3A_509 = arith.constant 0 : i32
          %dma_start3A_510 = arith.constant 0 : i32
          %dma_start3A_511 = tpu.memref_slice %arg5[%dma_start3A_509, %dma_start3A_510] : memref<60000x128xf32, #tpu.memory_space<hbm>> -> memref<60000x128xf32, #tpu.memory_space<hbm>>
          tpu.enqueue_indirect_dma source(%dma_start3A_511 : memref<60000x128xf32, #tpu.memory_space<hbm>>) target(%dma_start3A_505 : memref<128x128xf32, #tpu.memory_space<vmem>>) offsets(%dma_start3A_508 : memref<128xi32, #tpu.memory_space<vmem>>) semaphore(%arg28 : memref<!tpu.dma_semaphore, #tpu.memory_space<semaphore_mem>>)
          %dma_start3A_512 = arith.constant 2 : i32
          %dma_start3A_513 = arith.constant 256 : i32
          %dma_start3A_514 = arith.constant 0 : i32
          %dma_start3A_515 = tpu.memref_slice %arg24[%dma_start3A_513, %dma_start3A_514] : memref<384x128xf32, #tpu.memory_space<vmem>> -> memref<128x128xf32, #tpu.memory_space<vmem>>
          %dma_start3A_516 = arith.constant 0 : i32
          %dma_start3A_517 = tpu.memref_slice %arg20[%dma_start3A_512, %dma_start3A_516] : memref<3x128xi32, #tpu.memory_space<vmem>> -> memref<1x128xi32, #tpu.memory_space<vmem>>
          %dma_start3A_518 = tpu.memref_squeeze %dma_start3A_517 : memref<1x128xi32, #tpu.memory_space<vmem>> -> memref<128xi32, #tpu.memory_space<vmem>>
          %dma_start3A_519 = arith.constant 0 : i32
          %dma_start3A_520 = arith.constant 0 : i32
          %dma_start3A_521 = tpu.memref_slice %arg5[%dma_start3A_519, %dma_start3A_520] : memref<60000x128xf32, #tpu.memory_space<hbm>> -> memref<60000x128xf32, #tpu.memory_space<hbm>>
          tpu.enqueue_indirect_dma source(%dma_start3A_521 : memref<60000x128xf32, #tpu.memory_space<hbm>>) target(%dma_start3A_515 : memref<128x128xf32, #tpu.memory_space<vmem>>) offsets(%dma_start3A_518 : memref<128xi32, #tpu.memory_space<vmem>>) semaphore(%arg28 : memref<!tpu.dma_semaphore, #tpu.memory_space<semaphore_mem>>)
          %dma_start3A_522 = tpu.memref_slice %arg16[%multiple_of3A_118] : memref<2656xi32, #tpu.memory_space<vmem>> -> memref<64xi32, #tpu.memory_space<vmem>>
          %dma_start3A_523 = arith.constant 0 : i32
          %dma_start3A_524 = arith.constant 0 : i32
          %dma_start3A_525 = tpu.memref_slice %arg4[%dma_start3A_523, %dma_start3A_524] : memref<10000x128xf32, #tpu.memory_space<hbm>> -> memref<10000x128xf32, #tpu.memory_space<hbm>>
          tpu.enqueue_indirect_dma source(%dma_start3A_525 : memref<10000x128xf32, #tpu.memory_space<hbm>>) target(%arg22 : memref<64x128xf32, #tpu.memory_space<vmem>>) offsets(%dma_start3A_522 : memref<64xi32, #tpu.memory_space<vmem>>) semaphore(%arg30 : memref<!tpu.dma_semaphore, #tpu.memory_space<semaphore_mem>>)
          %dma_start3A_526 = tpu.memref_slice %arg17[%multiple_of3A_118] : memref<2656xi32, #tpu.memory_space<vmem>> -> memref<64xi32, #tpu.memory_space<vmem>>
          %dma_start3A_527 = arith.constant 0 : i32
          %dma_start3A_528 = arith.constant 0 : i32
          %dma_start3A_529 = tpu.memref_slice %arg4[%dma_start3A_527, %dma_start3A_528] : memref<10000x128xf32, #tpu.memory_space<hbm>> -> memref<10000x128xf32, #tpu.memory_space<hbm>>
          tpu.enqueue_indirect_dma source(%dma_start3A_529 : memref<10000x128xf32, #tpu.memory_space<hbm>>) target(%arg23 : memref<64x128xf32, #tpu.memory_space<vmem>>) offsets(%dma_start3A_526 : memref<64xi32, #tpu.memory_space<vmem>>) semaphore(%arg30 : memref<!tpu.dma_semaphore, #tpu.memory_space<semaphore_mem>>)
          %dma_wait3A = tpu.memref_slice %arg16[%multiple_of3A_118] : memref<2656xi32, #tpu.memory_space<vmem>> -> memref<64xi32, #tpu.memory_space<vmem>>
          %dma_wait3A_530 = arith.constant 0 : i32
          %dma_wait3A_531 = arith.constant 0 : i32
          %dma_wait3A_532 = tpu.memref_slice %arg4[%dma_wait3A_530, %dma_wait3A_531] : memref<10000x128xf32, #tpu.memory_space<hbm>> -> memref<10000x128xf32, #tpu.memory_space<hbm>>
          tpu.wait_indirect_dma semaphore(%arg30 : memref<!tpu.dma_semaphore, #tpu.memory_space<semaphore_mem>>) src(%dma_wait3A_532 : memref<10000x128xf32, #tpu.memory_space<hbm>>) dst(%arg22 : memref<64x128xf32, #tpu.memory_space<vmem>>)
          %dma_wait3A_533 = tpu.memref_slice %arg17[%multiple_of3A_118] : memref<2656xi32, #tpu.memory_space<vmem>> -> memref<64xi32, #tpu.memory_space<vmem>>
          %dma_wait3A_534 = arith.constant 0 : i32
          %dma_wait3A_535 = arith.constant 0 : i32
          %dma_wait3A_536 = tpu.memref_slice %arg4[%dma_wait3A_534, %dma_wait3A_535] : memref<10000x128xf32, #tpu.memory_space<hbm>> -> memref<10000x128xf32, #tpu.memory_space<hbm>>
          tpu.wait_indirect_dma semaphore(%arg30 : memref<!tpu.dma_semaphore, #tpu.memory_space<semaphore_mem>>) src(%dma_wait3A_536 : memref<10000x128xf32, #tpu.memory_space<hbm>>) dst(%arg23 : memref<64x128xf32, #tpu.memory_space<vmem>>)
          %add3A_537 = arith.constant 0 : i32
          %add3A_538 = vector.broadcast %add3A_537 : i32 to vector<16xi32>
          %add3A_539 = arith.addi %iota3A, %add3A_538 : vector<16xi32>
          %broadcast_in_dim3A_540 = arith.constant 0 : i32
          %broadcast_in_dim3A_541 = vector.broadcast %broadcast_in_dim3A_540 : i32 to vector<16xi32>
          %gather3A = tpu.vector_load_idx %arg22[%add3A_539, %broadcast_in_dim3A_541] : memref<64x128xf32, #tpu.memory_space<vmem>>[vector<16xi32>, vector<16xi32>], vector<16xf32>,
          %broadcast_in_dim3A_542 = arith.constant 3 : i32
          %broadcast_in_dim3A_543 = vector.broadcast %broadcast_in_dim3A_542 : i32 to vector<16xi32>
          %gather3A_544 = tpu.vector_load_idx %arg23[%add3A_539, %broadcast_in_dim3A_543] : memref<64x128xf32, #tpu.memory_space<vmem>>[vector<16xi32>, vector<16xi32>], vector<16xf32>,
          %add3A_545 = arith.addf %gather3A, %gather3A_544 : vector<16xf32>
          %ge3A = arith.constant 0.000000e+00 : f32
          %ge3A_546 = vector.broadcast %ge3A : f32 to vector<16xf32>
          %ge3A_547 = arith.cmpf oge, %add3A_545, %ge3A_546 : vector<16xf32>
          %mul3A_548 = arith.constant 2.000000e-01 : f32
          %mul3A_549 = vector.broadcast %mul3A_548 : f32 to vector<16xf32>
          %mul3A_550 = arith.mulf %add3A_545, %mul3A_549 : vector<16xf32>
          %select_n3A_551 = arith.select %ge3A_547, %add3A_545, %mul3A_550 : vector<16xi1>, vector<16xf32>
          %broadcast_in_dim3A_552 = arith.constant 0 : i32
          %broadcast_in_dim3A_553 = vector.broadcast %broadcast_in_dim3A_552 : i32 to vector<16xi32>
          %exp3A = math.exp %select_n3A_551 : vector<16xf32>
          tpu.vector_store_idx %arg25[%add3A_539, %broadcast_in_dim3A_553], %exp3A : memref<64x128xf32, #tpu.memory_space<vmem>>[vector<16xi32>, vector<16xi32>], vector<16xf32>,
          %broadcast_in_dim3A_554 = arith.constant 1 : i32
          %broadcast_in_dim3A_555 = vector.broadcast %broadcast_in_dim3A_554 : i32 to vector<16xi32>
          %gather3A_556 = tpu.vector_load_idx %arg22[%add3A_539, %broadcast_in_dim3A_555] : memref<64x128xf32, #tpu.memory_space<vmem>>[vector<16xi32>, vector<16xi32>], vector<16xf32>,
          %broadcast_in_dim3A_557 = arith.constant 4 : i32
          %broadcast_in_dim3A_558 = vector.broadcast %broadcast_in_dim3A_557 : i32 to vector<16xi32>
          %gather3A_559 = tpu.vector_load_idx %arg23[%add3A_539, %broadcast_in_dim3A_558] : memref<64x128xf32, #tpu.memory_space<vmem>>[vector<16xi32>, vector<16xi32>], vector<16xf32>,
          %add3A_560 = arith.addf %gather3A_556, %gather3A_559 : vector<16xf32>
          %ge3A_561 = arith.constant 0.000000e+00 : f32
          %ge3A_562 = vector.broadcast %ge3A_561 : f32 to vector<16xf32>
          %ge3A_563 = arith.cmpf oge, %add3A_560, %ge3A_562 : vector<16xf32>
          %mul3A_564 = arith.constant 2.000000e-01 : f32
          %mul3A_565 = vector.broadcast %mul3A_564 : f32 to vector<16xf32>
          %mul3A_566 = arith.mulf %add3A_560, %mul3A_565 : vector<16xf32>
          %select_n3A_567 = arith.select %ge3A_563, %add3A_560, %mul3A_566 : vector<16xi1>, vector<16xf32>
          %broadcast_in_dim3A_568 = arith.constant 1 : i32
          %broadcast_in_dim3A_569 = vector.broadcast %broadcast_in_dim3A_568 : i32 to vector<16xi32>
          %exp3A_570 = math.exp %select_n3A_567 : vector<16xf32>
          tpu.vector_store_idx %arg25[%add3A_539, %broadcast_in_dim3A_569], %exp3A_570 : memref<64x128xf32, #tpu.memory_space<vmem>>[vector<16xi32>, vector<16xi32>], vector<16xf32>,
          %broadcast_in_dim3A_571 = arith.constant 2 : i32
          %broadcast_in_dim3A_572 = vector.broadcast %broadcast_in_dim3A_571 : i32 to vector<16xi32>
          %gather3A_573 = tpu.vector_load_idx %arg22[%add3A_539, %broadcast_in_dim3A_572] : memref<64x128xf32, #tpu.memory_space<vmem>>[vector<16xi32>, vector<16xi32>], vector<16xf32>,
          %broadcast_in_dim3A_574 = arith.constant 5 : i32
          %broadcast_in_dim3A_575 = vector.broadcast %broadcast_in_dim3A_574 : i32 to vector<16xi32>
          %gather3A_576 = tpu.vector_load_idx %arg23[%add3A_539, %broadcast_in_dim3A_575] : memref<64x128xf32, #tpu.memory_space<vmem>>[vector<16xi32>, vector<16xi32>], vector<16xf32>,
          %add3A_577 = arith.addf %gather3A_573, %gather3A_576 : vector<16xf32>
          %ge3A_578 = arith.constant 0.000000e+00 : f32
          %ge3A_579 = vector.broadcast %ge3A_578 : f32 to vector<16xf32>
          %ge3A_580 = arith.cmpf oge, %add3A_577, %ge3A_579 : vector<16xf32>
          %mul3A_581 = arith.constant 2.000000e-01 : f32
          %mul3A_582 = vector.broadcast %mul3A_581 : f32 to vector<16xf32>
          %mul3A_583 = arith.mulf %add3A_577, %mul3A_582 : vector<16xf32>
          %select_n3A_584 = arith.select %ge3A_580, %add3A_577, %mul3A_583 : vector<16xi1>, vector<16xf32>
          %broadcast_in_dim3A_585 = arith.constant 2 : i32
          %broadcast_in_dim3A_586 = vector.broadcast %broadcast_in_dim3A_585 : i32 to vector<16xi32>
          %exp3A_587 = math.exp %select_n3A_584 : vector<16xf32>
          tpu.vector_store_idx %arg25[%add3A_539, %broadcast_in_dim3A_586], %exp3A_587 : memref<64x128xf32, #tpu.memory_space<vmem>>[vector<16xi32>, vector<16xi32>], vector<16xf32>,
          %add3A_588 = arith.constant 16 : i32
          %add3A_589 = vector.broadcast %add3A_588 : i32 to vector<16xi32>
          %add3A_590 = arith.addi %iota3A, %add3A_589 : vector<16xi32>
          %broadcast_in_dim3A_591 = arith.constant 0 : i32
          %broadcast_in_dim3A_592 = vector.broadcast %broadcast_in_dim3A_591 : i32 to vector<16xi32>
          %gather3A_593 = tpu.vector_load_idx %arg22[%add3A_590, %broadcast_in_dim3A_592] : memref<64x128xf32, #tpu.memory_space<vmem>>[vector<16xi32>, vector<16xi32>], vector<16xf32>,
          %broadcast_in_dim3A_594 = arith.constant 3 : i32
          %broadcast_in_dim3A_595 = vector.broadcast %broadcast_in_dim3A_594 : i32 to vector<16xi32>
          %gather3A_596 = tpu.vector_load_idx %arg23[%add3A_590, %broadcast_in_dim3A_595] : memref<64x128xf32, #tpu.memory_space<vmem>>[vector<16xi32>, vector<16xi32>], vector<16xf32>,
          %add3A_597 = arith.addf %gather3A_593, %gather3A_596 : vector<16xf32>
          %ge3A_598 = arith.constant 0.000000e+00 : f32
          %ge3A_599 = vector.broadcast %ge3A_598 : f32 to vector<16xf32>
          %ge3A_600 = arith.cmpf oge, %add3A_597, %ge3A_599 : vector<16xf32>
          %mul3A_601 = arith.constant 2.000000e-01 : f32
          %mul3A_602 = vector.broadcast %mul3A_601 : f32 to vector<16xf32>
          %mul3A_603 = arith.mulf %add3A_597, %mul3A_602 : vector<16xf32>
          %select_n3A_604 = arith.select %ge3A_600, %add3A_597, %mul3A_603 : vector<16xi1>, vector<16xf32>
          %broadcast_in_dim3A_605 = arith.constant 0 : i32
          %broadcast_in_dim3A_606 = vector.broadcast %broadcast_in_dim3A_605 : i32 to vector<16xi32>
          %exp3A_607 = math.exp %select_n3A_604 : vector<16xf32>
          tpu.vector_store_idx %arg25[%add3A_590, %broadcast_in_dim3A_606], %exp3A_607 : memref<64x128xf32, #tpu.memory_space<vmem>>[vector<16xi32>, vector<16xi32>], vector<16xf32>,
          %broadcast_in_dim3A_608 = arith.constant 1 : i32
          %broadcast_in_dim3A_609 = vector.broadcast %broadcast_in_dim3A_608 : i32 to vector<16xi32>
          %gather3A_610 = tpu.vector_load_idx %arg22[%add3A_590, %broadcast_in_dim3A_609] : memref<64x128xf32, #tpu.memory_space<vmem>>[vector<16xi32>, vector<16xi32>], vector<16xf32>,
          %broadcast_in_dim3A_611 = arith.constant 4 : i32
          %broadcast_in_dim3A_612 = vector.broadcast %broadcast_in_dim3A_611 : i32 to vector<16xi32>
          %gather3A_613 = tpu.vector_load_idx %arg23[%add3A_590, %broadcast_in_dim3A_612] : memref<64x128xf32, #tpu.memory_space<vmem>>[vector<16xi32>, vector<16xi32>], vector<16xf32>,
          %add3A_614 = arith.addf %gather3A_610, %gather3A_613 : vector<16xf32>
          %ge3A_615 = arith.constant 0.000000e+00 : f32
          %ge3A_616 = vector.broadcast %ge3A_615 : f32 to vector<16xf32>
          %ge3A_617 = arith.cmpf oge, %add3A_614, %ge3A_616 : vector<16xf32>
          %mul3A_618 = arith.constant 2.000000e-01 : f32
          %mul3A_619 = vector.broadcast %mul3A_618 : f32 to vector<16xf32>
          %mul3A_620 = arith.mulf %add3A_614, %mul3A_619 : vector<16xf32>
          %select_n3A_621 = arith.select %ge3A_617, %add3A_614, %mul3A_620 : vector<16xi1>, vector<16xf32>
          %broadcast_in_dim3A_622 = arith.constant 1 : i32
          %broadcast_in_dim3A_623 = vector.broadcast %broadcast_in_dim3A_622 : i32 to vector<16xi32>
          %exp3A_624 = math.exp %select_n3A_621 : vector<16xf32>
          tpu.vector_store_idx %arg25[%add3A_590, %broadcast_in_dim3A_623], %exp3A_624 : memref<64x128xf32, #tpu.memory_space<vmem>>[vector<16xi32>, vector<16xi32>], vector<16xf32>,
          %broadcast_in_dim3A_625 = arith.constant 2 : i32
          %broadcast_in_dim3A_626 = vector.broadcast %broadcast_in_dim3A_625 : i32 to vector<16xi32>
          %gather3A_627 = tpu.vector_load_idx %arg22[%add3A_590, %broadcast_in_dim3A_626] : memref<64x128xf32, #tpu.memory_space<vmem>>[vector<16xi32>, vector<16xi32>], vector<16xf32>,
          %broadcast_in_dim3A_628 = arith.constant 5 : i32
          %broadcast_in_dim3A_629 = vector.broadcast %broadcast_in_dim3A_628 : i32 to vector<16xi32>
          %gather3A_630 = tpu.vector_load_idx %arg23[%add3A_590, %broadcast_in_dim3A_629] : memref<64x128xf32, #tpu.memory_space<vmem>>[vector<16xi32>, vector<16xi32>], vector<16xf32>,
          %add3A_631 = arith.addf %gather3A_627, %gather3A_630 : vector<16xf32>
          %ge3A_632 = arith.constant 0.000000e+00 : f32
          %ge3A_633 = vector.broadcast %ge3A_632 : f32 to vector<16xf32>
          %ge3A_634 = arith.cmpf oge, %add3A_631, %ge3A_633 : vector<16xf32>
          %mul3A_635 = arith.constant 2.000000e-01 : f32
          %mul3A_636 = vector.broadcast %mul3A_635 : f32 to vector<16xf32>
          %mul3A_637 = arith.mulf %add3A_631, %mul3A_636 : vector<16xf32>
          %select_n3A_638 = arith.select %ge3A_634, %add3A_631, %mul3A_637 : vector<16xi1>, vector<16xf32>
          %broadcast_in_dim3A_639 = arith.constant 2 : i32
          %broadcast_in_dim3A_640 = vector.broadcast %broadcast_in_dim3A_639 : i32 to vector<16xi32>
          %exp3A_641 = math.exp %select_n3A_638 : vector<16xf32>
          tpu.vector_store_idx %arg25[%add3A_590, %broadcast_in_dim3A_640], %exp3A_641 : memref<64x128xf32, #tpu.memory_space<vmem>>[vector<16xi32>, vector<16xi32>], vector<16xf32>,
          %add3A_642 = arith.constant 32 : i32
          %add3A_643 = vector.broadcast %add3A_642 : i32 to vector<16xi32>
          %add3A_644 = arith.addi %iota3A, %add3A_643 : vector<16xi32>
          %broadcast_in_dim3A_645 = arith.constant 0 : i32
          %broadcast_in_dim3A_646 = vector.broadcast %broadcast_in_dim3A_645 : i32 to vector<16xi32>
          %gather3A_647 = tpu.vector_load_idx %arg22[%add3A_644, %broadcast_in_dim3A_646] : memref<64x128xf32, #tpu.memory_space<vmem>>[vector<16xi32>, vector<16xi32>], vector<16xf32>,
          %broadcast_in_dim3A_648 = arith.constant 3 : i32
          %broadcast_in_dim3A_649 = vector.broadcast %broadcast_in_dim3A_648 : i32 to vector<16xi32>
          %gather3A_650 = tpu.vector_load_idx %arg23[%add3A_644, %broadcast_in_dim3A_649] : memref<64x128xf32, #tpu.memory_space<vmem>>[vector<16xi32>, vector<16xi32>], vector<16xf32>,
          %add3A_651 = arith.addf %gather3A_647, %gather3A_650 : vector<16xf32>
          %ge3A_652 = arith.constant 0.000000e+00 : f32
          %ge3A_653 = vector.broadcast %ge3A_652 : f32 to vector<16xf32>
          %ge3A_654 = arith.cmpf oge, %add3A_651, %ge3A_653 : vector<16xf32>
          %mul3A_655 = arith.constant 2.000000e-01 : f32
          %mul3A_656 = vector.broadcast %mul3A_655 : f32 to vector<16xf32>
          %mul3A_657 = arith.mulf %add3A_651, %mul3A_656 : vector<16xf32>
          %select_n3A_658 = arith.select %ge3A_654, %add3A_651, %mul3A_657 : vector<16xi1>, vector<16xf32>
          %broadcast_in_dim3A_659 = arith.constant 0 : i32
          %broadcast_in_dim3A_660 = vector.broadcast %broadcast_in_dim3A_659 : i32 to vector<16xi32>
          %exp3A_661 = math.exp %select_n3A_658 : vector<16xf32>
          tpu.vector_store_idx %arg25[%add3A_644, %broadcast_in_dim3A_660], %exp3A_661 : memref<64x128xf32, #tpu.memory_space<vmem>>[vector<16xi32>, vector<16xi32>], vector<16xf32>,
          %broadcast_in_dim3A_662 = arith.constant 1 : i32
          %broadcast_in_dim3A_663 = vector.broadcast %broadcast_in_dim3A_662 : i32 to vector<16xi32>
          %gather3A_664 = tpu.vector_load_idx %arg22[%add3A_644, %broadcast_in_dim3A_663] : memref<64x128xf32, #tpu.memory_space<vmem>>[vector<16xi32>, vector<16xi32>], vector<16xf32>,
          %broadcast_in_dim3A_665 = arith.constant 4 : i32
          %broadcast_in_dim3A_666 = vector.broadcast %broadcast_in_dim3A_665 : i32 to vector<16xi32>
          %gather3A_667 = tpu.vector_load_idx %arg23[%add3A_644, %broadcast_in_dim3A_666] : memref<64x128xf32, #tpu.memory_space<vmem>>[vector<16xi32>, vector<16xi32>], vector<16xf32>,
          %add3A_668 = arith.addf %gather3A_664, %gather3A_667 : vector<16xf32>
          %ge3A_669 = arith.constant 0.000000e+00 : f32
          %ge3A_670 = vector.broadcast %ge3A_669 : f32 to vector<16xf32>
          %ge3A_671 = arith.cmpf oge, %add3A_668, %ge3A_670 : vector<16xf32>
          %mul3A_672 = arith.constant 2.000000e-01 : f32
          %mul3A_673 = vector.broadcast %mul3A_672 : f32 to vector<16xf32>
          %mul3A_674 = arith.mulf %add3A_668, %mul3A_673 : vector<16xf32>
          %select_n3A_675 = arith.select %ge3A_671, %add3A_668, %mul3A_674 : vector<16xi1>, vector<16xf32>
          %broadcast_in_dim3A_676 = arith.constant 1 : i32
          %broadcast_in_dim3A_677 = vector.broadcast %broadcast_in_dim3A_676 : i32 to vector<16xi32>
          %exp3A_678 = math.exp %select_n3A_675 : vector<16xf32>
          tpu.vector_store_idx %arg25[%add3A_644, %broadcast_in_dim3A_677], %exp3A_678 : memref<64x128xf32, #tpu.memory_space<vmem>>[vector<16xi32>, vector<16xi32>], vector<16xf32>,
          %broadcast_in_dim3A_679 = arith.constant 2 : i32
          %broadcast_in_dim3A_680 = vector.broadcast %broadcast_in_dim3A_679 : i32 to vector<16xi32>
          %gather3A_681 = tpu.vector_load_idx %arg22[%add3A_644, %broadcast_in_dim3A_680] : memref<64x128xf32, #tpu.memory_space<vmem>>[vector<16xi32>, vector<16xi32>], vector<16xf32>,
          %broadcast_in_dim3A_682 = arith.constant 5 : i32
          %broadcast_in_dim3A_683 = vector.broadcast %broadcast_in_dim3A_682 : i32 to vector<16xi32>
          %gather3A_684 = tpu.vector_load_idx %arg23[%add3A_644, %broadcast_in_dim3A_683] : memref<64x128xf32, #tpu.memory_space<vmem>>[vector<16xi32>, vector<16xi32>], vector<16xf32>,
          %add3A_685 = arith.addf %gather3A_681, %gather3A_684 : vector<16xf32>
          %ge3A_686 = arith.constant 0.000000e+00 : f32
          %ge3A_687 = vector.broadcast %ge3A_686 : f32 to vector<16xf32>
          %ge3A_688 = arith.cmpf oge, %add3A_685, %ge3A_687 : vector<16xf32>
          %mul3A_689 = arith.constant 2.000000e-01 : f32
          %mul3A_690 = vector.broadcast %mul3A_689 : f32 to vector<16xf32>
          %mul3A_691 = arith.mulf %add3A_685, %mul3A_690 : vector<16xf32>
          %select_n3A_692 = arith.select %ge3A_688, %add3A_685, %mul3A_691 : vector<16xi1>, vector<16xf32>
          %broadcast_in_dim3A_693 = arith.constant 2 : i32
          %broadcast_in_dim3A_694 = vector.broadcast %broadcast_in_dim3A_693 : i32 to vector<16xi32>
          %exp3A_695 = math.exp %select_n3A_692 : vector<16xf32>
          tpu.vector_store_idx %arg25[%add3A_644, %broadcast_in_dim3A_694], %exp3A_695 : memref<64x128xf32, #tpu.memory_space<vmem>>[vector<16xi32>, vector<16xi32>], vector<16xf32>,
          %add3A_696 = arith.constant 48 : i32
          %add3A_697 = vector.broadcast %add3A_696 : i32 to vector<16xi32>
          %add3A_698 = arith.addi %iota3A, %add3A_697 : vector<16xi32>
          %broadcast_in_dim3A_699 = arith.constant 0 : i32
          %broadcast_in_dim3A_700 = vector.broadcast %broadcast_in_dim3A_699 : i32 to vector<16xi32>
          %gather3A_701 = tpu.vector_load_idx %arg22[%add3A_698, %broadcast_in_dim3A_700] : memref<64x128xf32, #tpu.memory_space<vmem>>[vector<16xi32>, vector<16xi32>], vector<16xf32>,
          %broadcast_in_dim3A_702 = arith.constant 3 : i32
          %broadcast_in_dim3A_703 = vector.broadcast %broadcast_in_dim3A_702 : i32 to vector<16xi32>
          %gather3A_704 = tpu.vector_load_idx %arg23[%add3A_698, %broadcast_in_dim3A_703] : memref<64x128xf32, #tpu.memory_space<vmem>>[vector<16xi32>, vector<16xi32>], vector<16xf32>,
          %add3A_705 = arith.addf %gather3A_701, %gather3A_704 : vector<16xf32>
          %ge3A_706 = arith.constant 0.000000e+00 : f32
          %ge3A_707 = vector.broadcast %ge3A_706 : f32 to vector<16xf32>
          %ge3A_708 = arith.cmpf oge, %add3A_705, %ge3A_707 : vector<16xf32>
          %mul3A_709 = arith.constant 2.000000e-01 : f32
          %mul3A_710 = vector.broadcast %mul3A_709 : f32 to vector<16xf32>
          %mul3A_711 = arith.mulf %add3A_705, %mul3A_710 : vector<16xf32>
          %select_n3A_712 = arith.select %ge3A_708, %add3A_705, %mul3A_711 : vector<16xi1>, vector<16xf32>
          %broadcast_in_dim3A_713 = arith.constant 0 : i32
          %broadcast_in_dim3A_714 = vector.broadcast %broadcast_in_dim3A_713 : i32 to vector<16xi32>
          %exp3A_715 = math.exp %select_n3A_712 : vector<16xf32>
          tpu.vector_store_idx %arg25[%add3A_698, %broadcast_in_dim3A_714], %exp3A_715 : memref<64x128xf32, #tpu.memory_space<vmem>>[vector<16xi32>, vector<16xi32>], vector<16xf32>,
          %broadcast_in_dim3A_716 = arith.constant 1 : i32
          %broadcast_in_dim3A_717 = vector.broadcast %broadcast_in_dim3A_716 : i32 to vector<16xi32>
          %gather3A_718 = tpu.vector_load_idx %arg22[%add3A_698, %broadcast_in_dim3A_717] : memref<64x128xf32, #tpu.memory_space<vmem>>[vector<16xi32>, vector<16xi32>], vector<16xf32>,
          %broadcast_in_dim3A_719 = arith.constant 4 : i32
          %broadcast_in_dim3A_720 = vector.broadcast %broadcast_in_dim3A_719 : i32 to vector<16xi32>
          %gather3A_721 = tpu.vector_load_idx %arg23[%add3A_698, %broadcast_in_dim3A_720] : memref<64x128xf32, #tpu.memory_space<vmem>>[vector<16xi32>, vector<16xi32>], vector<16xf32>,
          %add3A_722 = arith.addf %gather3A_718, %gather3A_721 : vector<16xf32>
          %ge3A_723 = arith.constant 0.000000e+00 : f32
          %ge3A_724 = vector.broadcast %ge3A_723 : f32 to vector<16xf32>
          %ge3A_725 = arith.cmpf oge, %add3A_722, %ge3A_724 : vector<16xf32>
          %mul3A_726 = arith.constant 2.000000e-01 : f32
          %mul3A_727 = vector.broadcast %mul3A_726 : f32 to vector<16xf32>
          %mul3A_728 = arith.mulf %add3A_722, %mul3A_727 : vector<16xf32>
          %select_n3A_729 = arith.select %ge3A_725, %add3A_722, %mul3A_728 : vector<16xi1>, vector<16xf32>
          %broadcast_in_dim3A_730 = arith.constant 1 : i32
          %broadcast_in_dim3A_731 = vector.broadcast %broadcast_in_dim3A_730 : i32 to vector<16xi32>
          %exp3A_732 = math.exp %select_n3A_729 : vector<16xf32>
          tpu.vector_store_idx %arg25[%add3A_698, %broadcast_in_dim3A_731], %exp3A_732 : memref<64x128xf32, #tpu.memory_space<vmem>>[vector<16xi32>, vector<16xi32>], vector<16xf32>,
          %broadcast_in_dim3A_733 = arith.constant 2 : i32
          %broadcast_in_dim3A_734 = vector.broadcast %broadcast_in_dim3A_733 : i32 to vector<16xi32>
          %gather3A_735 = tpu.vector_load_idx %arg22[%add3A_698, %broadcast_in_dim3A_734] : memref<64x128xf32, #tpu.memory_space<vmem>>[vector<16xi32>, vector<16xi32>], vector<16xf32>,
          %broadcast_in_dim3A_736 = arith.constant 5 : i32
          %broadcast_in_dim3A_737 = vector.broadcast %broadcast_in_dim3A_736 : i32 to vector<16xi32>
          %gather3A_738 = tpu.vector_load_idx %arg23[%add3A_698, %broadcast_in_dim3A_737] : memref<64x128xf32, #tpu.memory_space<vmem>>[vector<16xi32>, vector<16xi32>], vector<16xf32>,
          %add3A_739 = arith.addf %gather3A_735, %gather3A_738 : vector<16xf32>
          %ge3A_740 = arith.constant 0.000000e+00 : f32
          %ge3A_741 = vector.broadcast %ge3A_740 : f32 to vector<16xf32>
          %ge3A_742 = arith.cmpf oge, %add3A_739, %ge3A_741 : vector<16xf32>
          %mul3A_743 = arith.constant 2.000000e-01 : f32
          %mul3A_744 = vector.broadcast %mul3A_743 : f32 to vector<16xf32>
          %mul3A_745 = arith.mulf %add3A_739, %mul3A_744 : vector<16xf32>
          %select_n3A_746 = arith.select %ge3A_742, %add3A_739, %mul3A_745 : vector<16xi1>, vector<16xf32>
          %broadcast_in_dim3A_747 = arith.constant 2 : i32
          %broadcast_in_dim3A_748 = vector.broadcast %broadcast_in_dim3A_747 : i32 to vector<16xi32>
          %exp3A_749 = math.exp %select_n3A_746 : vector<16xf32>
          tpu.vector_store_idx %arg25[%add3A_698, %broadcast_in_dim3A_748], %exp3A_749 : memref<64x128xf32, #tpu.memory_space<vmem>>[vector<16xi32>, vector<16xi32>], vector<16xf32>,
          %dma_wait3A_750 = arith.constant 0 : i32
          %dma_wait3A_751 = arith.constant 0 : i32
          %dma_wait3A_752 = arith.constant 0 : i32
          %dma_wait3A_753 = tpu.memref_slice %arg24[%dma_wait3A_751, %dma_wait3A_752] : memref<384x128xf32, #tpu.memory_space<vmem>> -> memref<128x128xf32, #tpu.memory_space<vmem>>
          %dma_wait3A_754 = arith.constant 0 : i32
          %dma_wait3A_755 = tpu.memref_slice %arg20[%dma_wait3A_750, %dma_wait3A_754] : memref<3x128xi32, #tpu.memory_space<vmem>> -> memref<1x128xi32, #tpu.memory_space<vmem>>
          %dma_wait3A_756 = tpu.memref_squeeze %dma_wait3A_755 : memref<1x128xi32, #tpu.memory_space<vmem>> -> memref<128xi32, #tpu.memory_space<vmem>>
          %dma_wait3A_757 = arith.constant 0 : i32
          %dma_wait3A_758 = arith.constant 0 : i32
          %dma_wait3A_759 = tpu.memref_slice %arg5[%dma_wait3A_757, %dma_wait3A_758] : memref<60000x128xf32, #tpu.memory_space<hbm>> -> memref<60000x128xf32, #tpu.memory_space<hbm>>
          tpu.wait_indirect_dma semaphore(%arg28 : memref<!tpu.dma_semaphore, #tpu.memory_space<semaphore_mem>>) src(%dma_wait3A_759 : memref<60000x128xf32, #tpu.memory_space<hbm>>) dst(%dma_wait3A_753 : memref<128x128xf32, #tpu.memory_space<vmem>>)
          %dma_wait3A_760 = arith.constant 1 : i32
          %dma_wait3A_761 = arith.constant 128 : i32
          %dma_wait3A_762 = arith.constant 0 : i32
          %dma_wait3A_763 = tpu.memref_slice %arg24[%dma_wait3A_761, %dma_wait3A_762] : memref<384x128xf32, #tpu.memory_space<vmem>> -> memref<128x128xf32, #tpu.memory_space<vmem>>
          %dma_wait3A_764 = arith.constant 0 : i32
          %dma_wait3A_765 = tpu.memref_slice %arg20[%dma_wait3A_760, %dma_wait3A_764] : memref<3x128xi32, #tpu.memory_space<vmem>> -> memref<1x128xi32, #tpu.memory_space<vmem>>
          %dma_wait3A_766 = tpu.memref_squeeze %dma_wait3A_765 : memref<1x128xi32, #tpu.memory_space<vmem>> -> memref<128xi32, #tpu.memory_space<vmem>>
          %dma_wait3A_767 = arith.constant 0 : i32
          %dma_wait3A_768 = arith.constant 0 : i32
          %dma_wait3A_769 = tpu.memref_slice %arg5[%dma_wait3A_767, %dma_wait3A_768] : memref<60000x128xf32, #tpu.memory_space<hbm>> -> memref<60000x128xf32, #tpu.memory_space<hbm>>
          tpu.wait_indirect_dma semaphore(%arg28 : memref<!tpu.dma_semaphore, #tpu.memory_space<semaphore_mem>>) src(%dma_wait3A_769 : memref<60000x128xf32, #tpu.memory_space<hbm>>) dst(%dma_wait3A_763 : memref<128x128xf32, #tpu.memory_space<vmem>>)
          %dma_wait3A_770 = arith.constant 2 : i32
          %dma_wait3A_771 = arith.constant 256 : i32
          %dma_wait3A_772 = arith.constant 0 : i32
          %dma_wait3A_773 = tpu.memref_slice %arg24[%dma_wait3A_771, %dma_wait3A_772] : memref<384x128xf32, #tpu.memory_space<vmem>> -> memref<128x128xf32, #tpu.memory_space<vmem>>
          %dma_wait3A_774 = arith.constant 0 : i32
          %dma_wait3A_775 = tpu.memref_slice %arg20[%dma_wait3A_770, %dma_wait3A_774] : memref<3x128xi32, #tpu.memory_space<vmem>> -> memref<1x128xi32, #tpu.memory_space<vmem>>
          %dma_wait3A_776 = tpu.memref_squeeze %dma_wait3A_775 : memref<1x128xi32, #tpu.memory_space<vmem>> -> memref<128xi32, #tpu.memory_space<vmem>>
          %dma_wait3A_777 = arith.constant 0 : i32
          %dma_wait3A_778 = arith.constant 0 : i32
          %dma_wait3A_779 = tpu.memref_slice %arg5[%dma_wait3A_777, %dma_wait3A_778] : memref<60000x128xf32, #tpu.memory_space<hbm>> -> memref<60000x128xf32, #tpu.memory_space<hbm>>
          tpu.wait_indirect_dma semaphore(%arg28 : memref<!tpu.dma_semaphore, #tpu.memory_space<semaphore_mem>>) src(%dma_wait3A_779 : memref<60000x128xf32, #tpu.memory_space<hbm>>) dst(%dma_wait3A_773 : memref<128x128xf32, #tpu.memory_space<vmem>>)
          %scan3A_780 = arith.constant 0 : i32
          %scan3A_781 = arith.constant 0 : i32
          %scan3A_782 = arith.constant 0 : i32
          %scan3A_783 = arith.addi %scan3A_781, %scan3A_782 : i32
          %scan3A_784 = arith.constant 0 : i32
          %dma_start3A_785 = arith.constant 0 : i32
          %dma_start3A_786 = arith.constant 0 : i32
          %dma_start3A_787 = arith.constant 0 : i32
          %dma_start3A_788 = tpu.memref_slice %arg24[%dma_start3A_786, %dma_start3A_787] : memref<384x128xf32, #tpu.memory_space<vmem>> -> memref<128x128xf32, #tpu.memory_space<vmem>>
          %dma_start3A_789 = arith.constant 0 : i32
          %dma_start3A_790 = tpu.memref_slice %arg21[%dma_start3A_785, %dma_start3A_789] : memref<3x128xi32, #tpu.memory_space<vmem>> -> memref<1x128xi32, #tpu.memory_space<vmem>>
          %dma_start3A_791 = tpu.memref_squeeze %dma_start3A_790 : memref<1x128xi32, #tpu.memory_space<vmem>> -> memref<128xi32, #tpu.memory_space<vmem>>
          %dma_start3A_792 = arith.constant 0 : i32
          %dma_start3A_793 = arith.constant 0 : i32
          %dma_start3A_794 = tpu.memref_slice %arg26[%dma_start3A_792, %dma_start3A_793] : memref<4608x128xf32, #tpu.memory_space<vmem_shared>> -> memref<4608x128xf32, #tpu.memory_space<vmem_shared>>
          tpu.enqueue_indirect_dma source(%dma_start3A_788 : memref<128x128xf32, #tpu.memory_space<vmem>>) target(%dma_start3A_794 : memref<4608x128xf32, #tpu.memory_space<vmem_shared>>) offsets(%dma_start3A_791 : memref<128xi32, #tpu.memory_space<vmem>>) semaphore(%arg29 : memref<!tpu.dma_semaphore, #tpu.memory_space<semaphore_mem>>) {add = true}
          %dma_start3A_795 = arith.constant 1 : i32
          %dma_start3A_796 = arith.constant 128 : i32
          %dma_start3A_797 = arith.constant 0 : i32
          %dma_start3A_798 = tpu.memref_slice %arg24[%dma_start3A_796, %dma_start3A_797] : memref<384x128xf32, #tpu.memory_space<vmem>> -> memref<128x128xf32, #tpu.memory_space<vmem>>
          %dma_start3A_799 = arith.constant 0 : i32
          %dma_start3A_800 = tpu.memref_slice %arg21[%dma_start3A_795, %dma_start3A_799] : memref<3x128xi32, #tpu.memory_space<vmem>> -> memref<1x128xi32, #tpu.memory_space<vmem>>
          %dma_start3A_801 = tpu.memref_squeeze %dma_start3A_800 : memref<1x128xi32, #tpu.memory_space<vmem>> -> memref<128xi32, #tpu.memory_space<vmem>>
          %dma_start3A_802 = arith.constant 0 : i32
          %dma_start3A_803 = arith.constant 0 : i32
          %dma_start3A_804 = tpu.memref_slice %arg26[%dma_start3A_802, %dma_start3A_803] : memref<4608x128xf32, #tpu.memory_space<vmem_shared>> -> memref<4608x128xf32, #tpu.memory_space<vmem_shared>>
          tpu.enqueue_indirect_dma source(%dma_start3A_798 : memref<128x128xf32, #tpu.memory_space<vmem>>) target(%dma_start3A_804 : memref<4608x128xf32, #tpu.memory_space<vmem_shared>>) offsets(%dma_start3A_801 : memref<128xi32, #tpu.memory_space<vmem>>) semaphore(%arg29 : memref<!tpu.dma_semaphore, #tpu.memory_space<semaphore_mem>>) {add = true}
          %dma_start3A_805 = arith.constant 2 : i32
          %dma_start3A_806 = arith.constant 256 : i32
          %dma_start3A_807 = arith.constant 0 : i32
          %dma_start3A_808 = tpu.memref_slice %arg24[%dma_start3A_806, %dma_start3A_807] : memref<384x128xf32, #tpu.memory_space<vmem>> -> memref<128x128xf32, #tpu.memory_space<vmem>>
          %dma_start3A_809 = arith.constant 0 : i32
          %dma_start3A_810 = tpu.memref_slice %arg21[%dma_start3A_805, %dma_start3A_809] : memref<3x128xi32, #tpu.memory_space<vmem>> -> memref<1x128xi32, #tpu.memory_space<vmem>>
          %dma_start3A_811 = tpu.memref_squeeze %dma_start3A_810 : memref<1x128xi32, #tpu.memory_space<vmem>> -> memref<128xi32, #tpu.memory_space<vmem>>
          %dma_start3A_812 = arith.constant 0 : i32
          %dma_start3A_813 = arith.constant 0 : i32
          %dma_start3A_814 = tpu.memref_slice %arg26[%dma_start3A_812, %dma_start3A_813] : memref<4608x128xf32, #tpu.memory_space<vmem_shared>> -> memref<4608x128xf32, #tpu.memory_space<vmem_shared>>
          tpu.enqueue_indirect_dma source(%dma_start3A_808 : memref<128x128xf32, #tpu.memory_space<vmem>>) target(%dma_start3A_814 : memref<4608x128xf32, #tpu.memory_space<vmem_shared>>) offsets(%dma_start3A_811 : memref<128xi32, #tpu.memory_space<vmem>>) semaphore(%arg29 : memref<!tpu.dma_semaphore, #tpu.memory_space<semaphore_mem>>) {add = true}
          %dma_start3A_815 = arith.constant 0 : i32
          %dma_start3A_816 = arith.constant 0 : i32
          %dma_start3A_817 = tpu.memref_slice %arg27[%dma_start3A_815, %dma_start3A_816] : memref<768x128xf32, #tpu.memory_space<vmem_shared>> -> memref<768x128xf32, #tpu.memory_space<vmem_shared>>
          tpu.enqueue_indirect_dma source(%arg25 : memref<64x128xf32, #tpu.memory_space<vmem>>) target(%dma_start3A_817 : memref<768x128xf32, #tpu.memory_space<vmem_shared>>) offsets(%arg19 : memref<64xi32, #tpu.memory_space<vmem>>) semaphore(%arg29 : memref<!tpu.dma_semaphore, #tpu.memory_space<semaphore_mem>>) {add = true}
          %dma_wait3A_818 = arith.constant 0 : i32
          %dma_wait3A_819 = arith.constant 0 : i32
          %dma_wait3A_820 = arith.constant 0 : i32
          %dma_wait3A_821 = tpu.memref_slice %arg24[%dma_wait3A_819, %dma_wait3A_820] : memref<384x128xf32, #tpu.memory_space<vmem>> -> memref<128x128xf32, #tpu.memory_space<vmem>>
          %dma_wait3A_822 = arith.constant 0 : i32
          %dma_wait3A_823 = tpu.memref_slice %arg21[%dma_wait3A_818, %dma_wait3A_822] : memref<3x128xi32, #tpu.memory_space<vmem>> -> memref<1x128xi32, #tpu.memory_space<vmem>>
          %dma_wait3A_824 = tpu.memref_squeeze %dma_wait3A_823 : memref<1x128xi32, #tpu.memory_space<vmem>> -> memref<128xi32, #tpu.memory_space<vmem>>
          %dma_wait3A_825 = arith.constant 0 : i32
          %dma_wait3A_826 = arith.constant 0 : i32
          %dma_wait3A_827 = tpu.memref_slice %arg26[%dma_wait3A_825, %dma_wait3A_826] : memref<4608x128xf32, #tpu.memory_space<vmem_shared>> -> memref<4608x128xf32, #tpu.memory_space<vmem_shared>>
          tpu.wait_indirect_dma semaphore(%arg29 : memref<!tpu.dma_semaphore, #tpu.memory_space<semaphore_mem>>) src(%dma_wait3A_821 : memref<128x128xf32, #tpu.memory_space<vmem>>) dst(%dma_wait3A_827 : memref<4608x128xf32, #tpu.memory_space<vmem_shared>>)
          %dma_wait3A_828 = arith.constant 1 : i32
          %dma_wait3A_829 = arith.constant 128 : i32
          %dma_wait3A_830 = arith.constant 0 : i32
          %dma_wait3A_831 = tpu.memref_slice %arg24[%dma_wait3A_829, %dma_wait3A_830] : memref<384x128xf32, #tpu.memory_space<vmem>> -> memref<128x128xf32, #tpu.memory_space<vmem>>
          %dma_wait3A_832 = arith.constant 0 : i32
          %dma_wait3A_833 = tpu.memref_slice %arg21[%dma_wait3A_828, %dma_wait3A_832] : memref<3x128xi32, #tpu.memory_space<vmem>> -> memref<1x128xi32, #tpu.memory_space<vmem>>
          %dma_wait3A_834 = tpu.memref_squeeze %dma_wait3A_833 : memref<1x128xi32, #tpu.memory_space<vmem>> -> memref<128xi32, #tpu.memory_space<vmem>>
          %dma_wait3A_835 = arith.constant 0 : i32
          %dma_wait3A_836 = arith.constant 0 : i32
          %dma_wait3A_837 = tpu.memref_slice %arg26[%dma_wait3A_835, %dma_wait3A_836] : memref<4608x128xf32, #tpu.memory_space<vmem_shared>> -> memref<4608x128xf32, #tpu.memory_space<vmem_shared>>
          tpu.wait_indirect_dma semaphore(%arg29 : memref<!tpu.dma_semaphore, #tpu.memory_space<semaphore_mem>>) src(%dma_wait3A_831 : memref<128x128xf32, #tpu.memory_space<vmem>>) dst(%dma_wait3A_837 : memref<4608x128xf32, #tpu.memory_space<vmem_shared>>)
          %dma_wait3A_838 = arith.constant 2 : i32
          %dma_wait3A_839 = arith.constant 256 : i32
          %dma_wait3A_840 = arith.constant 0 : i32
          %dma_wait3A_841 = tpu.memref_slice %arg24[%dma_wait3A_839, %dma_wait3A_840] : memref<384x128xf32, #tpu.memory_space<vmem>> -> memref<128x128xf32, #tpu.memory_space<vmem>>
          %dma_wait3A_842 = arith.constant 0 : i32
          %dma_wait3A_843 = tpu.memref_slice %arg21[%dma_wait3A_838, %dma_wait3A_842] : memref<3x128xi32, #tpu.memory_space<vmem>> -> memref<1x128xi32, #tpu.memory_space<vmem>>
          %dma_wait3A_844 = tpu.memref_squeeze %dma_wait3A_843 : memref<1x128xi32, #tpu.memory_space<vmem>> -> memref<128xi32, #tpu.memory_space<vmem>>
          %dma_wait3A_845 = arith.constant 0 : i32
          %dma_wait3A_846 = arith.constant 0 : i32
          %dma_wait3A_847 = tpu.memref_slice %arg26[%dma_wait3A_845, %dma_wait3A_846] : memref<4608x128xf32, #tpu.memory_space<vmem_shared>> -> memref<4608x128xf32, #tpu.memory_space<vmem_shared>>
          tpu.wait_indirect_dma semaphore(%arg29 : memref<!tpu.dma_semaphore, #tpu.memory_space<semaphore_mem>>) src(%dma_wait3A_841 : memref<128x128xf32, #tpu.memory_space<vmem>>) dst(%dma_wait3A_847 : memref<4608x128xf32, #tpu.memory_space<vmem_shared>>)
          %dma_wait3A_848 = arith.constant 0 : i32
          %dma_wait3A_849 = arith.constant 0 : i32
          %dma_wait3A_850 = tpu.memref_slice %arg27[%dma_wait3A_848, %dma_wait3A_849] : memref<768x128xf32, #tpu.memory_space<vmem_shared>> -> memref<768x128xf32, #tpu.memory_space<vmem_shared>>
          tpu.wait_indirect_dma semaphore(%arg29 : memref<!tpu.dma_semaphore, #tpu.memory_space<semaphore_mem>>) src(%arg25 : memref<64x128xf32, #tpu.memory_space<vmem>>) dst(%dma_wait3A_850 : memref<768x128xf32, #tpu.memory_space<vmem_shared>>)
        }
      }
      %scan3A_50 = arith.constant 5 : i32
      %barrier3A_51 = arith.constant 0 : index
      tpu.barrier barrier_id(%barrier3A_51)
      %le3A = arith.constant 12 : i32
      %le3A_52 = arith.cmpi sle, %arg1, %le3A : i32
      %lt3A = arith.constant 13 : i32
      %lt3A_53 = arith.cmpi slt, %add3A, %lt3A : i32
      %le3A_54 = arith.constant 14 : i32
      %le3A_55 = arith.cmpi sle, %arg1, %le3A_54 : i32
      %and3A = arith.andi %lt3A_53, %le3A_55 : i1
      %or3A = arith.ori %le3A_52, %and3A : i1
      %convert_element_type3A = arith.extui %or3A : i1 to i32
      %cond3A = arith.constant 0 : i32
      %cond3A_56 = arith.cmpi ne, %convert_element_type3A, %cond3A : i32
      scf.if %cond3A_56 {
        %mul3A_64 = arith.constant 48 : i32
        %mul3A_65 = arith.muli %arg1, %mul3A_64 : i32
        %add3A_66 = arith.constant 0 : i32
        %add3A_67 = arith.addi %add3A_66, %mul3A_65 : i32
        %mul3A_68 = arith.constant 48 : i32
        %mul3A_69 = arith.muli %arg1, %mul3A_68 : i32
        %add3A_70 = arith.addi %mul3A_19, %mul3A_69 : i32
        "tpu.region"() ({
          %run_scoped3A = tpu.sem_alloc : memref<!tpu.dma_semaphore, #tpu.memory_space<semaphore_mem>>
          %dma_start3A = arith.constant 0 : i32
          %dma_start3A_111 = tpu.memref_slice %arg7[%add3A_70, %dma_start3A] : memref<10000x128xf32, #tpu.memory_space<hbm>> -> memref<48x128xf32, #tpu.memory_space<hbm>>
          %dma_start3A_112 = arith.constant 0 : i32
          %dma_start3A_113 = tpu.memref_slice %arg26[%add3A_67, %dma_start3A_112] : memref<4608x128xf32, #tpu.memory_space<vmem_shared>> -> memref<48x128xf32, #tpu.memory_space<vmem_shared>>
          tpu.enqueue_dma source(%dma_start3A_113 : memref<48x128xf32, #tpu.memory_space<vmem_shared>>) target(%dma_start3A_111 : memref<48x128xf32, #tpu.memory_space<hbm>>) target_semaphore(%run_scoped3A : memref<!tpu.dma_semaphore, #tpu.memory_space<semaphore_mem>>)
          %dma_wait3A = arith.constant 0 : i32
          %dma_wait3A_114 = tpu.memref_slice %arg7[%add3A_70, %dma_wait3A] : memref<10000x128xf32, #tpu.memory_space<hbm>> -> memref<48x128xf32, #tpu.memory_space<hbm>>
          %dma_wait3A_115 = arith.constant 0 : i32
          %dma_wait3A_116 = tpu.memref_slice %arg26[%add3A_67, %dma_wait3A_115] : memref<4608x128xf32, #tpu.memory_space<vmem_shared>> -> memref<48x128xf32, #tpu.memory_space<vmem_shared>>
          tpu.wait_dma2 semaphore(%run_scoped3A : memref<!tpu.dma_semaphore, #tpu.memory_space<semaphore_mem>>) src(%dma_wait3A_116 : memref<48x128xf32, #tpu.memory_space<vmem_shared>>) dst(%dma_wait3A_114 : memref<48x128xf32, #tpu.memory_space<hbm>>)
          tpu.yield
        }) : () -> ()
        %mul3A_71 = arith.constant 48 : i32
        %mul3A_72 = arith.muli %arg1, %mul3A_71 : i32
        %add3A_73 = arith.constant 768 : i32
        %add3A_74 = arith.addi %add3A_73, %mul3A_72 : i32
        %mul3A_75 = arith.constant 48 : i32
        %mul3A_76 = arith.muli %arg1, %mul3A_75 : i32
        %add3A_77 = arith.addi %mul3A_19, %mul3A_76 : i32
        "tpu.region"() ({
          %run_scoped3A = tpu.sem_alloc : memref<!tpu.dma_semaphore, #tpu.memory_space<semaphore_mem>>
          %dma_start3A = arith.constant 0 : i32
          %dma_start3A_111 = tpu.memref_slice %arg8[%add3A_77, %dma_start3A] : memref<10000x128xf32, #tpu.memory_space<hbm>> -> memref<48x128xf32, #tpu.memory_space<hbm>>
          %dma_start3A_112 = arith.constant 0 : i32
          %dma_start3A_113 = tpu.memref_slice %arg26[%add3A_74, %dma_start3A_112] : memref<4608x128xf32, #tpu.memory_space<vmem_shared>> -> memref<48x128xf32, #tpu.memory_space<vmem_shared>>
          tpu.enqueue_dma source(%dma_start3A_113 : memref<48x128xf32, #tpu.memory_space<vmem_shared>>) target(%dma_start3A_111 : memref<48x128xf32, #tpu.memory_space<hbm>>) target_semaphore(%run_scoped3A : memref<!tpu.dma_semaphore, #tpu.memory_space<semaphore_mem>>)
          %dma_wait3A = arith.constant 0 : i32
          %dma_wait3A_114 = tpu.memref_slice %arg8[%add3A_77, %dma_wait3A] : memref<10000x128xf32, #tpu.memory_space<hbm>> -> memref<48x128xf32, #tpu.memory_space<hbm>>
          %dma_wait3A_115 = arith.constant 0 : i32
          %dma_wait3A_116 = tpu.memref_slice %arg26[%add3A_74, %dma_wait3A_115] : memref<4608x128xf32, #tpu.memory_space<vmem_shared>> -> memref<48x128xf32, #tpu.memory_space<vmem_shared>>
          tpu.wait_dma2 semaphore(%run_scoped3A : memref<!tpu.dma_semaphore, #tpu.memory_space<semaphore_mem>>) src(%dma_wait3A_116 : memref<48x128xf32, #tpu.memory_space<vmem_shared>>) dst(%dma_wait3A_114 : memref<48x128xf32, #tpu.memory_space<hbm>>)
          tpu.yield
        }) : () -> ()
        %mul3A_78 = arith.constant 48 : i32
        %mul3A_79 = arith.muli %arg1, %mul3A_78 : i32
        %add3A_80 = arith.constant 1536 : i32
        %add3A_81 = arith.addi %add3A_80, %mul3A_79 : i32
        %mul3A_82 = arith.constant 48 : i32
        %mul3A_83 = arith.muli %arg1, %mul3A_82 : i32
        %add3A_84 = arith.addi %mul3A_19, %mul3A_83 : i32
        "tpu.region"() ({
          %run_scoped3A = tpu.sem_alloc : memref<!tpu.dma_semaphore, #tpu.memory_space<semaphore_mem>>
          %dma_start3A = arith.constant 0 : i32
          %dma_start3A_111 = tpu.memref_slice %arg9[%add3A_84, %dma_start3A] : memref<10000x128xf32, #tpu.memory_space<hbm>> -> memref<48x128xf32, #tpu.memory_space<hbm>>
          %dma_start3A_112 = arith.constant 0 : i32
          %dma_start3A_113 = tpu.memref_slice %arg26[%add3A_81, %dma_start3A_112] : memref<4608x128xf32, #tpu.memory_space<vmem_shared>> -> memref<48x128xf32, #tpu.memory_space<vmem_shared>>
          tpu.enqueue_dma source(%dma_start3A_113 : memref<48x128xf32, #tpu.memory_space<vmem_shared>>) target(%dma_start3A_111 : memref<48x128xf32, #tpu.memory_space<hbm>>) target_semaphore(%run_scoped3A : memref<!tpu.dma_semaphore, #tpu.memory_space<semaphore_mem>>)
          %dma_wait3A = arith.constant 0 : i32
          %dma_wait3A_114 = tpu.memref_slice %arg9[%add3A_84, %dma_wait3A] : memref<10000x128xf32, #tpu.memory_space<hbm>> -> memref<48x128xf32, #tpu.memory_space<hbm>>
          %dma_wait3A_115 = arith.constant 0 : i32
          %dma_wait3A_116 = tpu.memref_slice %arg26[%add3A_81, %dma_wait3A_115] : memref<4608x128xf32, #tpu.memory_space<vmem_shared>> -> memref<48x128xf32, #tpu.memory_space<vmem_shared>>
          tpu.wait_dma2 semaphore(%run_scoped3A : memref<!tpu.dma_semaphore, #tpu.memory_space<semaphore_mem>>) src(%dma_wait3A_116 : memref<48x128xf32, #tpu.memory_space<vmem_shared>>) dst(%dma_wait3A_114 : memref<48x128xf32, #tpu.memory_space<hbm>>)
          tpu.yield
        }) : () -> ()
        %mul3A_85 = arith.constant 48 : i32
        %mul3A_86 = arith.muli %arg1, %mul3A_85 : i32
        %add3A_87 = arith.constant 2304 : i32
        %add3A_88 = arith.addi %add3A_87, %mul3A_86 : i32
        %mul3A_89 = arith.constant 48 : i32
        %mul3A_90 = arith.muli %arg1, %mul3A_89 : i32
        %add3A_91 = arith.addi %mul3A_19, %mul3A_90 : i32
        "tpu.region"() ({
          %run_scoped3A = tpu.sem_alloc : memref<!tpu.dma_semaphore, #tpu.memory_space<semaphore_mem>>
          %dma_start3A = arith.constant 0 : i32
          %dma_start3A_111 = tpu.memref_slice %arg10[%add3A_91, %dma_start3A] : memref<10000x128xf32, #tpu.memory_space<hbm>> -> memref<48x128xf32, #tpu.memory_space<hbm>>
          %dma_start3A_112 = arith.constant 0 : i32
          %dma_start3A_113 = tpu.memref_slice %arg26[%add3A_88, %dma_start3A_112] : memref<4608x128xf32, #tpu.memory_space<vmem_shared>> -> memref<48x128xf32, #tpu.memory_space<vmem_shared>>
          tpu.enqueue_dma source(%dma_start3A_113 : memref<48x128xf32, #tpu.memory_space<vmem_shared>>) target(%dma_start3A_111 : memref<48x128xf32, #tpu.memory_space<hbm>>) target_semaphore(%run_scoped3A : memref<!tpu.dma_semaphore, #tpu.memory_space<semaphore_mem>>)
          %dma_wait3A = arith.constant 0 : i32
          %dma_wait3A_114 = tpu.memref_slice %arg10[%add3A_91, %dma_wait3A] : memref<10000x128xf32, #tpu.memory_space<hbm>> -> memref<48x128xf32, #tpu.memory_space<hbm>>
          %dma_wait3A_115 = arith.constant 0 : i32
          %dma_wait3A_116 = tpu.memref_slice %arg26[%add3A_88, %dma_wait3A_115] : memref<4608x128xf32, #tpu.memory_space<vmem_shared>> -> memref<48x128xf32, #tpu.memory_space<vmem_shared>>
          tpu.wait_dma2 semaphore(%run_scoped3A : memref<!tpu.dma_semaphore, #tpu.memory_space<semaphore_mem>>) src(%dma_wait3A_116 : memref<48x128xf32, #tpu.memory_space<vmem_shared>>) dst(%dma_wait3A_114 : memref<48x128xf32, #tpu.memory_space<hbm>>)
          tpu.yield
        }) : () -> ()
        %mul3A_92 = arith.constant 48 : i32
        %mul3A_93 = arith.muli %arg1, %mul3A_92 : i32
        %add3A_94 = arith.constant 3072 : i32
        %add3A_95 = arith.addi %add3A_94, %mul3A_93 : i32
        %mul3A_96 = arith.constant 48 : i32
        %mul3A_97 = arith.muli %arg1, %mul3A_96 : i32
        %add3A_98 = arith.addi %mul3A_19, %mul3A_97 : i32
        "tpu.region"() ({
          %run_scoped3A = tpu.sem_alloc : memref<!tpu.dma_semaphore, #tpu.memory_space<semaphore_mem>>
          %dma_start3A = arith.constant 0 : i32
          %dma_start3A_111 = tpu.memref_slice %arg11[%add3A_98, %dma_start3A] : memref<10000x128xf32, #tpu.memory_space<hbm>> -> memref<48x128xf32, #tpu.memory_space<hbm>>
          %dma_start3A_112 = arith.constant 0 : i32
          %dma_start3A_113 = tpu.memref_slice %arg26[%add3A_95, %dma_start3A_112] : memref<4608x128xf32, #tpu.memory_space<vmem_shared>> -> memref<48x128xf32, #tpu.memory_space<vmem_shared>>
          tpu.enqueue_dma source(%dma_start3A_113 : memref<48x128xf32, #tpu.memory_space<vmem_shared>>) target(%dma_start3A_111 : memref<48x128xf32, #tpu.memory_space<hbm>>) target_semaphore(%run_scoped3A : memref<!tpu.dma_semaphore, #tpu.memory_space<semaphore_mem>>)
          %dma_wait3A = arith.constant 0 : i32
          %dma_wait3A_114 = tpu.memref_slice %arg11[%add3A_98, %dma_wait3A] : memref<10000x128xf32, #tpu.memory_space<hbm>> -> memref<48x128xf32, #tpu.memory_space<hbm>>
          %dma_wait3A_115 = arith.constant 0 : i32
          %dma_wait3A_116 = tpu.memref_slice %arg26[%add3A_95, %dma_wait3A_115] : memref<4608x128xf32, #tpu.memory_space<vmem_shared>> -> memref<48x128xf32, #tpu.memory_space<vmem_shared>>
          tpu.wait_dma2 semaphore(%run_scoped3A : memref<!tpu.dma_semaphore, #tpu.memory_space<semaphore_mem>>) src(%dma_wait3A_116 : memref<48x128xf32, #tpu.memory_space<vmem_shared>>) dst(%dma_wait3A_114 : memref<48x128xf32, #tpu.memory_space<hbm>>)
          tpu.yield
        }) : () -> ()
        %mul3A_99 = arith.constant 48 : i32
        %mul3A_100 = arith.muli %arg1, %mul3A_99 : i32
        %add3A_101 = arith.constant 3840 : i32
        %add3A_102 = arith.addi %add3A_101, %mul3A_100 : i32
        %mul3A_103 = arith.constant 48 : i32
        %mul3A_104 = arith.muli %arg1, %mul3A_103 : i32
        %add3A_105 = arith.addi %mul3A_19, %mul3A_104 : i32
        "tpu.region"() ({
          %run_scoped3A = tpu.sem_alloc : memref<!tpu.dma_semaphore, #tpu.memory_space<semaphore_mem>>
          %dma_start3A = arith.constant 0 : i32
          %dma_start3A_111 = tpu.memref_slice %arg12[%add3A_105, %dma_start3A] : memref<10000x128xf32, #tpu.memory_space<hbm>> -> memref<48x128xf32, #tpu.memory_space<hbm>>
          %dma_start3A_112 = arith.constant 0 : i32
          %dma_start3A_113 = tpu.memref_slice %arg26[%add3A_102, %dma_start3A_112] : memref<4608x128xf32, #tpu.memory_space<vmem_shared>> -> memref<48x128xf32, #tpu.memory_space<vmem_shared>>
          tpu.enqueue_dma source(%dma_start3A_113 : memref<48x128xf32, #tpu.memory_space<vmem_shared>>) target(%dma_start3A_111 : memref<48x128xf32, #tpu.memory_space<hbm>>) target_semaphore(%run_scoped3A : memref<!tpu.dma_semaphore, #tpu.memory_space<semaphore_mem>>)
          %dma_wait3A = arith.constant 0 : i32
          %dma_wait3A_114 = tpu.memref_slice %arg12[%add3A_105, %dma_wait3A] : memref<10000x128xf32, #tpu.memory_space<hbm>> -> memref<48x128xf32, #tpu.memory_space<hbm>>
          %dma_wait3A_115 = arith.constant 0 : i32
          %dma_wait3A_116 = tpu.memref_slice %arg26[%add3A_102, %dma_wait3A_115] : memref<4608x128xf32, #tpu.memory_space<vmem_shared>> -> memref<48x128xf32, #tpu.memory_space<vmem_shared>>
          tpu.wait_dma2 semaphore(%run_scoped3A : memref<!tpu.dma_semaphore, #tpu.memory_space<semaphore_mem>>) src(%dma_wait3A_116 : memref<48x128xf32, #tpu.memory_space<vmem_shared>>) dst(%dma_wait3A_114 : memref<48x128xf32, #tpu.memory_space<hbm>>)
          tpu.yield
        }) : () -> ()
        %mul3A_106 = arith.constant 48 : i32
        %mul3A_107 = arith.muli %arg1, %mul3A_106 : i32
        %mul3A_108 = arith.constant 48 : i32
        %mul3A_109 = arith.muli %arg1, %mul3A_108 : i32
        %add3A_110 = arith.addi %mul3A_19, %mul3A_109 : i32
        "tpu.region"() ({
          %run_scoped3A = tpu.sem_alloc : memref<!tpu.dma_semaphore, #tpu.memory_space<semaphore_mem>>
          %dma_start3A = arith.constant 0 : i32
          %dma_start3A_111 = tpu.memref_slice %arg13[%add3A_110, %dma_start3A] : memref<10000x128xf32, #tpu.memory_space<hbm>> -> memref<48x128xf32, #tpu.memory_space<hbm>>
          %dma_start3A_112 = arith.constant 0 : i32
          %dma_start3A_113 = tpu.memref_slice %arg27[%mul3A_107, %dma_start3A_112] : memref<768x128xf32, #tpu.memory_space<vmem_shared>> -> memref<48x128xf32, #tpu.memory_space<vmem_shared>>
          tpu.enqueue_dma source(%dma_start3A_113 : memref<48x128xf32, #tpu.memory_space<vmem_shared>>) target(%dma_start3A_111 : memref<48x128xf32, #tpu.memory_space<hbm>>) target_semaphore(%run_scoped3A : memref<!tpu.dma_semaphore, #tpu.memory_space<semaphore_mem>>)
          %dma_wait3A = arith.constant 0 : i32
          %dma_wait3A_114 = tpu.memref_slice %arg13[%add3A_110, %dma_wait3A] : memref<10000x128xf32, #tpu.memory_space<hbm>> -> memref<48x128xf32, #tpu.memory_space<hbm>>
          %dma_wait3A_115 = arith.constant 0 : i32
          %dma_wait3A_116 = tpu.memref_slice %arg27[%mul3A_107, %dma_wait3A_115] : memref<768x128xf32, #tpu.memory_space<vmem_shared>> -> memref<48x128xf32, #tpu.memory_space<vmem_shared>>
          tpu.wait_dma2 semaphore(%run_scoped3A : memref<!tpu.dma_semaphore, #tpu.memory_space<semaphore_mem>>) src(%dma_wait3A_116 : memref<48x128xf32, #tpu.memory_space<vmem_shared>>) dst(%dma_wait3A_114 : memref<48x128xf32, #tpu.memory_space<hbm>>)
          tpu.yield
        }) : () -> ()
      } else {
      }
      %eq3A = arith.constant 13 : i32
      %eq3A_57 = arith.cmpi eq, %add3A, %eq3A : i32
      %eq3A_58 = arith.constant 13 : i32
      %eq3A_59 = arith.cmpi eq, %arg1, %eq3A_58 : i32
      %and3A_60 = arith.andi %eq3A_57, %eq3A_59 : i1
      %convert_element_type3A_61 = arith.extui %and3A_60 : i1 to i32
      %cond3A_62 = arith.constant 0 : i32
      %cond3A_63 = arith.cmpi ne, %convert_element_type3A_61, %cond3A_62 : i32
      scf.if %cond3A_63 {
        %add3A_64 = arith.constant 624 : i32
        %add3A_65 = arith.addi %mul3A_19, %add3A_64 : i32
        "tpu.region"() ({
          %run_scoped3A = tpu.sem_alloc : memref<!tpu.dma_semaphore, #tpu.memory_space<semaphore_mem>>
          %dma_start3A = arith.constant 0 : i32
          %dma_start3A_78 = tpu.memref_slice %arg7[%add3A_65, %dma_start3A] : memref<10000x128xf32, #tpu.memory_space<hbm>> -> memref<16x128xf32, #tpu.memory_space<hbm>>
          %dma_start3A_79 = arith.constant 624 : i32
          %dma_start3A_80 = arith.constant 0 : i32
          %dma_start3A_81 = tpu.memref_slice %arg26[%dma_start3A_79, %dma_start3A_80] : memref<4608x128xf32, #tpu.memory_space<vmem_shared>> -> memref<16x128xf32, #tpu.memory_space<vmem_shared>>
          tpu.enqueue_dma source(%dma_start3A_81 : memref<16x128xf32, #tpu.memory_space<vmem_shared>>) target(%dma_start3A_78 : memref<16x128xf32, #tpu.memory_space<hbm>>) target_semaphore(%run_scoped3A : memref<!tpu.dma_semaphore, #tpu.memory_space<semaphore_mem>>)
          %dma_wait3A = arith.constant 0 : i32
          %dma_wait3A_82 = tpu.memref_slice %arg7[%add3A_65, %dma_wait3A] : memref<10000x128xf32, #tpu.memory_space<hbm>> -> memref<16x128xf32, #tpu.memory_space<hbm>>
          %dma_wait3A_83 = arith.constant 624 : i32
          %dma_wait3A_84 = arith.constant 0 : i32
          %dma_wait3A_85 = tpu.memref_slice %arg26[%dma_wait3A_83, %dma_wait3A_84] : memref<4608x128xf32, #tpu.memory_space<vmem_shared>> -> memref<16x128xf32, #tpu.memory_space<vmem_shared>>
          tpu.wait_dma2 semaphore(%run_scoped3A : memref<!tpu.dma_semaphore, #tpu.memory_space<semaphore_mem>>) src(%dma_wait3A_85 : memref<16x128xf32, #tpu.memory_space<vmem_shared>>) dst(%dma_wait3A_82 : memref<16x128xf32, #tpu.memory_space<hbm>>)
          tpu.yield
        }) : () -> ()
        %add3A_66 = arith.constant 624 : i32
        %add3A_67 = arith.addi %mul3A_19, %add3A_66 : i32
        "tpu.region"() ({
          %run_scoped3A = tpu.sem_alloc : memref<!tpu.dma_semaphore, #tpu.memory_space<semaphore_mem>>
          %dma_start3A = arith.constant 0 : i32
          %dma_start3A_78 = tpu.memref_slice %arg8[%add3A_67, %dma_start3A] : memref<10000x128xf32, #tpu.memory_space<hbm>> -> memref<16x128xf32, #tpu.memory_space<hbm>>
          %dma_start3A_79 = arith.constant 1392 : i32
          %dma_start3A_80 = arith.constant 0 : i32
          %dma_start3A_81 = tpu.memref_slice %arg26[%dma_start3A_79, %dma_start3A_80] : memref<4608x128xf32, #tpu.memory_space<vmem_shared>> -> memref<16x128xf32, #tpu.memory_space<vmem_shared>>
          tpu.enqueue_dma source(%dma_start3A_81 : memref<16x128xf32, #tpu.memory_space<vmem_shared>>) target(%dma_start3A_78 : memref<16x128xf32, #tpu.memory_space<hbm>>) target_semaphore(%run_scoped3A : memref<!tpu.dma_semaphore, #tpu.memory_space<semaphore_mem>>)
          %dma_wait3A = arith.constant 0 : i32
          %dma_wait3A_82 = tpu.memref_slice %arg8[%add3A_67, %dma_wait3A] : memref<10000x128xf32, #tpu.memory_space<hbm>> -> memref<16x128xf32, #tpu.memory_space<hbm>>
          %dma_wait3A_83 = arith.constant 1392 : i32
          %dma_wait3A_84 = arith.constant 0 : i32
          %dma_wait3A_85 = tpu.memref_slice %arg26[%dma_wait3A_83, %dma_wait3A_84] : memref<4608x128xf32, #tpu.memory_space<vmem_shared>> -> memref<16x128xf32, #tpu.memory_space<vmem_shared>>
          tpu.wait_dma2 semaphore(%run_scoped3A : memref<!tpu.dma_semaphore, #tpu.memory_space<semaphore_mem>>) src(%dma_wait3A_85 : memref<16x128xf32, #tpu.memory_space<vmem_shared>>) dst(%dma_wait3A_82 : memref<16x128xf32, #tpu.memory_space<hbm>>)
          tpu.yield
        }) : () -> ()
        %add3A_68 = arith.constant 624 : i32
        %add3A_69 = arith.addi %mul3A_19, %add3A_68 : i32
        "tpu.region"() ({
          %run_scoped3A = tpu.sem_alloc : memref<!tpu.dma_semaphore, #tpu.memory_space<semaphore_mem>>
          %dma_start3A = arith.constant 0 : i32
          %dma_start3A_78 = tpu.memref_slice %arg9[%add3A_69, %dma_start3A] : memref<10000x128xf32, #tpu.memory_space<hbm>> -> memref<16x128xf32, #tpu.memory_space<hbm>>
          %dma_start3A_79 = arith.constant 2160 : i32
          %dma_start3A_80 = arith.constant 0 : i32
          %dma_start3A_81 = tpu.memref_slice %arg26[%dma_start3A_79, %dma_start3A_80] : memref<4608x128xf32, #tpu.memory_space<vmem_shared>> -> memref<16x128xf32, #tpu.memory_space<vmem_shared>>
          tpu.enqueue_dma source(%dma_start3A_81 : memref<16x128xf32, #tpu.memory_space<vmem_shared>>) target(%dma_start3A_78 : memref<16x128xf32, #tpu.memory_space<hbm>>) target_semaphore(%run_scoped3A : memref<!tpu.dma_semaphore, #tpu.memory_space<semaphore_mem>>)
          %dma_wait3A = arith.constant 0 : i32
          %dma_wait3A_82 = tpu.memref_slice %arg9[%add3A_69, %dma_wait3A] : memref<10000x128xf32, #tpu.memory_space<hbm>> -> memref<16x128xf32, #tpu.memory_space<hbm>>
          %dma_wait3A_83 = arith.constant 2160 : i32
          %dma_wait3A_84 = arith.constant 0 : i32
          %dma_wait3A_85 = tpu.memref_slice %arg26[%dma_wait3A_83, %dma_wait3A_84] : memref<4608x128xf32, #tpu.memory_space<vmem_shared>> -> memref<16x128xf32, #tpu.memory_space<vmem_shared>>
          tpu.wait_dma2 semaphore(%run_scoped3A : memref<!tpu.dma_semaphore, #tpu.memory_space<semaphore_mem>>) src(%dma_wait3A_85 : memref<16x128xf32, #tpu.memory_space<vmem_shared>>) dst(%dma_wait3A_82 : memref<16x128xf32, #tpu.memory_space<hbm>>)
          tpu.yield
        }) : () -> ()
        %add3A_70 = arith.constant 624 : i32
        %add3A_71 = arith.addi %mul3A_19, %add3A_70 : i32
        "tpu.region"() ({
          %run_scoped3A = tpu.sem_alloc : memref<!tpu.dma_semaphore, #tpu.memory_space<semaphore_mem>>
          %dma_start3A = arith.constant 0 : i32
          %dma_start3A_78 = tpu.memref_slice %arg10[%add3A_71, %dma_start3A] : memref<10000x128xf32, #tpu.memory_space<hbm>> -> memref<16x128xf32, #tpu.memory_space<hbm>>
          %dma_start3A_79 = arith.constant 2928 : i32
          %dma_start3A_80 = arith.constant 0 : i32
          %dma_start3A_81 = tpu.memref_slice %arg26[%dma_start3A_79, %dma_start3A_80] : memref<4608x128xf32, #tpu.memory_space<vmem_shared>> -> memref<16x128xf32, #tpu.memory_space<vmem_shared>>
          tpu.enqueue_dma source(%dma_start3A_81 : memref<16x128xf32, #tpu.memory_space<vmem_shared>>) target(%dma_start3A_78 : memref<16x128xf32, #tpu.memory_space<hbm>>) target_semaphore(%run_scoped3A : memref<!tpu.dma_semaphore, #tpu.memory_space<semaphore_mem>>)
          %dma_wait3A = arith.constant 0 : i32
          %dma_wait3A_82 = tpu.memref_slice %arg10[%add3A_71, %dma_wait3A] : memref<10000x128xf32, #tpu.memory_space<hbm>> -> memref<16x128xf32, #tpu.memory_space<hbm>>
          %dma_wait3A_83 = arith.constant 2928 : i32
          %dma_wait3A_84 = arith.constant 0 : i32
          %dma_wait3A_85 = tpu.memref_slice %arg26[%dma_wait3A_83, %dma_wait3A_84] : memref<4608x128xf32, #tpu.memory_space<vmem_shared>> -> memref<16x128xf32, #tpu.memory_space<vmem_shared>>
          tpu.wait_dma2 semaphore(%run_scoped3A : memref<!tpu.dma_semaphore, #tpu.memory_space<semaphore_mem>>) src(%dma_wait3A_85 : memref<16x128xf32, #tpu.memory_space<vmem_shared>>) dst(%dma_wait3A_82 : memref<16x128xf32, #tpu.memory_space<hbm>>)
          tpu.yield
        }) : () -> ()
        %add3A_72 = arith.constant 624 : i32
        %add3A_73 = arith.addi %mul3A_19, %add3A_72 : i32
        "tpu.region"() ({
          %run_scoped3A = tpu.sem_alloc : memref<!tpu.dma_semaphore, #tpu.memory_space<semaphore_mem>>
          %dma_start3A = arith.constant 0 : i32
          %dma_start3A_78 = tpu.memref_slice %arg11[%add3A_73, %dma_start3A] : memref<10000x128xf32, #tpu.memory_space<hbm>> -> memref<16x128xf32, #tpu.memory_space<hbm>>
          %dma_start3A_79 = arith.constant 3696 : i32
          %dma_start3A_80 = arith.constant 0 : i32
          %dma_start3A_81 = tpu.memref_slice %arg26[%dma_start3A_79, %dma_start3A_80] : memref<4608x128xf32, #tpu.memory_space<vmem_shared>> -> memref<16x128xf32, #tpu.memory_space<vmem_shared>>
          tpu.enqueue_dma source(%dma_start3A_81 : memref<16x128xf32, #tpu.memory_space<vmem_shared>>) target(%dma_start3A_78 : memref<16x128xf32, #tpu.memory_space<hbm>>) target_semaphore(%run_scoped3A : memref<!tpu.dma_semaphore, #tpu.memory_space<semaphore_mem>>)
          %dma_wait3A = arith.constant 0 : i32
          %dma_wait3A_82 = tpu.memref_slice %arg11[%add3A_73, %dma_wait3A] : memref<10000x128xf32, #tpu.memory_space<hbm>> -> memref<16x128xf32, #tpu.memory_space<hbm>>
          %dma_wait3A_83 = arith.constant 3696 : i32
          %dma_wait3A_84 = arith.constant 0 : i32
          %dma_wait3A_85 = tpu.memref_slice %arg26[%dma_wait3A_83, %dma_wait3A_84] : memref<4608x128xf32, #tpu.memory_space<vmem_shared>> -> memref<16x128xf32, #tpu.memory_space<vmem_shared>>
          tpu.wait_dma2 semaphore(%run_scoped3A : memref<!tpu.dma_semaphore, #tpu.memory_space<semaphore_mem>>) src(%dma_wait3A_85 : memref<16x128xf32, #tpu.memory_space<vmem_shared>>) dst(%dma_wait3A_82 : memref<16x128xf32, #tpu.memory_space<hbm>>)
          tpu.yield
        }) : () -> ()
        %add3A_74 = arith.constant 624 : i32
        %add3A_75 = arith.addi %mul3A_19, %add3A_74 : i32
        "tpu.region"() ({
          %run_scoped3A = tpu.sem_alloc : memref<!tpu.dma_semaphore, #tpu.memory_space<semaphore_mem>>
          %dma_start3A = arith.constant 0 : i32
          %dma_start3A_78 = tpu.memref_slice %arg12[%add3A_75, %dma_start3A] : memref<10000x128xf32, #tpu.memory_space<hbm>> -> memref<16x128xf32, #tpu.memory_space<hbm>>
          %dma_start3A_79 = arith.constant 4464 : i32
          %dma_start3A_80 = arith.constant 0 : i32
          %dma_start3A_81 = tpu.memref_slice %arg26[%dma_start3A_79, %dma_start3A_80] : memref<4608x128xf32, #tpu.memory_space<vmem_shared>> -> memref<16x128xf32, #tpu.memory_space<vmem_shared>>
          tpu.enqueue_dma source(%dma_start3A_81 : memref<16x128xf32, #tpu.memory_space<vmem_shared>>) target(%dma_start3A_78 : memref<16x128xf32, #tpu.memory_space<hbm>>) target_semaphore(%run_scoped3A : memref<!tpu.dma_semaphore, #tpu.memory_space<semaphore_mem>>)
          %dma_wait3A = arith.constant 0 : i32
          %dma_wait3A_82 = tpu.memref_slice %arg12[%add3A_75, %dma_wait3A] : memref<10000x128xf32, #tpu.memory_space<hbm>> -> memref<16x128xf32, #tpu.memory_space<hbm>>
          %dma_wait3A_83 = arith.constant 4464 : i32
          %dma_wait3A_84 = arith.constant 0 : i32
          %dma_wait3A_85 = tpu.memref_slice %arg26[%dma_wait3A_83, %dma_wait3A_84] : memref<4608x128xf32, #tpu.memory_space<vmem_shared>> -> memref<16x128xf32, #tpu.memory_space<vmem_shared>>
          tpu.wait_dma2 semaphore(%run_scoped3A : memref<!tpu.dma_semaphore, #tpu.memory_space<semaphore_mem>>) src(%dma_wait3A_85 : memref<16x128xf32, #tpu.memory_space<vmem_shared>>) dst(%dma_wait3A_82 : memref<16x128xf32, #tpu.memory_space<hbm>>)
          tpu.yield
        }) : () -> ()
        %add3A_76 = arith.constant 624 : i32
        %add3A_77 = arith.addi %mul3A_19, %add3A_76 : i32
        "tpu.region"() ({
          %run_scoped3A = tpu.sem_alloc : memref<!tpu.dma_semaphore, #tpu.memory_space<semaphore_mem>>
          %dma_start3A = arith.constant 0 : i32
          %dma_start3A_78 = tpu.memref_slice %arg13[%add3A_77, %dma_start3A] : memref<10000x128xf32, #tpu.memory_space<hbm>> -> memref<16x128xf32, #tpu.memory_space<hbm>>
          %dma_start3A_79 = arith.constant 624 : i32
          %dma_start3A_80 = arith.constant 0 : i32
          %dma_start3A_81 = tpu.memref_slice %arg27[%dma_start3A_79, %dma_start3A_80] : memref<768x128xf32, #tpu.memory_space<vmem_shared>> -> memref<16x128xf32, #tpu.memory_space<vmem_shared>>
          tpu.enqueue_dma source(%dma_start3A_81 : memref<16x128xf32, #tpu.memory_space<vmem_shared>>) target(%dma_start3A_78 : memref<16x128xf32, #tpu.memory_space<hbm>>) target_semaphore(%run_scoped3A : memref<!tpu.dma_semaphore, #tpu.memory_space<semaphore_mem>>)
          %dma_wait3A = arith.constant 0 : i32
          %dma_wait3A_82 = tpu.memref_slice %arg13[%add3A_77, %dma_wait3A] : memref<10000x128xf32, #tpu.memory_space<hbm>> -> memref<16x128xf32, #tpu.memory_space<hbm>>
          %dma_wait3A_83 = arith.constant 624 : i32
          %dma_wait3A_84 = arith.constant 0 : i32
          %dma_wait3A_85 = tpu.memref_slice %arg27[%dma_wait3A_83, %dma_wait3A_84] : memref<768x128xf32, #tpu.memory_space<vmem_shared>> -> memref<16x128xf32, #tpu.memory_space<vmem_shared>>
          tpu.wait_dma2 semaphore(%run_scoped3A : memref<!tpu.dma_semaphore, #tpu.memory_space<semaphore_mem>>) src(%dma_wait3A_85 : memref<16x128xf32, #tpu.memory_space<vmem_shared>>) dst(%dma_wait3A_82 : memref<16x128xf32, #tpu.memory_space<hbm>>)
          tpu.yield
        }) : () -> ()
      } else {
      }
    }
    %scan3A_15 = arith.constant 7 : i32
    return
  }
}

#map = affine_map<(d0, d1) -> (0)>
#map1 = affine_map<(d0, d1) -> (0, 0)>
module attributes {stable_mosaic.version = 14 : i64} {
  func.func @_sc_edges(%arg0: i32, %arg1: i32, %arg2: memref<204800xi32, #tpu.memory_space<hbm>>, %arg3: memref<204800xi32, #tpu.memory_space<hbm>>, %arg4: memref<10000x128xf32, #tpu.memory_space<hbm>>, %arg5: memref<60000x128xf32, #tpu.memory_space<hbm>>, %arg6: memref<48x128xf32, #tpu.memory_space<hbm>>, %arg7: memref<10000x128xf32, #tpu.memory_space<hbm>>, %arg8: memref<10000x128xf32, #tpu.memory_space<hbm>>, %arg9: memref<10000x128xf32, #tpu.memory_space<hbm>>, %arg10: memref<10000x128xf32, #tpu.memory_space<hbm>>, %arg11: memref<10000x128xf32, #tpu.memory_space<hbm>>, %arg12: memref<10000x128xf32, #tpu.memory_space<hbm>>, %arg13: memref<10000x128xf32, #tpu.memory_space<hbm>>, %arg14: memref<2560xi32, #tpu.memory_space<vmem>>, %arg15: memref<2560xi32, #tpu.memory_space<vmem>>, %arg16: memref<2656xi32, #tpu.memory_space<vmem>>, %arg17: memref<2656xi32, #tpu.memory_space<vmem>>, %arg18: memref<2656xi32, #tpu.memory_space<vmem>>, %arg19: memref<64xi32, #tpu.memory_space<vmem>>, %arg20: memref<3x128xi32, #tpu.memory_space<vmem>>, %arg21: memref<3x128xi32, #tpu.memory_space<vmem>>, %arg22: memref<64x128xf32, #tpu.memory_space<vmem>>, %arg23: memref<64x128xf32, #tpu.memory_space<vmem>>, %arg24: memref<384x128xf32, #tpu.memory_space<vmem>>, %arg25: memref<64x128xf32, #tpu.memory_space<vmem>>, %arg26: memref<4608x128xf32, #tpu.memory_space<vmem_shared>>, %arg27: memref<768x128xf32, #tpu.memory_space<vmem_shared>>, %arg28: memref<!tpu.dma_semaphore, #tpu.memory_space<semaphore_mem>>, %arg29: memref<!tpu.dma_semaphore, #tpu.memory_space<semaphore_mem>>, %arg30: memref<!tpu.dma_semaphore, #tpu.memory_space<semaphore_mem>>) attributes {dimension_semantics = [#tpu.dimension_semantics<core_parallel>, #tpu.dimension_semantics<subcore_parallel>], iteration_bounds = array<i64: 2, 16>, scalar_prefetch = 0 : i64, scratch_operands = 17 : i64, tpu.core_type = #tpu.core_type<sc_vector_subcore>, window_params = [{transform_indices = #map}, {transform_indices = #map}, {transform_indices = #map1}, {transform_indices = #map1}, {transform_indices = #map1}, {transform_indices = #map1}, {transform_indices = #map1}, {transform_indices = #map1}, {transform_indices = #map1}, {transform_indices = #map1}, {transform_indices = #map1}, {transform_indices = #map1}]} {
    %iota3A = tpu.iota {dimensions = array<i32: 0>} : vector<16xi32>
    %broadcast_in_dim3A = arith.constant 1 : i32
    %broadcast_in_dim3A_0 = vector.broadcast %broadcast_in_dim3A : i32 to vector<16xi32>
    %broadcast_in_dim3A_1 = arith.constant 0 : i32
    %broadcast_in_dim3A_2 = vector.broadcast %broadcast_in_dim3A_1 : i32 to vector<16xi32>
    %broadcast_in_dim3A_3 = arith.constant 0.000000e+00 : f32
    %broadcast_in_dim3A_4 = vector.broadcast %broadcast_in_dim3A_3 : f32 to vector<16xf32>
    %scan3A = arith.constant 0 : i32
    %scan3A_5 = arith.constant 0 : i32
    %scan3A_6 = arith.constant 64 : i32
    %scan3A_7 = arith.addi %scan3A_5, %scan3A_6 : i32
    %scan3A_8 = arith.constant 1 : i32
    scf.for %scan3A_16 = %scan3A_5 to %scan3A_7 step %scan3A_8  : i32 {
      %swap3A = arith.index_cast %scan3A_16 : i32 to index
      %swap3A_17 = arith.constant 0 : index
      %swap3A_18 = tpu.vector_load %arg25[%swap3A, %swap3A_17] {strides = array<i32>} : memref<64x128xf32, #tpu.memory_space<vmem>>, vector<16xf32>,
      tpu.vector_store %arg25[%swap3A, %swap3A_17], %broadcast_in_dim3A_4 {strides = array<i32>} : memref<64x128xf32, #tpu.memory_space<vmem>>, vector<16xf32>,
      %swap3A_19 = arith.index_cast %scan3A_16 : i32 to index
      %swap3A_20 = arith.constant 16 : index
      %swap3A_21 = tpu.vector_load %arg25[%swap3A_19, %swap3A_20] {strides = array<i32>} : memref<64x128xf32, #tpu.memory_space<vmem>>, vector<16xf32>,
      tpu.vector_store %arg25[%swap3A_19, %swap3A_20], %broadcast_in_dim3A_4 {strides = array<i32>} : memref<64x128xf32, #tpu.memory_space<vmem>>, vector<16xf32>,
      %swap3A_22 = arith.index_cast %scan3A_16 : i32 to index
      %swap3A_23 = arith.constant 32 : index
      %swap3A_24 = tpu.vector_load %arg25[%swap3A_22, %swap3A_23] {strides = array<i32>} : memref<64x128xf32, #tpu.memory_space<vmem>>, vector<16xf32>,
      tpu.vector_store %arg25[%swap3A_22, %swap3A_23], %broadcast_in_dim3A_4 {strides = array<i32>} : memref<64x128xf32, #tpu.memory_space<vmem>>, vector<16xf32>,
      %swap3A_25 = arith.index_cast %scan3A_16 : i32 to index
      %swap3A_26 = arith.constant 48 : index
      %swap3A_27 = tpu.vector_load %arg25[%swap3A_25, %swap3A_26] {strides = array<i32>} : memref<64x128xf32, #tpu.memory_space<vmem>>, vector<16xf32>,
      tpu.vector_store %arg25[%swap3A_25, %swap3A_26], %broadcast_in_dim3A_4 {strides = array<i32>} : memref<64x128xf32, #tpu.memory_space<vmem>>, vector<16xf32>,
      %swap3A_28 = arith.index_cast %scan3A_16 : i32 to index
      %swap3A_29 = arith.constant 64 : index
      %swap3A_30 = tpu.vector_load %arg25[%swap3A_28, %swap3A_29] {strides = array<i32>} : memref<64x128xf32, #tpu.memory_space<vmem>>, vector<16xf32>,
      tpu.vector_store %arg25[%swap3A_28, %swap3A_29], %broadcast_in_dim3A_4 {strides = array<i32>} : memref<64x128xf32, #tpu.memory_space<vmem>>, vector<16xf32>,
      %swap3A_31 = arith.index_cast %scan3A_16 : i32 to index
      %swap3A_32 = arith.constant 80 : index
      %swap3A_33 = tpu.vector_load %arg25[%swap3A_31, %swap3A_32] {strides = array<i32>} : memref<64x128xf32, #tpu.memory_space<vmem>>, vector<16xf32>,
      tpu.vector_store %arg25[%swap3A_31, %swap3A_32], %broadcast_in_dim3A_4 {strides = array<i32>} : memref<64x128xf32, #tpu.memory_space<vmem>>, vector<16xf32>,
      %swap3A_34 = arith.index_cast %scan3A_16 : i32 to index
      %swap3A_35 = arith.constant 96 : index
      %swap3A_36 = tpu.vector_load %arg25[%swap3A_34, %swap3A_35] {strides = array<i32>} : memref<64x128xf32, #tpu.memory_space<vmem>>, vector<16xf32>,
      tpu.vector_store %arg25[%swap3A_34, %swap3A_35], %broadcast_in_dim3A_4 {strides = array<i32>} : memref<64x128xf32, #tpu.memory_space<vmem>>, vector<16xf32>,
      %swap3A_37 = arith.index_cast %scan3A_16 : i32 to index
      %swap3A_38 = arith.constant 112 : index
      %swap3A_39 = tpu.vector_load %arg25[%swap3A_37, %swap3A_38] {strides = array<i32>} : memref<64x128xf32, #tpu.memory_space<vmem>>, vector<16xf32>,
      tpu.vector_store %arg25[%swap3A_37, %swap3A_38], %broadcast_in_dim3A_4 {strides = array<i32>} : memref<64x128xf32, #tpu.memory_space<vmem>>, vector<16xf32>,
    }
    %scan3A_9 = arith.constant 64 : i32
    %scan3A_10 = arith.constant 0 : i32
    %scan3A_11 = arith.constant 0 : i32
    %scan3A_12 = arith.constant 7 : i32
    %scan3A_13 = arith.addi %scan3A_11, %scan3A_12 : i32
    %scan3A_14 = arith.constant 1 : i32
    scf.for %scan3A_16 = %scan3A_11 to %scan3A_13 step %scan3A_14  : i32 {
      %mul3A = arith.constant 7 : i32
      %mul3A_17 = arith.muli %arg0, %mul3A : i32
      %add3A = arith.addi %mul3A_17, %scan3A_16 : i32
      %mul3A_18 = arith.constant 720 : i32
      %mul3A_19 = arith.muli %add3A, %mul3A_18 : i32
      %mul3A_20 = arith.constant 48 : i32
      %mul3A_21 = arith.muli %arg1, %mul3A_20 : i32
      %add3A_22 = arith.constant 0 : i32
      %add3A_23 = arith.addi %add3A_22, %mul3A_21 : i32
      "tpu.region"() ({
        %run_scoped3A = tpu.sem_alloc : memref<!tpu.dma_semaphore, #tpu.memory_space<semaphore_mem>>
        %dma_start3A = arith.constant 0 : i32
        %dma_start3A_64 = tpu.memref_slice %arg26[%add3A_23, %dma_start3A] : memref<4608x128xf32, #tpu.memory_space<vmem_shared>> -> memref<48x128xf32, #tpu.memory_space<vmem_shared>>
        tpu.enqueue_dma source(%arg6 : memref<48x128xf32, #tpu.memory_space<hbm>>) target(%dma_start3A_64 : memref<48x128xf32, #tpu.memory_space<vmem_shared>>) target_semaphore(%run_scoped3A : memref<!tpu.dma_semaphore, #tpu.memory_space<semaphore_mem>>)
        %dma_wait3A = arith.constant 0 : i32
        %dma_wait3A_65 = tpu.memref_slice %arg26[%add3A_23, %dma_wait3A] : memref<4608x128xf32, #tpu.memory_space<vmem_shared>> -> memref<48x128xf32, #tpu.memory_space<vmem_shared>>
        tpu.wait_dma2 semaphore(%run_scoped3A : memref<!tpu.dma_semaphore, #tpu.memory_space<semaphore_mem>>) src(%arg6 : memref<48x128xf32, #tpu.memory_space<hbm>>) dst(%dma_wait3A_65 : memref<48x128xf32, #tpu.memory_space<vmem_shared>>)
        tpu.yield
      }) : () -> ()
      %mul3A_24 = arith.constant 48 : i32
      %mul3A_25 = arith.muli %arg1, %mul3A_24 : i32
      %add3A_26 = arith.constant 768 : i32
      %add3A_27 = arith.addi %add3A_26, %mul3A_25 : i32
      "tpu.region"() ({
        %run_scoped3A = tpu.sem_alloc : memref<!tpu.dma_semaphore, #tpu.memory_space<semaphore_mem>>
        %dma_start3A = arith.constant 0 : i32
        %dma_start3A_64 = tpu.memref_slice %arg26[%add3A_27, %dma_start3A] : memref<4608x128xf32, #tpu.memory_space<vmem_shared>> -> memref<48x128xf32, #tpu.memory_space<vmem_shared>>
        tpu.enqueue_dma source(%arg6 : memref<48x128xf32, #tpu.memory_space<hbm>>) target(%dma_start3A_64 : memref<48x128xf32, #tpu.memory_space<vmem_shared>>) target_semaphore(%run_scoped3A : memref<!tpu.dma_semaphore, #tpu.memory_space<semaphore_mem>>)
        %dma_wait3A = arith.constant 0 : i32
        %dma_wait3A_65 = tpu.memref_slice %arg26[%add3A_27, %dma_wait3A] : memref<4608x128xf32, #tpu.memory_space<vmem_shared>> -> memref<48x128xf32, #tpu.memory_space<vmem_shared>>
        tpu.wait_dma2 semaphore(%run_scoped3A : memref<!tpu.dma_semaphore, #tpu.memory_space<semaphore_mem>>) src(%arg6 : memref<48x128xf32, #tpu.memory_space<hbm>>) dst(%dma_wait3A_65 : memref<48x128xf32, #tpu.memory_space<vmem_shared>>)
        tpu.yield
      }) : () -> ()
      %mul3A_28 = arith.constant 48 : i32
      %mul3A_29 = arith.muli %arg1, %mul3A_28 : i32
      %add3A_30 = arith.constant 1536 : i32
      %add3A_31 = arith.addi %add3A_30, %mul3A_29 : i32
      "tpu.region"() ({
        %run_scoped3A = tpu.sem_alloc : memref<!tpu.dma_semaphore, #tpu.memory_space<semaphore_mem>>
        %dma_start3A = arith.constant 0 : i32
        %dma_start3A_64 = tpu.memref_slice %arg26[%add3A_31, %dma_start3A] : memref<4608x128xf32, #tpu.memory_space<vmem_shared>> -> memref<48x128xf32, #tpu.memory_space<vmem_shared>>
        tpu.enqueue_dma source(%arg6 : memref<48x128xf32, #tpu.memory_space<hbm>>) target(%dma_start3A_64 : memref<48x128xf32, #tpu.memory_space<vmem_shared>>) target_semaphore(%run_scoped3A : memref<!tpu.dma_semaphore, #tpu.memory_space<semaphore_mem>>)
        %dma_wait3A = arith.constant 0 : i32
        %dma_wait3A_65 = tpu.memref_slice %arg26[%add3A_31, %dma_wait3A] : memref<4608x128xf32, #tpu.memory_space<vmem_shared>> -> memref<48x128xf32, #tpu.memory_space<vmem_shared>>
        tpu.wait_dma2 semaphore(%run_scoped3A : memref<!tpu.dma_semaphore, #tpu.memory_space<semaphore_mem>>) src(%arg6 : memref<48x128xf32, #tpu.memory_space<hbm>>) dst(%dma_wait3A_65 : memref<48x128xf32, #tpu.memory_space<vmem_shared>>)
        tpu.yield
      }) : () -> ()
      %mul3A_32 = arith.constant 48 : i32
      %mul3A_33 = arith.muli %arg1, %mul3A_32 : i32
      %add3A_34 = arith.constant 2304 : i32
      %add3A_35 = arith.addi %add3A_34, %mul3A_33 : i32
      "tpu.region"() ({
        %run_scoped3A = tpu.sem_alloc : memref<!tpu.dma_semaphore, #tpu.memory_space<semaphore_mem>>
        %dma_start3A = arith.constant 0 : i32
        %dma_start3A_64 = tpu.memref_slice %arg26[%add3A_35, %dma_start3A] : memref<4608x128xf32, #tpu.memory_space<vmem_shared>> -> memref<48x128xf32, #tpu.memory_space<vmem_shared>>
        tpu.enqueue_dma source(%arg6 : memref<48x128xf32, #tpu.memory_space<hbm>>) target(%dma_start3A_64 : memref<48x128xf32, #tpu.memory_space<vmem_shared>>) target_semaphore(%run_scoped3A : memref<!tpu.dma_semaphore, #tpu.memory_space<semaphore_mem>>)
        %dma_wait3A = arith.constant 0 : i32
        %dma_wait3A_65 = tpu.memref_slice %arg26[%add3A_35, %dma_wait3A] : memref<4608x128xf32, #tpu.memory_space<vmem_shared>> -> memref<48x128xf32, #tpu.memory_space<vmem_shared>>
        tpu.wait_dma2 semaphore(%run_scoped3A : memref<!tpu.dma_semaphore, #tpu.memory_space<semaphore_mem>>) src(%arg6 : memref<48x128xf32, #tpu.memory_space<hbm>>) dst(%dma_wait3A_65 : memref<48x128xf32, #tpu.memory_space<vmem_shared>>)
        tpu.yield
      }) : () -> ()
      %mul3A_36 = arith.constant 48 : i32
      %mul3A_37 = arith.muli %arg1, %mul3A_36 : i32
      %add3A_38 = arith.constant 3072 : i32
      %add3A_39 = arith.addi %add3A_38, %mul3A_37 : i32
      "tpu.region"() ({
        %run_scoped3A = tpu.sem_alloc : memref<!tpu.dma_semaphore, #tpu.memory_space<semaphore_mem>>
        %dma_start3A = arith.constant 0 : i32
        %dma_start3A_64 = tpu.memref_slice %arg26[%add3A_39, %dma_start3A] : memref<4608x128xf32, #tpu.memory_space<vmem_shared>> -> memref<48x128xf32, #tpu.memory_space<vmem_shared>>
        tpu.enqueue_dma source(%arg6 : memref<48x128xf32, #tpu.memory_space<hbm>>) target(%dma_start3A_64 : memref<48x128xf32, #tpu.memory_space<vmem_shared>>) target_semaphore(%run_scoped3A : memref<!tpu.dma_semaphore, #tpu.memory_space<semaphore_mem>>)
        %dma_wait3A = arith.constant 0 : i32
        %dma_wait3A_65 = tpu.memref_slice %arg26[%add3A_39, %dma_wait3A] : memref<4608x128xf32, #tpu.memory_space<vmem_shared>> -> memref<48x128xf32, #tpu.memory_space<vmem_shared>>
        tpu.wait_dma2 semaphore(%run_scoped3A : memref<!tpu.dma_semaphore, #tpu.memory_space<semaphore_mem>>) src(%arg6 : memref<48x128xf32, #tpu.memory_space<hbm>>) dst(%dma_wait3A_65 : memref<48x128xf32, #tpu.memory_space<vmem_shared>>)
        tpu.yield
      }) : () -> ()
      %mul3A_40 = arith.constant 48 : i32
      %mul3A_41 = arith.muli %arg1, %mul3A_40 : i32
      %add3A_42 = arith.constant 3840 : i32
      %add3A_43 = arith.addi %add3A_42, %mul3A_41 : i32
      "tpu.region"() ({
        %run_scoped3A = tpu.sem_alloc : memref<!tpu.dma_semaphore, #tpu.memory_space<semaphore_mem>>
        %dma_start3A = arith.constant 0 : i32
        %dma_start3A_64 = tpu.memref_slice %arg26[%add3A_43, %dma_start3A] : memref<4608x128xf32, #tpu.memory_space<vmem_shared>> -> memref<48x128xf32, #tpu.memory_space<vmem_shared>>
        tpu.enqueue_dma source(%arg6 : memref<48x128xf32, #tpu.memory_space<hbm>>) target(%dma_start3A_64 : memref<48x128xf32, #tpu.memory_space<vmem_shared>>) target_semaphore(%run_scoped3A : memref<!tpu.dma_semaphore, #tpu.memory_space<semaphore_mem>>)
        %dma_wait3A = arith.constant 0 : i32
        %dma_wait3A_65 = tpu.memref_slice %arg26[%add3A_43, %dma_wait3A] : memref<4608x128xf32, #tpu.memory_space<vmem_shared>> -> memref<48x128xf32, #tpu.memory_space<vmem_shared>>
        tpu.wait_dma2 semaphore(%run_scoped3A : memref<!tpu.dma_semaphore, #tpu.memory_space<semaphore_mem>>) src(%arg6 : memref<48x128xf32, #tpu.memory_space<hbm>>) dst(%dma_wait3A_65 : memref<48x128xf32, #tpu.memory_space<vmem_shared>>)
        tpu.yield
      }) : () -> ()
      %mul3A_44 = arith.constant 48 : i32
      %mul3A_45 = arith.muli %arg1, %mul3A_44 : i32
      "tpu.region"() ({
        %run_scoped3A = tpu.sem_alloc : memref<!tpu.dma_semaphore, #tpu.memory_space<semaphore_mem>>
        %dma_start3A = arith.constant 0 : i32
        %dma_start3A_64 = tpu.memref_slice %arg27[%mul3A_45, %dma_start3A] : memref<768x128xf32, #tpu.memory_space<vmem_shared>> -> memref<48x128xf32, #tpu.memory_space<vmem_shared>>
        tpu.enqueue_dma source(%arg6 : memref<48x128xf32, #tpu.memory_space<hbm>>) target(%dma_start3A_64 : memref<48x128xf32, #tpu.memory_space<vmem_shared>>) target_semaphore(%run_scoped3A : memref<!tpu.dma_semaphore, #tpu.memory_space<semaphore_mem>>)
        %dma_wait3A = arith.constant 0 : i32
        %dma_wait3A_65 = tpu.memref_slice %arg27[%mul3A_45, %dma_wait3A] : memref<768x128xf32, #tpu.memory_space<vmem_shared>> -> memref<48x128xf32, #tpu.memory_space<vmem_shared>>
        tpu.wait_dma2 semaphore(%run_scoped3A : memref<!tpu.dma_semaphore, #tpu.memory_space<semaphore_mem>>) src(%arg6 : memref<48x128xf32, #tpu.memory_space<hbm>>) dst(%dma_wait3A_65 : memref<48x128xf32, #tpu.memory_space<vmem_shared>>)
        tpu.yield
      }) : () -> ()
      %barrier3A = arith.constant 0 : index
      tpu.barrier barrier_id(%barrier3A)
      %scan3A_46 = arith.constant 0 : i32
      %scan3A_47 = arith.constant 5 : i32
      %scan3A_48 = arith.addi %scan3A_46, %scan3A_47 : i32
      %scan3A_49 = arith.constant 1 : i32
      scf.for %scan3A_64 = %scan3A_46 to %scan3A_48 step %scan3A_49  : i32 {
        %mul3A_65 = arith.constant 16 : i32
        %mul3A_66 = arith.muli %scan3A_64, %mul3A_65 : i32
        %add3A_67 = arith.addi %mul3A_66, %arg1 : i32
        %mul3A_68 = arith.constant 2560 : i32
        %mul3A_69 = arith.muli %add3A_67, %mul3A_68 : i32
        %multiple_of3A = tpu.assume_multiple %mul3A_69, 2560 : i32
        "tpu.region"() ({
          %run_scoped3A = tpu.sem_alloc : memref<!tpu.dma_semaphore, #tpu.memory_space<semaphore_mem>>
          %dma_start3A = tpu.memref_slice %arg2[%multiple_of3A] : memref<204800xi32, #tpu.memory_space<hbm>> -> memref<2560xi32, #tpu.memory_space<hbm>>
          %dma_start3A_115 = tpu.memref_slice %arg2[%multiple_of3A] : memref<204800xi32, #tpu.memory_space<hbm>> -> memref<2560xi32, #tpu.memory_space<hbm>>
          tpu.enqueue_dma source(%dma_start3A_115 : memref<2560xi32, #tpu.memory_space<hbm>>) target(%arg14 : memref<2560xi32, #tpu.memory_space<vmem>>) target_semaphore(%run_scoped3A : memref<!tpu.dma_semaphore, #tpu.memory_space<semaphore_mem>>)
          %dma_wait3A = tpu.memref_slice %arg2[%multiple_of3A] : memref<204800xi32, #tpu.memory_space<hbm>> -> memref<2560xi32, #tpu.memory_space<hbm>>
          %dma_wait3A_116 = tpu.memref_slice %arg2[%multiple_of3A] : memref<204800xi32, #tpu.memory_space<hbm>> -> memref<2560xi32, #tpu.memory_space<hbm>>
          tpu.wait_dma2 semaphore(%run_scoped3A : memref<!tpu.dma_semaphore, #tpu.memory_space<semaphore_mem>>) src(%dma_wait3A_116 : memref<2560xi32, #tpu.memory_space<hbm>>) dst(%arg14 : memref<2560xi32, #tpu.memory_space<vmem>>)
          tpu.yield
        }) : () -> ()
        "tpu.region"() ({
          %run_scoped3A = tpu.sem_alloc : memref<!tpu.dma_semaphore, #tpu.memory_space<semaphore_mem>>
          %dma_start3A = tpu.memref_slice %arg3[%multiple_of3A] : memref<204800xi32, #tpu.memory_space<hbm>> -> memref<2560xi32, #tpu.memory_space<hbm>>
          %dma_start3A_115 = tpu.memref_slice %arg3[%multiple_of3A] : memref<204800xi32, #tpu.memory_space<hbm>> -> memref<2560xi32, #tpu.memory_space<hbm>>
          tpu.enqueue_dma source(%dma_start3A_115 : memref<2560xi32, #tpu.memory_space<hbm>>) target(%arg15 : memref<2560xi32, #tpu.memory_space<vmem>>) target_semaphore(%run_scoped3A : memref<!tpu.dma_semaphore, #tpu.memory_space<semaphore_mem>>)
          %dma_wait3A = tpu.memref_slice %arg3[%multiple_of3A] : memref<204800xi32, #tpu.memory_space<hbm>> -> memref<2560xi32, #tpu.memory_space<hbm>>
          %dma_wait3A_116 = tpu.memref_slice %arg3[%multiple_of3A] : memref<204800xi32, #tpu.memory_space<hbm>> -> memref<2560xi32, #tpu.memory_space<hbm>>
          tpu.wait_dma2 semaphore(%run_scoped3A : memref<!tpu.dma_semaphore, #tpu.memory_space<semaphore_mem>>) src(%dma_wait3A_116 : memref<2560xi32, #tpu.memory_space<hbm>>) dst(%arg15 : memref<2560xi32, #tpu.memory_space<vmem>>)
          tpu.yield
        }) : () -> ()
        %add3A_70 = arith.constant 720 : i32
        %add3A_71 = arith.addi %mul3A_19, %add3A_70 : i32
        %min3A = arith.constant 10000 : i32
        %min3A_72 = arith.minsi %add3A_71, %min3A : i32
        %scan3A_73 = arith.constant 0 : i32
        %scan3A_74 = arith.constant 0 : i32
        %scan3A_75 = arith.constant 160 : i32
        %scan3A_76 = arith.addi %scan3A_74, %scan3A_75 : i32
        %scan3A_77 = arith.constant 1 : i32
        %scan3A_78 = scf.for %scan3A_115 = %scan3A_74 to %scan3A_76 step %scan3A_77 iter_args(%scan3A_116 = %scan3A_73) -> (i32)  : i32 {
          %mul3A_117 = arith.constant 16 : i32
          %mul3A_118 = arith.muli %scan3A_115, %mul3A_117 : i32
          %get3A = arith.index_cast %mul3A_118 : i32 to index
          %get3A_119 = tpu.vector_load %arg14[%get3A] {strides = array<i32>} : memref<2560xi32, #tpu.memory_space<vmem>>, vector<16xi32>,
          %mul3A_120 = arith.constant 16 : i32
          %mul3A_121 = arith.muli %scan3A_115, %mul3A_120 : i32
          %get3A_122 = arith.index_cast %mul3A_121 : i32 to index
          %get3A_123 = tpu.vector_load %arg15[%get3A_122] {strides = array<i32>} : memref<2560xi32, #tpu.memory_space<vmem>>, vector<16xi32>,
          %ge3A = vector.broadcast %mul3A_19 : i32 to vector<16xi32>
          %ge3A_124 = arith.cmpi sge, %get3A_123, %ge3A : vector<16xi32>
          %lt3A_125 = vector.broadcast %min3A_72 : i32 to vector<16xi32>
          %lt3A_126 = arith.cmpi slt, %get3A_123, %lt3A_125 : vector<16xi32>
          %and3A_127 = arith.andi %ge3A_124, %lt3A_126 : vector<16xi1>
          %select_n3A_128 = arith.select %and3A_127, %broadcast_in_dim3A_0, %broadcast_in_dim3A_2 : vector<16xi1>, vector<16xi32>
          %broadcast_in_dim3A_129 = arith.constant true
          %broadcast_in_dim3A_130 = vector.broadcast %broadcast_in_dim3A_129 : i1 to vector<16xi1>
          %masked_cumsum3A = tpu.scan <sum>, %select_n3A_128 masked %broadcast_in_dim3A_130 : vector<16xi32>, vector<16xi1> -> vector<16xi32>
          %add3A_131 = vector.broadcast %scan3A_116 : i32 to vector<16xi32>
          %add3A_132 = arith.addi %add3A_131, %masked_cumsum3A : vector<16xi32>
          %sub3A_133 = arith.subi %add3A_132, %select_n3A_128 : vector<16xi32>
          %add3A_134 = arith.constant 2640 : i32
          %add3A_135 = vector.broadcast %add3A_134 : i32 to vector<16xi32>
          %add3A_136 = arith.addi %add3A_135, %iota3A : vector<16xi32>
          %select_n3A_137 = arith.select %and3A_127, %sub3A_133, %add3A_136 : vector<16xi1>, vector<16xi32>
          tpu.vector_store_idx %arg16[%select_n3A_137], %get3A_119 : memref<2656xi32, #tpu.memory_space<vmem>>[vector<16xi32>], vector<16xi32>,
          tpu.vector_store_idx %arg17[%select_n3A_137], %get3A_123 : memref<2656xi32, #tpu.memory_space<vmem>>[vector<16xi32>], vector<16xi32>,
          %sub3A_138 = vector.broadcast %mul3A_19 : i32 to vector<16xi32>
          %sub3A_139 = arith.subi %get3A_123, %sub3A_138 : vector<16xi32>
          tpu.vector_store_idx %arg18[%select_n3A_137], %sub3A_139 : memref<2656xi32, #tpu.memory_space<vmem>>[vector<16xi32>], vector<16xi32>,
          %reduce_max3A = arith.constant true
          %reduce_max3A_140 = vector.broadcast %reduce_max3A : i1 to vector<16xi1>
          %reduce_max3A_141 = arith.constant -2147483648 : i32
          %reduce_max3A_142 = vector.broadcast %reduce_max3A_141 : i32 to vector<16xi32>
          %reduce_max3A_143 = arith.xori %masked_cumsum3A, %reduce_max3A_142 : vector<16xi32>
          %reduce_max3A_144 = tpu.scan <max>, %reduce_max3A_143 masked %reduce_max3A_140 : vector<16xi32>, vector<16xi1> -> vector<16xi32>
          %reduce_max3A_145 = arith.xori %reduce_max3A_144, %reduce_max3A_142 : vector<16xi32>
          %reduce_max3A_146 = vector.extract %reduce_max3A_145[15] : i32 from vector<16xi32>
          %add3A_147 = arith.addi %scan3A_116, %reduce_max3A_146 : i32
          scf.yield %add3A_147 : i32
        }
        %scan3A_79 = arith.constant 160 : i32
        %broadcast_in_dim3A_80 = arith.constant 728 : i32
        %broadcast_in_dim3A_81 = vector.broadcast %broadcast_in_dim3A_80 : i32 to vector<16xi32>
        %scan3A_82 = arith.constant 0 : i32
        %scan3A_83 = arith.constant 0 : i32
        %scan3A_84 = arith.constant 5 : i32
        %scan3A_85 = arith.addi %scan3A_83, %scan3A_84 : i32
        %scan3A_86 = arith.constant 1 : i32
        scf.for %scan3A_115 = %scan3A_83 to %scan3A_85 step %scan3A_86  : i32 {
          %mul3A_116 = arith.constant 16 : i32
          %mul3A_117 = arith.muli %scan3A_115, %mul3A_116 : i32
          %add3A_118 = arith.addi %scan3A_78, %mul3A_117 : i32
          %swap3A = arith.index_cast %add3A_118 : i32 to index
          %swap3A_119 = tpu.vector_load %arg16[%swap3A] {strides = array<i32>} : memref<2656xi32, #tpu.memory_space<vmem>>, vector<16xi32>,
          tpu.vector_store %arg16[%swap3A], %broadcast_in_dim3A_2 {strides = array<i32>} : memref<2656xi32, #tpu.memory_space<vmem>>, vector<16xi32>,
          %swap3A_120 = arith.index_cast %add3A_118 : i32 to index
          %swap3A_121 = tpu.vector_load %arg17[%swap3A_120] {strides = array<i32>} : memref<2656xi32, #tpu.memory_space<vmem>>, vector<16xi32>,
          tpu.vector_store %arg17[%swap3A_120], %broadcast_in_dim3A_2 {strides = array<i32>} : memref<2656xi32, #tpu.memory_space<vmem>>, vector<16xi32>,
          %swap3A_122 = arith.index_cast %add3A_118 : i32 to index
          %swap3A_123 = tpu.vector_load %arg18[%swap3A_122] {strides = array<i32>} : memref<2656xi32, #tpu.memory_space<vmem>>, vector<16xi32>,
          tpu.vector_store %arg18[%swap3A_122], %broadcast_in_dim3A_81 {strides = array<i32>} : memref<2656xi32, #tpu.memory_space<vmem>>, vector<16xi32>,
        }
        %scan3A_87 = arith.constant 5 : i32
        %add3A_88 = arith.constant 63 : i32
        %add3A_89 = arith.addi %scan3A_78, %add3A_88 : i32
        %jit3A = arith.constant 64 : i32
        %div3A = arith.divsi %add3A_89, %jit3A : i32
        %sign3A = arith.constant 0 : i32
        %sign3A_90 = arith.cmpi sgt, %add3A_89, %sign3A : i32
        %sign3A_91 = arith.extui %sign3A_90 : i1 to i32
        %sign3A_92 = arith.constant 0 : i32
        %sign3A_93 = arith.cmpi slt, %add3A_89, %sign3A_92 : i32
        %sign3A_94 = arith.extui %sign3A_93 : i1 to i32
        %sign3A_95 = arith.subi %sign3A_91, %sign3A_94 : i32
        %sign3A_96 = arith.constant 0 : i32
        %sign3A_97 = arith.cmpi sgt, %jit3A, %sign3A_96 : i32
        %sign3A_98 = arith.extui %sign3A_97 : i1 to i32
        %sign3A_99 = arith.constant 0 : i32
        %sign3A_100 = arith.cmpi slt, %jit3A, %sign3A_99 : i32
        %sign3A_101 = arith.extui %sign3A_100 : i1 to i32
        %sign3A_102 = arith.subi %sign3A_98, %sign3A_101 : i32
        %ne3A = arith.cmpi ne, %sign3A_95, %sign3A_102 : i32
        %rem3A = arith.remsi %add3A_89, %jit3A : i32
        %ne3A_103 = arith.constant 0 : i32
        %ne3A_104 = arith.cmpi ne, %rem3A, %ne3A_103 : i32
        %and3A_105 = arith.andi %ne3A, %ne3A_104 : i1
        %sub3A = arith.constant 1 : i32
        %sub3A_106 = arith.subi %div3A, %sub3A : i32
        %select_n3A = arith.select %and3A_105, %sub3A_106, %div3A : i32
        %while3A = arith.constant 0 : i32
        %while3A_107 = arith.subi %select_n3A, %while3A : i32
        %while3A_108 = arith.addi %while3A, %while3A_107 : i32
        %while3A_109 = arith.constant 1 : i32
        %while3A_110 = arith.divsi %while3A_107, %while3A_109 : i32
        %while3A_111 = arith.muli %while3A_110, %while3A_109 : i32
        %while3A_112 = arith.addi %while3A, %while3A_111 : i32
        %while3A_113 = arith.constant 1 : i32
        scf.for %while3A_115 = %while3A to %while3A_112 step %while3A_113  : i32 {
          %mul3A_116 = arith.constant 64 : i32
          %mul3A_117 = arith.muli %while3A_115, %mul3A_116 : i32
          %multiple_of3A_118 = tpu.assume_multiple %mul3A_117, 64 : i32
          %add3A_119 = arith.constant 0 : i32
          %add3A_120 = arith.addi %multiple_of3A_118, %add3A_119 : i32
          %get3A = arith.index_cast %add3A_120 : i32 to index
          %get3A_121 = tpu.vector_load %arg16[%get3A] {strides = array<i32>} : memref<2656xi32, #tpu.memory_space<vmem>>, vector<16xi32>,
          %add3A_122 = arith.constant 0 : i32
          %add3A_123 = arith.addi %multiple_of3A_118, %add3A_122 : i32
          %get3A_124 = arith.index_cast %add3A_123 : i32 to index
          %get3A_125 = tpu.vector_load %arg18[%get3A_124] {strides = array<i32>} : memref<2656xi32, #tpu.memory_space<vmem>>, vector<16xi32>,
          %swap3A = arith.constant 0 : index
          %swap3A_126 = tpu.vector_load %arg19[%swap3A] {strides = array<i32>} : memref<64xi32, #tpu.memory_space<vmem>>, vector<16xi32>,
          tpu.vector_store %arg19[%swap3A], %get3A_125 {strides = array<i32>} : memref<64xi32, #tpu.memory_space<vmem>>, vector<16xi32>,
          %add3A_127 = arith.constant 0 : i32
          %add3A_128 = vector.broadcast %add3A_127 : i32 to vector<16xi32>
          %add3A_129 = arith.addi %get3A_121, %add3A_128 : vector<16xi32>
          %swap3A_130 = arith.constant 0 : i32
          %swap3A_131 = arith.index_cast %swap3A_130 : i32 to index
          %swap3A_132 = arith.constant 0 : index
          %swap3A_133 = tpu.vector_load %arg20[%swap3A_131, %swap3A_132] {strides = array<i32>} : memref<3x128xi32, #tpu.memory_space<vmem>>, vector<16xi32>,
          tpu.vector_store %arg20[%swap3A_131, %swap3A_132], %add3A_129 {strides = array<i32>} : memref<3x128xi32, #tpu.memory_space<vmem>>, vector<16xi32>,
          %add3A_134 = arith.constant 0 : i32
          %add3A_135 = vector.broadcast %add3A_134 : i32 to vector<16xi32>
          %add3A_136 = arith.addi %get3A_125, %add3A_135 : vector<16xi32>
          %swap3A_137 = arith.constant 0 : i32
          %swap3A_138 = arith.index_cast %swap3A_137 : i32 to index
          %swap3A_139 = arith.constant 0 : index
          %swap3A_140 = tpu.vector_load %arg21[%swap3A_138, %swap3A_139] {strides = array<i32>} : memref<3x128xi32, #tpu.memory_space<vmem>>, vector<16xi32>,
          tpu.vector_store %arg21[%swap3A_138, %swap3A_139], %add3A_136 {strides = array<i32>} : memref<3x128xi32, #tpu.memory_space<vmem>>, vector<16xi32>,
          %add3A_141 = arith.constant 10000 : i32
          %add3A_142 = vector.broadcast %add3A_141 : i32 to vector<16xi32>
          %add3A_143 = arith.addi %get3A_121, %add3A_142 : vector<16xi32>
          %swap3A_144 = arith.constant 0 : i32
          %swap3A_145 = arith.index_cast %swap3A_144 : i32 to index
          %swap3A_146 = arith.constant 64 : index
          %swap3A_147 = tpu.vector_load %arg20[%swap3A_145, %swap3A_146] {strides = array<i32>} : memref<3x128xi32, #tpu.memory_space<vmem>>, vector<16xi32>,
          tpu.vector_store %arg20[%swap3A_145, %swap3A_146], %add3A_143 {strides = array<i32>} : memref<3x128xi32, #tpu.memory_space<vmem>>, vector<16xi32>,
          %add3A_148 = arith.constant 768 : i32
          %add3A_149 = vector.broadcast %add3A_148 : i32 to vector<16xi32>
          %add3A_150 = arith.addi %get3A_125, %add3A_149 : vector<16xi32>
          %swap3A_151 = arith.constant 0 : i32
          %swap3A_152 = arith.index_cast %swap3A_151 : i32 to index
          %swap3A_153 = arith.constant 64 : index
          %swap3A_154 = tpu.vector_load %arg21[%swap3A_152, %swap3A_153] {strides = array<i32>} : memref<3x128xi32, #tpu.memory_space<vmem>>, vector<16xi32>,
          tpu.vector_store %arg21[%swap3A_152, %swap3A_153], %add3A_150 {strides = array<i32>} : memref<3x128xi32, #tpu.memory_space<vmem>>, vector<16xi32>,
          %add3A_155 = arith.constant 20000 : i32
          %add3A_156 = vector.broadcast %add3A_155 : i32 to vector<16xi32>
          %add3A_157 = arith.addi %get3A_121, %add3A_156 : vector<16xi32>
          %swap3A_158 = arith.constant 1 : i32
          %swap3A_159 = arith.index_cast %swap3A_158 : i32 to index
          %swap3A_160 = arith.constant 0 : index
          %swap3A_161 = tpu.vector_load %arg20[%swap3A_159, %swap3A_160] {strides = array<i32>} : memref<3x128xi32, #tpu.memory_space<vmem>>, vector<16xi32>,
          tpu.vector_store %arg20[%swap3A_159, %swap3A_160], %add3A_157 {strides = array<i32>} : memref<3x128xi32, #tpu.memory_space<vmem>>, vector<16xi32>,
          %add3A_162 = arith.constant 1536 : i32
          %add3A_163 = vector.broadcast %add3A_162 : i32 to vector<16xi32>
          %add3A_164 = arith.addi %get3A_125, %add3A_163 : vector<16xi32>
          %swap3A_165 = arith.constant 1 : i32
          %swap3A_166 = arith.index_cast %swap3A_165 : i32 to index
          %swap3A_167 = arith.constant 0 : index
          %swap3A_168 = tpu.vector_load %arg21[%swap3A_166, %swap3A_167] {strides = array<i32>} : memref<3x128xi32, #tpu.memory_space<vmem>>, vector<16xi32>,
          tpu.vector_store %arg21[%swap3A_166, %swap3A_167], %add3A_164 {strides = array<i32>} : memref<3x128xi32, #tpu.memory_space<vmem>>, vector<16xi32>,
          %add3A_169 = arith.constant 30000 : i32
          %add3A_170 = vector.broadcast %add3A_169 : i32 to vector<16xi32>
          %add3A_171 = arith.addi %get3A_121, %add3A_170 : vector<16xi32>
          %swap3A_172 = arith.constant 1 : i32
          %swap3A_173 = arith.index_cast %swap3A_172 : i32 to index
          %swap3A_174 = arith.constant 64 : index
          %swap3A_175 = tpu.vector_load %arg20[%swap3A_173, %swap3A_174] {strides = array<i32>} : memref<3x128xi32, #tpu.memory_space<vmem>>, vector<16xi32>,
          tpu.vector_store %arg20[%swap3A_173, %swap3A_174], %add3A_171 {strides = array<i32>} : memref<3x128xi32, #tpu.memory_space<vmem>>, vector<16xi32>,
          %add3A_176 = arith.constant 2304 : i32
          %add3A_177 = vector.broadcast %add3A_176 : i32 to vector<16xi32>
          %add3A_178 = arith.addi %get3A_125, %add3A_177 : vector<16xi32>
          %swap3A_179 = arith.constant 1 : i32
          %swap3A_180 = arith.index_cast %swap3A_179 : i32 to index
          %swap3A_181 = arith.constant 64 : index
          %swap3A_182 = tpu.vector_load %arg21[%swap3A_180, %swap3A_181] {strides = array<i32>} : memref<3x128xi32, #tpu.memory_space<vmem>>, vector<16xi32>,
          tpu.vector_store %arg21[%swap3A_180, %swap3A_181], %add3A_178 {strides = array<i32>} : memref<3x128xi32, #tpu.memory_space<vmem>>, vector<16xi32>,
          %add3A_183 = arith.constant 40000 : i32
          %add3A_184 = vector.broadcast %add3A_183 : i32 to vector<16xi32>
          %add3A_185 = arith.addi %get3A_121, %add3A_184 : vector<16xi32>
          %swap3A_186 = arith.constant 2 : i32
          %swap3A_187 = arith.index_cast %swap3A_186 : i32 to index
          %swap3A_188 = arith.constant 0 : index
          %swap3A_189 = tpu.vector_load %arg20[%swap3A_187, %swap3A_188] {strides = array<i32>} : memref<3x128xi32, #tpu.memory_space<vmem>>, vector<16xi32>,
          tpu.vector_store %arg20[%swap3A_187, %swap3A_188], %add3A_185 {strides = array<i32>} : memref<3x128xi32, #tpu.memory_space<vmem>>, vector<16xi32>,
          %add3A_190 = arith.constant 3072 : i32
          %add3A_191 = vector.broadcast %add3A_190 : i32 to vector<16xi32>
          %add3A_192 = arith.addi %get3A_125, %add3A_191 : vector<16xi32>
          %swap3A_193 = arith.constant 2 : i32
          %swap3A_194 = arith.index_cast %swap3A_193 : i32 to index
          %swap3A_195 = arith.constant 0 : index
          %swap3A_196 = tpu.vector_load %arg21[%swap3A_194, %swap3A_195] {strides = array<i32>} : memref<3x128xi32, #tpu.memory_space<vmem>>, vector<16xi32>,
          tpu.vector_store %arg21[%swap3A_194, %swap3A_195], %add3A_192 {strides = array<i32>} : memref<3x128xi32, #tpu.memory_space<vmem>>, vector<16xi32>,
          %add3A_197 = arith.constant 50000 : i32
          %add3A_198 = vector.broadcast %add3A_197 : i32 to vector<16xi32>
          %add3A_199 = arith.addi %get3A_121, %add3A_198 : vector<16xi32>
          %swap3A_200 = arith.constant 2 : i32
          %swap3A_201 = arith.index_cast %swap3A_200 : i32 to index
          %swap3A_202 = arith.constant 64 : index
          %swap3A_203 = tpu.vector_load %arg20[%swap3A_201, %swap3A_202] {strides = array<i32>} : memref<3x128xi32, #tpu.memory_space<vmem>>, vector<16xi32>,
          tpu.vector_store %arg20[%swap3A_201, %swap3A_202], %add3A_199 {strides = array<i32>} : memref<3x128xi32, #tpu.memory_space<vmem>>, vector<16xi32>,
          %add3A_204 = arith.constant 3840 : i32
          %add3A_205 = vector.broadcast %add3A_204 : i32 to vector<16xi32>
          %add3A_206 = arith.addi %get3A_125, %add3A_205 : vector<16xi32>
          %swap3A_207 = arith.constant 2 : i32
          %swap3A_208 = arith.index_cast %swap3A_207 : i32 to index
          %swap3A_209 = arith.constant 64 : index
          %swap3A_210 = tpu.vector_load %arg21[%swap3A_208, %swap3A_209] {strides = array<i32>} : memref<3x128xi32, #tpu.memory_space<vmem>>, vector<16xi32>,
          tpu.vector_store %arg21[%swap3A_208, %swap3A_209], %add3A_206 {strides = array<i32>} : memref<3x128xi32, #tpu.memory_space<vmem>>, vector<16xi32>,
          %add3A_211 = arith.constant 16 : i32
          %add3A_212 = arith.addi %multiple_of3A_118, %add3A_211 : i32
          %get3A_213 = arith.index_cast %add3A_212 : i32 to index
          %get3A_214 = tpu.vector_load %arg16[%get3A_213] {strides = array<i32>} : memref<2656xi32, #tpu.memory_space<vmem>>, vector<16xi32>,
          %add3A_215 = arith.constant 16 : i32
          %add3A_216 = arith.addi %multiple_of3A_118, %add3A_215 : i32
          %get3A_217 = arith.index_cast %add3A_216 : i32 to index
          %get3A_218 = tpu.vector_load %arg18[%get3A_217] {strides = array<i32>} : memref<2656xi32, #tpu.memory_space<vmem>>, vector<16xi32>,
          %swap3A_219 = arith.constant 16 : index
          %swap3A_220 = tpu.vector_load %arg19[%swap3A_219] {strides = array<i32>} : memref<64xi32, #tpu.memory_space<vmem>>, vector<16xi32>,
          tpu.vector_store %arg19[%swap3A_219], %get3A_218 {strides = array<i32>} : memref<64xi32, #tpu.memory_space<vmem>>, vector<16xi32>,
          %add3A_221 = arith.constant 0 : i32
          %add3A_222 = vector.broadcast %add3A_221 : i32 to vector<16xi32>
          %add3A_223 = arith.addi %get3A_214, %add3A_222 : vector<16xi32>
          %swap3A_224 = arith.constant 0 : i32
          %swap3A_225 = arith.index_cast %swap3A_224 : i32 to index
          %swap3A_226 = arith.constant 16 : index
          %swap3A_227 = tpu.vector_load %arg20[%swap3A_225, %swap3A_226] {strides = array<i32>} : memref<3x128xi32, #tpu.memory_space<vmem>>, vector<16xi32>,
          tpu.vector_store %arg20[%swap3A_225, %swap3A_226], %add3A_223 {strides = array<i32>} : memref<3x128xi32, #tpu.memory_space<vmem>>, vector<16xi32>,
          %add3A_228 = arith.constant 0 : i32
          %add3A_229 = vector.broadcast %add3A_228 : i32 to vector<16xi32>
          %add3A_230 = arith.addi %get3A_218, %add3A_229 : vector<16xi32>
          %swap3A_231 = arith.constant 0 : i32
          %swap3A_232 = arith.index_cast %swap3A_231 : i32 to index
          %swap3A_233 = arith.constant 16 : index
          %swap3A_234 = tpu.vector_load %arg21[%swap3A_232, %swap3A_233] {strides = array<i32>} : memref<3x128xi32, #tpu.memory_space<vmem>>, vector<16xi32>,
          tpu.vector_store %arg21[%swap3A_232, %swap3A_233], %add3A_230 {strides = array<i32>} : memref<3x128xi32, #tpu.memory_space<vmem>>, vector<16xi32>,
          %add3A_235 = arith.constant 10000 : i32
          %add3A_236 = vector.broadcast %add3A_235 : i32 to vector<16xi32>
          %add3A_237 = arith.addi %get3A_214, %add3A_236 : vector<16xi32>
          %swap3A_238 = arith.constant 0 : i32
          %swap3A_239 = arith.index_cast %swap3A_238 : i32 to index
          %swap3A_240 = arith.constant 80 : index
          %swap3A_241 = tpu.vector_load %arg20[%swap3A_239, %swap3A_240] {strides = array<i32>} : memref<3x128xi32, #tpu.memory_space<vmem>>, vector<16xi32>,
          tpu.vector_store %arg20[%swap3A_239, %swap3A_240], %add3A_237 {strides = array<i32>} : memref<3x128xi32, #tpu.memory_space<vmem>>, vector<16xi32>,
          %add3A_242 = arith.constant 768 : i32
          %add3A_243 = vector.broadcast %add3A_242 : i32 to vector<16xi32>
          %add3A_244 = arith.addi %get3A_218, %add3A_243 : vector<16xi32>
          %swap3A_245 = arith.constant 0 : i32
          %swap3A_246 = arith.index_cast %swap3A_245 : i32 to index
          %swap3A_247 = arith.constant 80 : index
          %swap3A_248 = tpu.vector_load %arg21[%swap3A_246, %swap3A_247] {strides = array<i32>} : memref<3x128xi32, #tpu.memory_space<vmem>>, vector<16xi32>,
          tpu.vector_store %arg21[%swap3A_246, %swap3A_247], %add3A_244 {strides = array<i32>} : memref<3x128xi32, #tpu.memory_space<vmem>>, vector<16xi32>,
          %add3A_249 = arith.constant 20000 : i32
          %add3A_250 = vector.broadcast %add3A_249 : i32 to vector<16xi32>
          %add3A_251 = arith.addi %get3A_214, %add3A_250 : vector<16xi32>
          %swap3A_252 = arith.constant 1 : i32
          %swap3A_253 = arith.index_cast %swap3A_252 : i32 to index
          %swap3A_254 = arith.constant 16 : index
          %swap3A_255 = tpu.vector_load %arg20[%swap3A_253, %swap3A_254] {strides = array<i32>} : memref<3x128xi32, #tpu.memory_space<vmem>>, vector<16xi32>,
          tpu.vector_store %arg20[%swap3A_253, %swap3A_254], %add3A_251 {strides = array<i32>} : memref<3x128xi32, #tpu.memory_space<vmem>>, vector<16xi32>,
          %add3A_256 = arith.constant 1536 : i32
          %add3A_257 = vector.broadcast %add3A_256 : i32 to vector<16xi32>
          %add3A_258 = arith.addi %get3A_218, %add3A_257 : vector<16xi32>
          %swap3A_259 = arith.constant 1 : i32
          %swap3A_260 = arith.index_cast %swap3A_259 : i32 to index
          %swap3A_261 = arith.constant 16 : index
          %swap3A_262 = tpu.vector_load %arg21[%swap3A_260, %swap3A_261] {strides = array<i32>} : memref<3x128xi32, #tpu.memory_space<vmem>>, vector<16xi32>,
          tpu.vector_store %arg21[%swap3A_260, %swap3A_261], %add3A_258 {strides = array<i32>} : memref<3x128xi32, #tpu.memory_space<vmem>>, vector<16xi32>,
          %add3A_263 = arith.constant 30000 : i32
          %add3A_264 = vector.broadcast %add3A_263 : i32 to vector<16xi32>
          %add3A_265 = arith.addi %get3A_214, %add3A_264 : vector<16xi32>
          %swap3A_266 = arith.constant 1 : i32
          %swap3A_267 = arith.index_cast %swap3A_266 : i32 to index
          %swap3A_268 = arith.constant 80 : index
          %swap3A_269 = tpu.vector_load %arg20[%swap3A_267, %swap3A_268] {strides = array<i32>} : memref<3x128xi32, #tpu.memory_space<vmem>>, vector<16xi32>,
          tpu.vector_store %arg20[%swap3A_267, %swap3A_268], %add3A_265 {strides = array<i32>} : memref<3x128xi32, #tpu.memory_space<vmem>>, vector<16xi32>,
          %add3A_270 = arith.constant 2304 : i32
          %add3A_271 = vector.broadcast %add3A_270 : i32 to vector<16xi32>
          %add3A_272 = arith.addi %get3A_218, %add3A_271 : vector<16xi32>
          %swap3A_273 = arith.constant 1 : i32
          %swap3A_274 = arith.index_cast %swap3A_273 : i32 to index
          %swap3A_275 = arith.constant 80 : index
          %swap3A_276 = tpu.vector_load %arg21[%swap3A_274, %swap3A_275] {strides = array<i32>} : memref<3x128xi32, #tpu.memory_space<vmem>>, vector<16xi32>,
          tpu.vector_store %arg21[%swap3A_274, %swap3A_275], %add3A_272 {strides = array<i32>} : memref<3x128xi32, #tpu.memory_space<vmem>>, vector<16xi32>,
          %add3A_277 = arith.constant 40000 : i32
          %add3A_278 = vector.broadcast %add3A_277 : i32 to vector<16xi32>
          %add3A_279 = arith.addi %get3A_214, %add3A_278 : vector<16xi32>
          %swap3A_280 = arith.constant 2 : i32
          %swap3A_281 = arith.index_cast %swap3A_280 : i32 to index
          %swap3A_282 = arith.constant 16 : index
          %swap3A_283 = tpu.vector_load %arg20[%swap3A_281, %swap3A_282] {strides = array<i32>} : memref<3x128xi32, #tpu.memory_space<vmem>>, vector<16xi32>,
          tpu.vector_store %arg20[%swap3A_281, %swap3A_282], %add3A_279 {strides = array<i32>} : memref<3x128xi32, #tpu.memory_space<vmem>>, vector<16xi32>,
          %add3A_284 = arith.constant 3072 : i32
          %add3A_285 = vector.broadcast %add3A_284 : i32 to vector<16xi32>
          %add3A_286 = arith.addi %get3A_218, %add3A_285 : vector<16xi32>
          %swap3A_287 = arith.constant 2 : i32
          %swap3A_288 = arith.index_cast %swap3A_287 : i32 to index
          %swap3A_289 = arith.constant 16 : index
          %swap3A_290 = tpu.vector_load %arg21[%swap3A_288, %swap3A_289] {strides = array<i32>} : memref<3x128xi32, #tpu.memory_space<vmem>>, vector<16xi32>,
          tpu.vector_store %arg21[%swap3A_288, %swap3A_289], %add3A_286 {strides = array<i32>} : memref<3x128xi32, #tpu.memory_space<vmem>>, vector<16xi32>,
          %add3A_291 = arith.constant 50000 : i32
          %add3A_292 = vector.broadcast %add3A_291 : i32 to vector<16xi32>
          %add3A_293 = arith.addi %get3A_214, %add3A_292 : vector<16xi32>
          %swap3A_294 = arith.constant 2 : i32
          %swap3A_295 = arith.index_cast %swap3A_294 : i32 to index
          %swap3A_296 = arith.constant 80 : index
          %swap3A_297 = tpu.vector_load %arg20[%swap3A_295, %swap3A_296] {strides = array<i32>} : memref<3x128xi32, #tpu.memory_space<vmem>>, vector<16xi32>,
          tpu.vector_store %arg20[%swap3A_295, %swap3A_296], %add3A_293 {strides = array<i32>} : memref<3x128xi32, #tpu.memory_space<vmem>>, vector<16xi32>,
          %add3A_298 = arith.constant 3840 : i32
          %add3A_299 = vector.broadcast %add3A_298 : i32 to vector<16xi32>
          %add3A_300 = arith.addi %get3A_218, %add3A_299 : vector<16xi32>
          %swap3A_301 = arith.constant 2 : i32
          %swap3A_302 = arith.index_cast %swap3A_301 : i32 to index
          %swap3A_303 = arith.constant 80 : index
          %swap3A_304 = tpu.vector_load %arg21[%swap3A_302, %swap3A_303] {strides = array<i32>} : memref<3x128xi32, #tpu.memory_space<vmem>>, vector<16xi32>,
          tpu.vector_store %arg21[%swap3A_302, %swap3A_303], %add3A_300 {strides = array<i32>} : memref<3x128xi32, #tpu.memory_space<vmem>>, vector<16xi32>,
          %add3A_305 = arith.constant 32 : i32
          %add3A_306 = arith.addi %multiple_of3A_118, %add3A_305 : i32
          %get3A_307 = arith.index_cast %add3A_306 : i32 to index
          %get3A_308 = tpu.vector_load %arg16[%get3A_307] {strides = array<i32>} : memref<2656xi32, #tpu.memory_space<vmem>>, vector<16xi32>,
          %add3A_309 = arith.constant 32 : i32
          %add3A_310 = arith.addi %multiple_of3A_118, %add3A_309 : i32
          %get3A_311 = arith.index_cast %add3A_310 : i32 to index
          %get3A_312 = tpu.vector_load %arg18[%get3A_311] {strides = array<i32>} : memref<2656xi32, #tpu.memory_space<vmem>>, vector<16xi32>,
          %swap3A_313 = arith.constant 32 : index
          %swap3A_314 = tpu.vector_load %arg19[%swap3A_313] {strides = array<i32>} : memref<64xi32, #tpu.memory_space<vmem>>, vector<16xi32>,
          tpu.vector_store %arg19[%swap3A_313], %get3A_312 {strides = array<i32>} : memref<64xi32, #tpu.memory_space<vmem>>, vector<16xi32>,
          %add3A_315 = arith.constant 0 : i32
          %add3A_316 = vector.broadcast %add3A_315 : i32 to vector<16xi32>
          %add3A_317 = arith.addi %get3A_308, %add3A_316 : vector<16xi32>
          %swap3A_318 = arith.constant 0 : i32
          %swap3A_319 = arith.index_cast %swap3A_318 : i32 to index
          %swap3A_320 = arith.constant 32 : index
          %swap3A_321 = tpu.vector_load %arg20[%swap3A_319, %swap3A_320] {strides = array<i32>} : memref<3x128xi32, #tpu.memory_space<vmem>>, vector<16xi32>,
          tpu.vector_store %arg20[%swap3A_319, %swap3A_320], %add3A_317 {strides = array<i32>} : memref<3x128xi32, #tpu.memory_space<vmem>>, vector<16xi32>,
          %add3A_322 = arith.constant 0 : i32
          %add3A_323 = vector.broadcast %add3A_322 : i32 to vector<16xi32>
          %add3A_324 = arith.addi %get3A_312, %add3A_323 : vector<16xi32>
          %swap3A_325 = arith.constant 0 : i32
          %swap3A_326 = arith.index_cast %swap3A_325 : i32 to index
          %swap3A_327 = arith.constant 32 : index
          %swap3A_328 = tpu.vector_load %arg21[%swap3A_326, %swap3A_327] {strides = array<i32>} : memref<3x128xi32, #tpu.memory_space<vmem>>, vector<16xi32>,
          tpu.vector_store %arg21[%swap3A_326, %swap3A_327], %add3A_324 {strides = array<i32>} : memref<3x128xi32, #tpu.memory_space<vmem>>, vector<16xi32>,
          %add3A_329 = arith.constant 10000 : i32
          %add3A_330 = vector.broadcast %add3A_329 : i32 to vector<16xi32>
          %add3A_331 = arith.addi %get3A_308, %add3A_330 : vector<16xi32>
          %swap3A_332 = arith.constant 0 : i32
          %swap3A_333 = arith.index_cast %swap3A_332 : i32 to index
          %swap3A_334 = arith.constant 96 : index
          %swap3A_335 = tpu.vector_load %arg20[%swap3A_333, %swap3A_334] {strides = array<i32>} : memref<3x128xi32, #tpu.memory_space<vmem>>, vector<16xi32>,
          tpu.vector_store %arg20[%swap3A_333, %swap3A_334], %add3A_331 {strides = array<i32>} : memref<3x128xi32, #tpu.memory_space<vmem>>, vector<16xi32>,
          %add3A_336 = arith.constant 768 : i32
          %add3A_337 = vector.broadcast %add3A_336 : i32 to vector<16xi32>
          %add3A_338 = arith.addi %get3A_312, %add3A_337 : vector<16xi32>
          %swap3A_339 = arith.constant 0 : i32
          %swap3A_340 = arith.index_cast %swap3A_339 : i32 to index
          %swap3A_341 = arith.constant 96 : index
          %swap3A_342 = tpu.vector_load %arg21[%swap3A_340, %swap3A_341] {strides = array<i32>} : memref<3x128xi32, #tpu.memory_space<vmem>>, vector<16xi32>,
          tpu.vector_store %arg21[%swap3A_340, %swap3A_341], %add3A_338 {strides = array<i32>} : memref<3x128xi32, #tpu.memory_space<vmem>>, vector<16xi32>,
          %add3A_343 = arith.constant 20000 : i32
          %add3A_344 = vector.broadcast %add3A_343 : i32 to vector<16xi32>
          %add3A_345 = arith.addi %get3A_308, %add3A_344 : vector<16xi32>
          %swap3A_346 = arith.constant 1 : i32
          %swap3A_347 = arith.index_cast %swap3A_346 : i32 to index
          %swap3A_348 = arith.constant 32 : index
          %swap3A_349 = tpu.vector_load %arg20[%swap3A_347, %swap3A_348] {strides = array<i32>} : memref<3x128xi32, #tpu.memory_space<vmem>>, vector<16xi32>,
          tpu.vector_store %arg20[%swap3A_347, %swap3A_348], %add3A_345 {strides = array<i32>} : memref<3x128xi32, #tpu.memory_space<vmem>>, vector<16xi32>,
          %add3A_350 = arith.constant 1536 : i32
          %add3A_351 = vector.broadcast %add3A_350 : i32 to vector<16xi32>
          %add3A_352 = arith.addi %get3A_312, %add3A_351 : vector<16xi32>
          %swap3A_353 = arith.constant 1 : i32
          %swap3A_354 = arith.index_cast %swap3A_353 : i32 to index
          %swap3A_355 = arith.constant 32 : index
          %swap3A_356 = tpu.vector_load %arg21[%swap3A_354, %swap3A_355] {strides = array<i32>} : memref<3x128xi32, #tpu.memory_space<vmem>>, vector<16xi32>,
          tpu.vector_store %arg21[%swap3A_354, %swap3A_355], %add3A_352 {strides = array<i32>} : memref<3x128xi32, #tpu.memory_space<vmem>>, vector<16xi32>,
          %add3A_357 = arith.constant 30000 : i32
          %add3A_358 = vector.broadcast %add3A_357 : i32 to vector<16xi32>
          %add3A_359 = arith.addi %get3A_308, %add3A_358 : vector<16xi32>
          %swap3A_360 = arith.constant 1 : i32
          %swap3A_361 = arith.index_cast %swap3A_360 : i32 to index
          %swap3A_362 = arith.constant 96 : index
          %swap3A_363 = tpu.vector_load %arg20[%swap3A_361, %swap3A_362] {strides = array<i32>} : memref<3x128xi32, #tpu.memory_space<vmem>>, vector<16xi32>,
          tpu.vector_store %arg20[%swap3A_361, %swap3A_362], %add3A_359 {strides = array<i32>} : memref<3x128xi32, #tpu.memory_space<vmem>>, vector<16xi32>,
          %add3A_364 = arith.constant 2304 : i32
          %add3A_365 = vector.broadcast %add3A_364 : i32 to vector<16xi32>
          %add3A_366 = arith.addi %get3A_312, %add3A_365 : vector<16xi32>
          %swap3A_367 = arith.constant 1 : i32
          %swap3A_368 = arith.index_cast %swap3A_367 : i32 to index
          %swap3A_369 = arith.constant 96 : index
          %swap3A_370 = tpu.vector_load %arg21[%swap3A_368, %swap3A_369] {strides = array<i32>} : memref<3x128xi32, #tpu.memory_space<vmem>>, vector<16xi32>,
          tpu.vector_store %arg21[%swap3A_368, %swap3A_369], %add3A_366 {strides = array<i32>} : memref<3x128xi32, #tpu.memory_space<vmem>>, vector<16xi32>,
          %add3A_371 = arith.constant 40000 : i32
          %add3A_372 = vector.broadcast %add3A_371 : i32 to vector<16xi32>
          %add3A_373 = arith.addi %get3A_308, %add3A_372 : vector<16xi32>
          %swap3A_374 = arith.constant 2 : i32
          %swap3A_375 = arith.index_cast %swap3A_374 : i32 to index
          %swap3A_376 = arith.constant 32 : index
          %swap3A_377 = tpu.vector_load %arg20[%swap3A_375, %swap3A_376] {strides = array<i32>} : memref<3x128xi32, #tpu.memory_space<vmem>>, vector<16xi32>,
          tpu.vector_store %arg20[%swap3A_375, %swap3A_376], %add3A_373 {strides = array<i32>} : memref<3x128xi32, #tpu.memory_space<vmem>>, vector<16xi32>,
          %add3A_378 = arith.constant 3072 : i32
          %add3A_379 = vector.broadcast %add3A_378 : i32 to vector<16xi32>
          %add3A_380 = arith.addi %get3A_312, %add3A_379 : vector<16xi32>
          %swap3A_381 = arith.constant 2 : i32
          %swap3A_382 = arith.index_cast %swap3A_381 : i32 to index
          %swap3A_383 = arith.constant 32 : index
          %swap3A_384 = tpu.vector_load %arg21[%swap3A_382, %swap3A_383] {strides = array<i32>} : memref<3x128xi32, #tpu.memory_space<vmem>>, vector<16xi32>,
          tpu.vector_store %arg21[%swap3A_382, %swap3A_383], %add3A_380 {strides = array<i32>} : memref<3x128xi32, #tpu.memory_space<vmem>>, vector<16xi32>,
          %add3A_385 = arith.constant 50000 : i32
          %add3A_386 = vector.broadcast %add3A_385 : i32 to vector<16xi32>
          %add3A_387 = arith.addi %get3A_308, %add3A_386 : vector<16xi32>
          %swap3A_388 = arith.constant 2 : i32
          %swap3A_389 = arith.index_cast %swap3A_388 : i32 to index
          %swap3A_390 = arith.constant 96 : index
          %swap3A_391 = tpu.vector_load %arg20[%swap3A_389, %swap3A_390] {strides = array<i32>} : memref<3x128xi32, #tpu.memory_space<vmem>>, vector<16xi32>,
          tpu.vector_store %arg20[%swap3A_389, %swap3A_390], %add3A_387 {strides = array<i32>} : memref<3x128xi32, #tpu.memory_space<vmem>>, vector<16xi32>,
          %add3A_392 = arith.constant 3840 : i32
          %add3A_393 = vector.broadcast %add3A_392 : i32 to vector<16xi32>
          %add3A_394 = arith.addi %get3A_312, %add3A_393 : vector<16xi32>
          %swap3A_395 = arith.constant 2 : i32
          %swap3A_396 = arith.index_cast %swap3A_395 : i32 to index
          %swap3A_397 = arith.constant 96 : index
          %swap3A_398 = tpu.vector_load %arg21[%swap3A_396, %swap3A_397] {strides = array<i32>} : memref<3x128xi32, #tpu.memory_space<vmem>>, vector<16xi32>,
          tpu.vector_store %arg21[%swap3A_396, %swap3A_397], %add3A_394 {strides = array<i32>} : memref<3x128xi32, #tpu.memory_space<vmem>>, vector<16xi32>,
          %add3A_399 = arith.constant 48 : i32
          %add3A_400 = arith.addi %multiple_of3A_118, %add3A_399 : i32
          %get3A_401 = arith.index_cast %add3A_400 : i32 to index
          %get3A_402 = tpu.vector_load %arg16[%get3A_401] {strides = array<i32>} : memref<2656xi32, #tpu.memory_space<vmem>>, vector<16xi32>,
          %add3A_403 = arith.constant 48 : i32
          %add3A_404 = arith.addi %multiple_of3A_118, %add3A_403 : i32
          %get3A_405 = arith.index_cast %add3A_404 : i32 to index
          %get3A_406 = tpu.vector_load %arg18[%get3A_405] {strides = array<i32>} : memref<2656xi32, #tpu.memory_space<vmem>>, vector<16xi32>,
          %swap3A_407 = arith.constant 48 : index
          %swap3A_408 = tpu.vector_load %arg19[%swap3A_407] {strides = array<i32>} : memref<64xi32, #tpu.memory_space<vmem>>, vector<16xi32>,
          tpu.vector_store %arg19[%swap3A_407], %get3A_406 {strides = array<i32>} : memref<64xi32, #tpu.memory_space<vmem>>, vector<16xi32>,
          %add3A_409 = arith.constant 0 : i32
          %add3A_410 = vector.broadcast %add3A_409 : i32 to vector<16xi32>
          %add3A_411 = arith.addi %get3A_402, %add3A_410 : vector<16xi32>
          %swap3A_412 = arith.constant 0 : i32
          %swap3A_413 = arith.index_cast %swap3A_412 : i32 to index
          %swap3A_414 = arith.constant 48 : index
          %swap3A_415 = tpu.vector_load %arg20[%swap3A_413, %swap3A_414] {strides = array<i32>} : memref<3x128xi32, #tpu.memory_space<vmem>>, vector<16xi32>,
          tpu.vector_store %arg20[%swap3A_413, %swap3A_414], %add3A_411 {strides = array<i32>} : memref<3x128xi32, #tpu.memory_space<vmem>>, vector<16xi32>,
          %add3A_416 = arith.constant 0 : i32
          %add3A_417 = vector.broadcast %add3A_416 : i32 to vector<16xi32>
          %add3A_418 = arith.addi %get3A_406, %add3A_417 : vector<16xi32>
          %swap3A_419 = arith.constant 0 : i32
          %swap3A_420 = arith.index_cast %swap3A_419 : i32 to index
          %swap3A_421 = arith.constant 48 : index
          %swap3A_422 = tpu.vector_load %arg21[%swap3A_420, %swap3A_421] {strides = array<i32>} : memref<3x128xi32, #tpu.memory_space<vmem>>, vector<16xi32>,
          tpu.vector_store %arg21[%swap3A_420, %swap3A_421], %add3A_418 {strides = array<i32>} : memref<3x128xi32, #tpu.memory_space<vmem>>, vector<16xi32>,
          %add3A_423 = arith.constant 10000 : i32
          %add3A_424 = vector.broadcast %add3A_423 : i32 to vector<16xi32>
          %add3A_425 = arith.addi %get3A_402, %add3A_424 : vector<16xi32>
          %swap3A_426 = arith.constant 0 : i32
          %swap3A_427 = arith.index_cast %swap3A_426 : i32 to index
          %swap3A_428 = arith.constant 112 : index
          %swap3A_429 = tpu.vector_load %arg20[%swap3A_427, %swap3A_428] {strides = array<i32>} : memref<3x128xi32, #tpu.memory_space<vmem>>, vector<16xi32>,
          tpu.vector_store %arg20[%swap3A_427, %swap3A_428], %add3A_425 {strides = array<i32>} : memref<3x128xi32, #tpu.memory_space<vmem>>, vector<16xi32>,
          %add3A_430 = arith.constant 768 : i32
          %add3A_431 = vector.broadcast %add3A_430 : i32 to vector<16xi32>
          %add3A_432 = arith.addi %get3A_406, %add3A_431 : vector<16xi32>
          %swap3A_433 = arith.constant 0 : i32
          %swap3A_434 = arith.index_cast %swap3A_433 : i32 to index
          %swap3A_435 = arith.constant 112 : index
          %swap3A_436 = tpu.vector_load %arg21[%swap3A_434, %swap3A_435] {strides = array<i32>} : memref<3x128xi32, #tpu.memory_space<vmem>>, vector<16xi32>,
          tpu.vector_store %arg21[%swap3A_434, %swap3A_435], %add3A_432 {strides = array<i32>} : memref<3x128xi32, #tpu.memory_space<vmem>>, vector<16xi32>,
          %add3A_437 = arith.constant 20000 : i32
          %add3A_438 = vector.broadcast %add3A_437 : i32 to vector<16xi32>
          %add3A_439 = arith.addi %get3A_402, %add3A_438 : vector<16xi32>
          %swap3A_440 = arith.constant 1 : i32
          %swap3A_441 = arith.index_cast %swap3A_440 : i32 to index
          %swap3A_442 = arith.constant 48 : index
          %swap3A_443 = tpu.vector_load %arg20[%swap3A_441, %swap3A_442] {strides = array<i32>} : memref<3x128xi32, #tpu.memory_space<vmem>>, vector<16xi32>,
          tpu.vector_store %arg20[%swap3A_441, %swap3A_442], %add3A_439 {strides = array<i32>} : memref<3x128xi32, #tpu.memory_space<vmem>>, vector<16xi32>,
          %add3A_444 = arith.constant 1536 : i32
          %add3A_445 = vector.broadcast %add3A_444 : i32 to vector<16xi32>
          %add3A_446 = arith.addi %get3A_406, %add3A_445 : vector<16xi32>
          %swap3A_447 = arith.constant 1 : i32
          %swap3A_448 = arith.index_cast %swap3A_447 : i32 to index
          %swap3A_449 = arith.constant 48 : index
          %swap3A_450 = tpu.vector_load %arg21[%swap3A_448, %swap3A_449] {strides = array<i32>} : memref<3x128xi32, #tpu.memory_space<vmem>>, vector<16xi32>,
          tpu.vector_store %arg21[%swap3A_448, %swap3A_449], %add3A_446 {strides = array<i32>} : memref<3x128xi32, #tpu.memory_space<vmem>>, vector<16xi32>,
          %add3A_451 = arith.constant 30000 : i32
          %add3A_452 = vector.broadcast %add3A_451 : i32 to vector<16xi32>
          %add3A_453 = arith.addi %get3A_402, %add3A_452 : vector<16xi32>
          %swap3A_454 = arith.constant 1 : i32
          %swap3A_455 = arith.index_cast %swap3A_454 : i32 to index
          %swap3A_456 = arith.constant 112 : index
          %swap3A_457 = tpu.vector_load %arg20[%swap3A_455, %swap3A_456] {strides = array<i32>} : memref<3x128xi32, #tpu.memory_space<vmem>>, vector<16xi32>,
          tpu.vector_store %arg20[%swap3A_455, %swap3A_456], %add3A_453 {strides = array<i32>} : memref<3x128xi32, #tpu.memory_space<vmem>>, vector<16xi32>,
          %add3A_458 = arith.constant 2304 : i32
          %add3A_459 = vector.broadcast %add3A_458 : i32 to vector<16xi32>
          %add3A_460 = arith.addi %get3A_406, %add3A_459 : vector<16xi32>
          %swap3A_461 = arith.constant 1 : i32
          %swap3A_462 = arith.index_cast %swap3A_461 : i32 to index
          %swap3A_463 = arith.constant 112 : index
          %swap3A_464 = tpu.vector_load %arg21[%swap3A_462, %swap3A_463] {strides = array<i32>} : memref<3x128xi32, #tpu.memory_space<vmem>>, vector<16xi32>,
          tpu.vector_store %arg21[%swap3A_462, %swap3A_463], %add3A_460 {strides = array<i32>} : memref<3x128xi32, #tpu.memory_space<vmem>>, vector<16xi32>,
          %add3A_465 = arith.constant 40000 : i32
          %add3A_466 = vector.broadcast %add3A_465 : i32 to vector<16xi32>
          %add3A_467 = arith.addi %get3A_402, %add3A_466 : vector<16xi32>
          %swap3A_468 = arith.constant 2 : i32
          %swap3A_469 = arith.index_cast %swap3A_468 : i32 to index
          %swap3A_470 = arith.constant 48 : index
          %swap3A_471 = tpu.vector_load %arg20[%swap3A_469, %swap3A_470] {strides = array<i32>} : memref<3x128xi32, #tpu.memory_space<vmem>>, vector<16xi32>,
          tpu.vector_store %arg20[%swap3A_469, %swap3A_470], %add3A_467 {strides = array<i32>} : memref<3x128xi32, #tpu.memory_space<vmem>>, vector<16xi32>,
          %add3A_472 = arith.constant 3072 : i32
          %add3A_473 = vector.broadcast %add3A_472 : i32 to vector<16xi32>
          %add3A_474 = arith.addi %get3A_406, %add3A_473 : vector<16xi32>
          %swap3A_475 = arith.constant 2 : i32
          %swap3A_476 = arith.index_cast %swap3A_475 : i32 to index
          %swap3A_477 = arith.constant 48 : index
          %swap3A_478 = tpu.vector_load %arg21[%swap3A_476, %swap3A_477] {strides = array<i32>} : memref<3x128xi32, #tpu.memory_space<vmem>>, vector<16xi32>,
          tpu.vector_store %arg21[%swap3A_476, %swap3A_477], %add3A_474 {strides = array<i32>} : memref<3x128xi32, #tpu.memory_space<vmem>>, vector<16xi32>,
          %add3A_479 = arith.constant 50000 : i32
          %add3A_480 = vector.broadcast %add3A_479 : i32 to vector<16xi32>
          %add3A_481 = arith.addi %get3A_402, %add3A_480 : vector<16xi32>
          %swap3A_482 = arith.constant 2 : i32
          %swap3A_483 = arith.index_cast %swap3A_482 : i32 to index
          %swap3A_484 = arith.constant 112 : index
          %swap3A_485 = tpu.vector_load %arg20[%swap3A_483, %swap3A_484] {strides = array<i32>} : memref<3x128xi32, #tpu.memory_space<vmem>>, vector<16xi32>,
          tpu.vector_store %arg20[%swap3A_483, %swap3A_484], %add3A_481 {strides = array<i32>} : memref<3x128xi32, #tpu.memory_space<vmem>>, vector<16xi32>,
          %add3A_486 = arith.constant 3840 : i32
          %add3A_487 = vector.broadcast %add3A_486 : i32 to vector<16xi32>
          %add3A_488 = arith.addi %get3A_406, %add3A_487 : vector<16xi32>
          %swap3A_489 = arith.constant 2 : i32
          %swap3A_490 = arith.index_cast %swap3A_489 : i32 to index
          %swap3A_491 = arith.constant 112 : index
          %swap3A_492 = tpu.vector_load %arg21[%swap3A_490, %swap3A_491] {strides = array<i32>} : memref<3x128xi32, #tpu.memory_space<vmem>>, vector<16xi32>,
          tpu.vector_store %arg21[%swap3A_490, %swap3A_491], %add3A_488 {strides = array<i32>} : memref<3x128xi32, #tpu.memory_space<vmem>>, vector<16xi32>,
          %dma_start3A = arith.constant 0 : i32
          %dma_start3A_493 = arith.constant 0 : i32
          %dma_start3A_494 = arith.constant 0 : i32
          %dma_start3A_495 = tpu.memref_slice %arg24[%dma_start3A_493, %dma_start3A_494] : memref<384x128xf32, #tpu.memory_space<vmem>> -> memref<128x128xf32, #tpu.memory_space<vmem>>
          %dma_start3A_496 = arith.constant 0 : i32
          %dma_start3A_497 = tpu.memref_slice %arg20[%dma_start3A, %dma_start3A_496] : memref<3x128xi32, #tpu.memory_space<vmem>> -> memref<1x128xi32, #tpu.memory_space<vmem>>
          %dma_start3A_498 = tpu.memref_squeeze %dma_start3A_497 : memref<1x128xi32, #tpu.memory_space<vmem>> -> memref<128xi32, #tpu.memory_space<vmem>>
          %dma_start3A_499 = arith.constant 0 : i32
          %dma_start3A_500 = arith.constant 0 : i32
          %dma_start3A_501 = tpu.memref_slice %arg5[%dma_start3A_499, %dma_start3A_500] : memref<60000x128xf32, #tpu.memory_space<hbm>> -> memref<60000x128xf32, #tpu.memory_space<hbm>>
          tpu.enqueue_indirect_dma source(%dma_start3A_501 : memref<60000x128xf32, #tpu.memory_space<hbm>>) target(%dma_start3A_495 : memref<128x128xf32, #tpu.memory_space<vmem>>) offsets(%dma_start3A_498 : memref<128xi32, #tpu.memory_space<vmem>>) semaphore(%arg28 : memref<!tpu.dma_semaphore, #tpu.memory_space<semaphore_mem>>)
          %dma_start3A_502 = arith.constant 1 : i32
          %dma_start3A_503 = arith.constant 128 : i32
          %dma_start3A_504 = arith.constant 0 : i32
          %dma_start3A_505 = tpu.memref_slice %arg24[%dma_start3A_503, %dma_start3A_504] : memref<384x128xf32, #tpu.memory_space<vmem>> -> memref<128x128xf32, #tpu.memory_space<vmem>>
          %dma_start3A_506 = arith.constant 0 : i32
          %dma_start3A_507 = tpu.memref_slice %arg20[%dma_start3A_502, %dma_start3A_506] : memref<3x128xi32, #tpu.memory_space<vmem>> -> memref<1x128xi32, #tpu.memory_space<vmem>>
          %dma_start3A_508 = tpu.memref_squeeze %dma_start3A_507 : memref<1x128xi32, #tpu.memory_space<vmem>> -> memref<128xi32, #tpu.memory_space<vmem>>
          %dma_start3A_509 = arith.constant 0 : i32
          %dma_start3A_510 = arith.constant 0 : i32
          %dma_start3A_511 = tpu.memref_slice %arg5[%dma_start3A_509, %dma_start3A_510] : memref<60000x128xf32, #tpu.memory_space<hbm>> -> memref<60000x128xf32, #tpu.memory_space<hbm>>
          tpu.enqueue_indirect_dma source(%dma_start3A_511 : memref<60000x128xf32, #tpu.memory_space<hbm>>) target(%dma_start3A_505 : memref<128x128xf32, #tpu.memory_space<vmem>>) offsets(%dma_start3A_508 : memref<128xi32, #tpu.memory_space<vmem>>) semaphore(%arg28 : memref<!tpu.dma_semaphore, #tpu.memory_space<semaphore_mem>>)
          %dma_start3A_512 = arith.constant 2 : i32
          %dma_start3A_513 = arith.constant 256 : i32
          %dma_start3A_514 = arith.constant 0 : i32
          %dma_start3A_515 = tpu.memref_slice %arg24[%dma_start3A_513, %dma_start3A_514] : memref<384x128xf32, #tpu.memory_space<vmem>> -> memref<128x128xf32, #tpu.memory_space<vmem>>
          %dma_start3A_516 = arith.constant 0 : i32
          %dma_start3A_517 = tpu.memref_slice %arg20[%dma_start3A_512, %dma_start3A_516] : memref<3x128xi32, #tpu.memory_space<vmem>> -> memref<1x128xi32, #tpu.memory_space<vmem>>
          %dma_start3A_518 = tpu.memref_squeeze %dma_start3A_517 : memref<1x128xi32, #tpu.memory_space<vmem>> -> memref<128xi32, #tpu.memory_space<vmem>>
          %dma_start3A_519 = arith.constant 0 : i32
          %dma_start3A_520 = arith.constant 0 : i32
          %dma_start3A_521 = tpu.memref_slice %arg5[%dma_start3A_519, %dma_start3A_520] : memref<60000x128xf32, #tpu.memory_space<hbm>> -> memref<60000x128xf32, #tpu.memory_space<hbm>>
          tpu.enqueue_indirect_dma source(%dma_start3A_521 : memref<60000x128xf32, #tpu.memory_space<hbm>>) target(%dma_start3A_515 : memref<128x128xf32, #tpu.memory_space<vmem>>) offsets(%dma_start3A_518 : memref<128xi32, #tpu.memory_space<vmem>>) semaphore(%arg28 : memref<!tpu.dma_semaphore, #tpu.memory_space<semaphore_mem>>)
          %dma_start3A_522 = tpu.memref_slice %arg16[%multiple_of3A_118] : memref<2656xi32, #tpu.memory_space<vmem>> -> memref<64xi32, #tpu.memory_space<vmem>>
          %dma_start3A_523 = arith.constant 0 : i32
          %dma_start3A_524 = arith.constant 0 : i32
          %dma_start3A_525 = tpu.memref_slice %arg4[%dma_start3A_523, %dma_start3A_524] : memref<10000x128xf32, #tpu.memory_space<hbm>> -> memref<10000x128xf32, #tpu.memory_space<hbm>>
          tpu.enqueue_indirect_dma source(%dma_start3A_525 : memref<10000x128xf32, #tpu.memory_space<hbm>>) target(%arg22 : memref<64x128xf32, #tpu.memory_space<vmem>>) offsets(%dma_start3A_522 : memref<64xi32, #tpu.memory_space<vmem>>) semaphore(%arg30 : memref<!tpu.dma_semaphore, #tpu.memory_space<semaphore_mem>>)
          %dma_start3A_526 = tpu.memref_slice %arg17[%multiple_of3A_118] : memref<2656xi32, #tpu.memory_space<vmem>> -> memref<64xi32, #tpu.memory_space<vmem>>
          %dma_start3A_527 = arith.constant 0 : i32
          %dma_start3A_528 = arith.constant 0 : i32
          %dma_start3A_529 = tpu.memref_slice %arg4[%dma_start3A_527, %dma_start3A_528] : memref<10000x128xf32, #tpu.memory_space<hbm>> -> memref<10000x128xf32, #tpu.memory_space<hbm>>
          tpu.enqueue_indirect_dma source(%dma_start3A_529 : memref<10000x128xf32, #tpu.memory_space<hbm>>) target(%arg23 : memref<64x128xf32, #tpu.memory_space<vmem>>) offsets(%dma_start3A_526 : memref<64xi32, #tpu.memory_space<vmem>>) semaphore(%arg30 : memref<!tpu.dma_semaphore, #tpu.memory_space<semaphore_mem>>)
          %dma_wait3A = tpu.memref_slice %arg16[%multiple_of3A_118] : memref<2656xi32, #tpu.memory_space<vmem>> -> memref<64xi32, #tpu.memory_space<vmem>>
          %dma_wait3A_530 = arith.constant 0 : i32
          %dma_wait3A_531 = arith.constant 0 : i32
          %dma_wait3A_532 = tpu.memref_slice %arg4[%dma_wait3A_530, %dma_wait3A_531] : memref<10000x128xf32, #tpu.memory_space<hbm>> -> memref<10000x128xf32, #tpu.memory_space<hbm>>
          tpu.wait_indirect_dma semaphore(%arg30 : memref<!tpu.dma_semaphore, #tpu.memory_space<semaphore_mem>>) src(%dma_wait3A_532 : memref<10000x128xf32, #tpu.memory_space<hbm>>) dst(%arg22 : memref<64x128xf32, #tpu.memory_space<vmem>>)
          %dma_wait3A_533 = tpu.memref_slice %arg17[%multiple_of3A_118] : memref<2656xi32, #tpu.memory_space<vmem>> -> memref<64xi32, #tpu.memory_space<vmem>>
          %dma_wait3A_534 = arith.constant 0 : i32
          %dma_wait3A_535 = arith.constant 0 : i32
          %dma_wait3A_536 = tpu.memref_slice %arg4[%dma_wait3A_534, %dma_wait3A_535] : memref<10000x128xf32, #tpu.memory_space<hbm>> -> memref<10000x128xf32, #tpu.memory_space<hbm>>
          tpu.wait_indirect_dma semaphore(%arg30 : memref<!tpu.dma_semaphore, #tpu.memory_space<semaphore_mem>>) src(%dma_wait3A_536 : memref<10000x128xf32, #tpu.memory_space<hbm>>) dst(%arg23 : memref<64x128xf32, #tpu.memory_space<vmem>>)
          %add3A_537 = arith.constant 0 : i32
          %add3A_538 = vector.broadcast %add3A_537 : i32 to vector<16xi32>
          %add3A_539 = arith.addi %iota3A, %add3A_538 : vector<16xi32>
          %broadcast_in_dim3A_540 = arith.constant 0 : i32
          %broadcast_in_dim3A_541 = vector.broadcast %broadcast_in_dim3A_540 : i32 to vector<16xi32>
          %gather3A = tpu.vector_load_idx %arg22[%add3A_539, %broadcast_in_dim3A_541] : memref<64x128xf32, #tpu.memory_space<vmem>>[vector<16xi32>, vector<16xi32>], vector<16xf32>,
          %broadcast_in_dim3A_542 = arith.constant 3 : i32
          %broadcast_in_dim3A_543 = vector.broadcast %broadcast_in_dim3A_542 : i32 to vector<16xi32>
          %gather3A_544 = tpu.vector_load_idx %arg23[%add3A_539, %broadcast_in_dim3A_543] : memref<64x128xf32, #tpu.memory_space<vmem>>[vector<16xi32>, vector<16xi32>], vector<16xf32>,
          %add3A_545 = arith.addf %gather3A, %gather3A_544 : vector<16xf32>
          %ge3A = arith.constant 0.000000e+00 : f32
          %ge3A_546 = vector.broadcast %ge3A : f32 to vector<16xf32>
          %ge3A_547 = arith.cmpf oge, %add3A_545, %ge3A_546 : vector<16xf32>
          %mul3A_548 = arith.constant 2.000000e-01 : f32
          %mul3A_549 = vector.broadcast %mul3A_548 : f32 to vector<16xf32>
          %mul3A_550 = arith.mulf %add3A_545, %mul3A_549 : vector<16xf32>
          %select_n3A_551 = arith.select %ge3A_547, %add3A_545, %mul3A_550 : vector<16xi1>, vector<16xf32>
          %broadcast_in_dim3A_552 = arith.constant 0 : i32
          %broadcast_in_dim3A_553 = vector.broadcast %broadcast_in_dim3A_552 : i32 to vector<16xi32>
          %exp3A = math.exp %select_n3A_551 : vector<16xf32>
          tpu.vector_store_idx %arg25[%add3A_539, %broadcast_in_dim3A_553], %exp3A : memref<64x128xf32, #tpu.memory_space<vmem>>[vector<16xi32>, vector<16xi32>], vector<16xf32>,
          %broadcast_in_dim3A_554 = arith.constant 1 : i32
          %broadcast_in_dim3A_555 = vector.broadcast %broadcast_in_dim3A_554 : i32 to vector<16xi32>
          %gather3A_556 = tpu.vector_load_idx %arg22[%add3A_539, %broadcast_in_dim3A_555] : memref<64x128xf32, #tpu.memory_space<vmem>>[vector<16xi32>, vector<16xi32>], vector<16xf32>,
          %broadcast_in_dim3A_557 = arith.constant 4 : i32
          %broadcast_in_dim3A_558 = vector.broadcast %broadcast_in_dim3A_557 : i32 to vector<16xi32>
          %gather3A_559 = tpu.vector_load_idx %arg23[%add3A_539, %broadcast_in_dim3A_558] : memref<64x128xf32, #tpu.memory_space<vmem>>[vector<16xi32>, vector<16xi32>], vector<16xf32>,
          %add3A_560 = arith.addf %gather3A_556, %gather3A_559 : vector<16xf32>
          %ge3A_561 = arith.constant 0.000000e+00 : f32
          %ge3A_562 = vector.broadcast %ge3A_561 : f32 to vector<16xf32>
          %ge3A_563 = arith.cmpf oge, %add3A_560, %ge3A_562 : vector<16xf32>
          %mul3A_564 = arith.constant 2.000000e-01 : f32
          %mul3A_565 = vector.broadcast %mul3A_564 : f32 to vector<16xf32>
          %mul3A_566 = arith.mulf %add3A_560, %mul3A_565 : vector<16xf32>
          %select_n3A_567 = arith.select %ge3A_563, %add3A_560, %mul3A_566 : vector<16xi1>, vector<16xf32>
          %broadcast_in_dim3A_568 = arith.constant 1 : i32
          %broadcast_in_dim3A_569 = vector.broadcast %broadcast_in_dim3A_568 : i32 to vector<16xi32>
          %exp3A_570 = math.exp %select_n3A_567 : vector<16xf32>
          tpu.vector_store_idx %arg25[%add3A_539, %broadcast_in_dim3A_569], %exp3A_570 : memref<64x128xf32, #tpu.memory_space<vmem>>[vector<16xi32>, vector<16xi32>], vector<16xf32>,
          %broadcast_in_dim3A_571 = arith.constant 2 : i32
          %broadcast_in_dim3A_572 = vector.broadcast %broadcast_in_dim3A_571 : i32 to vector<16xi32>
          %gather3A_573 = tpu.vector_load_idx %arg22[%add3A_539, %broadcast_in_dim3A_572] : memref<64x128xf32, #tpu.memory_space<vmem>>[vector<16xi32>, vector<16xi32>], vector<16xf32>,
          %broadcast_in_dim3A_574 = arith.constant 5 : i32
          %broadcast_in_dim3A_575 = vector.broadcast %broadcast_in_dim3A_574 : i32 to vector<16xi32>
          %gather3A_576 = tpu.vector_load_idx %arg23[%add3A_539, %broadcast_in_dim3A_575] : memref<64x128xf32, #tpu.memory_space<vmem>>[vector<16xi32>, vector<16xi32>], vector<16xf32>,
          %add3A_577 = arith.addf %gather3A_573, %gather3A_576 : vector<16xf32>
          %ge3A_578 = arith.constant 0.000000e+00 : f32
          %ge3A_579 = vector.broadcast %ge3A_578 : f32 to vector<16xf32>
          %ge3A_580 = arith.cmpf oge, %add3A_577, %ge3A_579 : vector<16xf32>
          %mul3A_581 = arith.constant 2.000000e-01 : f32
          %mul3A_582 = vector.broadcast %mul3A_581 : f32 to vector<16xf32>
          %mul3A_583 = arith.mulf %add3A_577, %mul3A_582 : vector<16xf32>
          %select_n3A_584 = arith.select %ge3A_580, %add3A_577, %mul3A_583 : vector<16xi1>, vector<16xf32>
          %broadcast_in_dim3A_585 = arith.constant 2 : i32
          %broadcast_in_dim3A_586 = vector.broadcast %broadcast_in_dim3A_585 : i32 to vector<16xi32>
          %exp3A_587 = math.exp %select_n3A_584 : vector<16xf32>
          tpu.vector_store_idx %arg25[%add3A_539, %broadcast_in_dim3A_586], %exp3A_587 : memref<64x128xf32, #tpu.memory_space<vmem>>[vector<16xi32>, vector<16xi32>], vector<16xf32>,
          %add3A_588 = arith.constant 16 : i32
          %add3A_589 = vector.broadcast %add3A_588 : i32 to vector<16xi32>
          %add3A_590 = arith.addi %iota3A, %add3A_589 : vector<16xi32>
          %broadcast_in_dim3A_591 = arith.constant 0 : i32
          %broadcast_in_dim3A_592 = vector.broadcast %broadcast_in_dim3A_591 : i32 to vector<16xi32>
          %gather3A_593 = tpu.vector_load_idx %arg22[%add3A_590, %broadcast_in_dim3A_592] : memref<64x128xf32, #tpu.memory_space<vmem>>[vector<16xi32>, vector<16xi32>], vector<16xf32>,
          %broadcast_in_dim3A_594 = arith.constant 3 : i32
          %broadcast_in_dim3A_595 = vector.broadcast %broadcast_in_dim3A_594 : i32 to vector<16xi32>
          %gather3A_596 = tpu.vector_load_idx %arg23[%add3A_590, %broadcast_in_dim3A_595] : memref<64x128xf32, #tpu.memory_space<vmem>>[vector<16xi32>, vector<16xi32>], vector<16xf32>,
          %add3A_597 = arith.addf %gather3A_593, %gather3A_596 : vector<16xf32>
          %ge3A_598 = arith.constant 0.000000e+00 : f32
          %ge3A_599 = vector.broadcast %ge3A_598 : f32 to vector<16xf32>
          %ge3A_600 = arith.cmpf oge, %add3A_597, %ge3A_599 : vector<16xf32>
          %mul3A_601 = arith.constant 2.000000e-01 : f32
          %mul3A_602 = vector.broadcast %mul3A_601 : f32 to vector<16xf32>
          %mul3A_603 = arith.mulf %add3A_597, %mul3A_602 : vector<16xf32>
          %select_n3A_604 = arith.select %ge3A_600, %add3A_597, %mul3A_603 : vector<16xi1>, vector<16xf32>
          %broadcast_in_dim3A_605 = arith.constant 0 : i32
          %broadcast_in_dim3A_606 = vector.broadcast %broadcast_in_dim3A_605 : i32 to vector<16xi32>
          %exp3A_607 = math.exp %select_n3A_604 : vector<16xf32>
          tpu.vector_store_idx %arg25[%add3A_590, %broadcast_in_dim3A_606], %exp3A_607 : memref<64x128xf32, #tpu.memory_space<vmem>>[vector<16xi32>, vector<16xi32>], vector<16xf32>,
          %broadcast_in_dim3A_608 = arith.constant 1 : i32
          %broadcast_in_dim3A_609 = vector.broadcast %broadcast_in_dim3A_608 : i32 to vector<16xi32>
          %gather3A_610 = tpu.vector_load_idx %arg22[%add3A_590, %broadcast_in_dim3A_609] : memref<64x128xf32, #tpu.memory_space<vmem>>[vector<16xi32>, vector<16xi32>], vector<16xf32>,
          %broadcast_in_dim3A_611 = arith.constant 4 : i32
          %broadcast_in_dim3A_612 = vector.broadcast %broadcast_in_dim3A_611 : i32 to vector<16xi32>
          %gather3A_613 = tpu.vector_load_idx %arg23[%add3A_590, %broadcast_in_dim3A_612] : memref<64x128xf32, #tpu.memory_space<vmem>>[vector<16xi32>, vector<16xi32>], vector<16xf32>,
          %add3A_614 = arith.addf %gather3A_610, %gather3A_613 : vector<16xf32>
          %ge3A_615 = arith.constant 0.000000e+00 : f32
          %ge3A_616 = vector.broadcast %ge3A_615 : f32 to vector<16xf32>
          %ge3A_617 = arith.cmpf oge, %add3A_614, %ge3A_616 : vector<16xf32>
          %mul3A_618 = arith.constant 2.000000e-01 : f32
          %mul3A_619 = vector.broadcast %mul3A_618 : f32 to vector<16xf32>
          %mul3A_620 = arith.mulf %add3A_614, %mul3A_619 : vector<16xf32>
          %select_n3A_621 = arith.select %ge3A_617, %add3A_614, %mul3A_620 : vector<16xi1>, vector<16xf32>
          %broadcast_in_dim3A_622 = arith.constant 1 : i32
          %broadcast_in_dim3A_623 = vector.broadcast %broadcast_in_dim3A_622 : i32 to vector<16xi32>
          %exp3A_624 = math.exp %select_n3A_621 : vector<16xf32>
          tpu.vector_store_idx %arg25[%add3A_590, %broadcast_in_dim3A_623], %exp3A_624 : memref<64x128xf32, #tpu.memory_space<vmem>>[vector<16xi32>, vector<16xi32>], vector<16xf32>,
          %broadcast_in_dim3A_625 = arith.constant 2 : i32
          %broadcast_in_dim3A_626 = vector.broadcast %broadcast_in_dim3A_625 : i32 to vector<16xi32>
          %gather3A_627 = tpu.vector_load_idx %arg22[%add3A_590, %broadcast_in_dim3A_626] : memref<64x128xf32, #tpu.memory_space<vmem>>[vector<16xi32>, vector<16xi32>], vector<16xf32>,
          %broadcast_in_dim3A_628 = arith.constant 5 : i32
          %broadcast_in_dim3A_629 = vector.broadcast %broadcast_in_dim3A_628 : i32 to vector<16xi32>
          %gather3A_630 = tpu.vector_load_idx %arg23[%add3A_590, %broadcast_in_dim3A_629] : memref<64x128xf32, #tpu.memory_space<vmem>>[vector<16xi32>, vector<16xi32>], vector<16xf32>,
          %add3A_631 = arith.addf %gather3A_627, %gather3A_630 : vector<16xf32>
          %ge3A_632 = arith.constant 0.000000e+00 : f32
          %ge3A_633 = vector.broadcast %ge3A_632 : f32 to vector<16xf32>
          %ge3A_634 = arith.cmpf oge, %add3A_631, %ge3A_633 : vector<16xf32>
          %mul3A_635 = arith.constant 2.000000e-01 : f32
          %mul3A_636 = vector.broadcast %mul3A_635 : f32 to vector<16xf32>
          %mul3A_637 = arith.mulf %add3A_631, %mul3A_636 : vector<16xf32>
          %select_n3A_638 = arith.select %ge3A_634, %add3A_631, %mul3A_637 : vector<16xi1>, vector<16xf32>
          %broadcast_in_dim3A_639 = arith.constant 2 : i32
          %broadcast_in_dim3A_640 = vector.broadcast %broadcast_in_dim3A_639 : i32 to vector<16xi32>
          %exp3A_641 = math.exp %select_n3A_638 : vector<16xf32>
          tpu.vector_store_idx %arg25[%add3A_590, %broadcast_in_dim3A_640], %exp3A_641 : memref<64x128xf32, #tpu.memory_space<vmem>>[vector<16xi32>, vector<16xi32>], vector<16xf32>,
          %add3A_642 = arith.constant 32 : i32
          %add3A_643 = vector.broadcast %add3A_642 : i32 to vector<16xi32>
          %add3A_644 = arith.addi %iota3A, %add3A_643 : vector<16xi32>
          %broadcast_in_dim3A_645 = arith.constant 0 : i32
          %broadcast_in_dim3A_646 = vector.broadcast %broadcast_in_dim3A_645 : i32 to vector<16xi32>
          %gather3A_647 = tpu.vector_load_idx %arg22[%add3A_644, %broadcast_in_dim3A_646] : memref<64x128xf32, #tpu.memory_space<vmem>>[vector<16xi32>, vector<16xi32>], vector<16xf32>,
          %broadcast_in_dim3A_648 = arith.constant 3 : i32
          %broadcast_in_dim3A_649 = vector.broadcast %broadcast_in_dim3A_648 : i32 to vector<16xi32>
          %gather3A_650 = tpu.vector_load_idx %arg23[%add3A_644, %broadcast_in_dim3A_649] : memref<64x128xf32, #tpu.memory_space<vmem>>[vector<16xi32>, vector<16xi32>], vector<16xf32>,
          %add3A_651 = arith.addf %gather3A_647, %gather3A_650 : vector<16xf32>
          %ge3A_652 = arith.constant 0.000000e+00 : f32
          %ge3A_653 = vector.broadcast %ge3A_652 : f32 to vector<16xf32>
          %ge3A_654 = arith.cmpf oge, %add3A_651, %ge3A_653 : vector<16xf32>
          %mul3A_655 = arith.constant 2.000000e-01 : f32
          %mul3A_656 = vector.broadcast %mul3A_655 : f32 to vector<16xf32>
          %mul3A_657 = arith.mulf %add3A_651, %mul3A_656 : vector<16xf32>
          %select_n3A_658 = arith.select %ge3A_654, %add3A_651, %mul3A_657 : vector<16xi1>, vector<16xf32>
          %broadcast_in_dim3A_659 = arith.constant 0 : i32
          %broadcast_in_dim3A_660 = vector.broadcast %broadcast_in_dim3A_659 : i32 to vector<16xi32>
          %exp3A_661 = math.exp %select_n3A_658 : vector<16xf32>
          tpu.vector_store_idx %arg25[%add3A_644, %broadcast_in_dim3A_660], %exp3A_661 : memref<64x128xf32, #tpu.memory_space<vmem>>[vector<16xi32>, vector<16xi32>], vector<16xf32>,
          %broadcast_in_dim3A_662 = arith.constant 1 : i32
          %broadcast_in_dim3A_663 = vector.broadcast %broadcast_in_dim3A_662 : i32 to vector<16xi32>
          %gather3A_664 = tpu.vector_load_idx %arg22[%add3A_644, %broadcast_in_dim3A_663] : memref<64x128xf32, #tpu.memory_space<vmem>>[vector<16xi32>, vector<16xi32>], vector<16xf32>,
          %broadcast_in_dim3A_665 = arith.constant 4 : i32
          %broadcast_in_dim3A_666 = vector.broadcast %broadcast_in_dim3A_665 : i32 to vector<16xi32>
          %gather3A_667 = tpu.vector_load_idx %arg23[%add3A_644, %broadcast_in_dim3A_666] : memref<64x128xf32, #tpu.memory_space<vmem>>[vector<16xi32>, vector<16xi32>], vector<16xf32>,
          %add3A_668 = arith.addf %gather3A_664, %gather3A_667 : vector<16xf32>
          %ge3A_669 = arith.constant 0.000000e+00 : f32
          %ge3A_670 = vector.broadcast %ge3A_669 : f32 to vector<16xf32>
          %ge3A_671 = arith.cmpf oge, %add3A_668, %ge3A_670 : vector<16xf32>
          %mul3A_672 = arith.constant 2.000000e-01 : f32
          %mul3A_673 = vector.broadcast %mul3A_672 : f32 to vector<16xf32>
          %mul3A_674 = arith.mulf %add3A_668, %mul3A_673 : vector<16xf32>
          %select_n3A_675 = arith.select %ge3A_671, %add3A_668, %mul3A_674 : vector<16xi1>, vector<16xf32>
          %broadcast_in_dim3A_676 = arith.constant 1 : i32
          %broadcast_in_dim3A_677 = vector.broadcast %broadcast_in_dim3A_676 : i32 to vector<16xi32>
          %exp3A_678 = math.exp %select_n3A_675 : vector<16xf32>
          tpu.vector_store_idx %arg25[%add3A_644, %broadcast_in_dim3A_677], %exp3A_678 : memref<64x128xf32, #tpu.memory_space<vmem>>[vector<16xi32>, vector<16xi32>], vector<16xf32>,
          %broadcast_in_dim3A_679 = arith.constant 2 : i32
          %broadcast_in_dim3A_680 = vector.broadcast %broadcast_in_dim3A_679 : i32 to vector<16xi32>
          %gather3A_681 = tpu.vector_load_idx %arg22[%add3A_644, %broadcast_in_dim3A_680] : memref<64x128xf32, #tpu.memory_space<vmem>>[vector<16xi32>, vector<16xi32>], vector<16xf32>,
          %broadcast_in_dim3A_682 = arith.constant 5 : i32
          %broadcast_in_dim3A_683 = vector.broadcast %broadcast_in_dim3A_682 : i32 to vector<16xi32>
          %gather3A_684 = tpu.vector_load_idx %arg23[%add3A_644, %broadcast_in_dim3A_683] : memref<64x128xf32, #tpu.memory_space<vmem>>[vector<16xi32>, vector<16xi32>], vector<16xf32>,
          %add3A_685 = arith.addf %gather3A_681, %gather3A_684 : vector<16xf32>
          %ge3A_686 = arith.constant 0.000000e+00 : f32
          %ge3A_687 = vector.broadcast %ge3A_686 : f32 to vector<16xf32>
          %ge3A_688 = arith.cmpf oge, %add3A_685, %ge3A_687 : vector<16xf32>
          %mul3A_689 = arith.constant 2.000000e-01 : f32
          %mul3A_690 = vector.broadcast %mul3A_689 : f32 to vector<16xf32>
          %mul3A_691 = arith.mulf %add3A_685, %mul3A_690 : vector<16xf32>
          %select_n3A_692 = arith.select %ge3A_688, %add3A_685, %mul3A_691 : vector<16xi1>, vector<16xf32>
          %broadcast_in_dim3A_693 = arith.constant 2 : i32
          %broadcast_in_dim3A_694 = vector.broadcast %broadcast_in_dim3A_693 : i32 to vector<16xi32>
          %exp3A_695 = math.exp %select_n3A_692 : vector<16xf32>
          tpu.vector_store_idx %arg25[%add3A_644, %broadcast_in_dim3A_694], %exp3A_695 : memref<64x128xf32, #tpu.memory_space<vmem>>[vector<16xi32>, vector<16xi32>], vector<16xf32>,
          %add3A_696 = arith.constant 48 : i32
          %add3A_697 = vector.broadcast %add3A_696 : i32 to vector<16xi32>
          %add3A_698 = arith.addi %iota3A, %add3A_697 : vector<16xi32>
          %broadcast_in_dim3A_699 = arith.constant 0 : i32
          %broadcast_in_dim3A_700 = vector.broadcast %broadcast_in_dim3A_699 : i32 to vector<16xi32>
          %gather3A_701 = tpu.vector_load_idx %arg22[%add3A_698, %broadcast_in_dim3A_700] : memref<64x128xf32, #tpu.memory_space<vmem>>[vector<16xi32>, vector<16xi32>], vector<16xf32>,
          %broadcast_in_dim3A_702 = arith.constant 3 : i32
          %broadcast_in_dim3A_703 = vector.broadcast %broadcast_in_dim3A_702 : i32 to vector<16xi32>
          %gather3A_704 = tpu.vector_load_idx %arg23[%add3A_698, %broadcast_in_dim3A_703] : memref<64x128xf32, #tpu.memory_space<vmem>>[vector<16xi32>, vector<16xi32>], vector<16xf32>,
          %add3A_705 = arith.addf %gather3A_701, %gather3A_704 : vector<16xf32>
          %ge3A_706 = arith.constant 0.000000e+00 : f32
          %ge3A_707 = vector.broadcast %ge3A_706 : f32 to vector<16xf32>
          %ge3A_708 = arith.cmpf oge, %add3A_705, %ge3A_707 : vector<16xf32>
          %mul3A_709 = arith.constant 2.000000e-01 : f32
          %mul3A_710 = vector.broadcast %mul3A_709 : f32 to vector<16xf32>
          %mul3A_711 = arith.mulf %add3A_705, %mul3A_710 : vector<16xf32>
          %select_n3A_712 = arith.select %ge3A_708, %add3A_705, %mul3A_711 : vector<16xi1>, vector<16xf32>
          %broadcast_in_dim3A_713 = arith.constant 0 : i32
          %broadcast_in_dim3A_714 = vector.broadcast %broadcast_in_dim3A_713 : i32 to vector<16xi32>
          %exp3A_715 = math.exp %select_n3A_712 : vector<16xf32>
          tpu.vector_store_idx %arg25[%add3A_698, %broadcast_in_dim3A_714], %exp3A_715 : memref<64x128xf32, #tpu.memory_space<vmem>>[vector<16xi32>, vector<16xi32>], vector<16xf32>,
          %broadcast_in_dim3A_716 = arith.constant 1 : i32
          %broadcast_in_dim3A_717 = vector.broadcast %broadcast_in_dim3A_716 : i32 to vector<16xi32>
          %gather3A_718 = tpu.vector_load_idx %arg22[%add3A_698, %broadcast_in_dim3A_717] : memref<64x128xf32, #tpu.memory_space<vmem>>[vector<16xi32>, vector<16xi32>], vector<16xf32>,
          %broadcast_in_dim3A_719 = arith.constant 4 : i32
          %broadcast_in_dim3A_720 = vector.broadcast %broadcast_in_dim3A_719 : i32 to vector<16xi32>
          %gather3A_721 = tpu.vector_load_idx %arg23[%add3A_698, %broadcast_in_dim3A_720] : memref<64x128xf32, #tpu.memory_space<vmem>>[vector<16xi32>, vector<16xi32>], vector<16xf32>,
          %add3A_722 = arith.addf %gather3A_718, %gather3A_721 : vector<16xf32>
          %ge3A_723 = arith.constant 0.000000e+00 : f32
          %ge3A_724 = vector.broadcast %ge3A_723 : f32 to vector<16xf32>
          %ge3A_725 = arith.cmpf oge, %add3A_722, %ge3A_724 : vector<16xf32>
          %mul3A_726 = arith.constant 2.000000e-01 : f32
          %mul3A_727 = vector.broadcast %mul3A_726 : f32 to vector<16xf32>
          %mul3A_728 = arith.mulf %add3A_722, %mul3A_727 : vector<16xf32>
          %select_n3A_729 = arith.select %ge3A_725, %add3A_722, %mul3A_728 : vector<16xi1>, vector<16xf32>
          %broadcast_in_dim3A_730 = arith.constant 1 : i32
          %broadcast_in_dim3A_731 = vector.broadcast %broadcast_in_dim3A_730 : i32 to vector<16xi32>
          %exp3A_732 = math.exp %select_n3A_729 : vector<16xf32>
          tpu.vector_store_idx %arg25[%add3A_698, %broadcast_in_dim3A_731], %exp3A_732 : memref<64x128xf32, #tpu.memory_space<vmem>>[vector<16xi32>, vector<16xi32>], vector<16xf32>,
          %broadcast_in_dim3A_733 = arith.constant 2 : i32
          %broadcast_in_dim3A_734 = vector.broadcast %broadcast_in_dim3A_733 : i32 to vector<16xi32>
          %gather3A_735 = tpu.vector_load_idx %arg22[%add3A_698, %broadcast_in_dim3A_734] : memref<64x128xf32, #tpu.memory_space<vmem>>[vector<16xi32>, vector<16xi32>], vector<16xf32>,
          %broadcast_in_dim3A_736 = arith.constant 5 : i32
          %broadcast_in_dim3A_737 = vector.broadcast %broadcast_in_dim3A_736 : i32 to vector<16xi32>
          %gather3A_738 = tpu.vector_load_idx %arg23[%add3A_698, %broadcast_in_dim3A_737] : memref<64x128xf32, #tpu.memory_space<vmem>>[vector<16xi32>, vector<16xi32>], vector<16xf32>,
          %add3A_739 = arith.addf %gather3A_735, %gather3A_738 : vector<16xf32>
          %ge3A_740 = arith.constant 0.000000e+00 : f32
          %ge3A_741 = vector.broadcast %ge3A_740 : f32 to vector<16xf32>
          %ge3A_742 = arith.cmpf oge, %add3A_739, %ge3A_741 : vector<16xf32>
          %mul3A_743 = arith.constant 2.000000e-01 : f32
          %mul3A_744 = vector.broadcast %mul3A_743 : f32 to vector<16xf32>
          %mul3A_745 = arith.mulf %add3A_739, %mul3A_744 : vector<16xf32>
          %select_n3A_746 = arith.select %ge3A_742, %add3A_739, %mul3A_745 : vector<16xi1>, vector<16xf32>
          %broadcast_in_dim3A_747 = arith.constant 2 : i32
          %broadcast_in_dim3A_748 = vector.broadcast %broadcast_in_dim3A_747 : i32 to vector<16xi32>
          %exp3A_749 = math.exp %select_n3A_746 : vector<16xf32>
          tpu.vector_store_idx %arg25[%add3A_698, %broadcast_in_dim3A_748], %exp3A_749 : memref<64x128xf32, #tpu.memory_space<vmem>>[vector<16xi32>, vector<16xi32>], vector<16xf32>,
          %dma_wait3A_750 = arith.constant 0 : i32
          %dma_wait3A_751 = arith.constant 0 : i32
          %dma_wait3A_752 = arith.constant 0 : i32
          %dma_wait3A_753 = tpu.memref_slice %arg24[%dma_wait3A_751, %dma_wait3A_752] : memref<384x128xf32, #tpu.memory_space<vmem>> -> memref<128x128xf32, #tpu.memory_space<vmem>>
          %dma_wait3A_754 = arith.constant 0 : i32
          %dma_wait3A_755 = tpu.memref_slice %arg20[%dma_wait3A_750, %dma_wait3A_754] : memref<3x128xi32, #tpu.memory_space<vmem>> -> memref<1x128xi32, #tpu.memory_space<vmem>>
          %dma_wait3A_756 = tpu.memref_squeeze %dma_wait3A_755 : memref<1x128xi32, #tpu.memory_space<vmem>> -> memref<128xi32, #tpu.memory_space<vmem>>
          %dma_wait3A_757 = arith.constant 0 : i32
          %dma_wait3A_758 = arith.constant 0 : i32
          %dma_wait3A_759 = tpu.memref_slice %arg5[%dma_wait3A_757, %dma_wait3A_758] : memref<60000x128xf32, #tpu.memory_space<hbm>> -> memref<60000x128xf32, #tpu.memory_space<hbm>>
          tpu.wait_indirect_dma semaphore(%arg28 : memref<!tpu.dma_semaphore, #tpu.memory_space<semaphore_mem>>) src(%dma_wait3A_759 : memref<60000x128xf32, #tpu.memory_space<hbm>>) dst(%dma_wait3A_753 : memref<128x128xf32, #tpu.memory_space<vmem>>)
          %dma_wait3A_760 = arith.constant 1 : i32
          %dma_wait3A_761 = arith.constant 128 : i32
          %dma_wait3A_762 = arith.constant 0 : i32
          %dma_wait3A_763 = tpu.memref_slice %arg24[%dma_wait3A_761, %dma_wait3A_762] : memref<384x128xf32, #tpu.memory_space<vmem>> -> memref<128x128xf32, #tpu.memory_space<vmem>>
          %dma_wait3A_764 = arith.constant 0 : i32
          %dma_wait3A_765 = tpu.memref_slice %arg20[%dma_wait3A_760, %dma_wait3A_764] : memref<3x128xi32, #tpu.memory_space<vmem>> -> memref<1x128xi32, #tpu.memory_space<vmem>>
          %dma_wait3A_766 = tpu.memref_squeeze %dma_wait3A_765 : memref<1x128xi32, #tpu.memory_space<vmem>> -> memref<128xi32, #tpu.memory_space<vmem>>
          %dma_wait3A_767 = arith.constant 0 : i32
          %dma_wait3A_768 = arith.constant 0 : i32
          %dma_wait3A_769 = tpu.memref_slice %arg5[%dma_wait3A_767, %dma_wait3A_768] : memref<60000x128xf32, #tpu.memory_space<hbm>> -> memref<60000x128xf32, #tpu.memory_space<hbm>>
          tpu.wait_indirect_dma semaphore(%arg28 : memref<!tpu.dma_semaphore, #tpu.memory_space<semaphore_mem>>) src(%dma_wait3A_769 : memref<60000x128xf32, #tpu.memory_space<hbm>>) dst(%dma_wait3A_763 : memref<128x128xf32, #tpu.memory_space<vmem>>)
          %dma_wait3A_770 = arith.constant 2 : i32
          %dma_wait3A_771 = arith.constant 256 : i32
          %dma_wait3A_772 = arith.constant 0 : i32
          %dma_wait3A_773 = tpu.memref_slice %arg24[%dma_wait3A_771, %dma_wait3A_772] : memref<384x128xf32, #tpu.memory_space<vmem>> -> memref<128x128xf32, #tpu.memory_space<vmem>>
          %dma_wait3A_774 = arith.constant 0 : i32
          %dma_wait3A_775 = tpu.memref_slice %arg20[%dma_wait3A_770, %dma_wait3A_774] : memref<3x128xi32, #tpu.memory_space<vmem>> -> memref<1x128xi32, #tpu.memory_space<vmem>>
          %dma_wait3A_776 = tpu.memref_squeeze %dma_wait3A_775 : memref<1x128xi32, #tpu.memory_space<vmem>> -> memref<128xi32, #tpu.memory_space<vmem>>
          %dma_wait3A_777 = arith.constant 0 : i32
          %dma_wait3A_778 = arith.constant 0 : i32
          %dma_wait3A_779 = tpu.memref_slice %arg5[%dma_wait3A_777, %dma_wait3A_778] : memref<60000x128xf32, #tpu.memory_space<hbm>> -> memref<60000x128xf32, #tpu.memory_space<hbm>>
          tpu.wait_indirect_dma semaphore(%arg28 : memref<!tpu.dma_semaphore, #tpu.memory_space<semaphore_mem>>) src(%dma_wait3A_779 : memref<60000x128xf32, #tpu.memory_space<hbm>>) dst(%dma_wait3A_773 : memref<128x128xf32, #tpu.memory_space<vmem>>)
          %scan3A_780 = arith.constant 0 : i32
          %scan3A_781 = arith.constant 0 : i32
          %scan3A_782 = arith.constant 0 : i32
          %scan3A_783 = arith.addi %scan3A_781, %scan3A_782 : i32
          %scan3A_784 = arith.constant 0 : i32
          %dma_start3A_785 = arith.constant 0 : i32
          %dma_start3A_786 = arith.constant 0 : i32
          %dma_start3A_787 = arith.constant 0 : i32
          %dma_start3A_788 = tpu.memref_slice %arg24[%dma_start3A_786, %dma_start3A_787] : memref<384x128xf32, #tpu.memory_space<vmem>> -> memref<128x128xf32, #tpu.memory_space<vmem>>
          %dma_start3A_789 = arith.constant 0 : i32
          %dma_start3A_790 = tpu.memref_slice %arg21[%dma_start3A_785, %dma_start3A_789] : memref<3x128xi32, #tpu.memory_space<vmem>> -> memref<1x128xi32, #tpu.memory_space<vmem>>
          %dma_start3A_791 = tpu.memref_squeeze %dma_start3A_790 : memref<1x128xi32, #tpu.memory_space<vmem>> -> memref<128xi32, #tpu.memory_space<vmem>>
          %dma_start3A_792 = arith.constant 0 : i32
          %dma_start3A_793 = arith.constant 0 : i32
          %dma_start3A_794 = tpu.memref_slice %arg26[%dma_start3A_792, %dma_start3A_793] : memref<4608x128xf32, #tpu.memory_space<vmem_shared>> -> memref<4608x128xf32, #tpu.memory_space<vmem_shared>>
          tpu.enqueue_indirect_dma source(%dma_start3A_788 : memref<128x128xf32, #tpu.memory_space<vmem>>) target(%dma_start3A_794 : memref<4608x128xf32, #tpu.memory_space<vmem_shared>>) offsets(%dma_start3A_791 : memref<128xi32, #tpu.memory_space<vmem>>) semaphore(%arg29 : memref<!tpu.dma_semaphore, #tpu.memory_space<semaphore_mem>>) {add = true}
          %dma_start3A_795 = arith.constant 1 : i32
          %dma_start3A_796 = arith.constant 128 : i32
          %dma_start3A_797 = arith.constant 0 : i32
          %dma_start3A_798 = tpu.memref_slice %arg24[%dma_start3A_796, %dma_start3A_797] : memref<384x128xf32, #tpu.memory_space<vmem>> -> memref<128x128xf32, #tpu.memory_space<vmem>>
          %dma_start3A_799 = arith.constant 0 : i32
          %dma_start3A_800 = tpu.memref_slice %arg21[%dma_start3A_795, %dma_start3A_799] : memref<3x128xi32, #tpu.memory_space<vmem>> -> memref<1x128xi32, #tpu.memory_space<vmem>>
          %dma_start3A_801 = tpu.memref_squeeze %dma_start3A_800 : memref<1x128xi32, #tpu.memory_space<vmem>> -> memref<128xi32, #tpu.memory_space<vmem>>
          %dma_start3A_802 = arith.constant 0 : i32
          %dma_start3A_803 = arith.constant 0 : i32
          %dma_start3A_804 = tpu.memref_slice %arg26[%dma_start3A_802, %dma_start3A_803] : memref<4608x128xf32, #tpu.memory_space<vmem_shared>> -> memref<4608x128xf32, #tpu.memory_space<vmem_shared>>
          tpu.enqueue_indirect_dma source(%dma_start3A_798 : memref<128x128xf32, #tpu.memory_space<vmem>>) target(%dma_start3A_804 : memref<4608x128xf32, #tpu.memory_space<vmem_shared>>) offsets(%dma_start3A_801 : memref<128xi32, #tpu.memory_space<vmem>>) semaphore(%arg29 : memref<!tpu.dma_semaphore, #tpu.memory_space<semaphore_mem>>) {add = true}
          %dma_start3A_805 = arith.constant 2 : i32
          %dma_start3A_806 = arith.constant 256 : i32
          %dma_start3A_807 = arith.constant 0 : i32
          %dma_start3A_808 = tpu.memref_slice %arg24[%dma_start3A_806, %dma_start3A_807] : memref<384x128xf32, #tpu.memory_space<vmem>> -> memref<128x128xf32, #tpu.memory_space<vmem>>
          %dma_start3A_809 = arith.constant 0 : i32
          %dma_start3A_810 = tpu.memref_slice %arg21[%dma_start3A_805, %dma_start3A_809] : memref<3x128xi32, #tpu.memory_space<vmem>> -> memref<1x128xi32, #tpu.memory_space<vmem>>
          %dma_start3A_811 = tpu.memref_squeeze %dma_start3A_810 : memref<1x128xi32, #tpu.memory_space<vmem>> -> memref<128xi32, #tpu.memory_space<vmem>>
          %dma_start3A_812 = arith.constant 0 : i32
          %dma_start3A_813 = arith.constant 0 : i32
          %dma_start3A_814 = tpu.memref_slice %arg26[%dma_start3A_812, %dma_start3A_813] : memref<4608x128xf32, #tpu.memory_space<vmem_shared>> -> memref<4608x128xf32, #tpu.memory_space<vmem_shared>>
          tpu.enqueue_indirect_dma source(%dma_start3A_808 : memref<128x128xf32, #tpu.memory_space<vmem>>) target(%dma_start3A_814 : memref<4608x128xf32, #tpu.memory_space<vmem_shared>>) offsets(%dma_start3A_811 : memref<128xi32, #tpu.memory_space<vmem>>) semaphore(%arg29 : memref<!tpu.dma_semaphore, #tpu.memory_space<semaphore_mem>>) {add = true}
          %dma_start3A_815 = arith.constant 0 : i32
          %dma_start3A_816 = arith.constant 0 : i32
          %dma_start3A_817 = tpu.memref_slice %arg27[%dma_start3A_815, %dma_start3A_816] : memref<768x128xf32, #tpu.memory_space<vmem_shared>> -> memref<768x128xf32, #tpu.memory_space<vmem_shared>>
          tpu.enqueue_indirect_dma source(%arg25 : memref<64x128xf32, #tpu.memory_space<vmem>>) target(%dma_start3A_817 : memref<768x128xf32, #tpu.memory_space<vmem_shared>>) offsets(%arg19 : memref<64xi32, #tpu.memory_space<vmem>>) semaphore(%arg29 : memref<!tpu.dma_semaphore, #tpu.memory_space<semaphore_mem>>) {add = true}
          %dma_wait3A_818 = arith.constant 0 : i32
          %dma_wait3A_819 = arith.constant 0 : i32
          %dma_wait3A_820 = arith.constant 0 : i32
          %dma_wait3A_821 = tpu.memref_slice %arg24[%dma_wait3A_819, %dma_wait3A_820] : memref<384x128xf32, #tpu.memory_space<vmem>> -> memref<128x128xf32, #tpu.memory_space<vmem>>
          %dma_wait3A_822 = arith.constant 0 : i32
          %dma_wait3A_823 = tpu.memref_slice %arg21[%dma_wait3A_818, %dma_wait3A_822] : memref<3x128xi32, #tpu.memory_space<vmem>> -> memref<1x128xi32, #tpu.memory_space<vmem>>
          %dma_wait3A_824 = tpu.memref_squeeze %dma_wait3A_823 : memref<1x128xi32, #tpu.memory_space<vmem>> -> memref<128xi32, #tpu.memory_space<vmem>>
          %dma_wait3A_825 = arith.constant 0 : i32
          %dma_wait3A_826 = arith.constant 0 : i32
          %dma_wait3A_827 = tpu.memref_slice %arg26[%dma_wait3A_825, %dma_wait3A_826] : memref<4608x128xf32, #tpu.memory_space<vmem_shared>> -> memref<4608x128xf32, #tpu.memory_space<vmem_shared>>
          tpu.wait_indirect_dma semaphore(%arg29 : memref<!tpu.dma_semaphore, #tpu.memory_space<semaphore_mem>>) src(%dma_wait3A_821 : memref<128x128xf32, #tpu.memory_space<vmem>>) dst(%dma_wait3A_827 : memref<4608x128xf32, #tpu.memory_space<vmem_shared>>)
          %dma_wait3A_828 = arith.constant 1 : i32
          %dma_wait3A_829 = arith.constant 128 : i32
          %dma_wait3A_830 = arith.constant 0 : i32
          %dma_wait3A_831 = tpu.memref_slice %arg24[%dma_wait3A_829, %dma_wait3A_830] : memref<384x128xf32, #tpu.memory_space<vmem>> -> memref<128x128xf32, #tpu.memory_space<vmem>>
          %dma_wait3A_832 = arith.constant 0 : i32
          %dma_wait3A_833 = tpu.memref_slice %arg21[%dma_wait3A_828, %dma_wait3A_832] : memref<3x128xi32, #tpu.memory_space<vmem>> -> memref<1x128xi32, #tpu.memory_space<vmem>>
          %dma_wait3A_834 = tpu.memref_squeeze %dma_wait3A_833 : memref<1x128xi32, #tpu.memory_space<vmem>> -> memref<128xi32, #tpu.memory_space<vmem>>
          %dma_wait3A_835 = arith.constant 0 : i32
          %dma_wait3A_836 = arith.constant 0 : i32
          %dma_wait3A_837 = tpu.memref_slice %arg26[%dma_wait3A_835, %dma_wait3A_836] : memref<4608x128xf32, #tpu.memory_space<vmem_shared>> -> memref<4608x128xf32, #tpu.memory_space<vmem_shared>>
          tpu.wait_indirect_dma semaphore(%arg29 : memref<!tpu.dma_semaphore, #tpu.memory_space<semaphore_mem>>) src(%dma_wait3A_831 : memref<128x128xf32, #tpu.memory_space<vmem>>) dst(%dma_wait3A_837 : memref<4608x128xf32, #tpu.memory_space<vmem_shared>>)
          %dma_wait3A_838 = arith.constant 2 : i32
          %dma_wait3A_839 = arith.constant 256 : i32
          %dma_wait3A_840 = arith.constant 0 : i32
          %dma_wait3A_841 = tpu.memref_slice %arg24[%dma_wait3A_839, %dma_wait3A_840] : memref<384x128xf32, #tpu.memory_space<vmem>> -> memref<128x128xf32, #tpu.memory_space<vmem>>
          %dma_wait3A_842 = arith.constant 0 : i32
          %dma_wait3A_843 = tpu.memref_slice %arg21[%dma_wait3A_838, %dma_wait3A_842] : memref<3x128xi32, #tpu.memory_space<vmem>> -> memref<1x128xi32, #tpu.memory_space<vmem>>
          %dma_wait3A_844 = tpu.memref_squeeze %dma_wait3A_843 : memref<1x128xi32, #tpu.memory_space<vmem>> -> memref<128xi32, #tpu.memory_space<vmem>>
          %dma_wait3A_845 = arith.constant 0 : i32
          %dma_wait3A_846 = arith.constant 0 : i32
          %dma_wait3A_847 = tpu.memref_slice %arg26[%dma_wait3A_845, %dma_wait3A_846] : memref<4608x128xf32, #tpu.memory_space<vmem_shared>> -> memref<4608x128xf32, #tpu.memory_space<vmem_shared>>
          tpu.wait_indirect_dma semaphore(%arg29 : memref<!tpu.dma_semaphore, #tpu.memory_space<semaphore_mem>>) src(%dma_wait3A_841 : memref<128x128xf32, #tpu.memory_space<vmem>>) dst(%dma_wait3A_847 : memref<4608x128xf32, #tpu.memory_space<vmem_shared>>)
          %dma_wait3A_848 = arith.constant 0 : i32
          %dma_wait3A_849 = arith.constant 0 : i32
          %dma_wait3A_850 = tpu.memref_slice %arg27[%dma_wait3A_848, %dma_wait3A_849] : memref<768x128xf32, #tpu.memory_space<vmem_shared>> -> memref<768x128xf32, #tpu.memory_space<vmem_shared>>
          tpu.wait_indirect_dma semaphore(%arg29 : memref<!tpu.dma_semaphore, #tpu.memory_space<semaphore_mem>>) src(%arg25 : memref<64x128xf32, #tpu.memory_space<vmem>>) dst(%dma_wait3A_850 : memref<768x128xf32, #tpu.memory_space<vmem_shared>>)
        }
        %while3A_114 = arith.constant 1 : i32
        scf.for %while3A_115 = %while3A_112 to %while3A_108 step %while3A_114  : i32 {
          %mul3A_116 = arith.constant 64 : i32
          %mul3A_117 = arith.muli %while3A_115, %mul3A_116 : i32
          %multiple_of3A_118 = tpu.assume_multiple %mul3A_117, 64 : i32
          %add3A_119 = arith.constant 0 : i32
          %add3A_120 = arith.addi %multiple_of3A_118, %add3A_119 : i32
          %get3A = arith.index_cast %add3A_120 : i32 to index
          %get3A_121 = tpu.vector_load %arg16[%get3A] {strides = array<i32>} : memref<2656xi32, #tpu.memory_space<vmem>>, vector<16xi32>,
          %add3A_122 = arith.constant 0 : i32
          %add3A_123 = arith.addi %multiple_of3A_118, %add3A_122 : i32
          %get3A_124 = arith.index_cast %add3A_123 : i32 to index
          %get3A_125 = tpu.vector_load %arg18[%get3A_124] {strides = array<i32>} : memref<2656xi32, #tpu.memory_space<vmem>>, vector<16xi32>,
          %swap3A = arith.constant 0 : index
          %swap3A_126 = tpu.vector_load %arg19[%swap3A] {strides = array<i32>} : memref<64xi32, #tpu.memory_space<vmem>>, vector<16xi32>,
          tpu.vector_store %arg19[%swap3A], %get3A_125 {strides = array<i32>} : memref<64xi32, #tpu.memory_space<vmem>>, vector<16xi32>,
          %add3A_127 = arith.constant 0 : i32
          %add3A_128 = vector.broadcast %add3A_127 : i32 to vector<16xi32>
          %add3A_129 = arith.addi %get3A_121, %add3A_128 : vector<16xi32>
          %swap3A_130 = arith.constant 0 : i32
          %swap3A_131 = arith.index_cast %swap3A_130 : i32 to index
          %swap3A_132 = arith.constant 0 : index
          %swap3A_133 = tpu.vector_load %arg20[%swap3A_131, %swap3A_132] {strides = array<i32>} : memref<3x128xi32, #tpu.memory_space<vmem>>, vector<16xi32>,
          tpu.vector_store %arg20[%swap3A_131, %swap3A_132], %add3A_129 {strides = array<i32>} : memref<3x128xi32, #tpu.memory_space<vmem>>, vector<16xi32>,
          %add3A_134 = arith.constant 0 : i32
          %add3A_135 = vector.broadcast %add3A_134 : i32 to vector<16xi32>
          %add3A_136 = arith.addi %get3A_125, %add3A_135 : vector<16xi32>
          %swap3A_137 = arith.constant 0 : i32
          %swap3A_138 = arith.index_cast %swap3A_137 : i32 to index
          %swap3A_139 = arith.constant 0 : index
          %swap3A_140 = tpu.vector_load %arg21[%swap3A_138, %swap3A_139] {strides = array<i32>} : memref<3x128xi32, #tpu.memory_space<vmem>>, vector<16xi32>,
          tpu.vector_store %arg21[%swap3A_138, %swap3A_139], %add3A_136 {strides = array<i32>} : memref<3x128xi32, #tpu.memory_space<vmem>>, vector<16xi32>,
          %add3A_141 = arith.constant 10000 : i32
          %add3A_142 = vector.broadcast %add3A_141 : i32 to vector<16xi32>
          %add3A_143 = arith.addi %get3A_121, %add3A_142 : vector<16xi32>
          %swap3A_144 = arith.constant 0 : i32
          %swap3A_145 = arith.index_cast %swap3A_144 : i32 to index
          %swap3A_146 = arith.constant 64 : index
          %swap3A_147 = tpu.vector_load %arg20[%swap3A_145, %swap3A_146] {strides = array<i32>} : memref<3x128xi32, #tpu.memory_space<vmem>>, vector<16xi32>,
          tpu.vector_store %arg20[%swap3A_145, %swap3A_146], %add3A_143 {strides = array<i32>} : memref<3x128xi32, #tpu.memory_space<vmem>>, vector<16xi32>,
          %add3A_148 = arith.constant 768 : i32
          %add3A_149 = vector.broadcast %add3A_148 : i32 to vector<16xi32>
          %add3A_150 = arith.addi %get3A_125, %add3A_149 : vector<16xi32>
          %swap3A_151 = arith.constant 0 : i32
          %swap3A_152 = arith.index_cast %swap3A_151 : i32 to index
          %swap3A_153 = arith.constant 64 : index
          %swap3A_154 = tpu.vector_load %arg21[%swap3A_152, %swap3A_153] {strides = array<i32>} : memref<3x128xi32, #tpu.memory_space<vmem>>, vector<16xi32>,
          tpu.vector_store %arg21[%swap3A_152, %swap3A_153], %add3A_150 {strides = array<i32>} : memref<3x128xi32, #tpu.memory_space<vmem>>, vector<16xi32>,
          %add3A_155 = arith.constant 20000 : i32
          %add3A_156 = vector.broadcast %add3A_155 : i32 to vector<16xi32>
          %add3A_157 = arith.addi %get3A_121, %add3A_156 : vector<16xi32>
          %swap3A_158 = arith.constant 1 : i32
          %swap3A_159 = arith.index_cast %swap3A_158 : i32 to index
          %swap3A_160 = arith.constant 0 : index
          %swap3A_161 = tpu.vector_load %arg20[%swap3A_159, %swap3A_160] {strides = array<i32>} : memref<3x128xi32, #tpu.memory_space<vmem>>, vector<16xi32>,
          tpu.vector_store %arg20[%swap3A_159, %swap3A_160], %add3A_157 {strides = array<i32>} : memref<3x128xi32, #tpu.memory_space<vmem>>, vector<16xi32>,
          %add3A_162 = arith.constant 1536 : i32
          %add3A_163 = vector.broadcast %add3A_162 : i32 to vector<16xi32>
          %add3A_164 = arith.addi %get3A_125, %add3A_163 : vector<16xi32>
          %swap3A_165 = arith.constant 1 : i32
          %swap3A_166 = arith.index_cast %swap3A_165 : i32 to index
          %swap3A_167 = arith.constant 0 : index
          %swap3A_168 = tpu.vector_load %arg21[%swap3A_166, %swap3A_167] {strides = array<i32>} : memref<3x128xi32, #tpu.memory_space<vmem>>, vector<16xi32>,
          tpu.vector_store %arg21[%swap3A_166, %swap3A_167], %add3A_164 {strides = array<i32>} : memref<3x128xi32, #tpu.memory_space<vmem>>, vector<16xi32>,
          %add3A_169 = arith.constant 30000 : i32
          %add3A_170 = vector.broadcast %add3A_169 : i32 to vector<16xi32>
          %add3A_171 = arith.addi %get3A_121, %add3A_170 : vector<16xi32>
          %swap3A_172 = arith.constant 1 : i32
          %swap3A_173 = arith.index_cast %swap3A_172 : i32 to index
          %swap3A_174 = arith.constant 64 : index
          %swap3A_175 = tpu.vector_load %arg20[%swap3A_173, %swap3A_174] {strides = array<i32>} : memref<3x128xi32, #tpu.memory_space<vmem>>, vector<16xi32>,
          tpu.vector_store %arg20[%swap3A_173, %swap3A_174], %add3A_171 {strides = array<i32>} : memref<3x128xi32, #tpu.memory_space<vmem>>, vector<16xi32>,
          %add3A_176 = arith.constant 2304 : i32
          %add3A_177 = vector.broadcast %add3A_176 : i32 to vector<16xi32>
          %add3A_178 = arith.addi %get3A_125, %add3A_177 : vector<16xi32>
          %swap3A_179 = arith.constant 1 : i32
          %swap3A_180 = arith.index_cast %swap3A_179 : i32 to index
          %swap3A_181 = arith.constant 64 : index
          %swap3A_182 = tpu.vector_load %arg21[%swap3A_180, %swap3A_181] {strides = array<i32>} : memref<3x128xi32, #tpu.memory_space<vmem>>, vector<16xi32>,
          tpu.vector_store %arg21[%swap3A_180, %swap3A_181], %add3A_178 {strides = array<i32>} : memref<3x128xi32, #tpu.memory_space<vmem>>, vector<16xi32>,
          %add3A_183 = arith.constant 40000 : i32
          %add3A_184 = vector.broadcast %add3A_183 : i32 to vector<16xi32>
          %add3A_185 = arith.addi %get3A_121, %add3A_184 : vector<16xi32>
          %swap3A_186 = arith.constant 2 : i32
          %swap3A_187 = arith.index_cast %swap3A_186 : i32 to index
          %swap3A_188 = arith.constant 0 : index
          %swap3A_189 = tpu.vector_load %arg20[%swap3A_187, %swap3A_188] {strides = array<i32>} : memref<3x128xi32, #tpu.memory_space<vmem>>, vector<16xi32>,
          tpu.vector_store %arg20[%swap3A_187, %swap3A_188], %add3A_185 {strides = array<i32>} : memref<3x128xi32, #tpu.memory_space<vmem>>, vector<16xi32>,
          %add3A_190 = arith.constant 3072 : i32
          %add3A_191 = vector.broadcast %add3A_190 : i32 to vector<16xi32>
          %add3A_192 = arith.addi %get3A_125, %add3A_191 : vector<16xi32>
          %swap3A_193 = arith.constant 2 : i32
          %swap3A_194 = arith.index_cast %swap3A_193 : i32 to index
          %swap3A_195 = arith.constant 0 : index
          %swap3A_196 = tpu.vector_load %arg21[%swap3A_194, %swap3A_195] {strides = array<i32>} : memref<3x128xi32, #tpu.memory_space<vmem>>, vector<16xi32>,
          tpu.vector_store %arg21[%swap3A_194, %swap3A_195], %add3A_192 {strides = array<i32>} : memref<3x128xi32, #tpu.memory_space<vmem>>, vector<16xi32>,
          %add3A_197 = arith.constant 50000 : i32
          %add3A_198 = vector.broadcast %add3A_197 : i32 to vector<16xi32>
          %add3A_199 = arith.addi %get3A_121, %add3A_198 : vector<16xi32>
          %swap3A_200 = arith.constant 2 : i32
          %swap3A_201 = arith.index_cast %swap3A_200 : i32 to index
          %swap3A_202 = arith.constant 64 : index
          %swap3A_203 = tpu.vector_load %arg20[%swap3A_201, %swap3A_202] {strides = array<i32>} : memref<3x128xi32, #tpu.memory_space<vmem>>, vector<16xi32>,
          tpu.vector_store %arg20[%swap3A_201, %swap3A_202], %add3A_199 {strides = array<i32>} : memref<3x128xi32, #tpu.memory_space<vmem>>, vector<16xi32>,
          %add3A_204 = arith.constant 3840 : i32
          %add3A_205 = vector.broadcast %add3A_204 : i32 to vector<16xi32>
          %add3A_206 = arith.addi %get3A_125, %add3A_205 : vector<16xi32>
          %swap3A_207 = arith.constant 2 : i32
          %swap3A_208 = arith.index_cast %swap3A_207 : i32 to index
          %swap3A_209 = arith.constant 64 : index
          %swap3A_210 = tpu.vector_load %arg21[%swap3A_208, %swap3A_209] {strides = array<i32>} : memref<3x128xi32, #tpu.memory_space<vmem>>, vector<16xi32>,
          tpu.vector_store %arg21[%swap3A_208, %swap3A_209], %add3A_206 {strides = array<i32>} : memref<3x128xi32, #tpu.memory_space<vmem>>, vector<16xi32>,
          %add3A_211 = arith.constant 16 : i32
          %add3A_212 = arith.addi %multiple_of3A_118, %add3A_211 : i32
          %get3A_213 = arith.index_cast %add3A_212 : i32 to index
          %get3A_214 = tpu.vector_load %arg16[%get3A_213] {strides = array<i32>} : memref<2656xi32, #tpu.memory_space<vmem>>, vector<16xi32>,
          %add3A_215 = arith.constant 16 : i32
          %add3A_216 = arith.addi %multiple_of3A_118, %add3A_215 : i32
          %get3A_217 = arith.index_cast %add3A_216 : i32 to index
          %get3A_218 = tpu.vector_load %arg18[%get3A_217] {strides = array<i32>} : memref<2656xi32, #tpu.memory_space<vmem>>, vector<16xi32>,
          %swap3A_219 = arith.constant 16 : index
          %swap3A_220 = tpu.vector_load %arg19[%swap3A_219] {strides = array<i32>} : memref<64xi32, #tpu.memory_space<vmem>>, vector<16xi32>,
          tpu.vector_store %arg19[%swap3A_219], %get3A_218 {strides = array<i32>} : memref<64xi32, #tpu.memory_space<vmem>>, vector<16xi32>,
          %add3A_221 = arith.constant 0 : i32
          %add3A_222 = vector.broadcast %add3A_221 : i32 to vector<16xi32>
          %add3A_223 = arith.addi %get3A_214, %add3A_222 : vector<16xi32>
          %swap3A_224 = arith.constant 0 : i32
          %swap3A_225 = arith.index_cast %swap3A_224 : i32 to index
          %swap3A_226 = arith.constant 16 : index
          %swap3A_227 = tpu.vector_load %arg20[%swap3A_225, %swap3A_226] {strides = array<i32>} : memref<3x128xi32, #tpu.memory_space<vmem>>, vector<16xi32>,
          tpu.vector_store %arg20[%swap3A_225, %swap3A_226], %add3A_223 {strides = array<i32>} : memref<3x128xi32, #tpu.memory_space<vmem>>, vector<16xi32>,
          %add3A_228 = arith.constant 0 : i32
          %add3A_229 = vector.broadcast %add3A_228 : i32 to vector<16xi32>
          %add3A_230 = arith.addi %get3A_218, %add3A_229 : vector<16xi32>
          %swap3A_231 = arith.constant 0 : i32
          %swap3A_232 = arith.index_cast %swap3A_231 : i32 to index
          %swap3A_233 = arith.constant 16 : index
          %swap3A_234 = tpu.vector_load %arg21[%swap3A_232, %swap3A_233] {strides = array<i32>} : memref<3x128xi32, #tpu.memory_space<vmem>>, vector<16xi32>,
          tpu.vector_store %arg21[%swap3A_232, %swap3A_233], %add3A_230 {strides = array<i32>} : memref<3x128xi32, #tpu.memory_space<vmem>>, vector<16xi32>,
          %add3A_235 = arith.constant 10000 : i32
          %add3A_236 = vector.broadcast %add3A_235 : i32 to vector<16xi32>
          %add3A_237 = arith.addi %get3A_214, %add3A_236 : vector<16xi32>
          %swap3A_238 = arith.constant 0 : i32
          %swap3A_239 = arith.index_cast %swap3A_238 : i32 to index
          %swap3A_240 = arith.constant 80 : index
          %swap3A_241 = tpu.vector_load %arg20[%swap3A_239, %swap3A_240] {strides = array<i32>} : memref<3x128xi32, #tpu.memory_space<vmem>>, vector<16xi32>,
          tpu.vector_store %arg20[%swap3A_239, %swap3A_240], %add3A_237 {strides = array<i32>} : memref<3x128xi32, #tpu.memory_space<vmem>>, vector<16xi32>,
          %add3A_242 = arith.constant 768 : i32
          %add3A_243 = vector.broadcast %add3A_242 : i32 to vector<16xi32>
          %add3A_244 = arith.addi %get3A_218, %add3A_243 : vector<16xi32>
          %swap3A_245 = arith.constant 0 : i32
          %swap3A_246 = arith.index_cast %swap3A_245 : i32 to index
          %swap3A_247 = arith.constant 80 : index
          %swap3A_248 = tpu.vector_load %arg21[%swap3A_246, %swap3A_247] {strides = array<i32>} : memref<3x128xi32, #tpu.memory_space<vmem>>, vector<16xi32>,
          tpu.vector_store %arg21[%swap3A_246, %swap3A_247], %add3A_244 {strides = array<i32>} : memref<3x128xi32, #tpu.memory_space<vmem>>, vector<16xi32>,
          %add3A_249 = arith.constant 20000 : i32
          %add3A_250 = vector.broadcast %add3A_249 : i32 to vector<16xi32>
          %add3A_251 = arith.addi %get3A_214, %add3A_250 : vector<16xi32>
          %swap3A_252 = arith.constant 1 : i32
          %swap3A_253 = arith.index_cast %swap3A_252 : i32 to index
          %swap3A_254 = arith.constant 16 : index
          %swap3A_255 = tpu.vector_load %arg20[%swap3A_253, %swap3A_254] {strides = array<i32>} : memref<3x128xi32, #tpu.memory_space<vmem>>, vector<16xi32>,
          tpu.vector_store %arg20[%swap3A_253, %swap3A_254], %add3A_251 {strides = array<i32>} : memref<3x128xi32, #tpu.memory_space<vmem>>, vector<16xi32>,
          %add3A_256 = arith.constant 1536 : i32
          %add3A_257 = vector.broadcast %add3A_256 : i32 to vector<16xi32>
          %add3A_258 = arith.addi %get3A_218, %add3A_257 : vector<16xi32>
          %swap3A_259 = arith.constant 1 : i32
          %swap3A_260 = arith.index_cast %swap3A_259 : i32 to index
          %swap3A_261 = arith.constant 16 : index
          %swap3A_262 = tpu.vector_load %arg21[%swap3A_260, %swap3A_261] {strides = array<i32>} : memref<3x128xi32, #tpu.memory_space<vmem>>, vector<16xi32>,
          tpu.vector_store %arg21[%swap3A_260, %swap3A_261], %add3A_258 {strides = array<i32>} : memref<3x128xi32, #tpu.memory_space<vmem>>, vector<16xi32>,
          %add3A_263 = arith.constant 30000 : i32
          %add3A_264 = vector.broadcast %add3A_263 : i32 to vector<16xi32>
          %add3A_265 = arith.addi %get3A_214, %add3A_264 : vector<16xi32>
          %swap3A_266 = arith.constant 1 : i32
          %swap3A_267 = arith.index_cast %swap3A_266 : i32 to index
          %swap3A_268 = arith.constant 80 : index
          %swap3A_269 = tpu.vector_load %arg20[%swap3A_267, %swap3A_268] {strides = array<i32>} : memref<3x128xi32, #tpu.memory_space<vmem>>, vector<16xi32>,
          tpu.vector_store %arg20[%swap3A_267, %swap3A_268], %add3A_265 {strides = array<i32>} : memref<3x128xi32, #tpu.memory_space<vmem>>, vector<16xi32>,
          %add3A_270 = arith.constant 2304 : i32
          %add3A_271 = vector.broadcast %add3A_270 : i32 to vector<16xi32>
          %add3A_272 = arith.addi %get3A_218, %add3A_271 : vector<16xi32>
          %swap3A_273 = arith.constant 1 : i32
          %swap3A_274 = arith.index_cast %swap3A_273 : i32 to index
          %swap3A_275 = arith.constant 80 : index
          %swap3A_276 = tpu.vector_load %arg21[%swap3A_274, %swap3A_275] {strides = array<i32>} : memref<3x128xi32, #tpu.memory_space<vmem>>, vector<16xi32>,
          tpu.vector_store %arg21[%swap3A_274, %swap3A_275], %add3A_272 {strides = array<i32>} : memref<3x128xi32, #tpu.memory_space<vmem>>, vector<16xi32>,
          %add3A_277 = arith.constant 40000 : i32
          %add3A_278 = vector.broadcast %add3A_277 : i32 to vector<16xi32>
          %add3A_279 = arith.addi %get3A_214, %add3A_278 : vector<16xi32>
          %swap3A_280 = arith.constant 2 : i32
          %swap3A_281 = arith.index_cast %swap3A_280 : i32 to index
          %swap3A_282 = arith.constant 16 : index
          %swap3A_283 = tpu.vector_load %arg20[%swap3A_281, %swap3A_282] {strides = array<i32>} : memref<3x128xi32, #tpu.memory_space<vmem>>, vector<16xi32>,
          tpu.vector_store %arg20[%swap3A_281, %swap3A_282], %add3A_279 {strides = array<i32>} : memref<3x128xi32, #tpu.memory_space<vmem>>, vector<16xi32>,
          %add3A_284 = arith.constant 3072 : i32
          %add3A_285 = vector.broadcast %add3A_284 : i32 to vector<16xi32>
          %add3A_286 = arith.addi %get3A_218, %add3A_285 : vector<16xi32>
          %swap3A_287 = arith.constant 2 : i32
          %swap3A_288 = arith.index_cast %swap3A_287 : i32 to index
          %swap3A_289 = arith.constant 16 : index
          %swap3A_290 = tpu.vector_load %arg21[%swap3A_288, %swap3A_289] {strides = array<i32>} : memref<3x128xi32, #tpu.memory_space<vmem>>, vector<16xi32>,
          tpu.vector_store %arg21[%swap3A_288, %swap3A_289], %add3A_286 {strides = array<i32>} : memref<3x128xi32, #tpu.memory_space<vmem>>, vector<16xi32>,
          %add3A_291 = arith.constant 50000 : i32
          %add3A_292 = vector.broadcast %add3A_291 : i32 to vector<16xi32>
          %add3A_293 = arith.addi %get3A_214, %add3A_292 : vector<16xi32>
          %swap3A_294 = arith.constant 2 : i32
          %swap3A_295 = arith.index_cast %swap3A_294 : i32 to index
          %swap3A_296 = arith.constant 80 : index
          %swap3A_297 = tpu.vector_load %arg20[%swap3A_295, %swap3A_296] {strides = array<i32>} : memref<3x128xi32, #tpu.memory_space<vmem>>, vector<16xi32>,
          tpu.vector_store %arg20[%swap3A_295, %swap3A_296], %add3A_293 {strides = array<i32>} : memref<3x128xi32, #tpu.memory_space<vmem>>, vector<16xi32>,
          %add3A_298 = arith.constant 3840 : i32
          %add3A_299 = vector.broadcast %add3A_298 : i32 to vector<16xi32>
          %add3A_300 = arith.addi %get3A_218, %add3A_299 : vector<16xi32>
          %swap3A_301 = arith.constant 2 : i32
          %swap3A_302 = arith.index_cast %swap3A_301 : i32 to index
          %swap3A_303 = arith.constant 80 : index
          %swap3A_304 = tpu.vector_load %arg21[%swap3A_302, %swap3A_303] {strides = array<i32>} : memref<3x128xi32, #tpu.memory_space<vmem>>, vector<16xi32>,
          tpu.vector_store %arg21[%swap3A_302, %swap3A_303], %add3A_300 {strides = array<i32>} : memref<3x128xi32, #tpu.memory_space<vmem>>, vector<16xi32>,
          %add3A_305 = arith.constant 32 : i32
          %add3A_306 = arith.addi %multiple_of3A_118, %add3A_305 : i32
          %get3A_307 = arith.index_cast %add3A_306 : i32 to index
          %get3A_308 = tpu.vector_load %arg16[%get3A_307] {strides = array<i32>} : memref<2656xi32, #tpu.memory_space<vmem>>, vector<16xi32>,
          %add3A_309 = arith.constant 32 : i32
          %add3A_310 = arith.addi %multiple_of3A_118, %add3A_309 : i32
          %get3A_311 = arith.index_cast %add3A_310 : i32 to index
          %get3A_312 = tpu.vector_load %arg18[%get3A_311] {strides = array<i32>} : memref<2656xi32, #tpu.memory_space<vmem>>, vector<16xi32>,
          %swap3A_313 = arith.constant 32 : index
          %swap3A_314 = tpu.vector_load %arg19[%swap3A_313] {strides = array<i32>} : memref<64xi32, #tpu.memory_space<vmem>>, vector<16xi32>,
          tpu.vector_store %arg19[%swap3A_313], %get3A_312 {strides = array<i32>} : memref<64xi32, #tpu.memory_space<vmem>>, vector<16xi32>,
          %add3A_315 = arith.constant 0 : i32
          %add3A_316 = vector.broadcast %add3A_315 : i32 to vector<16xi32>
          %add3A_317 = arith.addi %get3A_308, %add3A_316 : vector<16xi32>
          %swap3A_318 = arith.constant 0 : i32
          %swap3A_319 = arith.index_cast %swap3A_318 : i32 to index
          %swap3A_320 = arith.constant 32 : index
          %swap3A_321 = tpu.vector_load %arg20[%swap3A_319, %swap3A_320] {strides = array<i32>} : memref<3x128xi32, #tpu.memory_space<vmem>>, vector<16xi32>,
          tpu.vector_store %arg20[%swap3A_319, %swap3A_320], %add3A_317 {strides = array<i32>} : memref<3x128xi32, #tpu.memory_space<vmem>>, vector<16xi32>,
          %add3A_322 = arith.constant 0 : i32
          %add3A_323 = vector.broadcast %add3A_322 : i32 to vector<16xi32>
          %add3A_324 = arith.addi %get3A_312, %add3A_323 : vector<16xi32>
          %swap3A_325 = arith.constant 0 : i32
          %swap3A_326 = arith.index_cast %swap3A_325 : i32 to index
          %swap3A_327 = arith.constant 32 : index
          %swap3A_328 = tpu.vector_load %arg21[%swap3A_326, %swap3A_327] {strides = array<i32>} : memref<3x128xi32, #tpu.memory_space<vmem>>, vector<16xi32>,
          tpu.vector_store %arg21[%swap3A_326, %swap3A_327], %add3A_324 {strides = array<i32>} : memref<3x128xi32, #tpu.memory_space<vmem>>, vector<16xi32>,
          %add3A_329 = arith.constant 10000 : i32
          %add3A_330 = vector.broadcast %add3A_329 : i32 to vector<16xi32>
          %add3A_331 = arith.addi %get3A_308, %add3A_330 : vector<16xi32>
          %swap3A_332 = arith.constant 0 : i32
          %swap3A_333 = arith.index_cast %swap3A_332 : i32 to index
          %swap3A_334 = arith.constant 96 : index
          %swap3A_335 = tpu.vector_load %arg20[%swap3A_333, %swap3A_334] {strides = array<i32>} : memref<3x128xi32, #tpu.memory_space<vmem>>, vector<16xi32>,
          tpu.vector_store %arg20[%swap3A_333, %swap3A_334], %add3A_331 {strides = array<i32>} : memref<3x128xi32, #tpu.memory_space<vmem>>, vector<16xi32>,
          %add3A_336 = arith.constant 768 : i32
          %add3A_337 = vector.broadcast %add3A_336 : i32 to vector<16xi32>
          %add3A_338 = arith.addi %get3A_312, %add3A_337 : vector<16xi32>
          %swap3A_339 = arith.constant 0 : i32
          %swap3A_340 = arith.index_cast %swap3A_339 : i32 to index
          %swap3A_341 = arith.constant 96 : index
          %swap3A_342 = tpu.vector_load %arg21[%swap3A_340, %swap3A_341] {strides = array<i32>} : memref<3x128xi32, #tpu.memory_space<vmem>>, vector<16xi32>,
          tpu.vector_store %arg21[%swap3A_340, %swap3A_341], %add3A_338 {strides = array<i32>} : memref<3x128xi32, #tpu.memory_space<vmem>>, vector<16xi32>,
          %add3A_343 = arith.constant 20000 : i32
          %add3A_344 = vector.broadcast %add3A_343 : i32 to vector<16xi32>
          %add3A_345 = arith.addi %get3A_308, %add3A_344 : vector<16xi32>
          %swap3A_346 = arith.constant 1 : i32
          %swap3A_347 = arith.index_cast %swap3A_346 : i32 to index
          %swap3A_348 = arith.constant 32 : index
          %swap3A_349 = tpu.vector_load %arg20[%swap3A_347, %swap3A_348] {strides = array<i32>} : memref<3x128xi32, #tpu.memory_space<vmem>>, vector<16xi32>,
          tpu.vector_store %arg20[%swap3A_347, %swap3A_348], %add3A_345 {strides = array<i32>} : memref<3x128xi32, #tpu.memory_space<vmem>>, vector<16xi32>,
          %add3A_350 = arith.constant 1536 : i32
          %add3A_351 = vector.broadcast %add3A_350 : i32 to vector<16xi32>
          %add3A_352 = arith.addi %get3A_312, %add3A_351 : vector<16xi32>
          %swap3A_353 = arith.constant 1 : i32
          %swap3A_354 = arith.index_cast %swap3A_353 : i32 to index
          %swap3A_355 = arith.constant 32 : index
          %swap3A_356 = tpu.vector_load %arg21[%swap3A_354, %swap3A_355] {strides = array<i32>} : memref<3x128xi32, #tpu.memory_space<vmem>>, vector<16xi32>,
          tpu.vector_store %arg21[%swap3A_354, %swap3A_355], %add3A_352 {strides = array<i32>} : memref<3x128xi32, #tpu.memory_space<vmem>>, vector<16xi32>,
          %add3A_357 = arith.constant 30000 : i32
          %add3A_358 = vector.broadcast %add3A_357 : i32 to vector<16xi32>
          %add3A_359 = arith.addi %get3A_308, %add3A_358 : vector<16xi32>
          %swap3A_360 = arith.constant 1 : i32
          %swap3A_361 = arith.index_cast %swap3A_360 : i32 to index
          %swap3A_362 = arith.constant 96 : index
          %swap3A_363 = tpu.vector_load %arg20[%swap3A_361, %swap3A_362] {strides = array<i32>} : memref<3x128xi32, #tpu.memory_space<vmem>>, vector<16xi32>,
          tpu.vector_store %arg20[%swap3A_361, %swap3A_362], %add3A_359 {strides = array<i32>} : memref<3x128xi32, #tpu.memory_space<vmem>>, vector<16xi32>,
          %add3A_364 = arith.constant 2304 : i32
          %add3A_365 = vector.broadcast %add3A_364 : i32 to vector<16xi32>
          %add3A_366 = arith.addi %get3A_312, %add3A_365 : vector<16xi32>
          %swap3A_367 = arith.constant 1 : i32
          %swap3A_368 = arith.index_cast %swap3A_367 : i32 to index
          %swap3A_369 = arith.constant 96 : index
          %swap3A_370 = tpu.vector_load %arg21[%swap3A_368, %swap3A_369] {strides = array<i32>} : memref<3x128xi32, #tpu.memory_space<vmem>>, vector<16xi32>,
          tpu.vector_store %arg21[%swap3A_368, %swap3A_369], %add3A_366 {strides = array<i32>} : memref<3x128xi32, #tpu.memory_space<vmem>>, vector<16xi32>,
          %add3A_371 = arith.constant 40000 : i32
          %add3A_372 = vector.broadcast %add3A_371 : i32 to vector<16xi32>
          %add3A_373 = arith.addi %get3A_308, %add3A_372 : vector<16xi32>
          %swap3A_374 = arith.constant 2 : i32
          %swap3A_375 = arith.index_cast %swap3A_374 : i32 to index
          %swap3A_376 = arith.constant 32 : index
          %swap3A_377 = tpu.vector_load %arg20[%swap3A_375, %swap3A_376] {strides = array<i32>} : memref<3x128xi32, #tpu.memory_space<vmem>>, vector<16xi32>,
          tpu.vector_store %arg20[%swap3A_375, %swap3A_376], %add3A_373 {strides = array<i32>} : memref<3x128xi32, #tpu.memory_space<vmem>>, vector<16xi32>,
          %add3A_378 = arith.constant 3072 : i32
          %add3A_379 = vector.broadcast %add3A_378 : i32 to vector<16xi32>
          %add3A_380 = arith.addi %get3A_312, %add3A_379 : vector<16xi32>
          %swap3A_381 = arith.constant 2 : i32
          %swap3A_382 = arith.index_cast %swap3A_381 : i32 to index
          %swap3A_383 = arith.constant 32 : index
          %swap3A_384 = tpu.vector_load %arg21[%swap3A_382, %swap3A_383] {strides = array<i32>} : memref<3x128xi32, #tpu.memory_space<vmem>>, vector<16xi32>,
          tpu.vector_store %arg21[%swap3A_382, %swap3A_383], %add3A_380 {strides = array<i32>} : memref<3x128xi32, #tpu.memory_space<vmem>>, vector<16xi32>,
          %add3A_385 = arith.constant 50000 : i32
          %add3A_386 = vector.broadcast %add3A_385 : i32 to vector<16xi32>
          %add3A_387 = arith.addi %get3A_308, %add3A_386 : vector<16xi32>
          %swap3A_388 = arith.constant 2 : i32
          %swap3A_389 = arith.index_cast %swap3A_388 : i32 to index
          %swap3A_390 = arith.constant 96 : index
          %swap3A_391 = tpu.vector_load %arg20[%swap3A_389, %swap3A_390] {strides = array<i32>} : memref<3x128xi32, #tpu.memory_space<vmem>>, vector<16xi32>,
          tpu.vector_store %arg20[%swap3A_389, %swap3A_390], %add3A_387 {strides = array<i32>} : memref<3x128xi32, #tpu.memory_space<vmem>>, vector<16xi32>,
          %add3A_392 = arith.constant 3840 : i32
          %add3A_393 = vector.broadcast %add3A_392 : i32 to vector<16xi32>
          %add3A_394 = arith.addi %get3A_312, %add3A_393 : vector<16xi32>
          %swap3A_395 = arith.constant 2 : i32
          %swap3A_396 = arith.index_cast %swap3A_395 : i32 to index
          %swap3A_397 = arith.constant 96 : index
          %swap3A_398 = tpu.vector_load %arg21[%swap3A_396, %swap3A_397] {strides = array<i32>} : memref<3x128xi32, #tpu.memory_space<vmem>>, vector<16xi32>,
          tpu.vector_store %arg21[%swap3A_396, %swap3A_397], %add3A_394 {strides = array<i32>} : memref<3x128xi32, #tpu.memory_space<vmem>>, vector<16xi32>,
          %add3A_399 = arith.constant 48 : i32
          %add3A_400 = arith.addi %multiple_of3A_118, %add3A_399 : i32
          %get3A_401 = arith.index_cast %add3A_400 : i32 to index
          %get3A_402 = tpu.vector_load %arg16[%get3A_401] {strides = array<i32>} : memref<2656xi32, #tpu.memory_space<vmem>>, vector<16xi32>,
          %add3A_403 = arith.constant 48 : i32
          %add3A_404 = arith.addi %multiple_of3A_118, %add3A_403 : i32
          %get3A_405 = arith.index_cast %add3A_404 : i32 to index
          %get3A_406 = tpu.vector_load %arg18[%get3A_405] {strides = array<i32>} : memref<2656xi32, #tpu.memory_space<vmem>>, vector<16xi32>,
          %swap3A_407 = arith.constant 48 : index
          %swap3A_408 = tpu.vector_load %arg19[%swap3A_407] {strides = array<i32>} : memref<64xi32, #tpu.memory_space<vmem>>, vector<16xi32>,
          tpu.vector_store %arg19[%swap3A_407], %get3A_406 {strides = array<i32>} : memref<64xi32, #tpu.memory_space<vmem>>, vector<16xi32>,
          %add3A_409 = arith.constant 0 : i32
          %add3A_410 = vector.broadcast %add3A_409 : i32 to vector<16xi32>
          %add3A_411 = arith.addi %get3A_402, %add3A_410 : vector<16xi32>
          %swap3A_412 = arith.constant 0 : i32
          %swap3A_413 = arith.index_cast %swap3A_412 : i32 to index
          %swap3A_414 = arith.constant 48 : index
          %swap3A_415 = tpu.vector_load %arg20[%swap3A_413, %swap3A_414] {strides = array<i32>} : memref<3x128xi32, #tpu.memory_space<vmem>>, vector<16xi32>,
          tpu.vector_store %arg20[%swap3A_413, %swap3A_414], %add3A_411 {strides = array<i32>} : memref<3x128xi32, #tpu.memory_space<vmem>>, vector<16xi32>,
          %add3A_416 = arith.constant 0 : i32
          %add3A_417 = vector.broadcast %add3A_416 : i32 to vector<16xi32>
          %add3A_418 = arith.addi %get3A_406, %add3A_417 : vector<16xi32>
          %swap3A_419 = arith.constant 0 : i32
          %swap3A_420 = arith.index_cast %swap3A_419 : i32 to index
          %swap3A_421 = arith.constant 48 : index
          %swap3A_422 = tpu.vector_load %arg21[%swap3A_420, %swap3A_421] {strides = array<i32>} : memref<3x128xi32, #tpu.memory_space<vmem>>, vector<16xi32>,
          tpu.vector_store %arg21[%swap3A_420, %swap3A_421], %add3A_418 {strides = array<i32>} : memref<3x128xi32, #tpu.memory_space<vmem>>, vector<16xi32>,
          %add3A_423 = arith.constant 10000 : i32
          %add3A_424 = vector.broadcast %add3A_423 : i32 to vector<16xi32>
          %add3A_425 = arith.addi %get3A_402, %add3A_424 : vector<16xi32>
          %swap3A_426 = arith.constant 0 : i32
          %swap3A_427 = arith.index_cast %swap3A_426 : i32 to index
          %swap3A_428 = arith.constant 112 : index
          %swap3A_429 = tpu.vector_load %arg20[%swap3A_427, %swap3A_428] {strides = array<i32>} : memref<3x128xi32, #tpu.memory_space<vmem>>, vector<16xi32>,
          tpu.vector_store %arg20[%swap3A_427, %swap3A_428], %add3A_425 {strides = array<i32>} : memref<3x128xi32, #tpu.memory_space<vmem>>, vector<16xi32>,
          %add3A_430 = arith.constant 768 : i32
          %add3A_431 = vector.broadcast %add3A_430 : i32 to vector<16xi32>
          %add3A_432 = arith.addi %get3A_406, %add3A_431 : vector<16xi32>
          %swap3A_433 = arith.constant 0 : i32
          %swap3A_434 = arith.index_cast %swap3A_433 : i32 to index
          %swap3A_435 = arith.constant 112 : index
          %swap3A_436 = tpu.vector_load %arg21[%swap3A_434, %swap3A_435] {strides = array<i32>} : memref<3x128xi32, #tpu.memory_space<vmem>>, vector<16xi32>,
          tpu.vector_store %arg21[%swap3A_434, %swap3A_435], %add3A_432 {strides = array<i32>} : memref<3x128xi32, #tpu.memory_space<vmem>>, vector<16xi32>,
          %add3A_437 = arith.constant 20000 : i32
          %add3A_438 = vector.broadcast %add3A_437 : i32 to vector<16xi32>
          %add3A_439 = arith.addi %get3A_402, %add3A_438 : vector<16xi32>
          %swap3A_440 = arith.constant 1 : i32
          %swap3A_441 = arith.index_cast %swap3A_440 : i32 to index
          %swap3A_442 = arith.constant 48 : index
          %swap3A_443 = tpu.vector_load %arg20[%swap3A_441, %swap3A_442] {strides = array<i32>} : memref<3x128xi32, #tpu.memory_space<vmem>>, vector<16xi32>,
          tpu.vector_store %arg20[%swap3A_441, %swap3A_442], %add3A_439 {strides = array<i32>} : memref<3x128xi32, #tpu.memory_space<vmem>>, vector<16xi32>,
          %add3A_444 = arith.constant 1536 : i32
          %add3A_445 = vector.broadcast %add3A_444 : i32 to vector<16xi32>
          %add3A_446 = arith.addi %get3A_406, %add3A_445 : vector<16xi32>
          %swap3A_447 = arith.constant 1 : i32
          %swap3A_448 = arith.index_cast %swap3A_447 : i32 to index
          %swap3A_449 = arith.constant 48 : index
          %swap3A_450 = tpu.vector_load %arg21[%swap3A_448, %swap3A_449] {strides = array<i32>} : memref<3x128xi32, #tpu.memory_space<vmem>>, vector<16xi32>,
          tpu.vector_store %arg21[%swap3A_448, %swap3A_449], %add3A_446 {strides = array<i32>} : memref<3x128xi32, #tpu.memory_space<vmem>>, vector<16xi32>,
          %add3A_451 = arith.constant 30000 : i32
          %add3A_452 = vector.broadcast %add3A_451 : i32 to vector<16xi32>
          %add3A_453 = arith.addi %get3A_402, %add3A_452 : vector<16xi32>
          %swap3A_454 = arith.constant 1 : i32
          %swap3A_455 = arith.index_cast %swap3A_454 : i32 to index
          %swap3A_456 = arith.constant 112 : index
          %swap3A_457 = tpu.vector_load %arg20[%swap3A_455, %swap3A_456] {strides = array<i32>} : memref<3x128xi32, #tpu.memory_space<vmem>>, vector<16xi32>,
          tpu.vector_store %arg20[%swap3A_455, %swap3A_456], %add3A_453 {strides = array<i32>} : memref<3x128xi32, #tpu.memory_space<vmem>>, vector<16xi32>,
          %add3A_458 = arith.constant 2304 : i32
          %add3A_459 = vector.broadcast %add3A_458 : i32 to vector<16xi32>
          %add3A_460 = arith.addi %get3A_406, %add3A_459 : vector<16xi32>
          %swap3A_461 = arith.constant 1 : i32
          %swap3A_462 = arith.index_cast %swap3A_461 : i32 to index
          %swap3A_463 = arith.constant 112 : index
          %swap3A_464 = tpu.vector_load %arg21[%swap3A_462, %swap3A_463] {strides = array<i32>} : memref<3x128xi32, #tpu.memory_space<vmem>>, vector<16xi32>,
          tpu.vector_store %arg21[%swap3A_462, %swap3A_463], %add3A_460 {strides = array<i32>} : memref<3x128xi32, #tpu.memory_space<vmem>>, vector<16xi32>,
          %add3A_465 = arith.constant 40000 : i32
          %add3A_466 = vector.broadcast %add3A_465 : i32 to vector<16xi32>
          %add3A_467 = arith.addi %get3A_402, %add3A_466 : vector<16xi32>
          %swap3A_468 = arith.constant 2 : i32
          %swap3A_469 = arith.index_cast %swap3A_468 : i32 to index
          %swap3A_470 = arith.constant 48 : index
          %swap3A_471 = tpu.vector_load %arg20[%swap3A_469, %swap3A_470] {strides = array<i32>} : memref<3x128xi32, #tpu.memory_space<vmem>>, vector<16xi32>,
          tpu.vector_store %arg20[%swap3A_469, %swap3A_470], %add3A_467 {strides = array<i32>} : memref<3x128xi32, #tpu.memory_space<vmem>>, vector<16xi32>,
          %add3A_472 = arith.constant 3072 : i32
          %add3A_473 = vector.broadcast %add3A_472 : i32 to vector<16xi32>
          %add3A_474 = arith.addi %get3A_406, %add3A_473 : vector<16xi32>
          %swap3A_475 = arith.constant 2 : i32
          %swap3A_476 = arith.index_cast %swap3A_475 : i32 to index
          %swap3A_477 = arith.constant 48 : index
          %swap3A_478 = tpu.vector_load %arg21[%swap3A_476, %swap3A_477] {strides = array<i32>} : memref<3x128xi32, #tpu.memory_space<vmem>>, vector<16xi32>,
          tpu.vector_store %arg21[%swap3A_476, %swap3A_477], %add3A_474 {strides = array<i32>} : memref<3x128xi32, #tpu.memory_space<vmem>>, vector<16xi32>,
          %add3A_479 = arith.constant 50000 : i32
          %add3A_480 = vector.broadcast %add3A_479 : i32 to vector<16xi32>
          %add3A_481 = arith.addi %get3A_402, %add3A_480 : vector<16xi32>
          %swap3A_482 = arith.constant 2 : i32
          %swap3A_483 = arith.index_cast %swap3A_482 : i32 to index
          %swap3A_484 = arith.constant 112 : index
          %swap3A_485 = tpu.vector_load %arg20[%swap3A_483, %swap3A_484] {strides = array<i32>} : memref<3x128xi32, #tpu.memory_space<vmem>>, vector<16xi32>,
          tpu.vector_store %arg20[%swap3A_483, %swap3A_484], %add3A_481 {strides = array<i32>} : memref<3x128xi32, #tpu.memory_space<vmem>>, vector<16xi32>,
          %add3A_486 = arith.constant 3840 : i32
          %add3A_487 = vector.broadcast %add3A_486 : i32 to vector<16xi32>
          %add3A_488 = arith.addi %get3A_406, %add3A_487 : vector<16xi32>
          %swap3A_489 = arith.constant 2 : i32
          %swap3A_490 = arith.index_cast %swap3A_489 : i32 to index
          %swap3A_491 = arith.constant 112 : index
          %swap3A_492 = tpu.vector_load %arg21[%swap3A_490, %swap3A_491] {strides = array<i32>} : memref<3x128xi32, #tpu.memory_space<vmem>>, vector<16xi32>,
          tpu.vector_store %arg21[%swap3A_490, %swap3A_491], %add3A_488 {strides = array<i32>} : memref<3x128xi32, #tpu.memory_space<vmem>>, vector<16xi32>,
          %dma_start3A = arith.constant 0 : i32
          %dma_start3A_493 = arith.constant 0 : i32
          %dma_start3A_494 = arith.constant 0 : i32
          %dma_start3A_495 = tpu.memref_slice %arg24[%dma_start3A_493, %dma_start3A_494] : memref<384x128xf32, #tpu.memory_space<vmem>> -> memref<128x128xf32, #tpu.memory_space<vmem>>
          %dma_start3A_496 = arith.constant 0 : i32
          %dma_start3A_497 = tpu.memref_slice %arg20[%dma_start3A, %dma_start3A_496] : memref<3x128xi32, #tpu.memory_space<vmem>> -> memref<1x128xi32, #tpu.memory_space<vmem>>
          %dma_start3A_498 = tpu.memref_squeeze %dma_start3A_497 : memref<1x128xi32, #tpu.memory_space<vmem>> -> memref<128xi32, #tpu.memory_space<vmem>>
          %dma_start3A_499 = arith.constant 0 : i32
          %dma_start3A_500 = arith.constant 0 : i32
          %dma_start3A_501 = tpu.memref_slice %arg5[%dma_start3A_499, %dma_start3A_500] : memref<60000x128xf32, #tpu.memory_space<hbm>> -> memref<60000x128xf32, #tpu.memory_space<hbm>>
          tpu.enqueue_indirect_dma source(%dma_start3A_501 : memref<60000x128xf32, #tpu.memory_space<hbm>>) target(%dma_start3A_495 : memref<128x128xf32, #tpu.memory_space<vmem>>) offsets(%dma_start3A_498 : memref<128xi32, #tpu.memory_space<vmem>>) semaphore(%arg28 : memref<!tpu.dma_semaphore, #tpu.memory_space<semaphore_mem>>)
          %dma_start3A_502 = arith.constant 1 : i32
          %dma_start3A_503 = arith.constant 128 : i32
          %dma_start3A_504 = arith.constant 0 : i32
          %dma_start3A_505 = tpu.memref_slice %arg24[%dma_start3A_503, %dma_start3A_504] : memref<384x128xf32, #tpu.memory_space<vmem>> -> memref<128x128xf32, #tpu.memory_space<vmem>>
          %dma_start3A_506 = arith.constant 0 : i32
          %dma_start3A_507 = tpu.memref_slice %arg20[%dma_start3A_502, %dma_start3A_506] : memref<3x128xi32, #tpu.memory_space<vmem>> -> memref<1x128xi32, #tpu.memory_space<vmem>>
          %dma_start3A_508 = tpu.memref_squeeze %dma_start3A_507 : memref<1x128xi32, #tpu.memory_space<vmem>> -> memref<128xi32, #tpu.memory_space<vmem>>
          %dma_start3A_509 = arith.constant 0 : i32
          %dma_start3A_510 = arith.constant 0 : i32
          %dma_start3A_511 = tpu.memref_slice %arg5[%dma_start3A_509, %dma_start3A_510] : memref<60000x128xf32, #tpu.memory_space<hbm>> -> memref<60000x128xf32, #tpu.memory_space<hbm>>
          tpu.enqueue_indirect_dma source(%dma_start3A_511 : memref<60000x128xf32, #tpu.memory_space<hbm>>) target(%dma_start3A_505 : memref<128x128xf32, #tpu.memory_space<vmem>>) offsets(%dma_start3A_508 : memref<128xi32, #tpu.memory_space<vmem>>) semaphore(%arg28 : memref<!tpu.dma_semaphore, #tpu.memory_space<semaphore_mem>>)
          %dma_start3A_512 = arith.constant 2 : i32
          %dma_start3A_513 = arith.constant 256 : i32
          %dma_start3A_514 = arith.constant 0 : i32
          %dma_start3A_515 = tpu.memref_slice %arg24[%dma_start3A_513, %dma_start3A_514] : memref<384x128xf32, #tpu.memory_space<vmem>> -> memref<128x128xf32, #tpu.memory_space<vmem>>
          %dma_start3A_516 = arith.constant 0 : i32
          %dma_start3A_517 = tpu.memref_slice %arg20[%dma_start3A_512, %dma_start3A_516] : memref<3x128xi32, #tpu.memory_space<vmem>> -> memref<1x128xi32, #tpu.memory_space<vmem>>
          %dma_start3A_518 = tpu.memref_squeeze %dma_start3A_517 : memref<1x128xi32, #tpu.memory_space<vmem>> -> memref<128xi32, #tpu.memory_space<vmem>>
          %dma_start3A_519 = arith.constant 0 : i32
          %dma_start3A_520 = arith.constant 0 : i32
          %dma_start3A_521 = tpu.memref_slice %arg5[%dma_start3A_519, %dma_start3A_520] : memref<60000x128xf32, #tpu.memory_space<hbm>> -> memref<60000x128xf32, #tpu.memory_space<hbm>>
          tpu.enqueue_indirect_dma source(%dma_start3A_521 : memref<60000x128xf32, #tpu.memory_space<hbm>>) target(%dma_start3A_515 : memref<128x128xf32, #tpu.memory_space<vmem>>) offsets(%dma_start3A_518 : memref<128xi32, #tpu.memory_space<vmem>>) semaphore(%arg28 : memref<!tpu.dma_semaphore, #tpu.memory_space<semaphore_mem>>)
          %dma_start3A_522 = tpu.memref_slice %arg16[%multiple_of3A_118] : memref<2656xi32, #tpu.memory_space<vmem>> -> memref<64xi32, #tpu.memory_space<vmem>>
          %dma_start3A_523 = arith.constant 0 : i32
          %dma_start3A_524 = arith.constant 0 : i32
          %dma_start3A_525 = tpu.memref_slice %arg4[%dma_start3A_523, %dma_start3A_524] : memref<10000x128xf32, #tpu.memory_space<hbm>> -> memref<10000x128xf32, #tpu.memory_space<hbm>>
          tpu.enqueue_indirect_dma source(%dma_start3A_525 : memref<10000x128xf32, #tpu.memory_space<hbm>>) target(%arg22 : memref<64x128xf32, #tpu.memory_space<vmem>>) offsets(%dma_start3A_522 : memref<64xi32, #tpu.memory_space<vmem>>) semaphore(%arg30 : memref<!tpu.dma_semaphore, #tpu.memory_space<semaphore_mem>>)
          %dma_start3A_526 = tpu.memref_slice %arg17[%multiple_of3A_118] : memref<2656xi32, #tpu.memory_space<vmem>> -> memref<64xi32, #tpu.memory_space<vmem>>
          %dma_start3A_527 = arith.constant 0 : i32
          %dma_start3A_528 = arith.constant 0 : i32
          %dma_start3A_529 = tpu.memref_slice %arg4[%dma_start3A_527, %dma_start3A_528] : memref<10000x128xf32, #tpu.memory_space<hbm>> -> memref<10000x128xf32, #tpu.memory_space<hbm>>
          tpu.enqueue_indirect_dma source(%dma_start3A_529 : memref<10000x128xf32, #tpu.memory_space<hbm>>) target(%arg23 : memref<64x128xf32, #tpu.memory_space<vmem>>) offsets(%dma_start3A_526 : memref<64xi32, #tpu.memory_space<vmem>>) semaphore(%arg30 : memref<!tpu.dma_semaphore, #tpu.memory_space<semaphore_mem>>)
          %dma_wait3A = tpu.memref_slice %arg16[%multiple_of3A_118] : memref<2656xi32, #tpu.memory_space<vmem>> -> memref<64xi32, #tpu.memory_space<vmem>>
          %dma_wait3A_530 = arith.constant 0 : i32
          %dma_wait3A_531 = arith.constant 0 : i32
          %dma_wait3A_532 = tpu.memref_slice %arg4[%dma_wait3A_530, %dma_wait3A_531] : memref<10000x128xf32, #tpu.memory_space<hbm>> -> memref<10000x128xf32, #tpu.memory_space<hbm>>
          tpu.wait_indirect_dma semaphore(%arg30 : memref<!tpu.dma_semaphore, #tpu.memory_space<semaphore_mem>>) src(%dma_wait3A_532 : memref<10000x128xf32, #tpu.memory_space<hbm>>) dst(%arg22 : memref<64x128xf32, #tpu.memory_space<vmem>>)
          %dma_wait3A_533 = tpu.memref_slice %arg17[%multiple_of3A_118] : memref<2656xi32, #tpu.memory_space<vmem>> -> memref<64xi32, #tpu.memory_space<vmem>>
          %dma_wait3A_534 = arith.constant 0 : i32
          %dma_wait3A_535 = arith.constant 0 : i32
          %dma_wait3A_536 = tpu.memref_slice %arg4[%dma_wait3A_534, %dma_wait3A_535] : memref<10000x128xf32, #tpu.memory_space<hbm>> -> memref<10000x128xf32, #tpu.memory_space<hbm>>
          tpu.wait_indirect_dma semaphore(%arg30 : memref<!tpu.dma_semaphore, #tpu.memory_space<semaphore_mem>>) src(%dma_wait3A_536 : memref<10000x128xf32, #tpu.memory_space<hbm>>) dst(%arg23 : memref<64x128xf32, #tpu.memory_space<vmem>>)
          %add3A_537 = arith.constant 0 : i32
          %add3A_538 = vector.broadcast %add3A_537 : i32 to vector<16xi32>
          %add3A_539 = arith.addi %iota3A, %add3A_538 : vector<16xi32>
          %broadcast_in_dim3A_540 = arith.constant 0 : i32
          %broadcast_in_dim3A_541 = vector.broadcast %broadcast_in_dim3A_540 : i32 to vector<16xi32>
          %gather3A = tpu.vector_load_idx %arg22[%add3A_539, %broadcast_in_dim3A_541] : memref<64x128xf32, #tpu.memory_space<vmem>>[vector<16xi32>, vector<16xi32>], vector<16xf32>,
          %broadcast_in_dim3A_542 = arith.constant 3 : i32
          %broadcast_in_dim3A_543 = vector.broadcast %broadcast_in_dim3A_542 : i32 to vector<16xi32>
          %gather3A_544 = tpu.vector_load_idx %arg23[%add3A_539, %broadcast_in_dim3A_543] : memref<64x128xf32, #tpu.memory_space<vmem>>[vector<16xi32>, vector<16xi32>], vector<16xf32>,
          %add3A_545 = arith.addf %gather3A, %gather3A_544 : vector<16xf32>
          %ge3A = arith.constant 0.000000e+00 : f32
          %ge3A_546 = vector.broadcast %ge3A : f32 to vector<16xf32>
          %ge3A_547 = arith.cmpf oge, %add3A_545, %ge3A_546 : vector<16xf32>
          %mul3A_548 = arith.constant 2.000000e-01 : f32
          %mul3A_549 = vector.broadcast %mul3A_548 : f32 to vector<16xf32>
          %mul3A_550 = arith.mulf %add3A_545, %mul3A_549 : vector<16xf32>
          %select_n3A_551 = arith.select %ge3A_547, %add3A_545, %mul3A_550 : vector<16xi1>, vector<16xf32>
          %broadcast_in_dim3A_552 = arith.constant 0 : i32
          %broadcast_in_dim3A_553 = vector.broadcast %broadcast_in_dim3A_552 : i32 to vector<16xi32>
          %exp3A = math.exp %select_n3A_551 : vector<16xf32>
          tpu.vector_store_idx %arg25[%add3A_539, %broadcast_in_dim3A_553], %exp3A : memref<64x128xf32, #tpu.memory_space<vmem>>[vector<16xi32>, vector<16xi32>], vector<16xf32>,
          %broadcast_in_dim3A_554 = arith.constant 1 : i32
          %broadcast_in_dim3A_555 = vector.broadcast %broadcast_in_dim3A_554 : i32 to vector<16xi32>
          %gather3A_556 = tpu.vector_load_idx %arg22[%add3A_539, %broadcast_in_dim3A_555] : memref<64x128xf32, #tpu.memory_space<vmem>>[vector<16xi32>, vector<16xi32>], vector<16xf32>,
          %broadcast_in_dim3A_557 = arith.constant 4 : i32
          %broadcast_in_dim3A_558 = vector.broadcast %broadcast_in_dim3A_557 : i32 to vector<16xi32>
          %gather3A_559 = tpu.vector_load_idx %arg23[%add3A_539, %broadcast_in_dim3A_558] : memref<64x128xf32, #tpu.memory_space<vmem>>[vector<16xi32>, vector<16xi32>], vector<16xf32>,
          %add3A_560 = arith.addf %gather3A_556, %gather3A_559 : vector<16xf32>
          %ge3A_561 = arith.constant 0.000000e+00 : f32
          %ge3A_562 = vector.broadcast %ge3A_561 : f32 to vector<16xf32>
          %ge3A_563 = arith.cmpf oge, %add3A_560, %ge3A_562 : vector<16xf32>
          %mul3A_564 = arith.constant 2.000000e-01 : f32
          %mul3A_565 = vector.broadcast %mul3A_564 : f32 to vector<16xf32>
          %mul3A_566 = arith.mulf %add3A_560, %mul3A_565 : vector<16xf32>
          %select_n3A_567 = arith.select %ge3A_563, %add3A_560, %mul3A_566 : vector<16xi1>, vector<16xf32>
          %broadcast_in_dim3A_568 = arith.constant 1 : i32
          %broadcast_in_dim3A_569 = vector.broadcast %broadcast_in_dim3A_568 : i32 to vector<16xi32>
          %exp3A_570 = math.exp %select_n3A_567 : vector<16xf32>
          tpu.vector_store_idx %arg25[%add3A_539, %broadcast_in_dim3A_569], %exp3A_570 : memref<64x128xf32, #tpu.memory_space<vmem>>[vector<16xi32>, vector<16xi32>], vector<16xf32>,
          %broadcast_in_dim3A_571 = arith.constant 2 : i32
          %broadcast_in_dim3A_572 = vector.broadcast %broadcast_in_dim3A_571 : i32 to vector<16xi32>
          %gather3A_573 = tpu.vector_load_idx %arg22[%add3A_539, %broadcast_in_dim3A_572] : memref<64x128xf32, #tpu.memory_space<vmem>>[vector<16xi32>, vector<16xi32>], vector<16xf32>,
          %broadcast_in_dim3A_574 = arith.constant 5 : i32
          %broadcast_in_dim3A_575 = vector.broadcast %broadcast_in_dim3A_574 : i32 to vector<16xi32>
          %gather3A_576 = tpu.vector_load_idx %arg23[%add3A_539, %broadcast_in_dim3A_575] : memref<64x128xf32, #tpu.memory_space<vmem>>[vector<16xi32>, vector<16xi32>], vector<16xf32>,
          %add3A_577 = arith.addf %gather3A_573, %gather3A_576 : vector<16xf32>
          %ge3A_578 = arith.constant 0.000000e+00 : f32
          %ge3A_579 = vector.broadcast %ge3A_578 : f32 to vector<16xf32>
          %ge3A_580 = arith.cmpf oge, %add3A_577, %ge3A_579 : vector<16xf32>
          %mul3A_581 = arith.constant 2.000000e-01 : f32
          %mul3A_582 = vector.broadcast %mul3A_581 : f32 to vector<16xf32>
          %mul3A_583 = arith.mulf %add3A_577, %mul3A_582 : vector<16xf32>
          %select_n3A_584 = arith.select %ge3A_580, %add3A_577, %mul3A_583 : vector<16xi1>, vector<16xf32>
          %broadcast_in_dim3A_585 = arith.constant 2 : i32
          %broadcast_in_dim3A_586 = vector.broadcast %broadcast_in_dim3A_585 : i32 to vector<16xi32>
          %exp3A_587 = math.exp %select_n3A_584 : vector<16xf32>
          tpu.vector_store_idx %arg25[%add3A_539, %broadcast_in_dim3A_586], %exp3A_587 : memref<64x128xf32, #tpu.memory_space<vmem>>[vector<16xi32>, vector<16xi32>], vector<16xf32>,
          %add3A_588 = arith.constant 16 : i32
          %add3A_589 = vector.broadcast %add3A_588 : i32 to vector<16xi32>
          %add3A_590 = arith.addi %iota3A, %add3A_589 : vector<16xi32>
          %broadcast_in_dim3A_591 = arith.constant 0 : i32
          %broadcast_in_dim3A_592 = vector.broadcast %broadcast_in_dim3A_591 : i32 to vector<16xi32>
          %gather3A_593 = tpu.vector_load_idx %arg22[%add3A_590, %broadcast_in_dim3A_592] : memref<64x128xf32, #tpu.memory_space<vmem>>[vector<16xi32>, vector<16xi32>], vector<16xf32>,
          %broadcast_in_dim3A_594 = arith.constant 3 : i32
          %broadcast_in_dim3A_595 = vector.broadcast %broadcast_in_dim3A_594 : i32 to vector<16xi32>
          %gather3A_596 = tpu.vector_load_idx %arg23[%add3A_590, %broadcast_in_dim3A_595] : memref<64x128xf32, #tpu.memory_space<vmem>>[vector<16xi32>, vector<16xi32>], vector<16xf32>,
          %add3A_597 = arith.addf %gather3A_593, %gather3A_596 : vector<16xf32>
          %ge3A_598 = arith.constant 0.000000e+00 : f32
          %ge3A_599 = vector.broadcast %ge3A_598 : f32 to vector<16xf32>
          %ge3A_600 = arith.cmpf oge, %add3A_597, %ge3A_599 : vector<16xf32>
          %mul3A_601 = arith.constant 2.000000e-01 : f32
          %mul3A_602 = vector.broadcast %mul3A_601 : f32 to vector<16xf32>
          %mul3A_603 = arith.mulf %add3A_597, %mul3A_602 : vector<16xf32>
          %select_n3A_604 = arith.select %ge3A_600, %add3A_597, %mul3A_603 : vector<16xi1>, vector<16xf32>
          %broadcast_in_dim3A_605 = arith.constant 0 : i32
          %broadcast_in_dim3A_606 = vector.broadcast %broadcast_in_dim3A_605 : i32 to vector<16xi32>
          %exp3A_607 = math.exp %select_n3A_604 : vector<16xf32>
          tpu.vector_store_idx %arg25[%add3A_590, %broadcast_in_dim3A_606], %exp3A_607 : memref<64x128xf32, #tpu.memory_space<vmem>>[vector<16xi32>, vector<16xi32>], vector<16xf32>,
          %broadcast_in_dim3A_608 = arith.constant 1 : i32
          %broadcast_in_dim3A_609 = vector.broadcast %broadcast_in_dim3A_608 : i32 to vector<16xi32>
          %gather3A_610 = tpu.vector_load_idx %arg22[%add3A_590, %broadcast_in_dim3A_609] : memref<64x128xf32, #tpu.memory_space<vmem>>[vector<16xi32>, vector<16xi32>], vector<16xf32>,
          %broadcast_in_dim3A_611 = arith.constant 4 : i32
          %broadcast_in_dim3A_612 = vector.broadcast %broadcast_in_dim3A_611 : i32 to vector<16xi32>
          %gather3A_613 = tpu.vector_load_idx %arg23[%add3A_590, %broadcast_in_dim3A_612] : memref<64x128xf32, #tpu.memory_space<vmem>>[vector<16xi32>, vector<16xi32>], vector<16xf32>,
          %add3A_614 = arith.addf %gather3A_610, %gather3A_613 : vector<16xf32>
          %ge3A_615 = arith.constant 0.000000e+00 : f32
          %ge3A_616 = vector.broadcast %ge3A_615 : f32 to vector<16xf32>
          %ge3A_617 = arith.cmpf oge, %add3A_614, %ge3A_616 : vector<16xf32>
          %mul3A_618 = arith.constant 2.000000e-01 : f32
          %mul3A_619 = vector.broadcast %mul3A_618 : f32 to vector<16xf32>
          %mul3A_620 = arith.mulf %add3A_614, %mul3A_619 : vector<16xf32>
          %select_n3A_621 = arith.select %ge3A_617, %add3A_614, %mul3A_620 : vector<16xi1>, vector<16xf32>
          %broadcast_in_dim3A_622 = arith.constant 1 : i32
          %broadcast_in_dim3A_623 = vector.broadcast %broadcast_in_dim3A_622 : i32 to vector<16xi32>
          %exp3A_624 = math.exp %select_n3A_621 : vector<16xf32>
          tpu.vector_store_idx %arg25[%add3A_590, %broadcast_in_dim3A_623], %exp3A_624 : memref<64x128xf32, #tpu.memory_space<vmem>>[vector<16xi32>, vector<16xi32>], vector<16xf32>,
          %broadcast_in_dim3A_625 = arith.constant 2 : i32
          %broadcast_in_dim3A_626 = vector.broadcast %broadcast_in_dim3A_625 : i32 to vector<16xi32>
          %gather3A_627 = tpu.vector_load_idx %arg22[%add3A_590, %broadcast_in_dim3A_626] : memref<64x128xf32, #tpu.memory_space<vmem>>[vector<16xi32>, vector<16xi32>], vector<16xf32>,
          %broadcast_in_dim3A_628 = arith.constant 5 : i32
          %broadcast_in_dim3A_629 = vector.broadcast %broadcast_in_dim3A_628 : i32 to vector<16xi32>
          %gather3A_630 = tpu.vector_load_idx %arg23[%add3A_590, %broadcast_in_dim3A_629] : memref<64x128xf32, #tpu.memory_space<vmem>>[vector<16xi32>, vector<16xi32>], vector<16xf32>,
          %add3A_631 = arith.addf %gather3A_627, %gather3A_630 : vector<16xf32>
          %ge3A_632 = arith.constant 0.000000e+00 : f32
          %ge3A_633 = vector.broadcast %ge3A_632 : f32 to vector<16xf32>
          %ge3A_634 = arith.cmpf oge, %add3A_631, %ge3A_633 : vector<16xf32>
          %mul3A_635 = arith.constant 2.000000e-01 : f32
          %mul3A_636 = vector.broadcast %mul3A_635 : f32 to vector<16xf32>
          %mul3A_637 = arith.mulf %add3A_631, %mul3A_636 : vector<16xf32>
          %select_n3A_638 = arith.select %ge3A_634, %add3A_631, %mul3A_637 : vector<16xi1>, vector<16xf32>
          %broadcast_in_dim3A_639 = arith.constant 2 : i32
          %broadcast_in_dim3A_640 = vector.broadcast %broadcast_in_dim3A_639 : i32 to vector<16xi32>
          %exp3A_641 = math.exp %select_n3A_638 : vector<16xf32>
          tpu.vector_store_idx %arg25[%add3A_590, %broadcast_in_dim3A_640], %exp3A_641 : memref<64x128xf32, #tpu.memory_space<vmem>>[vector<16xi32>, vector<16xi32>], vector<16xf32>,
          %add3A_642 = arith.constant 32 : i32
          %add3A_643 = vector.broadcast %add3A_642 : i32 to vector<16xi32>
          %add3A_644 = arith.addi %iota3A, %add3A_643 : vector<16xi32>
          %broadcast_in_dim3A_645 = arith.constant 0 : i32
          %broadcast_in_dim3A_646 = vector.broadcast %broadcast_in_dim3A_645 : i32 to vector<16xi32>
          %gather3A_647 = tpu.vector_load_idx %arg22[%add3A_644, %broadcast_in_dim3A_646] : memref<64x128xf32, #tpu.memory_space<vmem>>[vector<16xi32>, vector<16xi32>], vector<16xf32>,
          %broadcast_in_dim3A_648 = arith.constant 3 : i32
          %broadcast_in_dim3A_649 = vector.broadcast %broadcast_in_dim3A_648 : i32 to vector<16xi32>
          %gather3A_650 = tpu.vector_load_idx %arg23[%add3A_644, %broadcast_in_dim3A_649] : memref<64x128xf32, #tpu.memory_space<vmem>>[vector<16xi32>, vector<16xi32>], vector<16xf32>,
          %add3A_651 = arith.addf %gather3A_647, %gather3A_650 : vector<16xf32>
          %ge3A_652 = arith.constant 0.000000e+00 : f32
          %ge3A_653 = vector.broadcast %ge3A_652 : f32 to vector<16xf32>
          %ge3A_654 = arith.cmpf oge, %add3A_651, %ge3A_653 : vector<16xf32>
          %mul3A_655 = arith.constant 2.000000e-01 : f32
          %mul3A_656 = vector.broadcast %mul3A_655 : f32 to vector<16xf32>
          %mul3A_657 = arith.mulf %add3A_651, %mul3A_656 : vector<16xf32>
          %select_n3A_658 = arith.select %ge3A_654, %add3A_651, %mul3A_657 : vector<16xi1>, vector<16xf32>
          %broadcast_in_dim3A_659 = arith.constant 0 : i32
          %broadcast_in_dim3A_660 = vector.broadcast %broadcast_in_dim3A_659 : i32 to vector<16xi32>
          %exp3A_661 = math.exp %select_n3A_658 : vector<16xf32>
          tpu.vector_store_idx %arg25[%add3A_644, %broadcast_in_dim3A_660], %exp3A_661 : memref<64x128xf32, #tpu.memory_space<vmem>>[vector<16xi32>, vector<16xi32>], vector<16xf32>,
          %broadcast_in_dim3A_662 = arith.constant 1 : i32
          %broadcast_in_dim3A_663 = vector.broadcast %broadcast_in_dim3A_662 : i32 to vector<16xi32>
          %gather3A_664 = tpu.vector_load_idx %arg22[%add3A_644, %broadcast_in_dim3A_663] : memref<64x128xf32, #tpu.memory_space<vmem>>[vector<16xi32>, vector<16xi32>], vector<16xf32>,
          %broadcast_in_dim3A_665 = arith.constant 4 : i32
          %broadcast_in_dim3A_666 = vector.broadcast %broadcast_in_dim3A_665 : i32 to vector<16xi32>
          %gather3A_667 = tpu.vector_load_idx %arg23[%add3A_644, %broadcast_in_dim3A_666] : memref<64x128xf32, #tpu.memory_space<vmem>>[vector<16xi32>, vector<16xi32>], vector<16xf32>,
          %add3A_668 = arith.addf %gather3A_664, %gather3A_667 : vector<16xf32>
          %ge3A_669 = arith.constant 0.000000e+00 : f32
          %ge3A_670 = vector.broadcast %ge3A_669 : f32 to vector<16xf32>
          %ge3A_671 = arith.cmpf oge, %add3A_668, %ge3A_670 : vector<16xf32>
          %mul3A_672 = arith.constant 2.000000e-01 : f32
          %mul3A_673 = vector.broadcast %mul3A_672 : f32 to vector<16xf32>
          %mul3A_674 = arith.mulf %add3A_668, %mul3A_673 : vector<16xf32>
          %select_n3A_675 = arith.select %ge3A_671, %add3A_668, %mul3A_674 : vector<16xi1>, vector<16xf32>
          %broadcast_in_dim3A_676 = arith.constant 1 : i32
          %broadcast_in_dim3A_677 = vector.broadcast %broadcast_in_dim3A_676 : i32 to vector<16xi32>
          %exp3A_678 = math.exp %select_n3A_675 : vector<16xf32>
          tpu.vector_store_idx %arg25[%add3A_644, %broadcast_in_dim3A_677], %exp3A_678 : memref<64x128xf32, #tpu.memory_space<vmem>>[vector<16xi32>, vector<16xi32>], vector<16xf32>,
          %broadcast_in_dim3A_679 = arith.constant 2 : i32
          %broadcast_in_dim3A_680 = vector.broadcast %broadcast_in_dim3A_679 : i32 to vector<16xi32>
          %gather3A_681 = tpu.vector_load_idx %arg22[%add3A_644, %broadcast_in_dim3A_680] : memref<64x128xf32, #tpu.memory_space<vmem>>[vector<16xi32>, vector<16xi32>], vector<16xf32>,
          %broadcast_in_dim3A_682 = arith.constant 5 : i32
          %broadcast_in_dim3A_683 = vector.broadcast %broadcast_in_dim3A_682 : i32 to vector<16xi32>
          %gather3A_684 = tpu.vector_load_idx %arg23[%add3A_644, %broadcast_in_dim3A_683] : memref<64x128xf32, #tpu.memory_space<vmem>>[vector<16xi32>, vector<16xi32>], vector<16xf32>,
          %add3A_685 = arith.addf %gather3A_681, %gather3A_684 : vector<16xf32>
          %ge3A_686 = arith.constant 0.000000e+00 : f32
          %ge3A_687 = vector.broadcast %ge3A_686 : f32 to vector<16xf32>
          %ge3A_688 = arith.cmpf oge, %add3A_685, %ge3A_687 : vector<16xf32>
          %mul3A_689 = arith.constant 2.000000e-01 : f32
          %mul3A_690 = vector.broadcast %mul3A_689 : f32 to vector<16xf32>
          %mul3A_691 = arith.mulf %add3A_685, %mul3A_690 : vector<16xf32>
          %select_n3A_692 = arith.select %ge3A_688, %add3A_685, %mul3A_691 : vector<16xi1>, vector<16xf32>
          %broadcast_in_dim3A_693 = arith.constant 2 : i32
          %broadcast_in_dim3A_694 = vector.broadcast %broadcast_in_dim3A_693 : i32 to vector<16xi32>
          %exp3A_695 = math.exp %select_n3A_692 : vector<16xf32>
          tpu.vector_store_idx %arg25[%add3A_644, %broadcast_in_dim3A_694], %exp3A_695 : memref<64x128xf32, #tpu.memory_space<vmem>>[vector<16xi32>, vector<16xi32>], vector<16xf32>,
          %add3A_696 = arith.constant 48 : i32
          %add3A_697 = vector.broadcast %add3A_696 : i32 to vector<16xi32>
          %add3A_698 = arith.addi %iota3A, %add3A_697 : vector<16xi32>
          %broadcast_in_dim3A_699 = arith.constant 0 : i32
          %broadcast_in_dim3A_700 = vector.broadcast %broadcast_in_dim3A_699 : i32 to vector<16xi32>
          %gather3A_701 = tpu.vector_load_idx %arg22[%add3A_698, %broadcast_in_dim3A_700] : memref<64x128xf32, #tpu.memory_space<vmem>>[vector<16xi32>, vector<16xi32>], vector<16xf32>,
          %broadcast_in_dim3A_702 = arith.constant 3 : i32
          %broadcast_in_dim3A_703 = vector.broadcast %broadcast_in_dim3A_702 : i32 to vector<16xi32>
          %gather3A_704 = tpu.vector_load_idx %arg23[%add3A_698, %broadcast_in_dim3A_703] : memref<64x128xf32, #tpu.memory_space<vmem>>[vector<16xi32>, vector<16xi32>], vector<16xf32>,
          %add3A_705 = arith.addf %gather3A_701, %gather3A_704 : vector<16xf32>
          %ge3A_706 = arith.constant 0.000000e+00 : f32
          %ge3A_707 = vector.broadcast %ge3A_706 : f32 to vector<16xf32>
          %ge3A_708 = arith.cmpf oge, %add3A_705, %ge3A_707 : vector<16xf32>
          %mul3A_709 = arith.constant 2.000000e-01 : f32
          %mul3A_710 = vector.broadcast %mul3A_709 : f32 to vector<16xf32>
          %mul3A_711 = arith.mulf %add3A_705, %mul3A_710 : vector<16xf32>
          %select_n3A_712 = arith.select %ge3A_708, %add3A_705, %mul3A_711 : vector<16xi1>, vector<16xf32>
          %broadcast_in_dim3A_713 = arith.constant 0 : i32
          %broadcast_in_dim3A_714 = vector.broadcast %broadcast_in_dim3A_713 : i32 to vector<16xi32>
          %exp3A_715 = math.exp %select_n3A_712 : vector<16xf32>
          tpu.vector_store_idx %arg25[%add3A_698, %broadcast_in_dim3A_714], %exp3A_715 : memref<64x128xf32, #tpu.memory_space<vmem>>[vector<16xi32>, vector<16xi32>], vector<16xf32>,
          %broadcast_in_dim3A_716 = arith.constant 1 : i32
          %broadcast_in_dim3A_717 = vector.broadcast %broadcast_in_dim3A_716 : i32 to vector<16xi32>
          %gather3A_718 = tpu.vector_load_idx %arg22[%add3A_698, %broadcast_in_dim3A_717] : memref<64x128xf32, #tpu.memory_space<vmem>>[vector<16xi32>, vector<16xi32>], vector<16xf32>,
          %broadcast_in_dim3A_719 = arith.constant 4 : i32
          %broadcast_in_dim3A_720 = vector.broadcast %broadcast_in_dim3A_719 : i32 to vector<16xi32>
          %gather3A_721 = tpu.vector_load_idx %arg23[%add3A_698, %broadcast_in_dim3A_720] : memref<64x128xf32, #tpu.memory_space<vmem>>[vector<16xi32>, vector<16xi32>], vector<16xf32>,
          %add3A_722 = arith.addf %gather3A_718, %gather3A_721 : vector<16xf32>
          %ge3A_723 = arith.constant 0.000000e+00 : f32
          %ge3A_724 = vector.broadcast %ge3A_723 : f32 to vector<16xf32>
          %ge3A_725 = arith.cmpf oge, %add3A_722, %ge3A_724 : vector<16xf32>
          %mul3A_726 = arith.constant 2.000000e-01 : f32
          %mul3A_727 = vector.broadcast %mul3A_726 : f32 to vector<16xf32>
          %mul3A_728 = arith.mulf %add3A_722, %mul3A_727 : vector<16xf32>
          %select_n3A_729 = arith.select %ge3A_725, %add3A_722, %mul3A_728 : vector<16xi1>, vector<16xf32>
          %broadcast_in_dim3A_730 = arith.constant 1 : i32
          %broadcast_in_dim3A_731 = vector.broadcast %broadcast_in_dim3A_730 : i32 to vector<16xi32>
          %exp3A_732 = math.exp %select_n3A_729 : vector<16xf32>
          tpu.vector_store_idx %arg25[%add3A_698, %broadcast_in_dim3A_731], %exp3A_732 : memref<64x128xf32, #tpu.memory_space<vmem>>[vector<16xi32>, vector<16xi32>], vector<16xf32>,
          %broadcast_in_dim3A_733 = arith.constant 2 : i32
          %broadcast_in_dim3A_734 = vector.broadcast %broadcast_in_dim3A_733 : i32 to vector<16xi32>
          %gather3A_735 = tpu.vector_load_idx %arg22[%add3A_698, %broadcast_in_dim3A_734] : memref<64x128xf32, #tpu.memory_space<vmem>>[vector<16xi32>, vector<16xi32>], vector<16xf32>,
          %broadcast_in_dim3A_736 = arith.constant 5 : i32
          %broadcast_in_dim3A_737 = vector.broadcast %broadcast_in_dim3A_736 : i32 to vector<16xi32>
          %gather3A_738 = tpu.vector_load_idx %arg23[%add3A_698, %broadcast_in_dim3A_737] : memref<64x128xf32, #tpu.memory_space<vmem>>[vector<16xi32>, vector<16xi32>], vector<16xf32>,
          %add3A_739 = arith.addf %gather3A_735, %gather3A_738 : vector<16xf32>
          %ge3A_740 = arith.constant 0.000000e+00 : f32
          %ge3A_741 = vector.broadcast %ge3A_740 : f32 to vector<16xf32>
          %ge3A_742 = arith.cmpf oge, %add3A_739, %ge3A_741 : vector<16xf32>
          %mul3A_743 = arith.constant 2.000000e-01 : f32
          %mul3A_744 = vector.broadcast %mul3A_743 : f32 to vector<16xf32>
          %mul3A_745 = arith.mulf %add3A_739, %mul3A_744 : vector<16xf32>
          %select_n3A_746 = arith.select %ge3A_742, %add3A_739, %mul3A_745 : vector<16xi1>, vector<16xf32>
          %broadcast_in_dim3A_747 = arith.constant 2 : i32
          %broadcast_in_dim3A_748 = vector.broadcast %broadcast_in_dim3A_747 : i32 to vector<16xi32>
          %exp3A_749 = math.exp %select_n3A_746 : vector<16xf32>
          tpu.vector_store_idx %arg25[%add3A_698, %broadcast_in_dim3A_748], %exp3A_749 : memref<64x128xf32, #tpu.memory_space<vmem>>[vector<16xi32>, vector<16xi32>], vector<16xf32>,
          %dma_wait3A_750 = arith.constant 0 : i32
          %dma_wait3A_751 = arith.constant 0 : i32
          %dma_wait3A_752 = arith.constant 0 : i32
          %dma_wait3A_753 = tpu.memref_slice %arg24[%dma_wait3A_751, %dma_wait3A_752] : memref<384x128xf32, #tpu.memory_space<vmem>> -> memref<128x128xf32, #tpu.memory_space<vmem>>
          %dma_wait3A_754 = arith.constant 0 : i32
          %dma_wait3A_755 = tpu.memref_slice %arg20[%dma_wait3A_750, %dma_wait3A_754] : memref<3x128xi32, #tpu.memory_space<vmem>> -> memref<1x128xi32, #tpu.memory_space<vmem>>
          %dma_wait3A_756 = tpu.memref_squeeze %dma_wait3A_755 : memref<1x128xi32, #tpu.memory_space<vmem>> -> memref<128xi32, #tpu.memory_space<vmem>>
          %dma_wait3A_757 = arith.constant 0 : i32
          %dma_wait3A_758 = arith.constant 0 : i32
          %dma_wait3A_759 = tpu.memref_slice %arg5[%dma_wait3A_757, %dma_wait3A_758] : memref<60000x128xf32, #tpu.memory_space<hbm>> -> memref<60000x128xf32, #tpu.memory_space<hbm>>
          tpu.wait_indirect_dma semaphore(%arg28 : memref<!tpu.dma_semaphore, #tpu.memory_space<semaphore_mem>>) src(%dma_wait3A_759 : memref<60000x128xf32, #tpu.memory_space<hbm>>) dst(%dma_wait3A_753 : memref<128x128xf32, #tpu.memory_space<vmem>>)
          %dma_wait3A_760 = arith.constant 1 : i32
          %dma_wait3A_761 = arith.constant 128 : i32
          %dma_wait3A_762 = arith.constant 0 : i32
          %dma_wait3A_763 = tpu.memref_slice %arg24[%dma_wait3A_761, %dma_wait3A_762] : memref<384x128xf32, #tpu.memory_space<vmem>> -> memref<128x128xf32, #tpu.memory_space<vmem>>
          %dma_wait3A_764 = arith.constant 0 : i32
          %dma_wait3A_765 = tpu.memref_slice %arg20[%dma_wait3A_760, %dma_wait3A_764] : memref<3x128xi32, #tpu.memory_space<vmem>> -> memref<1x128xi32, #tpu.memory_space<vmem>>
          %dma_wait3A_766 = tpu.memref_squeeze %dma_wait3A_765 : memref<1x128xi32, #tpu.memory_space<vmem>> -> memref<128xi32, #tpu.memory_space<vmem>>
          %dma_wait3A_767 = arith.constant 0 : i32
          %dma_wait3A_768 = arith.constant 0 : i32
          %dma_wait3A_769 = tpu.memref_slice %arg5[%dma_wait3A_767, %dma_wait3A_768] : memref<60000x128xf32, #tpu.memory_space<hbm>> -> memref<60000x128xf32, #tpu.memory_space<hbm>>
          tpu.wait_indirect_dma semaphore(%arg28 : memref<!tpu.dma_semaphore, #tpu.memory_space<semaphore_mem>>) src(%dma_wait3A_769 : memref<60000x128xf32, #tpu.memory_space<hbm>>) dst(%dma_wait3A_763 : memref<128x128xf32, #tpu.memory_space<vmem>>)
          %dma_wait3A_770 = arith.constant 2 : i32
          %dma_wait3A_771 = arith.constant 256 : i32
          %dma_wait3A_772 = arith.constant 0 : i32
          %dma_wait3A_773 = tpu.memref_slice %arg24[%dma_wait3A_771, %dma_wait3A_772] : memref<384x128xf32, #tpu.memory_space<vmem>> -> memref<128x128xf32, #tpu.memory_space<vmem>>
          %dma_wait3A_774 = arith.constant 0 : i32
          %dma_wait3A_775 = tpu.memref_slice %arg20[%dma_wait3A_770, %dma_wait3A_774] : memref<3x128xi32, #tpu.memory_space<vmem>> -> memref<1x128xi32, #tpu.memory_space<vmem>>
          %dma_wait3A_776 = tpu.memref_squeeze %dma_wait3A_775 : memref<1x128xi32, #tpu.memory_space<vmem>> -> memref<128xi32, #tpu.memory_space<vmem>>
          %dma_wait3A_777 = arith.constant 0 : i32
          %dma_wait3A_778 = arith.constant 0 : i32
          %dma_wait3A_779 = tpu.memref_slice %arg5[%dma_wait3A_777, %dma_wait3A_778] : memref<60000x128xf32, #tpu.memory_space<hbm>> -> memref<60000x128xf32, #tpu.memory_space<hbm>>
          tpu.wait_indirect_dma semaphore(%arg28 : memref<!tpu.dma_semaphore, #tpu.memory_space<semaphore_mem>>) src(%dma_wait3A_779 : memref<60000x128xf32, #tpu.memory_space<hbm>>) dst(%dma_wait3A_773 : memref<128x128xf32, #tpu.memory_space<vmem>>)
          %scan3A_780 = arith.constant 0 : i32
          %scan3A_781 = arith.constant 0 : i32
          %scan3A_782 = arith.constant 0 : i32
          %scan3A_783 = arith.addi %scan3A_781, %scan3A_782 : i32
          %scan3A_784 = arith.constant 0 : i32
          %dma_start3A_785 = arith.constant 0 : i32
          %dma_start3A_786 = arith.constant 0 : i32
          %dma_start3A_787 = arith.constant 0 : i32
          %dma_start3A_788 = tpu.memref_slice %arg24[%dma_start3A_786, %dma_start3A_787] : memref<384x128xf32, #tpu.memory_space<vmem>> -> memref<128x128xf32, #tpu.memory_space<vmem>>
          %dma_start3A_789 = arith.constant 0 : i32
          %dma_start3A_790 = tpu.memref_slice %arg21[%dma_start3A_785, %dma_start3A_789] : memref<3x128xi32, #tpu.memory_space<vmem>> -> memref<1x128xi32, #tpu.memory_space<vmem>>
          %dma_start3A_791 = tpu.memref_squeeze %dma_start3A_790 : memref<1x128xi32, #tpu.memory_space<vmem>> -> memref<128xi32, #tpu.memory_space<vmem>>
          %dma_start3A_792 = arith.constant 0 : i32
          %dma_start3A_793 = arith.constant 0 : i32
          %dma_start3A_794 = tpu.memref_slice %arg26[%dma_start3A_792, %dma_start3A_793] : memref<4608x128xf32, #tpu.memory_space<vmem_shared>> -> memref<4608x128xf32, #tpu.memory_space<vmem_shared>>
          tpu.enqueue_indirect_dma source(%dma_start3A_788 : memref<128x128xf32, #tpu.memory_space<vmem>>) target(%dma_start3A_794 : memref<4608x128xf32, #tpu.memory_space<vmem_shared>>) offsets(%dma_start3A_791 : memref<128xi32, #tpu.memory_space<vmem>>) semaphore(%arg29 : memref<!tpu.dma_semaphore, #tpu.memory_space<semaphore_mem>>) {add = true}
          %dma_start3A_795 = arith.constant 1 : i32
          %dma_start3A_796 = arith.constant 128 : i32
          %dma_start3A_797 = arith.constant 0 : i32
          %dma_start3A_798 = tpu.memref_slice %arg24[%dma_start3A_796, %dma_start3A_797] : memref<384x128xf32, #tpu.memory_space<vmem>> -> memref<128x128xf32, #tpu.memory_space<vmem>>
          %dma_start3A_799 = arith.constant 0 : i32
          %dma_start3A_800 = tpu.memref_slice %arg21[%dma_start3A_795, %dma_start3A_799] : memref<3x128xi32, #tpu.memory_space<vmem>> -> memref<1x128xi32, #tpu.memory_space<vmem>>
          %dma_start3A_801 = tpu.memref_squeeze %dma_start3A_800 : memref<1x128xi32, #tpu.memory_space<vmem>> -> memref<128xi32, #tpu.memory_space<vmem>>
          %dma_start3A_802 = arith.constant 0 : i32
          %dma_start3A_803 = arith.constant 0 : i32
          %dma_start3A_804 = tpu.memref_slice %arg26[%dma_start3A_802, %dma_start3A_803] : memref<4608x128xf32, #tpu.memory_space<vmem_shared>> -> memref<4608x128xf32, #tpu.memory_space<vmem_shared>>
          tpu.enqueue_indirect_dma source(%dma_start3A_798 : memref<128x128xf32, #tpu.memory_space<vmem>>) target(%dma_start3A_804 : memref<4608x128xf32, #tpu.memory_space<vmem_shared>>) offsets(%dma_start3A_801 : memref<128xi32, #tpu.memory_space<vmem>>) semaphore(%arg29 : memref<!tpu.dma_semaphore, #tpu.memory_space<semaphore_mem>>) {add = true}
          %dma_start3A_805 = arith.constant 2 : i32
          %dma_start3A_806 = arith.constant 256 : i32
          %dma_start3A_807 = arith.constant 0 : i32
          %dma_start3A_808 = tpu.memref_slice %arg24[%dma_start3A_806, %dma_start3A_807] : memref<384x128xf32, #tpu.memory_space<vmem>> -> memref<128x128xf32, #tpu.memory_space<vmem>>
          %dma_start3A_809 = arith.constant 0 : i32
          %dma_start3A_810 = tpu.memref_slice %arg21[%dma_start3A_805, %dma_start3A_809] : memref<3x128xi32, #tpu.memory_space<vmem>> -> memref<1x128xi32, #tpu.memory_space<vmem>>
          %dma_start3A_811 = tpu.memref_squeeze %dma_start3A_810 : memref<1x128xi32, #tpu.memory_space<vmem>> -> memref<128xi32, #tpu.memory_space<vmem>>
          %dma_start3A_812 = arith.constant 0 : i32
          %dma_start3A_813 = arith.constant 0 : i32
          %dma_start3A_814 = tpu.memref_slice %arg26[%dma_start3A_812, %dma_start3A_813] : memref<4608x128xf32, #tpu.memory_space<vmem_shared>> -> memref<4608x128xf32, #tpu.memory_space<vmem_shared>>
          tpu.enqueue_indirect_dma source(%dma_start3A_808 : memref<128x128xf32, #tpu.memory_space<vmem>>) target(%dma_start3A_814 : memref<4608x128xf32, #tpu.memory_space<vmem_shared>>) offsets(%dma_start3A_811 : memref<128xi32, #tpu.memory_space<vmem>>) semaphore(%arg29 : memref<!tpu.dma_semaphore, #tpu.memory_space<semaphore_mem>>) {add = true}
          %dma_start3A_815 = arith.constant 0 : i32
          %dma_start3A_816 = arith.constant 0 : i32
          %dma_start3A_817 = tpu.memref_slice %arg27[%dma_start3A_815, %dma_start3A_816] : memref<768x128xf32, #tpu.memory_space<vmem_shared>> -> memref<768x128xf32, #tpu.memory_space<vmem_shared>>
          tpu.enqueue_indirect_dma source(%arg25 : memref<64x128xf32, #tpu.memory_space<vmem>>) target(%dma_start3A_817 : memref<768x128xf32, #tpu.memory_space<vmem_shared>>) offsets(%arg19 : memref<64xi32, #tpu.memory_space<vmem>>) semaphore(%arg29 : memref<!tpu.dma_semaphore, #tpu.memory_space<semaphore_mem>>) {add = true}
          %dma_wait3A_818 = arith.constant 0 : i32
          %dma_wait3A_819 = arith.constant 0 : i32
          %dma_wait3A_820 = arith.constant 0 : i32
          %dma_wait3A_821 = tpu.memref_slice %arg24[%dma_wait3A_819, %dma_wait3A_820] : memref<384x128xf32, #tpu.memory_space<vmem>> -> memref<128x128xf32, #tpu.memory_space<vmem>>
          %dma_wait3A_822 = arith.constant 0 : i32
          %dma_wait3A_823 = tpu.memref_slice %arg21[%dma_wait3A_818, %dma_wait3A_822] : memref<3x128xi32, #tpu.memory_space<vmem>> -> memref<1x128xi32, #tpu.memory_space<vmem>>
          %dma_wait3A_824 = tpu.memref_squeeze %dma_wait3A_823 : memref<1x128xi32, #tpu.memory_space<vmem>> -> memref<128xi32, #tpu.memory_space<vmem>>
          %dma_wait3A_825 = arith.constant 0 : i32
          %dma_wait3A_826 = arith.constant 0 : i32
          %dma_wait3A_827 = tpu.memref_slice %arg26[%dma_wait3A_825, %dma_wait3A_826] : memref<4608x128xf32, #tpu.memory_space<vmem_shared>> -> memref<4608x128xf32, #tpu.memory_space<vmem_shared>>
          tpu.wait_indirect_dma semaphore(%arg29 : memref<!tpu.dma_semaphore, #tpu.memory_space<semaphore_mem>>) src(%dma_wait3A_821 : memref<128x128xf32, #tpu.memory_space<vmem>>) dst(%dma_wait3A_827 : memref<4608x128xf32, #tpu.memory_space<vmem_shared>>)
          %dma_wait3A_828 = arith.constant 1 : i32
          %dma_wait3A_829 = arith.constant 128 : i32
          %dma_wait3A_830 = arith.constant 0 : i32
          %dma_wait3A_831 = tpu.memref_slice %arg24[%dma_wait3A_829, %dma_wait3A_830] : memref<384x128xf32, #tpu.memory_space<vmem>> -> memref<128x128xf32, #tpu.memory_space<vmem>>
          %dma_wait3A_832 = arith.constant 0 : i32
          %dma_wait3A_833 = tpu.memref_slice %arg21[%dma_wait3A_828, %dma_wait3A_832] : memref<3x128xi32, #tpu.memory_space<vmem>> -> memref<1x128xi32, #tpu.memory_space<vmem>>
          %dma_wait3A_834 = tpu.memref_squeeze %dma_wait3A_833 : memref<1x128xi32, #tpu.memory_space<vmem>> -> memref<128xi32, #tpu.memory_space<vmem>>
          %dma_wait3A_835 = arith.constant 0 : i32
          %dma_wait3A_836 = arith.constant 0 : i32
          %dma_wait3A_837 = tpu.memref_slice %arg26[%dma_wait3A_835, %dma_wait3A_836] : memref<4608x128xf32, #tpu.memory_space<vmem_shared>> -> memref<4608x128xf32, #tpu.memory_space<vmem_shared>>
          tpu.wait_indirect_dma semaphore(%arg29 : memref<!tpu.dma_semaphore, #tpu.memory_space<semaphore_mem>>) src(%dma_wait3A_831 : memref<128x128xf32, #tpu.memory_space<vmem>>) dst(%dma_wait3A_837 : memref<4608x128xf32, #tpu.memory_space<vmem_shared>>)
          %dma_wait3A_838 = arith.constant 2 : i32
          %dma_wait3A_839 = arith.constant 256 : i32
          %dma_wait3A_840 = arith.constant 0 : i32
          %dma_wait3A_841 = tpu.memref_slice %arg24[%dma_wait3A_839, %dma_wait3A_840] : memref<384x128xf32, #tpu.memory_space<vmem>> -> memref<128x128xf32, #tpu.memory_space<vmem>>
          %dma_wait3A_842 = arith.constant 0 : i32
          %dma_wait3A_843 = tpu.memref_slice %arg21[%dma_wait3A_838, %dma_wait3A_842] : memref<3x128xi32, #tpu.memory_space<vmem>> -> memref<1x128xi32, #tpu.memory_space<vmem>>
          %dma_wait3A_844 = tpu.memref_squeeze %dma_wait3A_843 : memref<1x128xi32, #tpu.memory_space<vmem>> -> memref<128xi32, #tpu.memory_space<vmem>>
          %dma_wait3A_845 = arith.constant 0 : i32
          %dma_wait3A_846 = arith.constant 0 : i32
          %dma_wait3A_847 = tpu.memref_slice %arg26[%dma_wait3A_845, %dma_wait3A_846] : memref<4608x128xf32, #tpu.memory_space<vmem_shared>> -> memref<4608x128xf32, #tpu.memory_space<vmem_shared>>
          tpu.wait_indirect_dma semaphore(%arg29 : memref<!tpu.dma_semaphore, #tpu.memory_space<semaphore_mem>>) src(%dma_wait3A_841 : memref<128x128xf32, #tpu.memory_space<vmem>>) dst(%dma_wait3A_847 : memref<4608x128xf32, #tpu.memory_space<vmem_shared>>)
          %dma_wait3A_848 = arith.constant 0 : i32
          %dma_wait3A_849 = arith.constant 0 : i32
          %dma_wait3A_850 = tpu.memref_slice %arg27[%dma_wait3A_848, %dma_wait3A_849] : memref<768x128xf32, #tpu.memory_space<vmem_shared>> -> memref<768x128xf32, #tpu.memory_space<vmem_shared>>
          tpu.wait_indirect_dma semaphore(%arg29 : memref<!tpu.dma_semaphore, #tpu.memory_space<semaphore_mem>>) src(%arg25 : memref<64x128xf32, #tpu.memory_space<vmem>>) dst(%dma_wait3A_850 : memref<768x128xf32, #tpu.memory_space<vmem_shared>>)
        }
      }
      %scan3A_50 = arith.constant 5 : i32
      %barrier3A_51 = arith.constant 0 : index
      tpu.barrier barrier_id(%barrier3A_51)
      %le3A = arith.constant 12 : i32
      %le3A_52 = arith.cmpi sle, %arg1, %le3A : i32
      %lt3A = arith.constant 13 : i32
      %lt3A_53 = arith.cmpi slt, %add3A, %lt3A : i32
      %le3A_54 = arith.constant 14 : i32
      %le3A_55 = arith.cmpi sle, %arg1, %le3A_54 : i32
      %and3A = arith.andi %lt3A_53, %le3A_55 : i1
      %or3A = arith.ori %le3A_52, %and3A : i1
      %convert_element_type3A = arith.extui %or3A : i1 to i32
      %cond3A = arith.constant 0 : i32
      %cond3A_56 = arith.cmpi ne, %convert_element_type3A, %cond3A : i32
      scf.if %cond3A_56 {
        %mul3A_64 = arith.constant 48 : i32
        %mul3A_65 = arith.muli %arg1, %mul3A_64 : i32
        %add3A_66 = arith.constant 0 : i32
        %add3A_67 = arith.addi %add3A_66, %mul3A_65 : i32
        %mul3A_68 = arith.constant 48 : i32
        %mul3A_69 = arith.muli %arg1, %mul3A_68 : i32
        %add3A_70 = arith.addi %mul3A_19, %mul3A_69 : i32
        "tpu.region"() ({
          %run_scoped3A = tpu.sem_alloc : memref<!tpu.dma_semaphore, #tpu.memory_space<semaphore_mem>>
          %dma_start3A = arith.constant 0 : i32
          %dma_start3A_111 = tpu.memref_slice %arg7[%add3A_70, %dma_start3A] : memref<10000x128xf32, #tpu.memory_space<hbm>> -> memref<48x128xf32, #tpu.memory_space<hbm>>
          %dma_start3A_112 = arith.constant 0 : i32
          %dma_start3A_113 = tpu.memref_slice %arg26[%add3A_67, %dma_start3A_112] : memref<4608x128xf32, #tpu.memory_space<vmem_shared>> -> memref<48x128xf32, #tpu.memory_space<vmem_shared>>
          tpu.enqueue_dma source(%dma_start3A_113 : memref<48x128xf32, #tpu.memory_space<vmem_shared>>) target(%dma_start3A_111 : memref<48x128xf32, #tpu.memory_space<hbm>>) target_semaphore(%run_scoped3A : memref<!tpu.dma_semaphore, #tpu.memory_space<semaphore_mem>>)
          %dma_wait3A = arith.constant 0 : i32
          %dma_wait3A_114 = tpu.memref_slice %arg7[%add3A_70, %dma_wait3A] : memref<10000x128xf32, #tpu.memory_space<hbm>> -> memref<48x128xf32, #tpu.memory_space<hbm>>
          %dma_wait3A_115 = arith.constant 0 : i32
          %dma_wait3A_116 = tpu.memref_slice %arg26[%add3A_67, %dma_wait3A_115] : memref<4608x128xf32, #tpu.memory_space<vmem_shared>> -> memref<48x128xf32, #tpu.memory_space<vmem_shared>>
          tpu.wait_dma2 semaphore(%run_scoped3A : memref<!tpu.dma_semaphore, #tpu.memory_space<semaphore_mem>>) src(%dma_wait3A_116 : memref<48x128xf32, #tpu.memory_space<vmem_shared>>) dst(%dma_wait3A_114 : memref<48x128xf32, #tpu.memory_space<hbm>>)
          tpu.yield
        }) : () -> ()
        %mul3A_71 = arith.constant 48 : i32
        %mul3A_72 = arith.muli %arg1, %mul3A_71 : i32
        %add3A_73 = arith.constant 768 : i32
        %add3A_74 = arith.addi %add3A_73, %mul3A_72 : i32
        %mul3A_75 = arith.constant 48 : i32
        %mul3A_76 = arith.muli %arg1, %mul3A_75 : i32
        %add3A_77 = arith.addi %mul3A_19, %mul3A_76 : i32
        "tpu.region"() ({
          %run_scoped3A = tpu.sem_alloc : memref<!tpu.dma_semaphore, #tpu.memory_space<semaphore_mem>>
          %dma_start3A = arith.constant 0 : i32
          %dma_start3A_111 = tpu.memref_slice %arg8[%add3A_77, %dma_start3A] : memref<10000x128xf32, #tpu.memory_space<hbm>> -> memref<48x128xf32, #tpu.memory_space<hbm>>
          %dma_start3A_112 = arith.constant 0 : i32
          %dma_start3A_113 = tpu.memref_slice %arg26[%add3A_74, %dma_start3A_112] : memref<4608x128xf32, #tpu.memory_space<vmem_shared>> -> memref<48x128xf32, #tpu.memory_space<vmem_shared>>
          tpu.enqueue_dma source(%dma_start3A_113 : memref<48x128xf32, #tpu.memory_space<vmem_shared>>) target(%dma_start3A_111 : memref<48x128xf32, #tpu.memory_space<hbm>>) target_semaphore(%run_scoped3A : memref<!tpu.dma_semaphore, #tpu.memory_space<semaphore_mem>>)
          %dma_wait3A = arith.constant 0 : i32
          %dma_wait3A_114 = tpu.memref_slice %arg8[%add3A_77, %dma_wait3A] : memref<10000x128xf32, #tpu.memory_space<hbm>> -> memref<48x128xf32, #tpu.memory_space<hbm>>
          %dma_wait3A_115 = arith.constant 0 : i32
          %dma_wait3A_116 = tpu.memref_slice %arg26[%add3A_74, %dma_wait3A_115] : memref<4608x128xf32, #tpu.memory_space<vmem_shared>> -> memref<48x128xf32, #tpu.memory_space<vmem_shared>>
          tpu.wait_dma2 semaphore(%run_scoped3A : memref<!tpu.dma_semaphore, #tpu.memory_space<semaphore_mem>>) src(%dma_wait3A_116 : memref<48x128xf32, #tpu.memory_space<vmem_shared>>) dst(%dma_wait3A_114 : memref<48x128xf32, #tpu.memory_space<hbm>>)
          tpu.yield
        }) : () -> ()
        %mul3A_78 = arith.constant 48 : i32
        %mul3A_79 = arith.muli %arg1, %mul3A_78 : i32
        %add3A_80 = arith.constant 1536 : i32
        %add3A_81 = arith.addi %add3A_80, %mul3A_79 : i32
        %mul3A_82 = arith.constant 48 : i32
        %mul3A_83 = arith.muli %arg1, %mul3A_82 : i32
        %add3A_84 = arith.addi %mul3A_19, %mul3A_83 : i32
        "tpu.region"() ({
          %run_scoped3A = tpu.sem_alloc : memref<!tpu.dma_semaphore, #tpu.memory_space<semaphore_mem>>
          %dma_start3A = arith.constant 0 : i32
          %dma_start3A_111 = tpu.memref_slice %arg9[%add3A_84, %dma_start3A] : memref<10000x128xf32, #tpu.memory_space<hbm>> -> memref<48x128xf32, #tpu.memory_space<hbm>>
          %dma_start3A_112 = arith.constant 0 : i32
          %dma_start3A_113 = tpu.memref_slice %arg26[%add3A_81, %dma_start3A_112] : memref<4608x128xf32, #tpu.memory_space<vmem_shared>> -> memref<48x128xf32, #tpu.memory_space<vmem_shared>>
          tpu.enqueue_dma source(%dma_start3A_113 : memref<48x128xf32, #tpu.memory_space<vmem_shared>>) target(%dma_start3A_111 : memref<48x128xf32, #tpu.memory_space<hbm>>) target_semaphore(%run_scoped3A : memref<!tpu.dma_semaphore, #tpu.memory_space<semaphore_mem>>)
          %dma_wait3A = arith.constant 0 : i32
          %dma_wait3A_114 = tpu.memref_slice %arg9[%add3A_84, %dma_wait3A] : memref<10000x128xf32, #tpu.memory_space<hbm>> -> memref<48x128xf32, #tpu.memory_space<hbm>>
          %dma_wait3A_115 = arith.constant 0 : i32
          %dma_wait3A_116 = tpu.memref_slice %arg26[%add3A_81, %dma_wait3A_115] : memref<4608x128xf32, #tpu.memory_space<vmem_shared>> -> memref<48x128xf32, #tpu.memory_space<vmem_shared>>
          tpu.wait_dma2 semaphore(%run_scoped3A : memref<!tpu.dma_semaphore, #tpu.memory_space<semaphore_mem>>) src(%dma_wait3A_116 : memref<48x128xf32, #tpu.memory_space<vmem_shared>>) dst(%dma_wait3A_114 : memref<48x128xf32, #tpu.memory_space<hbm>>)
          tpu.yield
        }) : () -> ()
        %mul3A_85 = arith.constant 48 : i32
        %mul3A_86 = arith.muli %arg1, %mul3A_85 : i32
        %add3A_87 = arith.constant 2304 : i32
        %add3A_88 = arith.addi %add3A_87, %mul3A_86 : i32
        %mul3A_89 = arith.constant 48 : i32
        %mul3A_90 = arith.muli %arg1, %mul3A_89 : i32
        %add3A_91 = arith.addi %mul3A_19, %mul3A_90 : i32
        "tpu.region"() ({
          %run_scoped3A = tpu.sem_alloc : memref<!tpu.dma_semaphore, #tpu.memory_space<semaphore_mem>>
          %dma_start3A = arith.constant 0 : i32
          %dma_start3A_111 = tpu.memref_slice %arg10[%add3A_91, %dma_start3A] : memref<10000x128xf32, #tpu.memory_space<hbm>> -> memref<48x128xf32, #tpu.memory_space<hbm>>
          %dma_start3A_112 = arith.constant 0 : i32
          %dma_start3A_113 = tpu.memref_slice %arg26[%add3A_88, %dma_start3A_112] : memref<4608x128xf32, #tpu.memory_space<vmem_shared>> -> memref<48x128xf32, #tpu.memory_space<vmem_shared>>
          tpu.enqueue_dma source(%dma_start3A_113 : memref<48x128xf32, #tpu.memory_space<vmem_shared>>) target(%dma_start3A_111 : memref<48x128xf32, #tpu.memory_space<hbm>>) target_semaphore(%run_scoped3A : memref<!tpu.dma_semaphore, #tpu.memory_space<semaphore_mem>>)
          %dma_wait3A = arith.constant 0 : i32
          %dma_wait3A_114 = tpu.memref_slice %arg10[%add3A_91, %dma_wait3A] : memref<10000x128xf32, #tpu.memory_space<hbm>> -> memref<48x128xf32, #tpu.memory_space<hbm>>
          %dma_wait3A_115 = arith.constant 0 : i32
          %dma_wait3A_116 = tpu.memref_slice %arg26[%add3A_88, %dma_wait3A_115] : memref<4608x128xf32, #tpu.memory_space<vmem_shared>> -> memref<48x128xf32, #tpu.memory_space<vmem_shared>>
          tpu.wait_dma2 semaphore(%run_scoped3A : memref<!tpu.dma_semaphore, #tpu.memory_space<semaphore_mem>>) src(%dma_wait3A_116 : memref<48x128xf32, #tpu.memory_space<vmem_shared>>) dst(%dma_wait3A_114 : memref<48x128xf32, #tpu.memory_space<hbm>>)
          tpu.yield
        }) : () -> ()
        %mul3A_92 = arith.constant 48 : i32
        %mul3A_93 = arith.muli %arg1, %mul3A_92 : i32
        %add3A_94 = arith.constant 3072 : i32
        %add3A_95 = arith.addi %add3A_94, %mul3A_93 : i32
        %mul3A_96 = arith.constant 48 : i32
        %mul3A_97 = arith.muli %arg1, %mul3A_96 : i32
        %add3A_98 = arith.addi %mul3A_19, %mul3A_97 : i32
        "tpu.region"() ({
          %run_scoped3A = tpu.sem_alloc : memref<!tpu.dma_semaphore, #tpu.memory_space<semaphore_mem>>
          %dma_start3A = arith.constant 0 : i32
          %dma_start3A_111 = tpu.memref_slice %arg11[%add3A_98, %dma_start3A] : memref<10000x128xf32, #tpu.memory_space<hbm>> -> memref<48x128xf32, #tpu.memory_space<hbm>>
          %dma_start3A_112 = arith.constant 0 : i32
          %dma_start3A_113 = tpu.memref_slice %arg26[%add3A_95, %dma_start3A_112] : memref<4608x128xf32, #tpu.memory_space<vmem_shared>> -> memref<48x128xf32, #tpu.memory_space<vmem_shared>>
          tpu.enqueue_dma source(%dma_start3A_113 : memref<48x128xf32, #tpu.memory_space<vmem_shared>>) target(%dma_start3A_111 : memref<48x128xf32, #tpu.memory_space<hbm>>) target_semaphore(%run_scoped3A : memref<!tpu.dma_semaphore, #tpu.memory_space<semaphore_mem>>)
          %dma_wait3A = arith.constant 0 : i32
          %dma_wait3A_114 = tpu.memref_slice %arg11[%add3A_98, %dma_wait3A] : memref<10000x128xf32, #tpu.memory_space<hbm>> -> memref<48x128xf32, #tpu.memory_space<hbm>>
          %dma_wait3A_115 = arith.constant 0 : i32
          %dma_wait3A_116 = tpu.memref_slice %arg26[%add3A_95, %dma_wait3A_115] : memref<4608x128xf32, #tpu.memory_space<vmem_shared>> -> memref<48x128xf32, #tpu.memory_space<vmem_shared>>
          tpu.wait_dma2 semaphore(%run_scoped3A : memref<!tpu.dma_semaphore, #tpu.memory_space<semaphore_mem>>) src(%dma_wait3A_116 : memref<48x128xf32, #tpu.memory_space<vmem_shared>>) dst(%dma_wait3A_114 : memref<48x128xf32, #tpu.memory_space<hbm>>)
          tpu.yield
        }) : () -> ()
        %mul3A_99 = arith.constant 48 : i32
        %mul3A_100 = arith.muli %arg1, %mul3A_99 : i32
        %add3A_101 = arith.constant 3840 : i32
        %add3A_102 = arith.addi %add3A_101, %mul3A_100 : i32
        %mul3A_103 = arith.constant 48 : i32
        %mul3A_104 = arith.muli %arg1, %mul3A_103 : i32
        %add3A_105 = arith.addi %mul3A_19, %mul3A_104 : i32
        "tpu.region"() ({
          %run_scoped3A = tpu.sem_alloc : memref<!tpu.dma_semaphore, #tpu.memory_space<semaphore_mem>>
          %dma_start3A = arith.constant 0 : i32
          %dma_start3A_111 = tpu.memref_slice %arg12[%add3A_105, %dma_start3A] : memref<10000x128xf32, #tpu.memory_space<hbm>> -> memref<48x128xf32, #tpu.memory_space<hbm>>
          %dma_start3A_112 = arith.constant 0 : i32
          %dma_start3A_113 = tpu.memref_slice %arg26[%add3A_102, %dma_start3A_112] : memref<4608x128xf32, #tpu.memory_space<vmem_shared>> -> memref<48x128xf32, #tpu.memory_space<vmem_shared>>
          tpu.enqueue_dma source(%dma_start3A_113 : memref<48x128xf32, #tpu.memory_space<vmem_shared>>) target(%dma_start3A_111 : memref<48x128xf32, #tpu.memory_space<hbm>>) target_semaphore(%run_scoped3A : memref<!tpu.dma_semaphore, #tpu.memory_space<semaphore_mem>>)
          %dma_wait3A = arith.constant 0 : i32
          %dma_wait3A_114 = tpu.memref_slice %arg12[%add3A_105, %dma_wait3A] : memref<10000x128xf32, #tpu.memory_space<hbm>> -> memref<48x128xf32, #tpu.memory_space<hbm>>
          %dma_wait3A_115 = arith.constant 0 : i32
          %dma_wait3A_116 = tpu.memref_slice %arg26[%add3A_102, %dma_wait3A_115] : memref<4608x128xf32, #tpu.memory_space<vmem_shared>> -> memref<48x128xf32, #tpu.memory_space<vmem_shared>>
          tpu.wait_dma2 semaphore(%run_scoped3A : memref<!tpu.dma_semaphore, #tpu.memory_space<semaphore_mem>>) src(%dma_wait3A_116 : memref<48x128xf32, #tpu.memory_space<vmem_shared>>) dst(%dma_wait3A_114 : memref<48x128xf32, #tpu.memory_space<hbm>>)
          tpu.yield
        }) : () -> ()
        %mul3A_106 = arith.constant 48 : i32
        %mul3A_107 = arith.muli %arg1, %mul3A_106 : i32
        %mul3A_108 = arith.constant 48 : i32
        %mul3A_109 = arith.muli %arg1, %mul3A_108 : i32
        %add3A_110 = arith.addi %mul3A_19, %mul3A_109 : i32
        "tpu.region"() ({
          %run_scoped3A = tpu.sem_alloc : memref<!tpu.dma_semaphore, #tpu.memory_space<semaphore_mem>>
          %dma_start3A = arith.constant 0 : i32
          %dma_start3A_111 = tpu.memref_slice %arg13[%add3A_110, %dma_start3A] : memref<10000x128xf32, #tpu.memory_space<hbm>> -> memref<48x128xf32, #tpu.memory_space<hbm>>
          %dma_start3A_112 = arith.constant 0 : i32
          %dma_start3A_113 = tpu.memref_slice %arg27[%mul3A_107, %dma_start3A_112] : memref<768x128xf32, #tpu.memory_space<vmem_shared>> -> memref<48x128xf32, #tpu.memory_space<vmem_shared>>
          tpu.enqueue_dma source(%dma_start3A_113 : memref<48x128xf32, #tpu.memory_space<vmem_shared>>) target(%dma_start3A_111 : memref<48x128xf32, #tpu.memory_space<hbm>>) target_semaphore(%run_scoped3A : memref<!tpu.dma_semaphore, #tpu.memory_space<semaphore_mem>>)
          %dma_wait3A = arith.constant 0 : i32
          %dma_wait3A_114 = tpu.memref_slice %arg13[%add3A_110, %dma_wait3A] : memref<10000x128xf32, #tpu.memory_space<hbm>> -> memref<48x128xf32, #tpu.memory_space<hbm>>
          %dma_wait3A_115 = arith.constant 0 : i32
          %dma_wait3A_116 = tpu.memref_slice %arg27[%mul3A_107, %dma_wait3A_115] : memref<768x128xf32, #tpu.memory_space<vmem_shared>> -> memref<48x128xf32, #tpu.memory_space<vmem_shared>>
          tpu.wait_dma2 semaphore(%run_scoped3A : memref<!tpu.dma_semaphore, #tpu.memory_space<semaphore_mem>>) src(%dma_wait3A_116 : memref<48x128xf32, #tpu.memory_space<vmem_shared>>) dst(%dma_wait3A_114 : memref<48x128xf32, #tpu.memory_space<hbm>>)
          tpu.yield
        }) : () -> ()
      } else {
      }
      %eq3A = arith.constant 13 : i32
      %eq3A_57 = arith.cmpi eq, %add3A, %eq3A : i32
      %eq3A_58 = arith.constant 13 : i32
      %eq3A_59 = arith.cmpi eq, %arg1, %eq3A_58 : i32
      %and3A_60 = arith.andi %eq3A_57, %eq3A_59 : i1
      %convert_element_type3A_61 = arith.extui %and3A_60 : i1 to i32
      %cond3A_62 = arith.constant 0 : i32
      %cond3A_63 = arith.cmpi ne, %convert_element_type3A_61, %cond3A_62 : i32
      scf.if %cond3A_63 {
        %add3A_64 = arith.constant 624 : i32
        %add3A_65 = arith.addi %mul3A_19, %add3A_64 : i32
        "tpu.region"() ({
          %run_scoped3A = tpu.sem_alloc : memref<!tpu.dma_semaphore, #tpu.memory_space<semaphore_mem>>
          %dma_start3A = arith.constant 0 : i32
          %dma_start3A_78 = tpu.memref_slice %arg7[%add3A_65, %dma_start3A] : memref<10000x128xf32, #tpu.memory_space<hbm>> -> memref<16x128xf32, #tpu.memory_space<hbm>>
          %dma_start3A_79 = arith.constant 624 : i32
          %dma_start3A_80 = arith.constant 0 : i32
          %dma_start3A_81 = tpu.memref_slice %arg26[%dma_start3A_79, %dma_start3A_80] : memref<4608x128xf32, #tpu.memory_space<vmem_shared>> -> memref<16x128xf32, #tpu.memory_space<vmem_shared>>
          tpu.enqueue_dma source(%dma_start3A_81 : memref<16x128xf32, #tpu.memory_space<vmem_shared>>) target(%dma_start3A_78 : memref<16x128xf32, #tpu.memory_space<hbm>>) target_semaphore(%run_scoped3A : memref<!tpu.dma_semaphore, #tpu.memory_space<semaphore_mem>>)
          %dma_wait3A = arith.constant 0 : i32
          %dma_wait3A_82 = tpu.memref_slice %arg7[%add3A_65, %dma_wait3A] : memref<10000x128xf32, #tpu.memory_space<hbm>> -> memref<16x128xf32, #tpu.memory_space<hbm>>
          %dma_wait3A_83 = arith.constant 624 : i32
          %dma_wait3A_84 = arith.constant 0 : i32
          %dma_wait3A_85 = tpu.memref_slice %arg26[%dma_wait3A_83, %dma_wait3A_84] : memref<4608x128xf32, #tpu.memory_space<vmem_shared>> -> memref<16x128xf32, #tpu.memory_space<vmem_shared>>
          tpu.wait_dma2 semaphore(%run_scoped3A : memref<!tpu.dma_semaphore, #tpu.memory_space<semaphore_mem>>) src(%dma_wait3A_85 : memref<16x128xf32, #tpu.memory_space<vmem_shared>>) dst(%dma_wait3A_82 : memref<16x128xf32, #tpu.memory_space<hbm>>)
          tpu.yield
        }) : () -> ()
        %add3A_66 = arith.constant 624 : i32
        %add3A_67 = arith.addi %mul3A_19, %add3A_66 : i32
        "tpu.region"() ({
          %run_scoped3A = tpu.sem_alloc : memref<!tpu.dma_semaphore, #tpu.memory_space<semaphore_mem>>
          %dma_start3A = arith.constant 0 : i32
          %dma_start3A_78 = tpu.memref_slice %arg8[%add3A_67, %dma_start3A] : memref<10000x128xf32, #tpu.memory_space<hbm>> -> memref<16x128xf32, #tpu.memory_space<hbm>>
          %dma_start3A_79 = arith.constant 1392 : i32
          %dma_start3A_80 = arith.constant 0 : i32
          %dma_start3A_81 = tpu.memref_slice %arg26[%dma_start3A_79, %dma_start3A_80] : memref<4608x128xf32, #tpu.memory_space<vmem_shared>> -> memref<16x128xf32, #tpu.memory_space<vmem_shared>>
          tpu.enqueue_dma source(%dma_start3A_81 : memref<16x128xf32, #tpu.memory_space<vmem_shared>>) target(%dma_start3A_78 : memref<16x128xf32, #tpu.memory_space<hbm>>) target_semaphore(%run_scoped3A : memref<!tpu.dma_semaphore, #tpu.memory_space<semaphore_mem>>)
          %dma_wait3A = arith.constant 0 : i32
          %dma_wait3A_82 = tpu.memref_slice %arg8[%add3A_67, %dma_wait3A] : memref<10000x128xf32, #tpu.memory_space<hbm>> -> memref<16x128xf32, #tpu.memory_space<hbm>>
          %dma_wait3A_83 = arith.constant 1392 : i32
          %dma_wait3A_84 = arith.constant 0 : i32
          %dma_wait3A_85 = tpu.memref_slice %arg26[%dma_wait3A_83, %dma_wait3A_84] : memref<4608x128xf32, #tpu.memory_space<vmem_shared>> -> memref<16x128xf32, #tpu.memory_space<vmem_shared>>
          tpu.wait_dma2 semaphore(%run_scoped3A : memref<!tpu.dma_semaphore, #tpu.memory_space<semaphore_mem>>) src(%dma_wait3A_85 : memref<16x128xf32, #tpu.memory_space<vmem_shared>>) dst(%dma_wait3A_82 : memref<16x128xf32, #tpu.memory_space<hbm>>)
          tpu.yield
        }) : () -> ()
        %add3A_68 = arith.constant 624 : i32
        %add3A_69 = arith.addi %mul3A_19, %add3A_68 : i32
        "tpu.region"() ({
          %run_scoped3A = tpu.sem_alloc : memref<!tpu.dma_semaphore, #tpu.memory_space<semaphore_mem>>
          %dma_start3A = arith.constant 0 : i32
          %dma_start3A_78 = tpu.memref_slice %arg9[%add3A_69, %dma_start3A] : memref<10000x128xf32, #tpu.memory_space<hbm>> -> memref<16x128xf32, #tpu.memory_space<hbm>>
          %dma_start3A_79 = arith.constant 2160 : i32
          %dma_start3A_80 = arith.constant 0 : i32
          %dma_start3A_81 = tpu.memref_slice %arg26[%dma_start3A_79, %dma_start3A_80] : memref<4608x128xf32, #tpu.memory_space<vmem_shared>> -> memref<16x128xf32, #tpu.memory_space<vmem_shared>>
          tpu.enqueue_dma source(%dma_start3A_81 : memref<16x128xf32, #tpu.memory_space<vmem_shared>>) target(%dma_start3A_78 : memref<16x128xf32, #tpu.memory_space<hbm>>) target_semaphore(%run_scoped3A : memref<!tpu.dma_semaphore, #tpu.memory_space<semaphore_mem>>)
          %dma_wait3A = arith.constant 0 : i32
          %dma_wait3A_82 = tpu.memref_slice %arg9[%add3A_69, %dma_wait3A] : memref<10000x128xf32, #tpu.memory_space<hbm>> -> memref<16x128xf32, #tpu.memory_space<hbm>>
          %dma_wait3A_83 = arith.constant 2160 : i32
          %dma_wait3A_84 = arith.constant 0 : i32
          %dma_wait3A_85 = tpu.memref_slice %arg26[%dma_wait3A_83, %dma_wait3A_84] : memref<4608x128xf32, #tpu.memory_space<vmem_shared>> -> memref<16x128xf32, #tpu.memory_space<vmem_shared>>
          tpu.wait_dma2 semaphore(%run_scoped3A : memref<!tpu.dma_semaphore, #tpu.memory_space<semaphore_mem>>) src(%dma_wait3A_85 : memref<16x128xf32, #tpu.memory_space<vmem_shared>>) dst(%dma_wait3A_82 : memref<16x128xf32, #tpu.memory_space<hbm>>)
          tpu.yield
        }) : () -> ()
        %add3A_70 = arith.constant 624 : i32
        %add3A_71 = arith.addi %mul3A_19, %add3A_70 : i32
        "tpu.region"() ({
          %run_scoped3A = tpu.sem_alloc : memref<!tpu.dma_semaphore, #tpu.memory_space<semaphore_mem>>
          %dma_start3A = arith.constant 0 : i32
          %dma_start3A_78 = tpu.memref_slice %arg10[%add3A_71, %dma_start3A] : memref<10000x128xf32, #tpu.memory_space<hbm>> -> memref<16x128xf32, #tpu.memory_space<hbm>>
          %dma_start3A_79 = arith.constant 2928 : i32
          %dma_start3A_80 = arith.constant 0 : i32
          %dma_start3A_81 = tpu.memref_slice %arg26[%dma_start3A_79, %dma_start3A_80] : memref<4608x128xf32, #tpu.memory_space<vmem_shared>> -> memref<16x128xf32, #tpu.memory_space<vmem_shared>>
          tpu.enqueue_dma source(%dma_start3A_81 : memref<16x128xf32, #tpu.memory_space<vmem_shared>>) target(%dma_start3A_78 : memref<16x128xf32, #tpu.memory_space<hbm>>) target_semaphore(%run_scoped3A : memref<!tpu.dma_semaphore, #tpu.memory_space<semaphore_mem>>)
          %dma_wait3A = arith.constant 0 : i32
          %dma_wait3A_82 = tpu.memref_slice %arg10[%add3A_71, %dma_wait3A] : memref<10000x128xf32, #tpu.memory_space<hbm>> -> memref<16x128xf32, #tpu.memory_space<hbm>>
          %dma_wait3A_83 = arith.constant 2928 : i32
          %dma_wait3A_84 = arith.constant 0 : i32
          %dma_wait3A_85 = tpu.memref_slice %arg26[%dma_wait3A_83, %dma_wait3A_84] : memref<4608x128xf32, #tpu.memory_space<vmem_shared>> -> memref<16x128xf32, #tpu.memory_space<vmem_shared>>
          tpu.wait_dma2 semaphore(%run_scoped3A : memref<!tpu.dma_semaphore, #tpu.memory_space<semaphore_mem>>) src(%dma_wait3A_85 : memref<16x128xf32, #tpu.memory_space<vmem_shared>>) dst(%dma_wait3A_82 : memref<16x128xf32, #tpu.memory_space<hbm>>)
          tpu.yield
        }) : () -> ()
        %add3A_72 = arith.constant 624 : i32
        %add3A_73 = arith.addi %mul3A_19, %add3A_72 : i32
        "tpu.region"() ({
          %run_scoped3A = tpu.sem_alloc : memref<!tpu.dma_semaphore, #tpu.memory_space<semaphore_mem>>
          %dma_start3A = arith.constant 0 : i32
          %dma_start3A_78 = tpu.memref_slice %arg11[%add3A_73, %dma_start3A] : memref<10000x128xf32, #tpu.memory_space<hbm>> -> memref<16x128xf32, #tpu.memory_space<hbm>>
          %dma_start3A_79 = arith.constant 3696 : i32
          %dma_start3A_80 = arith.constant 0 : i32
          %dma_start3A_81 = tpu.memref_slice %arg26[%dma_start3A_79, %dma_start3A_80] : memref<4608x128xf32, #tpu.memory_space<vmem_shared>> -> memref<16x128xf32, #tpu.memory_space<vmem_shared>>
          tpu.enqueue_dma source(%dma_start3A_81 : memref<16x128xf32, #tpu.memory_space<vmem_shared>>) target(%dma_start3A_78 : memref<16x128xf32, #tpu.memory_space<hbm>>) target_semaphore(%run_scoped3A : memref<!tpu.dma_semaphore, #tpu.memory_space<semaphore_mem>>)
          %dma_wait3A = arith.constant 0 : i32
          %dma_wait3A_82 = tpu.memref_slice %arg11[%add3A_73, %dma_wait3A] : memref<10000x128xf32, #tpu.memory_space<hbm>> -> memref<16x128xf32, #tpu.memory_space<hbm>>
          %dma_wait3A_83 = arith.constant 3696 : i32
          %dma_wait3A_84 = arith.constant 0 : i32
          %dma_wait3A_85 = tpu.memref_slice %arg26[%dma_wait3A_83, %dma_wait3A_84] : memref<4608x128xf32, #tpu.memory_space<vmem_shared>> -> memref<16x128xf32, #tpu.memory_space<vmem_shared>>
          tpu.wait_dma2 semaphore(%run_scoped3A : memref<!tpu.dma_semaphore, #tpu.memory_space<semaphore_mem>>) src(%dma_wait3A_85 : memref<16x128xf32, #tpu.memory_space<vmem_shared>>) dst(%dma_wait3A_82 : memref<16x128xf32, #tpu.memory_space<hbm>>)
          tpu.yield
        }) : () -> ()
        %add3A_74 = arith.constant 624 : i32
        %add3A_75 = arith.addi %mul3A_19, %add3A_74 : i32
        "tpu.region"() ({
          %run_scoped3A = tpu.sem_alloc : memref<!tpu.dma_semaphore, #tpu.memory_space<semaphore_mem>>
          %dma_start3A = arith.constant 0 : i32
          %dma_start3A_78 = tpu.memref_slice %arg12[%add3A_75, %dma_start3A] : memref<10000x128xf32, #tpu.memory_space<hbm>> -> memref<16x128xf32, #tpu.memory_space<hbm>>
          %dma_start3A_79 = arith.constant 4464 : i32
          %dma_start3A_80 = arith.constant 0 : i32
          %dma_start3A_81 = tpu.memref_slice %arg26[%dma_start3A_79, %dma_start3A_80] : memref<4608x128xf32, #tpu.memory_space<vmem_shared>> -> memref<16x128xf32, #tpu.memory_space<vmem_shared>>
          tpu.enqueue_dma source(%dma_start3A_81 : memref<16x128xf32, #tpu.memory_space<vmem_shared>>) target(%dma_start3A_78 : memref<16x128xf32, #tpu.memory_space<hbm>>) target_semaphore(%run_scoped3A : memref<!tpu.dma_semaphore, #tpu.memory_space<semaphore_mem>>)
          %dma_wait3A = arith.constant 0 : i32
          %dma_wait3A_82 = tpu.memref_slice %arg12[%add3A_75, %dma_wait3A] : memref<10000x128xf32, #tpu.memory_space<hbm>> -> memref<16x128xf32, #tpu.memory_space<hbm>>
          %dma_wait3A_83 = arith.constant 4464 : i32
          %dma_wait3A_84 = arith.constant 0 : i32
          %dma_wait3A_85 = tpu.memref_slice %arg26[%dma_wait3A_83, %dma_wait3A_84] : memref<4608x128xf32, #tpu.memory_space<vmem_shared>> -> memref<16x128xf32, #tpu.memory_space<vmem_shared>>
          tpu.wait_dma2 semaphore(%run_scoped3A : memref<!tpu.dma_semaphore, #tpu.memory_space<semaphore_mem>>) src(%dma_wait3A_85 : memref<16x128xf32, #tpu.memory_space<vmem_shared>>) dst(%dma_wait3A_82 : memref<16x128xf32, #tpu.memory_space<hbm>>)
          tpu.yield
        }) : () -> ()
        %add3A_76 = arith.constant 624 : i32
        %add3A_77 = arith.addi %mul3A_19, %add3A_76 : i32
        "tpu.region"() ({
          %run_scoped3A = tpu.sem_alloc : memref<!tpu.dma_semaphore, #tpu.memory_space<semaphore_mem>>
          %dma_start3A = arith.constant 0 : i32
          %dma_start3A_78 = tpu.memref_slice %arg13[%add3A_77, %dma_start3A] : memref<10000x128xf32, #tpu.memory_space<hbm>> -> memref<16x128xf32, #tpu.memory_space<hbm>>
          %dma_start3A_79 = arith.constant 624 : i32
          %dma_start3A_80 = arith.constant 0 : i32
          %dma_start3A_81 = tpu.memref_slice %arg27[%dma_start3A_79, %dma_start3A_80] : memref<768x128xf32, #tpu.memory_space<vmem_shared>> -> memref<16x128xf32, #tpu.memory_space<vmem_shared>>
          tpu.enqueue_dma source(%dma_start3A_81 : memref<16x128xf32, #tpu.memory_space<vmem_shared>>) target(%dma_start3A_78 : memref<16x128xf32, #tpu.memory_space<hbm>>) target_semaphore(%run_scoped3A : memref<!tpu.dma_semaphore, #tpu.memory_space<semaphore_mem>>)
          %dma_wait3A = arith.constant 0 : i32
          %dma_wait3A_82 = tpu.memref_slice %arg13[%add3A_77, %dma_wait3A] : memref<10000x128xf32, #tpu.memory_space<hbm>> -> memref<16x128xf32, #tpu.memory_space<hbm>>
          %dma_wait3A_83 = arith.constant 624 : i32
          %dma_wait3A_84 = arith.constant 0 : i32
          %dma_wait3A_85 = tpu.memref_slice %arg27[%dma_wait3A_83, %dma_wait3A_84] : memref<768x128xf32, #tpu.memory_space<vmem_shared>> -> memref<16x128xf32, #tpu.memory_space<vmem_shared>>
          tpu.wait_dma2 semaphore(%run_scoped3A : memref<!tpu.dma_semaphore, #tpu.memory_space<semaphore_mem>>) src(%dma_wait3A_85 : memref<16x128xf32, #tpu.memory_space<vmem_shared>>) dst(%dma_wait3A_82 : memref<16x128xf32, #tpu.memory_space<hbm>>)
          tpu.yield
        }) : () -> ()
      } else {
      }
    }
    %scan3A_15 = arith.constant 7 : i32
    return
  }
}

module attributes {stable_mosaic.version = 14 : i64} {
  func.func @_tc1_body(%arg0: i32, %arg1: memref<2000x256xf32, #tpu.memory_space<vmem>>, %arg2: memref<256x768xf32, #tpu.memory_space<vmem>>, %arg3: memref<768x128xf32, #tpu.memory_space<vmem>>, %arg4: memref<6x2000x128xf32, #tpu.memory_space<vmem>>, %arg5: memref<2000x128xf32, #tpu.memory_space<vmem>>) attributes {dimension_semantics = [#tpu.dimension_semantics<arbitrary>], iteration_bounds = array<i64: 5>, scalar_prefetch = 0 : i64, scratch_operands = 0 : i64, tpu.core_type = #tpu.core_type<tc>, window_params = [{transform_indices = @transform_0, window_bounds = array<i64: 2000, 256>}, {pipeline_mode = #tpu.pipeline_mode<synchronous>, transform_indices = @transform_1, window_bounds = array<i64: 256, 768>}, {pipeline_mode = #tpu.pipeline_mode<synchronous>, transform_indices = @transform_2, window_bounds = array<i64: 768, 128>}, {transform_indices = @transform_3, window_bounds = array<i64: 6, 2000, 128>}, {transform_indices = @transform_4, window_bounds = array<i64: 2000, 128>}]} {
    %get3A = arith.constant 0 : index
    %get3A_0 = arith.constant 0 : index
    %get3A_1 = vector.load %arg1[%get3A, %get3A_0] : memref<2000x256xf32, #tpu.memory_space<vmem>>, vector<2000x256xf32>
    %get3A_2 = arith.constant 0 : index
    %get3A_3 = arith.constant 0 : index
    %get3A_4 = vector.load %arg2[%get3A_2, %get3A_3] : memref<256x768xf32, #tpu.memory_space<vmem>>, vector<256x768xf32>
    %dot_general3A = arith.constant dense<0.000000e+00> : vector<2000x768xf32>
    %dot_general3A_5 = tpu.matmul %get3A_1, %get3A_4, %dot_general3A {dimension_numbers = #tpu.dot_dimension_numbers<[1], [0], [0], [1], [0, 0, 1, 1], [], []>, transpose_lhs_hint = false} : vector<2000x256xf32>, vector<256x768xf32>, vector<2000x768xf32> -> vector<2000x768xf32>
    %slice3A = vector.extract_strided_slice %dot_general3A_5 {offsets = [0, 0], sizes = [2000, 128], strides = [1, 1]} : vector<2000x768xf32> to vector<2000x128xf32>
    %swap3A = arith.constant 0 : index
    %swap3A_6 = arith.constant 0 : index
    %swap3A_7 = arith.constant 0 : index
    %swap3A_8 = vector.load %arg4[%swap3A, %swap3A_6, %swap3A_7] : memref<6x2000x128xf32, #tpu.memory_space<vmem>>, vector<1x2000x128xf32>
    %swap3A_9 = vector.shape_cast %swap3A_8 : vector<1x2000x128xf32> to vector<2000x128xf32>
    %swap3A_10 = vector.shape_cast %slice3A : vector<2000x128xf32> to vector<1x2000x128xf32>
    tpu.vector_store %arg4[%swap3A, %swap3A_6, %swap3A_7], %swap3A_10 {strides = array<i32>} : memref<6x2000x128xf32, #tpu.memory_space<vmem>>, vector<1x2000x128xf32>,
    %slice3A_11 = vector.extract_strided_slice %dot_general3A_5 {offsets = [0, 128], sizes = [2000, 128], strides = [1, 1]} : vector<2000x768xf32> to vector<2000x128xf32>
    %swap3A_12 = arith.constant 1 : index
    %swap3A_13 = arith.constant 0 : index
    %swap3A_14 = arith.constant 0 : index
    %swap3A_15 = vector.load %arg4[%swap3A_12, %swap3A_13, %swap3A_14] : memref<6x2000x128xf32, #tpu.memory_space<vmem>>, vector<1x2000x128xf32>
    %swap3A_16 = vector.shape_cast %swap3A_15 : vector<1x2000x128xf32> to vector<2000x128xf32>
    %swap3A_17 = vector.shape_cast %slice3A_11 : vector<2000x128xf32> to vector<1x2000x128xf32>
    tpu.vector_store %arg4[%swap3A_12, %swap3A_13, %swap3A_14], %swap3A_17 {strides = array<i32>} : memref<6x2000x128xf32, #tpu.memory_space<vmem>>, vector<1x2000x128xf32>,
    %slice3A_18 = vector.extract_strided_slice %dot_general3A_5 {offsets = [0, 256], sizes = [2000, 128], strides = [1, 1]} : vector<2000x768xf32> to vector<2000x128xf32>
    %swap3A_19 = arith.constant 2 : index
    %swap3A_20 = arith.constant 0 : index
    %swap3A_21 = arith.constant 0 : index
    %swap3A_22 = vector.load %arg4[%swap3A_19, %swap3A_20, %swap3A_21] : memref<6x2000x128xf32, #tpu.memory_space<vmem>>, vector<1x2000x128xf32>
    %swap3A_23 = vector.shape_cast %swap3A_22 : vector<1x2000x128xf32> to vector<2000x128xf32>
    %swap3A_24 = vector.shape_cast %slice3A_18 : vector<2000x128xf32> to vector<1x2000x128xf32>
    tpu.vector_store %arg4[%swap3A_19, %swap3A_20, %swap3A_21], %swap3A_24 {strides = array<i32>} : memref<6x2000x128xf32, #tpu.memory_space<vmem>>, vector<1x2000x128xf32>,
    %slice3A_25 = vector.extract_strided_slice %dot_general3A_5 {offsets = [0, 384], sizes = [2000, 128], strides = [1, 1]} : vector<2000x768xf32> to vector<2000x128xf32>
    %swap3A_26 = arith.constant 3 : index
    %swap3A_27 = arith.constant 0 : index
    %swap3A_28 = arith.constant 0 : index
    %swap3A_29 = vector.load %arg4[%swap3A_26, %swap3A_27, %swap3A_28] : memref<6x2000x128xf32, #tpu.memory_space<vmem>>, vector<1x2000x128xf32>
    %swap3A_30 = vector.shape_cast %swap3A_29 : vector<1x2000x128xf32> to vector<2000x128xf32>
    %swap3A_31 = vector.shape_cast %slice3A_25 : vector<2000x128xf32> to vector<1x2000x128xf32>
    tpu.vector_store %arg4[%swap3A_26, %swap3A_27, %swap3A_28], %swap3A_31 {strides = array<i32>} : memref<6x2000x128xf32, #tpu.memory_space<vmem>>, vector<1x2000x128xf32>,
    %slice3A_32 = vector.extract_strided_slice %dot_general3A_5 {offsets = [0, 512], sizes = [2000, 128], strides = [1, 1]} : vector<2000x768xf32> to vector<2000x128xf32>
    %swap3A_33 = arith.constant 4 : index
    %swap3A_34 = arith.constant 0 : index
    %swap3A_35 = arith.constant 0 : index
    %swap3A_36 = vector.load %arg4[%swap3A_33, %swap3A_34, %swap3A_35] : memref<6x2000x128xf32, #tpu.memory_space<vmem>>, vector<1x2000x128xf32>
    %swap3A_37 = vector.shape_cast %swap3A_36 : vector<1x2000x128xf32> to vector<2000x128xf32>
    %swap3A_38 = vector.shape_cast %slice3A_32 : vector<2000x128xf32> to vector<1x2000x128xf32>
    tpu.vector_store %arg4[%swap3A_33, %swap3A_34, %swap3A_35], %swap3A_38 {strides = array<i32>} : memref<6x2000x128xf32, #tpu.memory_space<vmem>>, vector<1x2000x128xf32>,
    %slice3A_39 = vector.extract_strided_slice %dot_general3A_5 {offsets = [0, 640], sizes = [2000, 128], strides = [1, 1]} : vector<2000x768xf32> to vector<2000x128xf32>
    %swap3A_40 = arith.constant 5 : index
    %swap3A_41 = arith.constant 0 : index
    %swap3A_42 = arith.constant 0 : index
    %swap3A_43 = vector.load %arg4[%swap3A_40, %swap3A_41, %swap3A_42] : memref<6x2000x128xf32, #tpu.memory_space<vmem>>, vector<1x2000x128xf32>
    %swap3A_44 = vector.shape_cast %swap3A_43 : vector<1x2000x128xf32> to vector<2000x128xf32>
    %swap3A_45 = vector.shape_cast %slice3A_39 : vector<2000x128xf32> to vector<1x2000x128xf32>
    tpu.vector_store %arg4[%swap3A_40, %swap3A_41, %swap3A_42], %swap3A_45 {strides = array<i32>} : memref<6x2000x128xf32, #tpu.memory_space<vmem>>, vector<1x2000x128xf32>,
    %get3A_46 = arith.constant 0 : index
    %get3A_47 = arith.constant 0 : index
    %get3A_48 = vector.load %arg3[%get3A_46, %get3A_47] : memref<768x128xf32, #tpu.memory_space<vmem>>, vector<768x128xf32>
    %dot_general3A_49 = arith.constant dense<0.000000e+00> : vector<2000x128xf32>
    %dot_general3A_50 = tpu.matmul %dot_general3A_5, %get3A_48, %dot_general3A_49 {dimension_numbers = #tpu.dot_dimension_numbers<[1], [0], [0], [1], [0, 0, 1, 1], [], []>, transpose_lhs_hint = false} : vector<2000x768xf32>, vector<768x128xf32>, vector<2000x128xf32> -> vector<2000x128xf32>
    %swap3A_51 = arith.constant 0 : index
    %swap3A_52 = arith.constant 0 : index
    %swap3A_53 = vector.load %arg5[%swap3A_51, %swap3A_52] : memref<2000x128xf32, #tpu.memory_space<vmem>>, vector<2000x128xf32>
    tpu.vector_store %arg5[%swap3A_51, %swap3A_52], %dot_general3A_50 {strides = array<i32>} : memref<2000x128xf32, #tpu.memory_space<vmem>>, vector<2000x128xf32>,
    return
  }
  func.func @transform_0(%arg0: i32) -> (i32, i32) {
    %c0_i32 = arith.constant 0 : i32
    %c0_i32_0 = arith.constant 0 : i32
    return %arg0, %c0_i32 : i32, i32
  }
  func.func @transform_1(%arg0: i32) -> (i32, i32) {
    %c0_i32 = arith.constant 0 : i32
    %c0_i32_0 = arith.constant 0 : i32
    %c0_i32_1 = arith.constant 0 : i32
    return %c0_i32, %c0_i32_0 : i32, i32
  }
  func.func @transform_2(%arg0: i32) -> (i32, i32) {
    %c0_i32 = arith.constant 0 : i32
    %c0_i32_0 = arith.constant 0 : i32
    %c0_i32_1 = arith.constant 0 : i32
    return %c0_i32, %c0_i32_0 : i32, i32
  }
  func.func @transform_3(%arg0: i32) -> (i32, i32, i32) {
    %c0_i32 = arith.constant 0 : i32
    %c0_i32_0 = arith.constant 0 : i32
    %c0_i32_1 = arith.constant 0 : i32
    return %c0_i32, %arg0, %c0_i32_0 : i32, i32, i32
  }
  func.func @transform_4(%arg0: i32) -> (i32, i32) {
    %c0_i32 = arith.constant 0 : i32
    %c0_i32_0 = arith.constant 0 : i32
    return %arg0, %c0_i32 : i32, i32
  }
}

module attributes {stable_mosaic.version = 14 : i64} {
  func.func @_tc2_body(%arg0: i32, %arg1: memref<2000x128xf32, #tpu.memory_space<vmem>>, %arg2: memref<2000x128xf32, #tpu.memory_space<vmem>>, %arg3: memref<2000x128xf32, #tpu.memory_space<vmem>>, %arg4: memref<2000x128xf32, #tpu.memory_space<vmem>>, %arg5: memref<2000x128xf32, #tpu.memory_space<vmem>>, %arg6: memref<2000x128xf32, #tpu.memory_space<vmem>>, %arg7: memref<2000x128xf32, #tpu.memory_space<vmem>>, %arg8: memref<1x256xf32, #tpu.memory_space<vmem>>, %arg9: memref<256x768xf32, #tpu.memory_space<vmem>>, %arg10: memref<768x128xf32, #tpu.memory_space<vmem>>, %arg11: memref<6x2000x128xf32, #tpu.memory_space<vmem>>, %arg12: memref<2000x128xf32, #tpu.memory_space<vmem>>) attributes {dimension_semantics = [#tpu.dimension_semantics<arbitrary>], iteration_bounds = array<i64: 5>, scalar_prefetch = 0 : i64, scratch_operands = 0 : i64, tpu.core_type = #tpu.core_type<tc>, window_params = [{transform_indices = @transform_0, window_bounds = array<i64: 2000, 128>}, {transform_indices = @transform_1, window_bounds = array<i64: 2000, 128>}, {transform_indices = @transform_2, window_bounds = array<i64: 2000, 128>}, {transform_indices = @transform_3, window_bounds = array<i64: 2000, 128>}, {transform_indices = @transform_4, window_bounds = array<i64: 2000, 128>}, {transform_indices = @transform_5, window_bounds = array<i64: 2000, 128>}, {transform_indices = @transform_6, window_bounds = array<i64: 2000, 128>}, {pipeline_mode = #tpu.pipeline_mode<synchronous>, transform_indices = @transform_7, window_bounds = array<i64: 1, 256>}, {pipeline_mode = #tpu.pipeline_mode<synchronous>, transform_indices = @transform_8, window_bounds = array<i64: 256, 768>}, {pipeline_mode = #tpu.pipeline_mode<synchronous>, transform_indices = @transform_9, window_bounds = array<i64: 768, 128>}, {transform_indices = @transform_10, window_bounds = array<i64: 6, 2000, 128>}, {transform_indices = @transform_11, window_bounds = array<i64: 2000, 128>}]} {
    %get3A = arith.constant 0 : index
    %get3A_0 = arith.constant 0 : index
    %get3A_1 = vector.load %arg7[%get3A, %get3A_0] : memref<2000x128xf32, #tpu.memory_space<vmem>>, vector<2000x128xf32>
    %get3A_2 = arith.constant 0 : index
    %get3A_3 = arith.constant 0 : index
    %get3A_4 = vector.load %arg8[%get3A_2, %get3A_3] : memref<1x256xf32, #tpu.memory_space<vmem>>, vector<1x256xf32>
    %get3A_5 = arith.constant 0 : index
    %get3A_6 = arith.constant 0 : index
    %get3A_7 = vector.load %arg1[%get3A_5, %get3A_6] : memref<2000x128xf32, #tpu.memory_space<vmem>>, vector<2000x128xf32>
    %slice3A = vector.extract_strided_slice %get3A_1 {offsets = [0, 0], sizes = [2000, 1], strides = [1, 1]} : vector<2000x128xf32> to vector<2000x1xf32>
    %div3A = vector.broadcast %slice3A : vector<2000x1xf32> to vector<2000x128xf32>
    %div3A_8 = arith.divf %get3A_7, %div3A : vector<2000x128xf32>
    %get3A_9 = arith.constant 0 : index
    %get3A_10 = arith.constant 0 : index
    %get3A_11 = vector.load %arg3[%get3A_9, %get3A_10] : memref<2000x128xf32, #tpu.memory_space<vmem>>, vector<2000x128xf32>
    %slice3A_12 = vector.extract_strided_slice %get3A_1 {offsets = [0, 1], sizes = [2000, 1], strides = [1, 1]} : vector<2000x128xf32> to vector<2000x1xf32>
    %div3A_13 = vector.broadcast %slice3A_12 : vector<2000x1xf32> to vector<2000x128xf32>
    %div3A_14 = arith.divf %get3A_11, %div3A_13 : vector<2000x128xf32>
    %add3A = arith.addf %div3A_8, %div3A_14 : vector<2000x128xf32>
    %get3A_15 = arith.constant 0 : index
    %get3A_16 = arith.constant 0 : index
    %get3A_17 = vector.load %arg5[%get3A_15, %get3A_16] : memref<2000x128xf32, #tpu.memory_space<vmem>>, vector<2000x128xf32>
    %slice3A_18 = vector.extract_strided_slice %get3A_1 {offsets = [0, 2], sizes = [2000, 1], strides = [1, 1]} : vector<2000x128xf32> to vector<2000x1xf32>
    %div3A_19 = vector.broadcast %slice3A_18 : vector<2000x1xf32> to vector<2000x128xf32>
    %div3A_20 = arith.divf %get3A_17, %div3A_19 : vector<2000x128xf32>
    %add3A_21 = arith.addf %add3A, %div3A_20 : vector<2000x128xf32>
    %mul3A = arith.constant 0.333333343 : f32
    %mul3A_22 = vector.broadcast %mul3A : f32 to vector<2000x128xf32>
    %mul3A_23 = arith.mulf %add3A_21, %mul3A_22 : vector<2000x128xf32>
    %slice3A_24 = vector.extract_strided_slice %get3A_4 {offsets = [0, 0], sizes = [1, 128], strides = [1, 1]} : vector<1x256xf32> to vector<1x128xf32>
    %add3A_25 = vector.broadcast %slice3A_24 : vector<1x128xf32> to vector<2000x128xf32>
    %add3A_26 = arith.addf %mul3A_23, %add3A_25 : vector<2000x128xf32>
    %get3A_27 = arith.constant 0 : index
    %get3A_28 = arith.constant 0 : index
    %get3A_29 = vector.load %arg2[%get3A_27, %get3A_28] : memref<2000x128xf32, #tpu.memory_space<vmem>>, vector<2000x128xf32>
    %slice3A_30 = vector.extract_strided_slice %get3A_1 {offsets = [0, 0], sizes = [2000, 1], strides = [1, 1]} : vector<2000x128xf32> to vector<2000x1xf32>
    %div3A_31 = vector.broadcast %slice3A_30 : vector<2000x1xf32> to vector<2000x128xf32>
    %div3A_32 = arith.divf %get3A_29, %div3A_31 : vector<2000x128xf32>
    %get3A_33 = arith.constant 0 : index
    %get3A_34 = arith.constant 0 : index
    %get3A_35 = vector.load %arg4[%get3A_33, %get3A_34] : memref<2000x128xf32, #tpu.memory_space<vmem>>, vector<2000x128xf32>
    %slice3A_36 = vector.extract_strided_slice %get3A_1 {offsets = [0, 1], sizes = [2000, 1], strides = [1, 1]} : vector<2000x128xf32> to vector<2000x1xf32>
    %div3A_37 = vector.broadcast %slice3A_36 : vector<2000x1xf32> to vector<2000x128xf32>
    %div3A_38 = arith.divf %get3A_35, %div3A_37 : vector<2000x128xf32>
    %add3A_39 = arith.addf %div3A_32, %div3A_38 : vector<2000x128xf32>
    %get3A_40 = arith.constant 0 : index
    %get3A_41 = arith.constant 0 : index
    %get3A_42 = vector.load %arg6[%get3A_40, %get3A_41] : memref<2000x128xf32, #tpu.memory_space<vmem>>, vector<2000x128xf32>
    %slice3A_43 = vector.extract_strided_slice %get3A_1 {offsets = [0, 2], sizes = [2000, 1], strides = [1, 1]} : vector<2000x128xf32> to vector<2000x1xf32>
    %div3A_44 = vector.broadcast %slice3A_43 : vector<2000x1xf32> to vector<2000x128xf32>
    %div3A_45 = arith.divf %get3A_42, %div3A_44 : vector<2000x128xf32>
    %add3A_46 = arith.addf %add3A_39, %div3A_45 : vector<2000x128xf32>
    %mul3A_47 = arith.constant 0.333333343 : f32
    %mul3A_48 = vector.broadcast %mul3A_47 : f32 to vector<2000x128xf32>
    %mul3A_49 = arith.mulf %add3A_46, %mul3A_48 : vector<2000x128xf32>
    %slice3A_50 = vector.extract_strided_slice %get3A_4 {offsets = [0, 128], sizes = [1, 128], strides = [1, 1]} : vector<1x256xf32> to vector<1x128xf32>
    %add3A_51 = vector.broadcast %slice3A_50 : vector<1x128xf32> to vector<2000x128xf32>
    %add3A_52 = arith.addf %mul3A_49, %add3A_51 : vector<2000x128xf32>
    %concatenate3A = tpu.concatenate %add3A_26, %add3A_52 in 1 : vector<2000x128xf32>, vector<2000x128xf32> -> vector<2000x256xf32>
    %max3A = arith.constant 0.000000e+00 : f32
    %max3A_53 = vector.broadcast %max3A : f32 to vector<2000x256xf32>
    %max3A_54 = arith.maximumf %concatenate3A, %max3A_53 : vector<2000x256xf32>
    %get3A_55 = arith.constant 0 : index
    %get3A_56 = arith.constant 0 : index
    %get3A_57 = vector.load %arg9[%get3A_55, %get3A_56] : memref<256x768xf32, #tpu.memory_space<vmem>>, vector<256x768xf32>
    %dot_general3A = arith.constant dense<0.000000e+00> : vector<2000x768xf32>
    %dot_general3A_58 = tpu.matmul %max3A_54, %get3A_57, %dot_general3A {dimension_numbers = #tpu.dot_dimension_numbers<[1], [0], [0], [1], [0, 0, 1, 1], [], []>, transpose_lhs_hint = false} : vector<2000x256xf32>, vector<256x768xf32>, vector<2000x768xf32> -> vector<2000x768xf32>
    %slice3A_59 = vector.extract_strided_slice %dot_general3A_58 {offsets = [0, 0], sizes = [2000, 128], strides = [1, 1]} : vector<2000x768xf32> to vector<2000x128xf32>
    %swap3A = arith.constant 0 : index
    %swap3A_60 = arith.constant 0 : index
    %swap3A_61 = arith.constant 0 : index
    %swap3A_62 = vector.load %arg11[%swap3A, %swap3A_60, %swap3A_61] : memref<6x2000x128xf32, #tpu.memory_space<vmem>>, vector<1x2000x128xf32>
    %swap3A_63 = vector.shape_cast %swap3A_62 : vector<1x2000x128xf32> to vector<2000x128xf32>
    %swap3A_64 = vector.shape_cast %slice3A_59 : vector<2000x128xf32> to vector<1x2000x128xf32>
    tpu.vector_store %arg11[%swap3A, %swap3A_60, %swap3A_61], %swap3A_64 {strides = array<i32>} : memref<6x2000x128xf32, #tpu.memory_space<vmem>>, vector<1x2000x128xf32>,
    %slice3A_65 = vector.extract_strided_slice %dot_general3A_58 {offsets = [0, 128], sizes = [2000, 128], strides = [1, 1]} : vector<2000x768xf32> to vector<2000x128xf32>
    %swap3A_66 = arith.constant 1 : index
    %swap3A_67 = arith.constant 0 : index
    %swap3A_68 = arith.constant 0 : index
    %swap3A_69 = vector.load %arg11[%swap3A_66, %swap3A_67, %swap3A_68] : memref<6x2000x128xf32, #tpu.memory_space<vmem>>, vector<1x2000x128xf32>
    %swap3A_70 = vector.shape_cast %swap3A_69 : vector<1x2000x128xf32> to vector<2000x128xf32>
    %swap3A_71 = vector.shape_cast %slice3A_65 : vector<2000x128xf32> to vector<1x2000x128xf32>
    tpu.vector_store %arg11[%swap3A_66, %swap3A_67, %swap3A_68], %swap3A_71 {strides = array<i32>} : memref<6x2000x128xf32, #tpu.memory_space<vmem>>, vector<1x2000x128xf32>,
    %slice3A_72 = vector.extract_strided_slice %dot_general3A_58 {offsets = [0, 256], sizes = [2000, 128], strides = [1, 1]} : vector<2000x768xf32> to vector<2000x128xf32>
    %swap3A_73 = arith.constant 2 : index
    %swap3A_74 = arith.constant 0 : index
    %swap3A_75 = arith.constant 0 : index
    %swap3A_76 = vector.load %arg11[%swap3A_73, %swap3A_74, %swap3A_75] : memref<6x2000x128xf32, #tpu.memory_space<vmem>>, vector<1x2000x128xf32>
    %swap3A_77 = vector.shape_cast %swap3A_76 : vector<1x2000x128xf32> to vector<2000x128xf32>
    %swap3A_78 = vector.shape_cast %slice3A_72 : vector<2000x128xf32> to vector<1x2000x128xf32>
    tpu.vector_store %arg11[%swap3A_73, %swap3A_74, %swap3A_75], %swap3A_78 {strides = array<i32>} : memref<6x2000x128xf32, #tpu.memory_space<vmem>>, vector<1x2000x128xf32>,
    %slice3A_79 = vector.extract_strided_slice %dot_general3A_58 {offsets = [0, 384], sizes = [2000, 128], strides = [1, 1]} : vector<2000x768xf32> to vector<2000x128xf32>
    %swap3A_80 = arith.constant 3 : index
    %swap3A_81 = arith.constant 0 : index
    %swap3A_82 = arith.constant 0 : index
    %swap3A_83 = vector.load %arg11[%swap3A_80, %swap3A_81, %swap3A_82] : memref<6x2000x128xf32, #tpu.memory_space<vmem>>, vector<1x2000x128xf32>
    %swap3A_84 = vector.shape_cast %swap3A_83 : vector<1x2000x128xf32> to vector<2000x128xf32>
    %swap3A_85 = vector.shape_cast %slice3A_79 : vector<2000x128xf32> to vector<1x2000x128xf32>
    tpu.vector_store %arg11[%swap3A_80, %swap3A_81, %swap3A_82], %swap3A_85 {strides = array<i32>} : memref<6x2000x128xf32, #tpu.memory_space<vmem>>, vector<1x2000x128xf32>,
    %slice3A_86 = vector.extract_strided_slice %dot_general3A_58 {offsets = [0, 512], sizes = [2000, 128], strides = [1, 1]} : vector<2000x768xf32> to vector<2000x128xf32>
    %swap3A_87 = arith.constant 4 : index
    %swap3A_88 = arith.constant 0 : index
    %swap3A_89 = arith.constant 0 : index
    %swap3A_90 = vector.load %arg11[%swap3A_87, %swap3A_88, %swap3A_89] : memref<6x2000x128xf32, #tpu.memory_space<vmem>>, vector<1x2000x128xf32>
    %swap3A_91 = vector.shape_cast %swap3A_90 : vector<1x2000x128xf32> to vector<2000x128xf32>
    %swap3A_92 = vector.shape_cast %slice3A_86 : vector<2000x128xf32> to vector<1x2000x128xf32>
    tpu.vector_store %arg11[%swap3A_87, %swap3A_88, %swap3A_89], %swap3A_92 {strides = array<i32>} : memref<6x2000x128xf32, #tpu.memory_space<vmem>>, vector<1x2000x128xf32>,
    %slice3A_93 = vector.extract_strided_slice %dot_general3A_58 {offsets = [0, 640], sizes = [2000, 128], strides = [1, 1]} : vector<2000x768xf32> to vector<2000x128xf32>
    %swap3A_94 = arith.constant 5 : index
    %swap3A_95 = arith.constant 0 : index
    %swap3A_96 = arith.constant 0 : index
    %swap3A_97 = vector.load %arg11[%swap3A_94, %swap3A_95, %swap3A_96] : memref<6x2000x128xf32, #tpu.memory_space<vmem>>, vector<1x2000x128xf32>
    %swap3A_98 = vector.shape_cast %swap3A_97 : vector<1x2000x128xf32> to vector<2000x128xf32>
    %swap3A_99 = vector.shape_cast %slice3A_93 : vector<2000x128xf32> to vector<1x2000x128xf32>
    tpu.vector_store %arg11[%swap3A_94, %swap3A_95, %swap3A_96], %swap3A_99 {strides = array<i32>} : memref<6x2000x128xf32, #tpu.memory_space<vmem>>, vector<1x2000x128xf32>,
    %get3A_100 = arith.constant 0 : index
    %get3A_101 = arith.constant 0 : index
    %get3A_102 = vector.load %arg10[%get3A_100, %get3A_101] : memref<768x128xf32, #tpu.memory_space<vmem>>, vector<768x128xf32>
    %dot_general3A_103 = arith.constant dense<0.000000e+00> : vector<2000x128xf32>
    %dot_general3A_104 = tpu.matmul %dot_general3A_58, %get3A_102, %dot_general3A_103 {dimension_numbers = #tpu.dot_dimension_numbers<[1], [0], [0], [1], [0, 0, 1, 1], [], []>, transpose_lhs_hint = false} : vector<2000x768xf32>, vector<768x128xf32>, vector<2000x128xf32> -> vector<2000x128xf32>
    %swap3A_105 = arith.constant 0 : index
    %swap3A_106 = arith.constant 0 : index
    %swap3A_107 = vector.load %arg12[%swap3A_105, %swap3A_106] : memref<2000x128xf32, #tpu.memory_space<vmem>>, vector<2000x128xf32>
    tpu.vector_store %arg12[%swap3A_105, %swap3A_106], %dot_general3A_104 {strides = array<i32>} : memref<2000x128xf32, #tpu.memory_space<vmem>>, vector<2000x128xf32>,
    return
  }
  func.func @transform_0(%arg0: i32) -> (i32, i32) {
    %c0_i32 = arith.constant 0 : i32
    %c0_i32_0 = arith.constant 0 : i32
    return %arg0, %c0_i32 : i32, i32
  }
  func.func @transform_1(%arg0: i32) -> (i32, i32) {
    %c0_i32 = arith.constant 0 : i32
    %c0_i32_0 = arith.constant 0 : i32
    return %arg0, %c0_i32 : i32, i32
  }
  func.func @transform_2(%arg0: i32) -> (i32, i32) {
    %c0_i32 = arith.constant 0 : i32
    %c0_i32_0 = arith.constant 0 : i32
    return %arg0, %c0_i32 : i32, i32
  }
  func.func @transform_3(%arg0: i32) -> (i32, i32) {
    %c0_i32 = arith.constant 0 : i32
    %c0_i32_0 = arith.constant 0 : i32
    return %arg0, %c0_i32 : i32, i32
  }
  func.func @transform_4(%arg0: i32) -> (i32, i32) {
    %c0_i32 = arith.constant 0 : i32
    %c0_i32_0 = arith.constant 0 : i32
    return %arg0, %c0_i32 : i32, i32
  }
  func.func @transform_5(%arg0: i32) -> (i32, i32) {
    %c0_i32 = arith.constant 0 : i32
    %c0_i32_0 = arith.constant 0 : i32
    return %arg0, %c0_i32 : i32, i32
  }
  func.func @transform_6(%arg0: i32) -> (i32, i32) {
    %c0_i32 = arith.constant 0 : i32
    %c0_i32_0 = arith.constant 0 : i32
    return %arg0, %c0_i32 : i32, i32
  }
  func.func @transform_7(%arg0: i32) -> (i32, i32) {
    %c0_i32 = arith.constant 0 : i32
    %c0_i32_0 = arith.constant 0 : i32
    %c0_i32_1 = arith.constant 0 : i32
    return %c0_i32, %c0_i32_0 : i32, i32
  }
  func.func @transform_8(%arg0: i32) -> (i32, i32) {
    %c0_i32 = arith.constant 0 : i32
    %c0_i32_0 = arith.constant 0 : i32
    %c0_i32_1 = arith.constant 0 : i32
    return %c0_i32, %c0_i32_0 : i32, i32
  }
  func.func @transform_9(%arg0: i32) -> (i32, i32) {
    %c0_i32 = arith.constant 0 : i32
    %c0_i32_0 = arith.constant 0 : i32
    %c0_i32_1 = arith.constant 0 : i32
    return %c0_i32, %c0_i32_0 : i32, i32
  }
  func.func @transform_10(%arg0: i32) -> (i32, i32, i32) {
    %c0_i32 = arith.constant 0 : i32
    %c0_i32_0 = arith.constant 0 : i32
    %c0_i32_1 = arith.constant 0 : i32
    return %c0_i32, %arg0, %c0_i32_0 : i32, i32, i32
  }
  func.func @transform_11(%arg0: i32) -> (i32, i32) {
    %c0_i32 = arith.constant 0 : i32
    %c0_i32_0 = arith.constant 0 : i32
    return %arg0, %c0_i32 : i32, i32
  }
}

module attributes {stable_mosaic.version = 14 : i64} {
  func.func @_tc3_body(%arg0: i32, %arg1: memref<2000x128xf32, #tpu.memory_space<vmem>>, %arg2: memref<2000x128xf32, #tpu.memory_space<vmem>>, %arg3: memref<2000x128xf32, #tpu.memory_space<vmem>>, %arg4: memref<2000x128xf32, #tpu.memory_space<vmem>>, %arg5: memref<2000x128xf32, #tpu.memory_space<vmem>>, %arg6: memref<2000x128xf32, #tpu.memory_space<vmem>>, %arg7: memref<2000x128xf32, #tpu.memory_space<vmem>>, %arg8: memref<1x256xf32, #tpu.memory_space<vmem>>, %arg9: memref<2000x256xf32, #tpu.memory_space<vmem>>) attributes {dimension_semantics = [#tpu.dimension_semantics<arbitrary>], iteration_bounds = array<i64: 5>, scalar_prefetch = 0 : i64, scratch_operands = 0 : i64, tpu.core_type = #tpu.core_type<tc>, window_params = [{transform_indices = @transform_0, window_bounds = array<i64: 2000, 128>}, {transform_indices = @transform_1, window_bounds = array<i64: 2000, 128>}, {transform_indices = @transform_2, window_bounds = array<i64: 2000, 128>}, {transform_indices = @transform_3, window_bounds = array<i64: 2000, 128>}, {transform_indices = @transform_4, window_bounds = array<i64: 2000, 128>}, {transform_indices = @transform_5, window_bounds = array<i64: 2000, 128>}, {transform_indices = @transform_6, window_bounds = array<i64: 2000, 128>}, {pipeline_mode = #tpu.pipeline_mode<synchronous>, transform_indices = @transform_7, window_bounds = array<i64: 1, 256>}, {transform_indices = @transform_8, window_bounds = array<i64: 2000, 256>}]} {
    %get3A = arith.constant 0 : index
    %get3A_0 = arith.constant 0 : index
    %get3A_1 = vector.load %arg7[%get3A, %get3A_0] : memref<2000x128xf32, #tpu.memory_space<vmem>>, vector<2000x128xf32>
    %get3A_2 = arith.constant 0 : index
    %get3A_3 = arith.constant 0 : index
    %get3A_4 = vector.load %arg8[%get3A_2, %get3A_3] : memref<1x256xf32, #tpu.memory_space<vmem>>, vector<1x256xf32>
    %get3A_5 = arith.constant 0 : index
    %get3A_6 = arith.constant 0 : index
    %get3A_7 = vector.load %arg1[%get3A_5, %get3A_6] : memref<2000x128xf32, #tpu.memory_space<vmem>>, vector<2000x128xf32>
    %slice3A = vector.extract_strided_slice %get3A_1 {offsets = [0, 0], sizes = [2000, 1], strides = [1, 1]} : vector<2000x128xf32> to vector<2000x1xf32>
    %div3A = vector.broadcast %slice3A : vector<2000x1xf32> to vector<2000x128xf32>
    %div3A_8 = arith.divf %get3A_7, %div3A : vector<2000x128xf32>
    %get3A_9 = arith.constant 0 : index
    %get3A_10 = arith.constant 0 : index
    %get3A_11 = vector.load %arg3[%get3A_9, %get3A_10] : memref<2000x128xf32, #tpu.memory_space<vmem>>, vector<2000x128xf32>
    %slice3A_12 = vector.extract_strided_slice %get3A_1 {offsets = [0, 1], sizes = [2000, 1], strides = [1, 1]} : vector<2000x128xf32> to vector<2000x1xf32>
    %div3A_13 = vector.broadcast %slice3A_12 : vector<2000x1xf32> to vector<2000x128xf32>
    %div3A_14 = arith.divf %get3A_11, %div3A_13 : vector<2000x128xf32>
    %add3A = arith.addf %div3A_8, %div3A_14 : vector<2000x128xf32>
    %get3A_15 = arith.constant 0 : index
    %get3A_16 = arith.constant 0 : index
    %get3A_17 = vector.load %arg5[%get3A_15, %get3A_16] : memref<2000x128xf32, #tpu.memory_space<vmem>>, vector<2000x128xf32>
    %slice3A_18 = vector.extract_strided_slice %get3A_1 {offsets = [0, 2], sizes = [2000, 1], strides = [1, 1]} : vector<2000x128xf32> to vector<2000x1xf32>
    %div3A_19 = vector.broadcast %slice3A_18 : vector<2000x1xf32> to vector<2000x128xf32>
    %div3A_20 = arith.divf %get3A_17, %div3A_19 : vector<2000x128xf32>
    %add3A_21 = arith.addf %add3A, %div3A_20 : vector<2000x128xf32>
    %mul3A = arith.constant 0.333333343 : f32
    %mul3A_22 = vector.broadcast %mul3A : f32 to vector<2000x128xf32>
    %mul3A_23 = arith.mulf %add3A_21, %mul3A_22 : vector<2000x128xf32>
    %slice3A_24 = vector.extract_strided_slice %get3A_4 {offsets = [0, 0], sizes = [1, 128], strides = [1, 1]} : vector<1x256xf32> to vector<1x128xf32>
    %add3A_25 = vector.broadcast %slice3A_24 : vector<1x128xf32> to vector<2000x128xf32>
    %add3A_26 = arith.addf %mul3A_23, %add3A_25 : vector<2000x128xf32>
    %get3A_27 = arith.constant 0 : index
    %get3A_28 = arith.constant 0 : index
    %get3A_29 = vector.load %arg2[%get3A_27, %get3A_28] : memref<2000x128xf32, #tpu.memory_space<vmem>>, vector<2000x128xf32>
    %slice3A_30 = vector.extract_strided_slice %get3A_1 {offsets = [0, 0], sizes = [2000, 1], strides = [1, 1]} : vector<2000x128xf32> to vector<2000x1xf32>
    %div3A_31 = vector.broadcast %slice3A_30 : vector<2000x1xf32> to vector<2000x128xf32>
    %div3A_32 = arith.divf %get3A_29, %div3A_31 : vector<2000x128xf32>
    %get3A_33 = arith.constant 0 : index
    %get3A_34 = arith.constant 0 : index
    %get3A_35 = vector.load %arg4[%get3A_33, %get3A_34] : memref<2000x128xf32, #tpu.memory_space<vmem>>, vector<2000x128xf32>
    %slice3A_36 = vector.extract_strided_slice %get3A_1 {offsets = [0, 1], sizes = [2000, 1], strides = [1, 1]} : vector<2000x128xf32> to vector<2000x1xf32>
    %div3A_37 = vector.broadcast %slice3A_36 : vector<2000x1xf32> to vector<2000x128xf32>
    %div3A_38 = arith.divf %get3A_35, %div3A_37 : vector<2000x128xf32>
    %add3A_39 = arith.addf %div3A_32, %div3A_38 : vector<2000x128xf32>
    %get3A_40 = arith.constant 0 : index
    %get3A_41 = arith.constant 0 : index
    %get3A_42 = vector.load %arg6[%get3A_40, %get3A_41] : memref<2000x128xf32, #tpu.memory_space<vmem>>, vector<2000x128xf32>
    %slice3A_43 = vector.extract_strided_slice %get3A_1 {offsets = [0, 2], sizes = [2000, 1], strides = [1, 1]} : vector<2000x128xf32> to vector<2000x1xf32>
    %div3A_44 = vector.broadcast %slice3A_43 : vector<2000x1xf32> to vector<2000x128xf32>
    %div3A_45 = arith.divf %get3A_42, %div3A_44 : vector<2000x128xf32>
    %add3A_46 = arith.addf %add3A_39, %div3A_45 : vector<2000x128xf32>
    %mul3A_47 = arith.constant 0.333333343 : f32
    %mul3A_48 = vector.broadcast %mul3A_47 : f32 to vector<2000x128xf32>
    %mul3A_49 = arith.mulf %add3A_46, %mul3A_48 : vector<2000x128xf32>
    %slice3A_50 = vector.extract_strided_slice %get3A_4 {offsets = [0, 128], sizes = [1, 128], strides = [1, 1]} : vector<1x256xf32> to vector<1x128xf32>
    %add3A_51 = vector.broadcast %slice3A_50 : vector<1x128xf32> to vector<2000x128xf32>
    %add3A_52 = arith.addf %mul3A_49, %add3A_51 : vector<2000x128xf32>
    %concatenate3A = tpu.concatenate %add3A_26, %add3A_52 in 1 : vector<2000x128xf32>, vector<2000x128xf32> -> vector<2000x256xf32>
    %swap3A = arith.constant 0 : index
    %swap3A_53 = arith.constant 0 : index
    %swap3A_54 = vector.load %arg9[%swap3A, %swap3A_53] : memref<2000x256xf32, #tpu.memory_space<vmem>>, vector<2000x256xf32>
    tpu.vector_store %arg9[%swap3A, %swap3A_53], %concatenate3A {strides = array<i32>} : memref<2000x256xf32, #tpu.memory_space<vmem>>, vector<2000x256xf32>,
    return
  }
  func.func @transform_0(%arg0: i32) -> (i32, i32) {
    %c0_i32 = arith.constant 0 : i32
    %c0_i32_0 = arith.constant 0 : i32
    return %arg0, %c0_i32 : i32, i32
  }
  func.func @transform_1(%arg0: i32) -> (i32, i32) {
    %c0_i32 = arith.constant 0 : i32
    %c0_i32_0 = arith.constant 0 : i32
    return %arg0, %c0_i32 : i32, i32
  }
  func.func @transform_2(%arg0: i32) -> (i32, i32) {
    %c0_i32 = arith.constant 0 : i32
    %c0_i32_0 = arith.constant 0 : i32
    return %arg0, %c0_i32 : i32, i32
  }
  func.func @transform_3(%arg0: i32) -> (i32, i32) {
    %c0_i32 = arith.constant 0 : i32
    %c0_i32_0 = arith.constant 0 : i32
    return %arg0, %c0_i32 : i32, i32
  }
  func.func @transform_4(%arg0: i32) -> (i32, i32) {
    %c0_i32 = arith.constant 0 : i32
    %c0_i32_0 = arith.constant 0 : i32
    return %arg0, %c0_i32 : i32, i32
  }
  func.func @transform_5(%arg0: i32) -> (i32, i32) {
    %c0_i32 = arith.constant 0 : i32
    %c0_i32_0 = arith.constant 0 : i32
    return %arg0, %c0_i32 : i32, i32
  }
  func.func @transform_6(%arg0: i32) -> (i32, i32) {
    %c0_i32 = arith.constant 0 : i32
    %c0_i32_0 = arith.constant 0 : i32
    return %arg0, %c0_i32 : i32, i32
  }
  func.func @transform_7(%arg0: i32) -> (i32, i32) {
    %c0_i32 = arith.constant 0 : i32
    %c0_i32_0 = arith.constant 0 : i32
    %c0_i32_1 = arith.constant 0 : i32
    return %c0_i32, %c0_i32_0 : i32, i32
  }
  func.func @transform_8(%arg0: i32) -> (i32, i32) {
    %c0_i32 = arith.constant 0 : i32
    %c0_i32_0 = arith.constant 0 : i32
    return %arg0, %c0_i32 : i32, i32
  }
}

</mosaic_0001>

<sc_bundles>
// kernel: kernel.10.cloned.1.call-start
scs
__scs_entry_jumppad:
0x0: {  	(pc) =	sbr.rel $0x88, $3  }
0x1: {  	(tag) =	ssettag $0x0;
	lr =	simm.s32 $0x1  }
0x2: {  	[smem:$0x3F97] =	sst lr;
	_ =	strace $0xD0000000  }
0x3: {  	_ = 	snop  }
0x4: {  	_ = 	snop  }
0x5: {  	_ = 	snop  }
0x6: {  	_ = 	snop  }
0x7: {  	_ = 	snop  }
__scs_overlays_trampoline_lowered:
0x8: {  	[smem:$0x3FA6] =	sst s0  }
0x9: {  	[smem:$0x3FA7] =	sst s1  }
0xa: {  	[smem:$0x3FA8] =	sst s2  }
0xb: {  	[smem:$0x3FA9] =	sst s3  }
0xc: {  	[smem:$0x3FAA] =	sst s4  }
0xd: {  	[smem:$0x3FAB] =	sst s5  }
0xe: {  	[smem:$0x3FAC] =	sst s6  }
0xf: {  	[smem:$0x3FAD] =	sst s7  }
0x10: {  	[smem:$0x3FAE] =	sst s8  }
0x11: {  	[smem:$0x3FAF] =	sst s9;
	s0 =	simm.s32 @!p0 $0x0  }
0x12: {  	s1 =	sld [smem:$0x3F95];
	s0 =	simm.s32 @p0 $0x1  }
0x13: {  	[smem:$0x3FB0] =	sst s0;
	s0 =	simm.s32 @!p1 $0x0  }
0x14: {  	s2 =	sld [smem:$0x3F94];
	s0 =	simm.s32 @p1 $0x1  }
0x15: {  	[smem:$0x3FB1] =	sst s0;
	s0 =	simm.s32 @!p2 $0x0  }
0x16: {  	s3 =	sld [smem:$0x3FDB];
	s0 =	simm.s32 @p2 $0x1  }
0x17: {  	s4 =	simm.s32 $0x1BF5;
	[smem:$0x3FB3] =	sst s0  }
0x18: {  	s0 =	sld [smem:$0x3F96];
	_ =	swait.ge [sflag:s4], $0x0  }
0x19: {  	s7 =	sld [smem:$0x3F97]  }
0x1a: {  	s8 =	sadd.s32 $0xFFFFE003, lr  }
0x1b: {  	s9 =	sadd.s32 $0xFFFFFEF7, lr;
	s5 =	simm.s32 $0xFFFFFFFF;
	p2 =	slt.u32 s8, $0xFFFFF086  }
0x1c: {  	p1 =	slt.u32 s9, $0xF7A;
	s5 =	simm.s32 @!p2 $0x0  }
0x1d: {  	s5 =	simm.s32 @p1 $0x1;
	p0 =	seq.s32 s7, s2  }
0x1e: {  	s7 =	smul.u32 @!p0 $0xF7A, s2;
	p2 =	seq.s32 @!p0 s5, $0x0  }
0x1f: {  	s9 =	smul.u32 $0xF7A, s1;
	s8 =	simm.s32 @!p0 $0x1BF5;
	p2 =	por !p2, p0  }
0x20: {  	[sflag:s8] =	ssyncset.s32 @!p0 $0xFFFFF086;
	s6 =	sadd.s32 @!p0 s3, s7;
	s7 =	simm.s32 @!p0 $0x108  }
0x21: {  	s3 =	sadd.s32 s3, s9;
	s6 =	sadd.s32 @!p0 $0x88, s6;
	s7 =	simm.s32 @p2 $0x1082  }
0x22: {  	[simem:s7], [sflag:s8] =	dma.local @!p0 [hbm:s6], $0xF7A  }
0x23: {  	s9 =	sor.u32 $0xD0000000, s2;
	s6 =	simm.s32 $0x108;
	_ =	swait.ge @!p0 [sflag:s8], $0x0  }
0x24: {  	s3 =	sadd.s32 $0x88, s3;
	s6 =	simm.s32 @!p1 $0x1082;
	[sflag:s4] =	ssyncset.s32 $0xFFFFF086  }
0x25: {  	[simem:s6], [sflag:s4] =	dma.local [hbm:s3], $0xF7A  }
0x26: {  	[smem:$0x3F97] =	sst s1;
	(tag) =	ssettag s2;
	_ =	strace s9  }
0x27: {  	s1 =	sld [smem:$0x3FA7]  }
0x28: {  	s2 =	sld [smem:$0x3FA8]  }
0x29: {  	s4 =	sld [smem:$0x3FAA]  }
0x2a: {  	p0 =	seq.s32 s5, $0x0;
	s5 =	sld [smem:$0x3FAB]  }
0x2b: {  	s6 =	sld [smem:$0x3FAC]  }
0x2c: {  	s7 =	sld [smem:$0x3FAD]  }
0x2d: {  	s3 =	simm.s32 $0x108;
	s8 =	sld [smem:$0x3FAE]  }
0x2e: {  	s3 =	simm.s32 @!p0 $0x1082;
	s9 =	sld [smem:$0x3FAF]  }
0x2f: {  	lr =	sadd.s32 s0, s3;
	s0 =	sld [smem:$0x3FA6]  }
0x30: {  	s3 =	sld [smem:$0x3FA9]  }
0x31: {  	[smem:$0x3FB2] =	sst s10  }
0x32: {  	s10 =	sld [smem:$0x3FB0];
	_ =	sdelay $0x3  }
0x33: {  	p0 =	seq.s32 s10, $0x1;
	s10 =	sld [smem:$0x3FB2];
	_ =	sdelay $0x3  }
0x34: {  	[smem:$0x3FB2] =	sst s10  }
0x35: {  	s10 =	sld [smem:$0x3FB1];
	_ =	sdelay $0x3  }
0x36: {  	p1 =	seq.s32 s10, $0x1;
	s10 =	sld [smem:$0x3FB2];
	_ =	sdelay $0x3  }
0x37: {  	[smem:$0x3FB2] =	sst s10  }
0x38: {  	s10 =	sld [smem:$0x3FB3]  }
0x39: {  	_ = 	snop;
	(pc) =	sbr.ind lr, $3  }
0x3a: {  	_ = 	snop  }
0x3b: {  	_ = 	snop  }
0x3c: {  	p2 =	seq.s32 s10, $0x1;
	s10 =	sld [smem:$0x3FB2]  }
0x3d: {  	_ =	shalt  }
0x3e: {  	_ =	shalt  }
0x3f: {  	_ =	shalt  }
0x40: {  	_ =	shalt  }
0x41: {  	_ =	shalt  }
0x42: {  	_ =	shalt  }
0x43: {  	_ =	shalt  }
0x44: {  	_ =	shalt  }
0x45: {  	_ =	shalt  }
0x46: {  	_ =	shalt  }
0x47: {  	_ =	shalt  }
0x48: {  	_ =	shalt  }
0x49: {  	_ =	shalt  }
0x4a: {  	_ =	shalt  }
0x4b: {  	_ =	shalt  }
0x4c: {  	_ =	shalt  }
0x4d: {  	_ =	shalt  }
0x4e: {  	_ =	shalt  }
0x4f: {  	_ =	shalt  }
0x50: {  	_ =	shalt  }
0x51: {  	_ =	shalt  }
0x52: {  	_ =	shalt  }
0x53: {  	_ =	shalt  }
0x54: {  	_ =	shalt  }
0x55: {  	_ =	shalt  }
0x56: {  	_ =	shalt  }
0x57: {  	_ =	shalt  }
0x58: {  	_ =	shalt  }
0x59: {  	_ =	shalt  }
0x5a: {  	_ =	shalt  }
0x5b: {  	_ =	shalt  }
0x5c: {  	_ =	shalt  }
0x5d: {  	_ =	shalt  }
0x5e: {  	_ =	shalt  }
0x5f: {  	_ =	shalt  }
0x60: {  	_ =	shalt  }
0x61: {  	_ =	shalt  }
0x62: {  	_ =	shalt  }
0x63: {  	_ =	shalt  }
0x64: {  	_ =	shalt  }
0x65: {  	_ =	shalt  }
0x66: {  	_ =	shalt  }
0x67: {  	_ =	shalt  }
0x68: {  	_ =	shalt  }
0x69: {  	_ =	shalt  }
0x6a: {  	_ =	shalt  }
0x6b: {  	_ =	shalt  }
0x6c: {  	_ =	shalt  }
0x6d: {  	_ =	shalt  }
0x6e: {  	_ =	shalt  }
0x6f: {  	_ =	shalt  }
0x70: {  	_ =	shalt  }
0x71: {  	_ =	shalt  }
0x72: {  	_ =	shalt  }
0x73: {  	_ =	shalt  }
0x74: {  	_ =	shalt  }
0x75: {  	_ =	shalt  }
0x76: {  	_ =	shalt  }
0x77: {  	_ =	shalt  }
0x78: {  	_ =	shalt  }
0x79: {  	_ =	shalt  }
0x7a: {  	_ =	shalt  }
0x7b: {  	_ =	shalt  }
0x7c: {  	_ =	shalt  }
0x7d: {  	_ =	shalt  }
0x7e: {  	_ =	shalt  }
0x7f: {  	_ =	shalt  }
0x80: {  	_ =	shalt  }
0x81: {  	_ =	shalt  }
0x82: {  	_ =	shalt  }
0x83: {  	_ =	shalt  }
0x84: {  	_ =	shalt  }
0x85: {  	_ =	shalt  }
0x86: {  	_ =	shalt  }
0x87: {  	_ =	shalt  }
.Lfunc_end0:
.L_simem_size_0:
called_computation.1_lowered:
.L_overlay_start_0:
0x88: {  	s2 =	sld [smem:$0x3FD9]  }
0x89: {  	s3 =	sld [smem:$0x3FFE];
	_ =	sdelay $0x1  }
0x8a: {  	s1 =	srdreg.scid  }
0x8b: {  	s0 =	sand.u32 $0x1, s1  }
0x8c: {  	s17 =	sshll.u32 s0, $0xA;
	s2 =	sadd.s32 s3, s2  }
0x8d: {  	s2 =	sadd.s32 s2, s17  }
0x8e: {  	[smem:$0x3FBE] =	sst s2  }
0x8f: {  	_ = 	snop  }
0x90: {  	s2 =	sld [smem:$0x3FD0];
	(tm) =	ssettm $0x1  }
0x91: {  	s18 =	sld [smem:$0x3FFB];
	_ =	sdelay $0x3  }
0x92: {  	_ =	strace s18  }
0x93: {  	s3 =	sld [smem:$0x3FFC];
	_ =	sdelay $0x3  }
0x94: {  	_ =	strace s3  }
0x95: {  	s3 =	sld [smem:$0x3FFD];
	_ =	sdelay $0x3  }
0x96: {  	_ =	strace s3  }
0x97: {  	_ =	strace $0x8FFFFFFF  }
0x98: {  	s19 =	sld [smem:$0x3FDB];
	_ =	sdelay $0x1  }
0x99: {  	s4 =	simm.s32 $_scs_section_size  }
0x9a: {  	s5 =	simm.s32 $_size__tile_overlayer_lowered;
	s6 =	simm.s32 $_tile_overlayer_lowered  }
0x9b: {  	s22 =	simm.s32 $0x1BFF;
	s21 =	sshll.u32 s6, $0x1;
	s3 =	sadd.s32 s4, s19  }
0x9c: {  	s7 =	simm.s32 $0x0;
	s20 =	sshll.u32 s5, $0x1;
	s5 =	sadd.s32 s21, s3  }
0x9d: {  	[timem:s7], [sflag:s22] =	dma.local [hbm:s5], s20  }
0x9e: {  	_ =	swait.ge [sflag:s22], s20  }
0x9f: {  	s4 =	ssub.s32 $0x0, s20;
	[sflag:s22] =	ssyncset.done $0x0  }
0xa0: {  	[sflag:s22] =	ssyncadd.s32 s4;
	_ =	sdelay $0x1  }
0xa1: {  	s23 =	simm.s32 $0x1B8B  }
0xa2: {  	_ =	swait.ge [sflag:s23], $0x1  }
0xa3: {  	[sflag:s23] =	ssyncset.done $0x0  }
0xa4: {  	s25 =	simm.s32 $0x1B8E;
	s24 =	sld [smem:$0x3FFE];
	[sflag:s23] =	ssyncadd.s32 $0xFFFFFFFF  }
0xa5: {  	s26 =	simm.s32 $execute0_lowered;
	[smem:$0x3FD2] =	sst s25  }
0xa6: {  	s5 =	sshll.u32 s26, $0x1;
	_ =	strace $0x80000049;
	[dreg:$0x1] =	wrdreg $0xFFFFFFFF  }
0xa7: {  	s28 =	simm.s32 $_size_execute0_lowered;
	s3 =	sadd.s32 s3, s5;
	[dreg:$0x0] =	wrdreg $0x0  }
0xa8: {  	s5 =	sshll.u32 s28, $0x1;
	[dreg:$0x2] =	wrdreg s3  }
0xa9: {  	[dreg:$0x3] =	wrdreg s5  }
0xaa: {  	[dreg:$0x4] =	wrdreg $0xC0  }
0xab: {  	_ =	task [dreg:s7], $0x5FFFF  }
0xac: {  	[dreg:$0x1] =	wrdreg $0xFFFFFFFF  }
0xad: {  	[dreg:$0x0] =	wrdreg $0x60  }
0xae: {  	[dreg:$0x2] =	wrdreg s24  }
0xaf: {  	[dreg:$0x3] =	wrdreg s2  }
0xb0: {  	[dreg:$0x4] =	wrdreg $0x158000  }
0xb1: {  	[dreg:$0x5] =	wrdreg $0x1E8000  }
0xb2: {  	[dreg:$0x6] =	wrdreg $0x9  }
0xb3: {  	_ =	task.clear_ibuf [dreg:s7], $0x7FFFF;
	_ =	strace $0x90000049  }
0xb4: {  	s29 =	simm.s32 $0x9;
	_ =	strace $0x8000004B  }
0xb5: {  	_ =	swait.ge [sflag:s29], $0x1  }
0xb6: {  	[sflag:s29] =	ssyncadd.s32 $0xFFFFFFFF  }
0xb7: {  	_ =	strace $0x9000004B  }
0xb8: {  	_ =	sfence  }
0xb9: {  	s30 =	sld [smem:$0x0];
	_ =	sdelay $0x2  }
0xba: {  	s31 =	sshll.u32 s1, $0xD;
	s1 =	sshrl.u32 s1, $0x2  }
0xbb: {  	s3 =	sand.u32 $0x4000, s31;
	s1 =	sadd.s32 s1, s30  }
0xbc: {  	s0 =	sor.u32 s3, s0;
	s1 =	sshll.u32 s1, $0x11  }
0xbd: {  	s0 =	sor.u32 s1, s0  }
0xbe: {  	s0 =	sadd.s32 $0x8F2B, s0  }
0xbf: {  	[sflag:s0] =	ssyncadd.remote.s32 $0x1  }
0xc0: {  	_ =	sfence.sel $0xFFFF  }
0xc1: {  	[dreg:$0x0] =	wrdreg $0xFFFFFFFF;
	(pc) =	sbr.abs _section_cstart, $3  }
0xc2: {  	[dreg:$0x1] =	wrdreg $0xFFFFFFFF  }
0xc3: {  	_ =	task.clear_ibuf [dreg:s7], $0x2FFFF;
	_ =	strace $0x9FFFFFFF  }
0xc4: {  	(tm) =	ssettm $0x7FFFFFFF  }
0xc5: {  	_ =	shalt  }
tec
execute0_lowered:
.L_overlay_start_1:
0x0: {  	(tag) =	ssettag $0x1  }
0x1: {  	s0 =	rddreg [dreg:$0x0]  }
0x2: {  	s1 =	rddreg [dreg:$0x1]  }
0x3: {  	s2 =	rddreg [dreg:$0x2]  }
0x4: {  	s3 =	rddreg [dreg:$0x3];
	s10 =	simm.s32 $0x0  }
0x5: {  	[smem:$0x7FF] =	sst s10;
	s4 =	sadd.s32 $0x3000, s0  }
0x6: {  	s11 =	sadd.s32 $0x9400, s0;
	_ =	strace $0x8000004A;
	[dreg:$0x6] =	wrdreg s4  }
0x7: {  	s17 =	srdreg.scid;
	s12 =	sadd.s32 $0xF9E00, s0;
	[dreg:$0x7] =	wrdreg s11  }
0x8: {  	s28 =	simm.s32 $0x3480;
	s13 =	sadd.s32 $0xFA200, s0;
	[dreg:$0x8] =	wrdreg s12  }
0x9: {  	s29 =	simm.s32 $0xB800;
	s14 =	sadd.s32 $0x121400, s0;
	[dreg:$0x9] =	wrdreg s13  }
0xa: {  	s30 =	simm.s32 $0x3500;
	s15 =	sadd.s32 $0x148600, s0;
	[dreg:$0xa] =	wrdreg s14  }
0xb: {  	s31 =	simm.s32 $0xF800;
	s16 =	sadd.s32 $0x16F800, s0;
	[dreg:$0xb] =	wrdreg s15  }
0xc: {  	s7 =	sadd.s32 $0xF800, s0;
	s5 =	sadd.s32 $0x196A00, s0;
	[dreg:$0xc] =	wrdreg s16  }
0xd: {  	s6 =	sadd.s32 $0x1BDC00, s0;
	s19 =	sadd.s32 $0x1E4E00, s0;
	[dreg:$0xd] =	wrdreg s5  }
0xe: {  	s26 =	sadd.s32 $0x121200, s0;
	s11 =	stileid.u32;
	[dreg:$0xe] =	wrdreg s6  }
0xf: {  	s4 =	sand.u32 $0x1, s17;
	[dreg:$0xf] =	wrdreg s19;
	s12 =	sadd.s32 $0x16F600, s0  }
0x10: {  	[dreg:$0x17] =	wrdreg s26;
	s13 =	sadd.s32 $0x196800, s0;
	s15 =	sadd.s32 $0x1BDA00, s0  }
0x11: {  	s16 =	sadd.s32 $0x1E4C00, s0;
	s26 =	sadd.s32 $0x13800, s3;
	[dreg:$0x1a] =	wrdreg s12  }
0x12: {  	s18 =	smul.u32 $0x6000, s11;
	s20 =	ssub.s32 $0x2, s4;
	[dreg:$0x1b] =	wrdreg s13  }
0x13: {  	s9 =	sshll.u32 s11, $0x6;
	s25 =	smul.u32 $0x1800, s11;
	[dreg:$0x1d] =	wrdreg s15  }
0x14: {  	s4 =	smul.u32 $0x7, s4;
	[dreg:$0x1e] =	wrdreg s16;
	p0 =	sne.s32 s11, $0xF  }
0x15: {  	p1 =	slt.u32 s11, $0xD;
	s19 =	smul.u32 $0x30, s11;
	[smem:$0x7FD] =	sst s26  }
0x16: {  	p2 =	sne.s32 s11, $0xD;
	s26 =	simm.s32 $0x7800;
	[dreg:$0x16] =	wrdreg s4  }
0x17: {  	s8 =	sshrl.u32 s20, $0x1;
	s17 =	sor.u32 $0x1C05, s9;
	[smem:$0x7F6] =	sst s19  }
0x18: {  	s6 =	ssub.s32 s20, s8;
	s8 =	sadd.s32 $0x148400, s0;
	[dreg:$0x10] =	wrdreg s17  }
0x19: {  	s11 =	simm.s32 $0x5800;
	s9 =	sadd.s32 s25, s2;
	[dreg:$0x18] =	wrdreg s8  }
0x1a: {  	s12 =	simm.s32 $0x3;
	s14 =	sadd.s32 s25, s3;
	[dreg:$0x19] =	wrdreg s9  }
0x1b: {  	s13 =	simm.s32 $0x13800;
	s0 =	sadd.s32 $0x20BE00, s0;
	[dreg:$0x1c] =	wrdreg s14  }
0x1c: {  	s15 =	simm.s32 $0x3680;
	s20 =	sadd.s32 $0x13800, s2;
	[dreg:$0x1f] =	wrdreg s0  }
0x1d: {  	s5 =	sshrl.u32 s18, $0x2;
	s25 =	sadd.s32 $0x8B800, s2;
	[smem:$0x7F7] =	sst s20  }
0x1e: {  	s5 =	sadd.s32 s5, s2;
	s18 =	smax.u32 s6, $0x1;
	[smem:$0x7FC] =	sst s25  }
0x1f: {  	v3 =	vlaneseq.u32;
	s16 =	simm.s32 $0x3700;
	s21 =	sadd.s32 $0x18000, s5;
	[smem:$0x7F5] =	sst s18  }
0x20: {  	v0 =	vmul.u32 $0x80, v3;
	s4 =	simm.s32 $0x3800;
	s22 =	sadd.s32 $0x30000, s5;
	[dreg:$0x11] =	wrdreg s21  }
0x21: {  	v1 =	vimm.f32 $0.0e+00;
	v2 =	vimm.s32 $0x0;
	v4 =	vimm.s32 $0x2D8;
	s20 =	simm.s32 $0x1400;
	s23 =	sadd.s32 $0x48000, s5;
	[dreg:$0x12] =	wrdreg s22  }
0x22: {  	v3 =	vor.u32 $0xA50, v3;
	v5 =	vor.u32 $0x3, v0;
	v6 =	vor.u32 $0x1, v0;
	s25 =	simm.s32 $0x3400;
	s24 =	sadd.s32 $0x60000, s5;
	[dreg:$0x13] =	wrdreg s23  }
0x23: {  	v7 =	vor.u32 $0x4, v0;
	v8 =	vor.u32 $0x2, v0;
	v9 =	vor.u32 $0x5, v0;
	s0 =	simm.s32 $0x40;
	s5 =	sadd.s32 $0x78000, s5;
	[dreg:$0x14] =	wrdreg s24  }
0x24: {  	v10 =	vor.u32 $0x800, v0;
	v11 =	vor.u32 $0x803, v0;
	v12 =	vor.u32 $0x801, v0;
	s14 =	simm.s32 $0x3600;
	[dreg:$0x15] =	wrdreg s5;
	s21 =	sadd.s32 $0x2B800, s2  }
.Ltmp0:
0x25: {  	v13 =	vor.u32 $0x804, v0;
	v14 =	vor.u32 $0x802, v0;
	v15 =	vor.u32 $0x805, v0;
	s22 =	sadd.s32 $0x43800, s2;
	[smem:$0x7F8] =	sst s21;
	(pc) =	sbr.rel .LBB2_1-.Ltmp0, $4  }
0x26: {  	v16 =	vor.u32 $0x1000, v0;
	v17 =	vor.u32 $0x1003, v0;
	v18 =	vor.u32 $0x1001, v0;
	s9 =	simm.s32 $0x3380;
	s23 =	sadd.s32 $0x5B800, s2;
	[smem:$0x7F9] =	sst s22  }
0x27: {  	v19 =	vor.u32 $0x1004, v0;
	v20 =	vor.u32 $0x1002, v0;
	v21 =	vor.u32 $0x1005, v0;
	s8 =	simm.s32 $0x2;
	s24 =	sadd.s32 $0x73800, s2;
	[smem:$0x7FA] =	sst s23  }
0x28: {  	v22 =	vor.u32 $0x1800, v0;
	v23 =	vor.u32 $0x1803, v0;
	v24 =	vor.u32 $0x1801, v0;
	s18 =	simm.s32 $0x5;
	[smem:$0x7FB] =	sst s24;
	s21 =	simm.s32 $0x1E80  }
0x29: {  	v25 =	vor.u32 $0x1804, v0;
	v26 =	vor.u32 $0x1802, v0;
	v27 =	vor.u32 $0x1805, v0;
	s22 =	simm.s32 $0x2900;
	s23 =	simm.s32 $0x1;
	s24 =	simm.s32 $0x80  }
.LBB2_14:
0x2a: {  	s5 =	sld [smem:$0x7F5]  }
0x2b: {  	s10 =	rddreg [dreg:$0x5]  }
0x2c: {  	s10 =	sadd.s32 $0x1, s10  }
0x2d: {  	p3 =	sne.s32 s10, s5  }
.Ltmp1:
0x2e: {  	_ = 	snop;
	(pc) =	sbr.rel @!p3 .LBB2_15-.Ltmp1, $1  }
0x2f: {  	_ =	sdelay $0x3  }
.LBB2_1:
0x30: {  	[dreg:$0x5] =	wrdreg s10;
	s5 =	simm.s32 $0x0;
	s6 =	simm.s32 $0x200  }
.LBB2_2:
0x31: {  	p3 =	sne.s32 s6, $0x7E00;
	[tilespmem:s5+$0x13870] =	vst v1  }
0x32: {  	[tilespmem:s5+$0x13800] =	vst v1  }
0x33: {  	[tilespmem:s5+$0x13810] =	vst v1  }
.Ltmp2:
0x34: {  	[tilespmem:s5+$0x13820] =	vst v1;
	(pc) =	sbr.rel @p3 .LBB2_2-.Ltmp2, $4  }
0x35: {  	[tilespmem:s5+$0x13830] =	vst v1  }
0x36: {  	[tilespmem:s5+$0x13840] =	vst v1  }
0x37: {  	[tilespmem:s5+$0x13850] =	vst v1  }
0x38: {  	[tilespmem:s5+$0x13860] =	vst v1;
	s5 =	sshra.s32 s6, $0x2;
	s6 =	sadd.s32 $0x200, s6  }
0x39: {  	[tilespmem:s5+$0x13870] =	vst v1  }
0x3a: {  	[tilespmem:s5+$0x13800] =	vst v1  }
0x3b: {  	[tilespmem:s5+$0x13810] =	vst v1  }
.Ltmp3:
0x3c: {  	[tilespmem:s5+$0x13820] =	vst v1;
	(pc) =	sbr.rel .LBB2_4-.Ltmp3, $4  }
0x3d: {  	[tilespmem:s5+$0x13830] =	vst v1  }
0x3e: {  	[tilespmem:s5+$0x13840] =	vst v1  }
0x3f: {  	[tilespmem:s5+$0x13850] =	vst v1  }
0x40: {  	s10 =	simm.s32 $0x0;
	[tilespmem:s5+$0x13860] =	vst v1  }
.LBB2_11:
0x41: {  	s10 =	sld [smem:$0x7F2];
	_ =	sdelay $0x2  }
0x42: {  	p3 =	slt.u32 s10, $0xD  }
0x43: {  	p3 =	por !p0, !p3  }
0x44: {  	p3 =	por !p3, !p3  }
0x45: {  	p3 =	por p1, p3  }
.Ltmp4:
0x46: {  	_ = 	snop;
	(pc) =	sbr.rel @p3 .LBB2_12-.Ltmp4, $3  }
0x47: {  	_ =	sdelay $0x1  }
0x48: {  	[bflag:$0x0] =	sbarrier.arrive $0xFFFF  }
0x49: {  	s17 =	rddreg [dreg:$0x10]  }
.LBB2_13:
0x4a: {  	s5 =	sld [smem:$0x7F7]  }
0x4b: {  	p3 =	sne.s32 @!p2 s10, $0xD  }
0x4c: {  	p3 =	por p3, p2  }
0x4d: {  	s6 =	rddreg [dreg:$0x17];
	s5 =	sshrl.u32 @!p3 s5, $0x3  }
0x4e: {  	[hbm:s6], [sflag:s17] =	dma.local @!p3 [spmem:s5], $0x100  }
0x4f: {  	s5 =	simm.s32 @!p3 $0x5  }
0x50: {  	_ =	swait.ge @!p3 [sflag:s5], $0x100  }
0x51: {  	s6 =	sld [smem:$0x7F8];
	_ =	sdelay $0x1  }
0x52: {  	[sflag:s5] =	ssyncset.done @!p3 $0x0  }
0x53: {  	s10 =	rddreg [dreg:$0x18];
	[sflag:s5] =	ssyncadd.s32 @!p3 $0xFFFFFF00;
	s6 =	sshrl.u32 @!p3 s6, $0x3  }
0x54: {  	[hbm:s10], [sflag:s17] =	dma.local @!p3 [spmem:s6], $0x100  }
0x55: {  	_ =	swait.ge @!p3 [sflag:s5], $0x100  }
0x56: {  	s6 =	sld [smem:$0x7F9];
	_ =	sdelay $0x1  }
0x57: {  	[sflag:s5] =	ssyncset.done @!p3 $0x0  }
0x58: {  	s10 =	rddreg [dreg:$0x1a];
	[sflag:s5] =	ssyncadd.s32 @!p3 $0xFFFFFF00;
	s6 =	sshrl.u32 @!p3 s6, $0x3  }
0x59: {  	[hbm:s10], [sflag:s17] =	dma.local @!p3 [spmem:s6], $0x100  }
0x5a: {  	_ =	swait.ge @!p3 [sflag:s5], $0x100  }
0x5b: {  	s6 =	sld [smem:$0x7FA];
	_ =	sdelay $0x1  }
0x5c: {  	[sflag:s5] =	ssyncset.done @!p3 $0x0  }
0x5d: {  	s10 =	rddreg [dreg:$0x1b];
	[sflag:s5] =	ssyncadd.s32 @!p3 $0xFFFFFF00;
	s6 =	sshrl.u32 @!p3 s6, $0x3  }
0x5e: {  	[hbm:s10], [sflag:s17] =	dma.local @!p3 [spmem:s6], $0x100  }
0x5f: {  	_ =	swait.ge @!p3 [sflag:s5], $0x100  }
0x60: {  	s6 =	sld [smem:$0x7FB];
	_ =	sdelay $0x1  }
0x61: {  	[sflag:s5] =	ssyncset.done @!p3 $0x0  }
0x62: {  	s10 =	rddreg [dreg:$0x1d];
	[sflag:s5] =	ssyncadd.s32 @!p3 $0xFFFFFF00;
	s6 =	sshrl.u32 @!p3 s6, $0x3  }
0x63: {  	[hbm:s10], [sflag:s17] =	dma.local @!p3 [spmem:s6], $0x100  }
0x64: {  	_ =	swait.ge @!p3 [sflag:s5], $0x100  }
0x65: {  	s6 =	sld [smem:$0x7FC];
	_ =	sdelay $0x1  }
0x66: {  	[sflag:s5] =	ssyncset.done @!p3 $0x0  }
0x67: {  	s10 =	rddreg [dreg:$0x1e];
	[sflag:s5] =	ssyncadd.s32 @!p3 $0xFFFFFF00;
	s6 =	sshrl.u32 @!p3 s6, $0x3  }
0x68: {  	[hbm:s10], [sflag:s17] =	dma.local @!p3 [spmem:s6], $0x100  }
0x69: {  	_ =	swait.ge @!p3 [sflag:s5], $0x100  }
0x6a: {  	[sflag:s5] =	ssyncset.done @!p3 $0x0  }
0x6b: {  	[sflag:s5] =	ssyncadd.s32 @!p3 $0xFFFFFF00;
	s5 =	sld [smem:$0x7FD];
	_ =	sdelay $0x2  }
0x6c: {  	s6 =	simm.s32 @!p3 $0x1F44;
	s10 =	rddreg [dreg:$0x1f];
	s5 =	sshrl.u32 @!p3 s5, $0x3  }
0x6d: {  	[hbm:s10], [sflag:s6] =	dma.local @!p3 [spmem:s5], $0x100  }
0x6e: {  	s5 =	simm.s32 @!p3 $0x4  }
0x6f: {  	_ =	swait.ge @!p3 [sflag:s5], $0x100  }
0x70: {  	s19 =	sld [smem:$0x7F1];
	_ =	sdelay $0x2  }
0x71: {  	s10 =	sadd.s32 $0x1, s19  }
0x72: {  	p4 =	sne.s32 s10, $0x7  }
.Ltmp5:
0x73: {  	_ = 	snop;
	(pc) =	sbr.rel @!p4 .LBB2_14-.Ltmp5, $3  }
0x74: {  	_ =	sdelay $0x1  }
0x75: {  	[sflag:s5] =	ssyncset.done @!p3 $0x0  }
0x76: {  	[sflag:s5] =	ssyncadd.s32 @!p3 $0xFFFFFF00  }
.LBB2_4:
0x77: {  	s5 =	rddreg [dreg:$0x19]  }
0x78: {  	s6 =	sshrl.u32 s5, $0x3;
	s5 =	rddreg [dreg:$0x8]  }
0x79: {  	[smem:$0x7EB] =	sst s6  }
0x7a: {  	[spmem:s6], [sflag:s17] =	dma.local [hbm:s5], $0x300  }
0x7b: {  	_ =	swait.ge [sflag:s18], $0x300  }
0x7c: {  	s19 =	rddreg [dreg:$0x11]  }
0x7d: {  	[sflag:s18] =	ssyncset.done $0x0;
	s6 =	sshrl.u32 s19, $0x3  }
0x7e: {  	[sflag:s18] =	ssyncadd.s32 $0xFFFFFD00;
	[smem:$0x7EC] =	sst s6  }
0x7f: {  	[spmem:s6], [sflag:s17] =	dma.local [hbm:s5], $0x300  }
0x80: {  	_ =	swait.ge [sflag:s18], $0x300  }
0x81: {  	s19 =	rddreg [dreg:$0x12]  }
0x82: {  	[sflag:s18] =	ssyncset.done $0x0;
	s6 =	sshrl.u32 s19, $0x3  }
0x83: {  	[sflag:s18] =	ssyncadd.s32 $0xFFFFFD00;
	[smem:$0x7ED] =	sst s6  }
0x84: {  	[spmem:s6], [sflag:s17] =	dma.local [hbm:s5], $0x300  }
0x85: {  	_ =	swait.ge [sflag:s18], $0x300  }
0x86: {  	s19 =	rddreg [dreg:$0x13]  }
0x87: {  	[sflag:s18] =	ssyncset.done $0x0;
	s6 =	sshrl.u32 s19, $0x3  }
0x88: {  	[sflag:s18] =	ssyncadd.s32 $0xFFFFFD00;
	[smem:$0x7EE] =	sst s6  }
0x89: {  	[spmem:s6], [sflag:s17] =	dma.local [hbm:s5], $0x300  }
0x8a: {  	_ =	swait.ge [sflag:s18], $0x300  }
0x8b: {  	s19 =	rddreg [dreg:$0x14]  }
0x8c: {  	[sflag:s18] =	ssyncset.done $0x0;
	s6 =	sshrl.u32 s19, $0x3  }
0x8d: {  	[sflag:s18] =	ssyncadd.s32 $0xFFFFFD00;
	[smem:$0x7EF] =	sst s6  }
0x8e: {  	[spmem:s6], [sflag:s17] =	dma.local [hbm:s5], $0x300  }
0x8f: {  	_ =	swait.ge [sflag:s18], $0x300  }
0x90: {  	s19 =	rddreg [dreg:$0x15]  }
0x91: {  	[sflag:s18] =	ssyncset.done $0x0;
	s6 =	sshrl.u32 s19, $0x3  }
0x92: {  	[sflag:s18] =	ssyncadd.s32 $0xFFFFFD00;
	[smem:$0x7F0] =	sst s6  }
0x93: {  	[spmem:s6], [sflag:s17] =	dma.local [hbm:s5], $0x300  }
0x94: {  	_ =	swait.ge [sflag:s18], $0x300  }
0x95: {  	s19 =	rddreg [dreg:$0x16]  }
0x96: {  	[smem:$0x7F1] =	sst s10  }
0x97: {  	[sflag:s18] =	ssyncset.done $0x0;
	s6 =	sadd.s32 s19, s10;
	s19 =	rddreg [dreg:$0x1c]  }
0x98: {  	[smem:$0x7F2] =	sst s6;
	s10 =	smul.u32 $0x2D0, s6;
	s6 =	sshrl.u32 s19, $0x3  }
0x99: {  	[sflag:s18] =	ssyncadd.s32 $0xFFFFFD00;
	[smem:$0x7F3] =	sst s6  }
0x9a: {  	[spmem:s6], [sflag:s17] =	dma.local [hbm:s5], $0x300  }
.Ltmp6:
0x9b: {  	_ =	swait.ge [sflag:s18], $0x300;
	(pc) =	sbr.rel .LBB2_5-.Ltmp6, $4  }
0x9c: {  	[sflag:s18] =	ssyncset.done $0x0  }
0x9d: {  	s19 =	smin.u32 s10, $0x2440;
	[sflag:s18] =	ssyncadd.s32 $0xFFFFFD00  }
0x9e: {  	s5 =	sadd.s32 $0x2D0, s19;
	[bflag:$0x0] =	sbarrier.arrive $0xFFFF  }
0x9f: {  	v28 =	vmov s10;
	s17 =	simm.s32 $0x0;
	v29 =	vmov s5;
	[smem:$0x7F4] =	sst s10  }
.LBB2_10:
0xa0: {  	s17 =	sadd.s32 $0x1, s17  }
0xa1: {  	p3 =	sne.s32 s17, $0x5  }
.Ltmp7:
0xa2: {  	_ = 	snop;
	(pc) =	sbr.rel @!p3 .LBB2_11-.Ltmp7, $1  }
0xa3: {  	_ =	sdelay $0x3  }
.LBB2_5:
0xa4: {  	s5 =	sshll.u32 s17, $0x4;
	s6 =	stileid.u32  }
0xa5: {  	s5 =	sor.u32 s6, s5  }
0xa6: {  	s6 =	smul.u32 $0x140, s5  }
0xa7: {  	s10 =	rddreg [dreg:$0x6]  }
0xa8: {  	s5 =	simm.s32 $0x0;
	s10 =	sadd.s32 s10, s6  }
0xa9: {  	[tilespmem:s5], [sflag:$0x5] =	stream.linear.gather [hbm4b:s10+s5], $0xA00, $0x38;
	v63 =	vld [tilespmem:$0x0]  }
0xaa: {  	_ =	swait.ge [sflag:s18], $0xA00  }
0xab: {  	[sflag:s18] =	ssyncset.done $0x0;
	s19 =	rddreg [dreg:$0x7]  }
0xac: {  	[sflag:s18] =	ssyncadd.s32 $0xFFFFF600;
	s6 =	sadd.s32 s19, s6;
	s19 =	simm.s32 $0xA00  }
0xad: {  	[tilespmem:s19], [sflag:$0x5] =	stream.linear.gather [hbm4b:s6+s5], $0xA00, $0x38;
	v63 =	vld [tilespmem:$0x0]  }
0xae: {  	_ =	swait.ge [sflag:s18], $0xA00  }
0xaf: {  	[sflag:s18] =	ssyncset.done $0x0  }
0xb0: {  	s19 =	simm.s32 $0x0;
	[sflag:s18] =	ssyncadd.s32 $0xFFFFF600  }
0xb1: {  	v30 =	vld [tilespmem:s19+$0xA00];
	_ =	sdelay $0x4  }
0xb2: {  	vm0 =	vge.s32 v30, v28;
	vm1 =	vlt.s32 v30, v29  }
0xb3: {  	vm0 =	vmand vm0, vm1  }
0xb4: {  	v31 =	vsel vm0, $0x1, v2  }
0xb5: {  	(xrf0) =	vadd.scan.msk.s32 $0xffff, v31;
	_ =	sdelay $0x4  }
0xb6: {  	v31 =	vsel vm0, $0xFFFFFFFF, v2  }
0xb7: {  	v31 =	vadd.s32 s5, v31;
	v32, _, _ =	vpop (xrf0)  }
0xb8: {  	v31 =	vadd.s32 v32, v31;
	v32 =	vxor.u32 $0x80000000, v32  }
0xb9: {  	v33 =	vld [tilespmem:s19+$0x0];
	v31 =	vsel vm0, v31, v3;
	(xrf0) =	vmax.scan.msk.u32 $0xffff, v32;
	_ =	sdelay $0x4  }
0xba: {  	[tilespmem:v31+s20+$0x0] =	vst.idx.msk $0xffff, v33  }
0xbb: {  	v62 =	vsub.s32 v30, v28;
	[tilespmem:v31+s21+$0x0] =	vst.idx.msk $0xffff, v30;
	v30, _, _ =	vpop (xrf0)  }
0xbc: {  	(v2sf) =	vpush v30, $0xF  }
0xbd: {  	s10 =	simm.s32 $0x10;
	[tilespmem:v31+s22+$0x0] =	vst.idx.msk $0xffff, v62  }
0xbe: {  	s6 =	simm.s32 $0x80;
	v30 =	vld [tilespmem:s10+$0x0]  }
.LBB2_6:
0xbf: {  	p3 =	seq.s32 s6, $0x27C0;
	v31 =	vld [tilespmem:s10+$0xA00];
	_ =	sdelay $0x4  }
0xc0: {  	vm0 =	vge.s32 v31, v28;
	vm1 =	vlt.s32 v31, v29;
	v32 =	vsub.s32 v31, v28  }
0xc1: {  	vm0 =	vmand vm0, vm1  }
0xc2: {  	v33 =	vsel vm0, $0xFFFFFFFF, v2;
	v34 =	vsel vm0, $0x1, v2  }
0xc3: {  	(xrf0) =	vadd.scan.msk.s32 $0xffff, v34;
	_ =	sdelay $0x3  }
0xc4: {  	s10 =	spop (v2sf)  }
0xc5: {  	s5 =	sadd.s32 s10, s5  }
0xc6: {  	v34, _, _ =	vpop (xrf0);
	s5 =	sadd.s32 $0x80000000, s5  }
0xc7: {  	v33 =	vadd.s32 s5, v33;
	v35 =	vxor.u32 $0x80000000, v34  }
0xc8: {  	v33 =	vadd.s32 v34, v33;
	(xrf0) =	vmax.scan.msk.u32 $0xffff, v35  }
0xc9: {  	v33 =	vsel vm0, v33, v3;
	_ =	sdelay $0x3  }
.Ltmp8:
0xca: {  	(pc) =	sbr.rel @!p3 .LBB2_6-.Ltmp8, $4  }
0xcb: {  	[tilespmem:v33+s20+$0x0] =	vst.idx.msk $0xffff, v30;
	v30, _, _ =	vpop (xrf0)  }
0xcc: {  	[tilespmem:v33+s21+$0x0] =	vst.idx.msk $0xffff, v31;
	(v2sf) =	vpush v30, $0xF  }
0xcd: {  	s10 =	sshra.s32 s6, $0x2;
	[tilespmem:v33+s22+$0x0] =	vst.idx.msk $0xffff, v32  }
0xce: {  	s6 =	sadd.s32 $0x40, s6;
	v30 =	vld [tilespmem:s10+$0x0]  }
0xcf: {  	v31 =	vld [tilespmem:s10+$0xA00];
	_ =	sdelay $0x4  }
0xd0: {  	vm0 =	vge.s32 v31, v28;
	vm1 =	vlt.s32 v31, v29  }
0xd1: {  	vm0 =	vmand vm0, vm1  }
0xd2: {  	v32 =	vsel vm0, $0x1, v2  }
0xd3: {  	(xrf0) =	vadd.scan.msk.s32 $0xffff, v32;
	_ =	sdelay $0x5  }
0xd4: {  	v32, _, _ =	vpop (xrf0)  }
0xd5: {  	v33 =	vxor.u32 $0x80000000, v32  }
0xd6: {  	(xrf0) =	vmax.scan.msk.u32 $0xffff, v33;
	_ =	sdelay $0x5  }
0xd7: {  	v33, _, _ =	vpop (xrf0)  }
0xd8: {  	(v2sf) =	vpush v33, $0xF;
	_ =	sdelay $0x4  }
0xd9: {  	s6 =	spop (v2sf)  }
0xda: {  	s5 =	sadd.s32 s6, s5  }
0xdb: {  	v62 =	vsel vm0, $0xFFFFFFFF, v2;
	s5 =	sadd.s32 $0x80000000, s5  }
0xdc: {  	v33 =	vadd.s32 s5, v62  }
0xdd: {  	v32 =	vadd.s32 v32, v33  }
0xde: {  	v32 =	vsel vm0, v32, v3;
	_ =	sdelay $0x4  }
0xdf: {  	[tilespmem:v32+s20+$0x0] =	vst.idx.msk $0xffff, v30;
	s10 =	spop (v2sf)  }
0xe0: {  	v30 =	vsub.s32 v31, v28;
	[tilespmem:v32+s21+$0x0] =	vst.idx.msk $0xffff, v31;
	s5 =	sadd.s32 s10, s5  }
0xe1: {  	[tilespmem:v32+s22+$0x0] =	vst.idx.msk $0xffff, v30;
	s5 =	sadd.s32 $0x80000000, s5  }
0xe2: {  	[tilespmem:s5+$0x1400] =	vst v2  }
0xe3: {  	[tilespmem:s5+$0x1E80] =	vst v2  }
0xe4: {  	[tilespmem:s5+$0x2900] =	vst v4;
	s6 =	sadd.s32 $0x3F, s5  }
0xe5: {  	[tilespmem:s5+$0x1410] =	vst v2;
	s19 =	sand.u32 $0x3F, s6  }
0xe6: {  	[tilespmem:s5+$0x1E90] =	vst v2;
	p4 =	slt.s32 s6, $0x1;
	p3 =	sne.s32 s19, $0x0;
	s19 =	sshra.s32 s6, $0x1F  }
0xe7: {  	[tilespmem:s5+$0x2910] =	vst v4;
	s10 =	sshrl.u32 s19, $0x1A;
	p3 =	por !p4, !p3  }
0xe8: {  	[tilespmem:s5+$0x1420] =	vst v2;
	s6 =	sadd.s32 s10, s6;
	p3 =	por !p3, !p3;
	s10 =	simm.s32 $0x1  }
0xe9: {  	[tilespmem:s5+$0x1EA0] =	vst v2;
	s6 =	sshra.s32 s6, $0x6;
	s10 =	simm.s32 @!p3 $0x0  }
0xea: {  	[tilespmem:s5+$0x2920] =	vst v4;
	s10 =	ssub.s32 s6, s10  }
0xeb: {  	[tilespmem:s5+$0x1430] =	vst v2;
	p3 =	sgt.s32 s10, $0x0  }
.Ltmp9:
0xec: {  	[tilespmem:s5+$0x1EB0] =	vst v2;
	(pc) =	sbr.rel @!p3 .LBB2_10-.Ltmp9, $4  }
0xed: {  	[tilespmem:s5+$0x2930] =	vst v4  }
0xee: {  	[tilespmem:s5+$0x1440] =	vst v2  }
0xef: {  	[tilespmem:s5+$0x1EC0] =	vst v2  }
0xf0: {  	[tilespmem:s5+$0x2940] =	vst v4  }
0xf1: {  	s19 =	simm.s32 $0x1E80;
	s5 =	simm.s32 $0x1400;
	s6 =	simm.s32 $0x2920  }
.LBB2_9:
0xf2: {  	v30 =	vld [tilespmem:s6+$0xFFFFFFE0]  }
0xf3: {  	v31 =	vld [tilespmem:s5+$0x0];
	_ =	sdelay $0x3  }
0xf4: {  	[tilespmem:$0x3380] =	vst v30  }
0xf5: {  	[tilespmem:$0x3400] =	vst v31  }
0xf6: {  	[tilespmem:$0x3600] =	vst v30;
	v32 =	vadd.s32 $0x2710, v31  }
0xf7: {  	v59 =	vadd.s32 $0x300, v30;
	[tilespmem:$0x3440] =	vst v32  }
0xf8: {  	v60 =	vadd.s32 $0x4E20, v31;
	[tilespmem:$0x3640] =	vst v59  }
0xf9: {  	v61 =	vadd.s32 $0x600, v30;
	[tilespmem:$0x3480] =	vst v60  }
0xfa: {  	v62 =	vadd.s32 $0x7530, v31;
	[tilespmem:$0x3680] =	vst v61  }
0xfb: {  	v36 =	vadd.s32 $0x900, v30;
	[tilespmem:$0x34C0] =	vst v62  }
0xfc: {  	v37 =	vadd.s32 $0x9C40, v31;
	[tilespmem:$0x36C0] =	vst v36  }
0xfd: {  	v38 =	vadd.s32 $0xC00, v30;
	[tilespmem:$0x3500] =	vst v37  }
0xfe: {  	v31 =	vadd.s32 $0xC350, v31;
	[tilespmem:$0x3700] =	vst v38  }
0xff: {  	v30 =	vadd.s32 $0xF00, v30;
	[tilespmem:$0x3540] =	vst v31  }
0x100: {  	[tilespmem:$0x3740] =	vst v30  }
0x101: {  	v30 =	vld [tilespmem:s6+$0xFFFFFFF0]  }
0x102: {  	v31 =	vld [tilespmem:s5+$0x10];
	_ =	sdelay $0x3  }
0x103: {  	[tilespmem:$0x3390] =	vst v30  }
0x104: {  	[tilespmem:$0x3410] =	vst v31  }
0x105: {  	[tilespmem:$0x3610] =	vst v30;
	v39 =	vadd.s32 $0x2710, v31  }
0x106: {  	v40 =	vadd.s32 $0x300, v30;
	[tilespmem:$0x3450] =	vst v39  }
0x107: {  	v41 =	vadd.s32 $0x4E20, v31;
	[tilespmem:$0x3650] =	vst v40  }
0x108: {  	v42 =	vadd.s32 $0x600, v30;
	[tilespmem:$0x3490] =	vst v41  }
0x109: {  	v43 =	vadd.s32 $0x7530, v31;
	[tilespmem:$0x3690] =	vst v42  }
0x10a: {  	v44 =	vadd.s32 $0x900, v30;
	[tilespmem:$0x34D0] =	vst v43  }
0x10b: {  	v45 =	vadd.s32 $0x9C40, v31;
	[tilespmem:$0x36D0] =	vst v44  }
0x10c: {  	v46 =	vadd.s32 $0xC00, v30;
	[tilespmem:$0x3510] =	vst v45  }
0x10d: {  	v31 =	vadd.s32 $0xC350, v31;
	[tilespmem:$0x3710] =	vst v46  }
0x10e: {  	v30 =	vadd.s32 $0xF00, v30;
	[tilespmem:$0x3550] =	vst v31  }
0x10f: {  	[tilespmem:$0x3750] =	vst v30  }
0x110: {  	v30 =	vld [tilespmem:s6+$0x0]  }
0x111: {  	v31 =	vld [tilespmem:s5+$0x20];
	_ =	sdelay $0x3  }
0x112: {  	[tilespmem:$0x33A0] =	vst v30  }
0x113: {  	[tilespmem:$0x3420] =	vst v31  }
0x114: {  	[tilespmem:$0x3620] =	vst v30;
	v47 =	vadd.s32 $0x2710, v31  }
0x115: {  	v48 =	vadd.s32 $0x300, v30;
	[tilespmem:$0x3460] =	vst v47  }
0x116: {  	v49 =	vadd.s32 $0x4E20, v31;
	[tilespmem:$0x3660] =	vst v48  }
0x117: {  	v50 =	vadd.s32 $0x600, v30;
	[tilespmem:$0x34A0] =	vst v49  }
0x118: {  	v51 =	vadd.s32 $0x7530, v31;
	[tilespmem:$0x36A0] =	vst v50  }
0x119: {  	v52 =	vadd.s32 $0x900, v30;
	[tilespmem:$0x34E0] =	vst v51  }
0x11a: {  	v53 =	vadd.s32 $0x9C40, v31;
	[tilespmem:$0x36E0] =	vst v52  }
0x11b: {  	v54 =	vadd.s32 $0xC00, v30;
	[tilespmem:$0x3520] =	vst v53  }
0x11c: {  	v31 =	vadd.s32 $0xC350, v31;
	[tilespmem:$0x3720] =	vst v54  }
0x11d: {  	v30 =	vadd.s32 $0xF00, v30;
	[tilespmem:$0x3560] =	vst v31  }
0x11e: {  	[tilespmem:$0x3760] =	vst v30  }
0x11f: {  	v30 =	vld [tilespmem:s6+$0x10]  }
0x120: {  	v31 =	vld [tilespmem:s5+$0x30];
	_ =	sdelay $0x3  }
0x121: {  	[tilespmem:$0x33B0] =	vst v30  }
0x122: {  	[tilespmem:$0x3430] =	vst v31  }
0x123: {  	[tilespmem:$0x3630] =	vst v30;
	v55 =	vadd.s32 $0x2710, v31  }
0x124: {  	v56 =	vadd.s32 $0x300, v30;
	[tilespmem:$0x3470] =	vst v55  }
0x125: {  	v57 =	vadd.s32 $0x4E20, v31;
	[tilespmem:$0x3670] =	vst v56  }
0x126: {  	v58 =	vadd.s32 $0x600, v30;
	[tilespmem:$0x34B0] =	vst v57  }
0x127: {  	v59 =	vadd.s32 $0x7530, v31;
	[tilespmem:$0x36B0] =	vst v58  }
0x128: {  	v60 =	vadd.s32 $0x900, v30;
	[tilespmem:$0x34F0] =	vst v59  }
0x129: {  	v61 =	vadd.s32 $0x9C40, v31;
	[tilespmem:$0x36F0] =	vst v60  }
0x12a: {  	v62 =	vadd.s32 $0xC00, v30;
	[tilespmem:$0x3530] =	vst v61  }
0x12b: {  	v31 =	vadd.s32 $0xC350, v31;
	[tilespmem:$0x3730] =	vst v62  }
0x12c: {  	v30 =	vadd.s32 $0xF00, v30;
	[tilespmem:$0x3570] =	vst v31  }
0x12d: {  	[tilespmem:$0x3770] =	vst v30  }
0x12e: {  	[tilespmem:s26], [sflag:$0x1] =	stream.indirect.gather [hbm4b:s7+s24], $0x80, s25, s24, $0xb8;
	v63 =	vld [tilespmem:$0x0]  }
0x12f: {  	_ = 	snop  }
0x130: {  	[tilespmem:s29], [sflag:$0x1] =	stream.indirect.gather [hbm4b:s7+s24], $0x80, s28, s24, $0xb8;
	v63 =	vld [tilespmem:$0x0]  }
0x131: {  	_ = 	snop  }
0x132: {  	[tilespmem:s31], [sflag:$0x1] =	stream.indirect.gather [hbm4b:s7+s24], $0x80, s30, s24, $0xb8;
	v63 =	vld [tilespmem:$0x0]  }
0x133: {  	_ = 	snop  }
0x134: {  	[tilespmem:s4], [sflag:$0x3] =	stream.indirect.gather [hbm4b:s1+s0], $0x80, s5, s0, $0xb8;
	v63 =	vld [tilespmem:$0x0]  }
0x135: {  	_ = 	snop  }
0x136: {  	[tilespmem:s11], [sflag:$0x3] =	stream.indirect.gather [hbm4b:s1+s0], $0x80, s19, s0, $0xb8;
	v63 =	vld [tilespmem:$0x0]  }
0x137: {  	_ =	swait.ge [sflag:s12], $0x2000  }
0x138: {  	[sflag:s12] =	ssyncset.done $0x0  }
0x139: {  	[sflag:s12] =	ssyncadd.s32 $0xFFFFE000  }
0x13a: {  	_ =	swait.ge [sflag:s12], $0x2000  }
0x13b: {  	[sflag:s12] =	ssyncset.done $0x0  }
0x13c: {  	[sflag:s12] =	ssyncadd.s32 $0xFFFFE000  }
0x13d: {  	v30 =	vld.idx.msk [tilespmem:v0+s4+$0x0], $0xffff  }
0x13e: {  	v31 =	vld.idx.msk [tilespmem:v5+s11+$0x0], $0xffff;
	_ =	sdelay $0x4  }
0x13f: {  	v30 =	vadd.f32 v31, v30;
	_ =	sdelay $0x1  }
0x140: {  	v31 =	vmul.f32 $2.000000030e-01, v30  }
0x141: {  	vm0 =	vge.f32 v30, $0.0e+00  }
0x142: {  	v30 =	vsel vm0, v30, v31  }
0x143: {  	v30 =	vmul.f32 $1.442695020e+00, v30;
	_ =	sdelay $0x1  }
0x144: {  	(erf) = vpow2.f32 v30;
	_ =	sdelay $0x8  }
0x145: {  	v30 =	vpop (erf)  }
0x146: {  	[tilespmem:v0+s13+$0x0] =	vst.idx.msk $0xffff, v30  }
0x147: {  	v30 =	vld.idx.msk [tilespmem:v6+s4+$0x0], $0xffff  }
0x148: {  	v31 =	vld.idx.msk [tilespmem:v7+s11+$0x0], $0xffff;
	_ =	sdelay $0x4  }
0x149: {  	v30 =	vadd.f32 v31, v30;
	_ =	sdelay $0x1  }
0x14a: {  	v31 =	vmul.f32 $2.000000030e-01, v30  }
0x14b: {  	vm5 =	vge.f32 v30, $0.0e+00  }
0x14c: {  	v30 =	vsel vm5, v30, v31  }
0x14d: {  	v30 =	vmul.f32 $1.442695020e+00, v30;
	_ =	sdelay $0x1  }
0x14e: {  	(erf) = vpow2.f32 v30;
	_ =	sdelay $0x8  }
0x14f: {  	v30 =	vpop (erf)  }
0x150: {  	[tilespmem:v6+s13+$0x0] =	vst.idx.msk $0xffff, v30  }
0x151: {  	v30 =	vld.idx.msk [tilespmem:v8+s4+$0x0], $0xffff  }
0x152: {  	v31 =	vld.idx.msk [tilespmem:v9+s11+$0x0], $0xffff;
	_ =	sdelay $0x4  }
0x153: {  	v30 =	vadd.f32 v31, v30;
	_ =	sdelay $0x1  }
0x154: {  	v31 =	vmul.f32 $2.000000030e-01, v30  }
0x155: {  	vm6 =	vge.f32 v30, $0.0e+00  }
0x156: {  	v30 =	vsel vm6, v30, v31  }
0x157: {  	v30 =	vmul.f32 $1.442695020e+00, v30;
	_ =	sdelay $0x1  }
0x158: {  	(erf) = vpow2.f32 v30;
	_ =	sdelay $0x8  }
0x159: {  	v30 =	vpop (erf)  }
0x15a: {  	[tilespmem:v8+s13+$0x0] =	vst.idx.msk $0xffff, v30  }
0x15b: {  	v30 =	vld.idx.msk [tilespmem:v10+s4+$0x0], $0xffff  }
0x15c: {  	v31 =	vld.idx.msk [tilespmem:v11+s11+$0x0], $0xffff;
	_ =	sdelay $0x4  }
0x15d: {  	v30 =	vadd.f32 v31, v30;
	_ =	sdelay $0x1  }
0x15e: {  	v31 =	vmul.f32 $2.000000030e-01, v30  }
0x15f: {  	vm7 =	vge.f32 v30, $0.0e+00  }
0x160: {  	v30 =	vsel vm7, v30, v31  }
0x161: {  	v30 =	vmul.f32 $1.442695020e+00, v30;
	_ =	sdelay $0x1  }
0x162: {  	(erf) = vpow2.f32 v30;
	_ =	sdelay $0x8  }
0x163: {  	v30 =	vpop (erf)  }
0x164: {  	[tilespmem:v10+s13+$0x0] =	vst.idx.msk $0xffff, v30  }
0x165: {  	v30 =	vld.idx.msk [tilespmem:v12+s4+$0x0], $0xffff  }
0x166: {  	v31 =	vld.idx.msk [tilespmem:v13+s11+$0x0], $0xffff;
	_ =	sdelay $0x4  }
0x167: {  	v30 =	vadd.f32 v31, v30;
	_ =	sdelay $0x1  }
0x168: {  	v31 =	vmul.f32 $2.000000030e-01, v30  }
0x169: {  	vm8 =	vge.f32 v30, $0.0e+00  }
0x16a: {  	v30 =	vsel vm8, v30, v31  }
0x16b: {  	v30 =	vmul.f32 $1.442695020e+00, v30;
	_ =	sdelay $0x1  }
0x16c: {  	(erf) = vpow2.f32 v30;
	_ =	sdelay $0x8  }
0x16d: {  	v30 =	vpop (erf)  }
0x16e: {  	[tilespmem:v12+s13+$0x0] =	vst.idx.msk $0xffff, v30  }
0x16f: {  	v30 =	vld.idx.msk [tilespmem:v14+s4+$0x0], $0xffff  }
0x170: {  	v31 =	vld.idx.msk [tilespmem:v15+s11+$0x0], $0xffff;
	_ =	sdelay $0x4  }
0x171: {  	v30 =	vadd.f32 v31, v30;
	_ =	sdelay $0x1  }
0x172: {  	v31 =	vmul.f32 $2.000000030e-01, v30  }
0x173: {  	vm9 =	vge.f32 v30, $0.0e+00  }
0x174: {  	v30 =	vsel vm9, v30, v31  }
0x175: {  	v30 =	vmul.f32 $1.442695020e+00, v30;
	_ =	sdelay $0x1  }
0x176: {  	(erf) = vpow2.f32 v30;
	_ =	sdelay $0x8  }
0x177: {  	v30 =	vpop (erf)  }
0x178: {  	[tilespmem:v14+s13+$0x0] =	vst.idx.msk $0xffff, v30  }
0x179: {  	v30 =	vld.idx.msk [tilespmem:v16+s4+$0x0], $0xffff  }
0x17a: {  	v31 =	vld.idx.msk [tilespmem:v17+s11+$0x0], $0xffff;
	_ =	sdelay $0x4  }
0x17b: {  	v30 =	vadd.f32 v31, v30;
	_ =	sdelay $0x1  }
0x17c: {  	v31 =	vmul.f32 $2.000000030e-01, v30  }
0x17d: {  	vm10 =	vge.f32 v30, $0.0e+00  }
0x17e: {  	v30 =	vsel vm10, v30, v31  }
0x17f: {  	v30 =	vmul.f32 $1.442695020e+00, v30;
	_ =	sdelay $0x1  }
0x180: {  	(erf) = vpow2.f32 v30;
	_ =	sdelay $0x8  }
0x181: {  	v30 =	vpop (erf)  }
0x182: {  	[tilespmem:v16+s13+$0x0] =	vst.idx.msk $0xffff, v30  }
0x183: {  	v30 =	vld.idx.msk [tilespmem:v18+s4+$0x0], $0xffff  }
0x184: {  	v31 =	vld.idx.msk [tilespmem:v19+s11+$0x0], $0xffff;
	_ =	sdelay $0x4  }
0x185: {  	v30 =	vadd.f32 v31, v30;
	_ =	sdelay $0x1  }
0x186: {  	v31 =	vmul.f32 $2.000000030e-01, v30  }
0x187: {  	vm11 =	vge.f32 v30, $0.0e+00  }
0x188: {  	v30 =	vsel vm11, v30, v31  }
0x189: {  	v30 =	vmul.f32 $1.442695020e+00, v30;
	_ =	sdelay $0x1  }
0x18a: {  	(erf) = vpow2.f32 v30;
	_ =	sdelay $0x8  }
0x18b: {  	v30 =	vpop (erf)  }
0x18c: {  	[tilespmem:v18+s13+$0x0] =	vst.idx.msk $0xffff, v30  }
0x18d: {  	v30 =	vld.idx.msk [tilespmem:v20+s4+$0x0], $0xffff  }
0x18e: {  	v31 =	vld.idx.msk [tilespmem:v21+s11+$0x0], $0xffff;
	_ =	sdelay $0x4  }
0x18f: {  	v30 =	vadd.f32 v31, v30;
	_ =	sdelay $0x1  }
0x190: {  	v31 =	vmul.f32 $2.000000030e-01, v30  }
0x191: {  	vm12 =	vge.f32 v30, $0.0e+00  }
0x192: {  	v30 =	vsel vm12, v30, v31  }
0x193: {  	v30 =	vmul.f32 $1.442695020e+00, v30;
	_ =	sdelay $0x1  }
0x194: {  	(erf) = vpow2.f32 v30;
	_ =	sdelay $0x8  }
0x195: {  	v30 =	vpop (erf)  }
0x196: {  	[tilespmem:v20+s13+$0x0] =	vst.idx.msk $0xffff, v30  }
0x197: {  	v30 =	vld.idx.msk [tilespmem:v22+s4+$0x0], $0xffff  }
0x198: {  	v31 =	vld.idx.msk [tilespmem:v23+s11+$0x0], $0xffff;
	_ =	sdelay $0x4  }
0x199: {  	v30 =	vadd.f32 v31, v30;
	_ =	sdelay $0x1  }
0x19a: {  	v31 =	vmul.f32 $2.000000030e-01, v30  }
0x19b: {  	vm13 =	vge.f32 v30, $0.0e+00  }
0x19c: {  	v30 =	vsel vm13, v30, v31  }
0x19d: {  	v30 =	vmul.f32 $1.442695020e+00, v30;
	_ =	sdelay $0x1  }
0x19e: {  	(erf) = vpow2.f32 v30;
	_ =	sdelay $0x8  }
0x19f: {  	v30 =	vpop (erf)  }
0x1a0: {  	[tilespmem:v22+s13+$0x0] =	vst.idx.msk $0xffff, v30  }
0x1a1: {  	v30 =	vld.idx.msk [tilespmem:v24+s4+$0x0], $0xffff  }
0x1a2: {  	v31 =	vld.idx.msk [tilespmem:v25+s11+$0x0], $0xffff;
	_ =	sdelay $0x4  }
0x1a3: {  	v30 =	vadd.f32 v31, v30;
	_ =	sdelay $0x1  }
0x1a4: {  	v31 =	vmul.f32 $2.000000030e-01, v30  }
0x1a5: {  	vm14 =	vge.f32 v30, $0.0e+00  }
0x1a6: {  	v30 =	vsel vm14, v30, v31  }
0x1a7: {  	v30 =	vmul.f32 $1.442695020e+00, v30;
	_ =	sdelay $0x1  }
0x1a8: {  	(erf) = vpow2.f32 v30;
	_ =	sdelay $0x8  }
0x1a9: {  	v30 =	vpop (erf)  }
0x1aa: {  	[tilespmem:v24+s13+$0x0] =	vst.idx.msk $0xffff, v30  }
0x1ab: {  	v30 =	vld.idx.msk [tilespmem:v26+s4+$0x0], $0xffff  }
0x1ac: {  	v31 =	vld.idx.msk [tilespmem:v27+s11+$0x0], $0xffff;
	_ =	sdelay $0x4  }
0x1ad: {  	v30 =	vadd.f32 v31, v30;
	_ =	sdelay $0x1  }
0x1ae: {  	v31 =	vmul.f32 $2.000000030e-01, v30  }
0x1af: {  	vm15 =	vge.f32 v30, $0.0e+00  }
0x1b0: {  	v30 =	vsel vm15, v30, v31  }
0x1b1: {  	v30 =	vmul.f32 $1.442695020e+00, v30;
	_ =	sdelay $0x1  }
0x1b2: {  	(erf) = vpow2.f32 v30;
	_ =	sdelay $0x8  }
0x1b3: {  	v30 =	vpop (erf)  }
0x1b4: {  	[tilespmem:v26+s13+$0x0] =	vst.idx.msk $0xffff, v30  }
0x1b5: {  	_ =	swait.ge [sflag:s23], $0x4000  }
0x1b6: {  	[sflag:s23] =	ssyncset.done $0x0  }
0x1b7: {  	[sflag:s23] =	ssyncadd.s32 $0xFFFFC000  }
0x1b8: {  	_ =	swait.ge [sflag:s23], $0x4000  }
0x1b9: {  	[sflag:s23] =	ssyncset.done $0x0  }
0x1ba: {  	[sflag:s23] =	ssyncadd.s32 $0xFFFFC000  }
0x1bb: {  	_ =	swait.ge [sflag:s23], $0x4000  }
0x1bc: {  	[sflag:s23] =	ssyncset.done $0x0  }
0x1bd: {  	[sflag:s23] =	ssyncadd.s32 $0xFFFFC000  }
0x1be: {  	[spmem:s2] =	stream.indirect.scatter.add.f32 [tilespmem:s26], [sflag:$0x2], $0x80, s14, s24, $0xb8;
	v63 =	vld [tilespmem:$0x0]  }
0x1bf: {  	_ = 	snop  }
0x1c0: {  	[spmem:s2] =	stream.indirect.scatter.add.f32 [tilespmem:s29], [sflag:$0x2], $0x80, s15, s24, $0xb8;
	v63 =	vld [tilespmem:$0x0]  }
0x1c1: {  	_ = 	snop  }
0x1c2: {  	[spmem:s2] =	stream.indirect.scatter.add.f32 [tilespmem:s31], [sflag:$0x2], $0x80, s16, s24, $0xb8;
	v63 =	vld [tilespmem:$0x0]  }
0x1c3: {  	_ = 	snop  }
0x1c4: {  	[spmem:s3] =	stream.indirect.scatter.add.f32 [tilespmem:s13], [sflag:$0x2], $0x80, s9, s0, $0xb8;
	v63 =	vld [tilespmem:$0x0]  }
0x1c5: {  	_ =	swait.ge [sflag:s8], $0x4000  }
0x1c6: {  	[sflag:s8] =	ssyncset.done $0x0  }
0x1c7: {  	[sflag:s8] =	ssyncadd.s32 $0xFFFFC000  }
0x1c8: {  	_ =	swait.ge [sflag:s8], $0x4000  }
0x1c9: {  	[sflag:s8] =	ssyncset.done $0x0  }
0x1ca: {  	[sflag:s8] =	ssyncadd.s32 $0xFFFFC000  }
0x1cb: {  	p3 =	sne.s32 s10, $0x1;
	_ =	swait.ge [sflag:s8], $0x4000  }
.Ltmp10:
0x1cc: {  	[sflag:s8] =	ssyncset.done $0x0;
	(pc) =	sbr.rel @p3 .LBB2_9-.Ltmp10, $4  }
0x1cd: {  	[sflag:s8] =	ssyncadd.s32 $0xFFFFC000  }
0x1ce: {  	_ =	swait.ge [sflag:s8], $0x2000  }
0x1cf: {  	s10 =	sadd.s32 $0xFFFFFFFF, s10;
	s6 =	sadd.s32 $0x40, s6;
	[sflag:s8] =	ssyncset.done $0x0  }
0x1d0: {  	s5 =	sadd.s32 $0x40, s5;
	s19 =	sadd.s32 $0x40, s19;
	[sflag:s8] =	ssyncadd.s32 $0xFFFFE000  }
.Ltmp11:
0x1d1: {  	_ = 	snop;
	(pc) =	sbr.rel .LBB2_10-.Ltmp11, $1  }
0x1d2: {  	_ =	sdelay $0x3  }
.LBB2_12:
0x1d3: {  	s5 =	sld [smem:$0x7F6]  }
0x1d4: {  	s6 =	sld [smem:$0x7F4];
	_ =	sdelay $0x2  }
0x1d5: {  	s5 =	sadd.s32 s5, s6  }
0x1d6: {  	s19 =	rddreg [dreg:$0x9];
	s5 =	sshll.u32 s5, $0x4  }
0x1d7: {  	s6 =	sadd.s32 s19, s5;
	s19 =	sld [smem:$0x7EB];
	_ =	sdelay $0x2  }
0x1d8: {  	[hbm:s6], [sflag:s17] =	dma.local [spmem:s19], $0x300  }
0x1d9: {  	_ =	swait.ge [sflag:s18], $0x300  }
0x1da: {  	s19 =	rddreg [dreg:$0xa]  }
0x1db: {  	s6 =	sadd.s32 s19, s5;
	s19 =	sld [smem:$0x7EC]  }
0x1dc: {  	[sflag:s18] =	ssyncset.done $0x0  }
0x1dd: {  	[sflag:s18] =	ssyncadd.s32 $0xFFFFFD00  }
0x1de: {  	[hbm:s6], [sflag:s17] =	dma.local [spmem:s19], $0x300  }
0x1df: {  	_ =	swait.ge [sflag:s18], $0x300  }
0x1e0: {  	s19 =	rddreg [dreg:$0xb]  }
0x1e1: {  	s6 =	sadd.s32 s19, s5;
	s19 =	sld [smem:$0x7ED]  }
0x1e2: {  	[sflag:s18] =	ssyncset.done $0x0  }
0x1e3: {  	[sflag:s18] =	ssyncadd.s32 $0xFFFFFD00  }
0x1e4: {  	[hbm:s6], [sflag:s17] =	dma.local [spmem:s19], $0x300  }
0x1e5: {  	_ =	swait.ge [sflag:s18], $0x300  }
0x1e6: {  	s19 =	rddreg [dreg:$0xc]  }
0x1e7: {  	s6 =	sadd.s32 s19, s5;
	s19 =	sld [smem:$0x7EE]  }
0x1e8: {  	[sflag:s18] =	ssyncset.done $0x0  }
0x1e9: {  	[sflag:s18] =	ssyncadd.s32 $0xFFFFFD00  }
0x1ea: {  	[hbm:s6], [sflag:s17] =	dma.local [spmem:s19], $0x300  }
0x1eb: {  	_ =	swait.ge [sflag:s18], $0x300  }
0x1ec: {  	s19 =	rddreg [dreg:$0xd]  }
0x1ed: {  	s6 =	sadd.s32 s19, s5;
	s19 =	sld [smem:$0x7EF]  }
0x1ee: {  	[sflag:s18] =	ssyncset.done $0x0  }
0x1ef: {  	[sflag:s18] =	ssyncadd.s32 $0xFFFFFD00  }
0x1f0: {  	[hbm:s6], [sflag:s17] =	dma.local [spmem:s19], $0x300  }
0x1f1: {  	_ =	swait.ge [sflag:s18], $0x300  }
0x1f2: {  	s19 =	rddreg [dreg:$0xe]  }
0x1f3: {  	s6 =	sadd.s32 s19, s5;
	s19 =	sld [smem:$0x7F0]  }
0x1f4: {  	[sflag:s18] =	ssyncset.done $0x0  }
0x1f5: {  	[sflag:s18] =	ssyncadd.s32 $0xFFFFFD00  }
0x1f6: {  	[hbm:s6], [sflag:s17] =	dma.local [spmem:s19], $0x300  }
0x1f7: {  	_ =	swait.ge [sflag:s18], $0x300  }
0x1f8: {  	s19 =	rddreg [dreg:$0xf]  }
0x1f9: {  	s5 =	sadd.s32 s19, s5;
	s19 =	sld [smem:$0x7F3]  }
0x1fa: {  	[sflag:s18] =	ssyncset.done $0x0  }
.Ltmp12:
0x1fb: {  	[sflag:s18] =	ssyncadd.s32 $0xFFFFFD00;
	(pc) =	sbr.rel .LBB2_13-.Ltmp12, $4  }
0x1fc: {  	[hbm:s5], [sflag:s17] =	dma.local [spmem:s19], $0x300  }
0x1fd: {  	_ =	swait.ge [sflag:s18], $0x300  }
0x1fe: {  	[sflag:s18] =	ssyncset.done $0x0  }
0x1ff: {  	[sflag:s18] =	ssyncadd.s32 $0xFFFFFD00  }
.LBB2_15:
0x200: {  	_ =	sfence.sel $0x180000  }
0x201: {  	[bflag:$0x0] =	sbarrier.arrive $0xFFFF  }
0x202: {  	_ =	strace $0x9000004A  }
0x203: {  	s0 =	stileid.u32;
	[bflag:$0x2] =	sbarrier.arrive $0xFFFF  }
0x204: {  	p0 =	sne.s32 s0, $0x0;
	s0 =	rddreg [dreg:$0x4]  }
0x205: {  	s0 =	sadd.s32 @!p0 $0x100000, s0  }
0x206: {  	[sflag:s0] =	ssyncadd.tile.s32 @!p0 $0x1;
	_ =	shalt  }
.Lfunc_end2:
_tile_overlayer_lowered:
.L_overlay_start_2:
0x207: {  	(tag) =	ssettag $0x2  }
0x208: {  	s0 =	rddreg [dreg:$0x0];
	s2 =	stileid.u32  }
0x209: {  	s1 =	rddreg [dreg:$0x1];
	p0 =	sne.s32 s2, $0x0  }
0x20a: {  	s3 =	rddreg [dreg:$0x2];
	[bflag:$0x3] =	sbarrier.arrive $0xFFFF;
	s2 =	simm.s32 @!p0 $0x1C04  }
0x20b: {  	[timem:s3], [sflag:s2] =	dma.local @!p0 [hbm:s0], s1  }
0x20c: {  	s0 =	simm.s32 @!p0 $0x4  }
0x20d: {  	_ =	swait.ge @!p0 [sflag:s0], s1  }
0x20e: {  	s1 =	ssub.s32 @!p0 $0x0, s1;
	[sflag:s0] =	ssyncset.done @!p0 $0x0  }
0x20f: {  	[sflag:s0] =	ssyncadd.s32 @!p0 s1  }
0x210: {  	[bflag:$0x3] =	sbarrier.arrive $0xFFFF  }
0x211: {  	_ =	shalt  }

// kernel: kernel.7.cloned.1.call-start
scs
__scs_entry_jumppad:
0x0: {  	(pc) =	sbr.rel $0x88, $3  }
0x1: {  	(tag) =	ssettag $0x0;
	lr =	simm.s32 $0x1  }
0x2: {  	[smem:$0x3F97] =	sst lr;
	_ =	strace $0xD0000000  }
0x3: {  	_ = 	snop  }
0x4: {  	_ = 	snop  }
0x5: {  	_ = 	snop  }
0x6: {  	_ = 	snop  }
0x7: {  	_ = 	snop  }
__scs_overlays_trampoline_lowered:
0x8: {  	[smem:$0x3FA6] =	sst s0  }
0x9: {  	[smem:$0x3FA7] =	sst s1  }
0xa: {  	[smem:$0x3FA8] =	sst s2  }
0xb: {  	[smem:$0x3FA9] =	sst s3  }
0xc: {  	[smem:$0x3FAA] =	sst s4  }
0xd: {  	[smem:$0x3FAB] =	sst s5  }
0xe: {  	[smem:$0x3FAC] =	sst s6  }
0xf: {  	[smem:$0x3FAD] =	sst s7  }
0x10: {  	[smem:$0x3FAE] =	sst s8  }
0x11: {  	[smem:$0x3FAF] =	sst s9;
	s0 =	simm.s32 @!p0 $0x0  }
0x12: {  	s1 =	sld [smem:$0x3F95];
	s0 =	simm.s32 @p0 $0x1  }
0x13: {  	[smem:$0x3FB0] =	sst s0;
	s0 =	simm.s32 @!p1 $0x0  }
0x14: {  	s2 =	sld [smem:$0x3F94];
	s0 =	simm.s32 @p1 $0x1  }
0x15: {  	[smem:$0x3FB1] =	sst s0;
	s0 =	simm.s32 @!p2 $0x0  }
0x16: {  	s3 =	sld [smem:$0x3FDB];
	s0 =	simm.s32 @p2 $0x1  }
0x17: {  	s4 =	simm.s32 $0x1BF5;
	[smem:$0x3FB3] =	sst s0  }
0x18: {  	s0 =	sld [smem:$0x3F96];
	_ =	swait.ge [sflag:s4], $0x0  }
0x19: {  	s7 =	sld [smem:$0x3F97]  }
0x1a: {  	s8 =	sadd.s32 $0xFFFFE003, lr  }
0x1b: {  	s9 =	sadd.s32 $0xFFFFFEF7, lr;
	s5 =	simm.s32 $0xFFFFFFFF;
	p2 =	slt.u32 s8, $0xFFFFF086  }
0x1c: {  	p1 =	slt.u32 s9, $0xF7A;
	s5 =	simm.s32 @!p2 $0x0  }
0x1d: {  	s5 =	simm.s32 @p1 $0x1;
	p0 =	seq.s32 s7, s2  }
0x1e: {  	s7 =	smul.u32 @!p0 $0xF7A, s2;
	p2 =	seq.s32 @!p0 s5, $0x0  }
0x1f: {  	s9 =	smul.u32 $0xF7A, s1;
	s8 =	simm.s32 @!p0 $0x1BF5;
	p2 =	por !p2, p0  }
0x20: {  	[sflag:s8] =	ssyncset.s32 @!p0 $0xFFFFF086;
	s6 =	sadd.s32 @!p0 s3, s7;
	s7 =	simm.s32 @!p0 $0x108  }
0x21: {  	s3 =	sadd.s32 s3, s9;
	s6 =	sadd.s32 @!p0 $0x88, s6;
	s7 =	simm.s32 @p2 $0x1082  }
0x22: {  	[simem:s7], [sflag:s8] =	dma.local @!p0 [hbm:s6], $0xF7A  }
0x23: {  	s9 =	sor.u32 $0xD0000000, s2;
	s6 =	simm.s32 $0x108;
	_ =	swait.ge @!p0 [sflag:s8], $0x0  }
0x24: {  	s3 =	sadd.s32 $0x88, s3;
	s6 =	simm.s32 @!p1 $0x1082;
	[sflag:s4] =	ssyncset.s32 $0xFFFFF086  }
0x25: {  	[simem:s6], [sflag:s4] =	dma.local [hbm:s3], $0xF7A  }
0x26: {  	[smem:$0x3F97] =	sst s1;
	(tag) =	ssettag s2;
	_ =	strace s9  }
0x27: {  	s1 =	sld [smem:$0x3FA7]  }
0x28: {  	s2 =	sld [smem:$0x3FA8]  }
0x29: {  	s4 =	sld [smem:$0x3FAA]  }
0x2a: {  	p0 =	seq.s32 s5, $0x0;
	s5 =	sld [smem:$0x3FAB]  }
0x2b: {  	s6 =	sld [smem:$0x3FAC]  }
0x2c: {  	s7 =	sld [smem:$0x3FAD]  }
0x2d: {  	s3 =	simm.s32 $0x108;
	s8 =	sld [smem:$0x3FAE]  }
0x2e: {  	s3 =	simm.s32 @!p0 $0x1082;
	s9 =	sld [smem:$0x3FAF]  }
0x2f: {  	lr =	sadd.s32 s0, s3;
	s0 =	sld [smem:$0x3FA6]  }
0x30: {  	s3 =	sld [smem:$0x3FA9]  }
0x31: {  	[smem:$0x3FB2] =	sst s10  }
0x32: {  	s10 =	sld [smem:$0x3FB0];
	_ =	sdelay $0x3  }
0x33: {  	p0 =	seq.s32 s10, $0x1;
	s10 =	sld [smem:$0x3FB2];
	_ =	sdelay $0x3  }
0x34: {  	[smem:$0x3FB2] =	sst s10  }
0x35: {  	s10 =	sld [smem:$0x3FB1];
	_ =	sdelay $0x3  }
0x36: {  	p1 =	seq.s32 s10, $0x1;
	s10 =	sld [smem:$0x3FB2];
	_ =	sdelay $0x3  }
0x37: {  	[smem:$0x3FB2] =	sst s10  }
0x38: {  	s10 =	sld [smem:$0x3FB3]  }
0x39: {  	_ = 	snop;
	(pc) =	sbr.ind lr, $3  }
0x3a: {  	_ = 	snop  }
0x3b: {  	_ = 	snop  }
0x3c: {  	p2 =	seq.s32 s10, $0x1;
	s10 =	sld [smem:$0x3FB2]  }
0x3d: {  	_ =	shalt  }
0x3e: {  	_ =	shalt  }
0x3f: {  	_ =	shalt  }
0x40: {  	_ =	shalt  }
0x41: {  	_ =	shalt  }
0x42: {  	_ =	shalt  }
0x43: {  	_ =	shalt  }
0x44: {  	_ =	shalt  }
0x45: {  	_ =	shalt  }
0x46: {  	_ =	shalt  }
0x47: {  	_ =	shalt  }
0x48: {  	_ =	shalt  }
0x49: {  	_ =	shalt  }
0x4a: {  	_ =	shalt  }
0x4b: {  	_ =	shalt  }
0x4c: {  	_ =	shalt  }
0x4d: {  	_ =	shalt  }
0x4e: {  	_ =	shalt  }
0x4f: {  	_ =	shalt  }
0x50: {  	_ =	shalt  }
0x51: {  	_ =	shalt  }
0x52: {  	_ =	shalt  }
0x53: {  	_ =	shalt  }
0x54: {  	_ =	shalt  }
0x55: {  	_ =	shalt  }
0x56: {  	_ =	shalt  }
0x57: {  	_ =	shalt  }
0x58: {  	_ =	shalt  }
0x59: {  	_ =	shalt  }
0x5a: {  	_ =	shalt  }
0x5b: {  	_ =	shalt  }
0x5c: {  	_ =	shalt  }
0x5d: {  	_ =	shalt  }
0x5e: {  	_ =	shalt  }
0x5f: {  	_ =	shalt  }
0x60: {  	_ =	shalt  }
0x61: {  	_ =	shalt  }
0x62: {  	_ =	shalt  }
0x63: {  	_ =	shalt  }
0x64: {  	_ =	shalt  }
0x65: {  	_ =	shalt  }
0x66: {  	_ =	shalt  }
0x67: {  	_ =	shalt  }
0x68: {  	_ =	shalt  }
0x69: {  	_ =	shalt  }
0x6a: {  	_ =	shalt  }
0x6b: {  	_ =	shalt  }
0x6c: {  	_ =	shalt  }
0x6d: {  	_ =	shalt  }
0x6e: {  	_ =	shalt  }
0x6f: {  	_ =	shalt  }
0x70: {  	_ =	shalt  }
0x71: {  	_ =	shalt  }
0x72: {  	_ =	shalt  }
0x73: {  	_ =	shalt  }
0x74: {  	_ =	shalt  }
0x75: {  	_ =	shalt  }
0x76: {  	_ =	shalt  }
0x77: {  	_ =	shalt  }
0x78: {  	_ =	shalt  }
0x79: {  	_ =	shalt  }
0x7a: {  	_ =	shalt  }
0x7b: {  	_ =	shalt  }
0x7c: {  	_ =	shalt  }
0x7d: {  	_ =	shalt  }
0x7e: {  	_ =	shalt  }
0x7f: {  	_ =	shalt  }
0x80: {  	_ =	shalt  }
0x81: {  	_ =	shalt  }
0x82: {  	_ =	shalt  }
0x83: {  	_ =	shalt  }
0x84: {  	_ =	shalt  }
0x85: {  	_ =	shalt  }
0x86: {  	_ =	shalt  }
0x87: {  	_ =	shalt  }
.Lfunc_end0:
.L_simem_size_0:
called_computation_lowered:
.L_overlay_start_0:
0x88: {  	s2 =	sld [smem:$0x3FD9]  }
0x89: {  	s3 =	sld [smem:$0x3FFE];
	_ =	sdelay $0x1  }
0x8a: {  	s1 =	srdreg.scid  }
0x8b: {  	s0 =	sand.u32 $0x1, s1  }
0x8c: {  	s17 =	sshll.u32 s0, $0xA;
	s2 =	sadd.s32 s3, s2  }
0x8d: {  	s2 =	sadd.s32 s2, s17  }
0x8e: {  	[smem:$0x3FBE] =	sst s2  }
0x8f: {  	_ = 	snop  }
0x90: {  	s2 =	sld [smem:$0x3FD0];
	(tm) =	ssettm $0x1  }
0x91: {  	s18 =	sld [smem:$0x3FFB];
	_ =	sdelay $0x3  }
0x92: {  	_ =	strace s18  }
0x93: {  	s3 =	sld [smem:$0x3FFC];
	_ =	sdelay $0x3  }
0x94: {  	_ =	strace s3  }
0x95: {  	s3 =	sld [smem:$0x3FFD];
	_ =	sdelay $0x3  }
0x96: {  	_ =	strace s3  }
0x97: {  	_ =	strace $0x8FFFFFFF  }
0x98: {  	s19 =	sld [smem:$0x3FDB];
	_ =	sdelay $0x1  }
0x99: {  	s4 =	simm.s32 $_scs_section_size  }
0x9a: {  	s5 =	simm.s32 $_size__tile_overlayer_lowered;
	s6 =	simm.s32 $_tile_overlayer_lowered  }
0x9b: {  	s22 =	simm.s32 $0x1BFF;
	s21 =	sshll.u32 s6, $0x1;
	s3 =	sadd.s32 s4, s19  }
0x9c: {  	s7 =	simm.s32 $0x0;
	s20 =	sshll.u32 s5, $0x1;
	s5 =	sadd.s32 s21, s3  }
0x9d: {  	[timem:s7], [sflag:s22] =	dma.local [hbm:s5], s20  }
0x9e: {  	_ =	swait.ge [sflag:s22], s20  }
0x9f: {  	s4 =	ssub.s32 $0x0, s20;
	[sflag:s22] =	ssyncset.done $0x0  }
0xa0: {  	[sflag:s22] =	ssyncadd.s32 s4;
	_ =	sdelay $0x1  }
0xa1: {  	s23 =	simm.s32 $0x1B8B  }
0xa2: {  	_ =	swait.ge [sflag:s23], $0x1  }
0xa3: {  	[sflag:s23] =	ssyncset.done $0x0  }
0xa4: {  	s25 =	simm.s32 $0x1B8E;
	s24 =	sld [smem:$0x3FFE];
	[sflag:s23] =	ssyncadd.s32 $0xFFFFFFFF  }
0xa5: {  	s26 =	simm.s32 $execute0_lowered;
	[smem:$0x3FD2] =	sst s25  }
0xa6: {  	s5 =	sshll.u32 s26, $0x1;
	_ =	strace $0x80000046;
	[dreg:$0x1] =	wrdreg $0xFFFFFFFF  }
0xa7: {  	s28 =	simm.s32 $_size_execute0_lowered;
	s3 =	sadd.s32 s3, s5;
	[dreg:$0x0] =	wrdreg $0x0  }
0xa8: {  	s5 =	sshll.u32 s28, $0x1;
	[dreg:$0x2] =	wrdreg s3  }
0xa9: {  	[dreg:$0x3] =	wrdreg s5  }
0xaa: {  	[dreg:$0x4] =	wrdreg $0xC0  }
0xab: {  	_ =	task [dreg:s7], $0x5FFFF  }
0xac: {  	[dreg:$0x1] =	wrdreg $0xFFFFFFFF  }
0xad: {  	[dreg:$0x0] =	wrdreg $0x60  }
0xae: {  	[dreg:$0x2] =	wrdreg s24  }
0xaf: {  	[dreg:$0x3] =	wrdreg s2  }
0xb0: {  	[dreg:$0x4] =	wrdreg $0x158000  }
0xb1: {  	[dreg:$0x5] =	wrdreg $0x1E8000  }
0xb2: {  	[dreg:$0x6] =	wrdreg $0x9  }
0xb3: {  	_ =	task.clear_ibuf [dreg:s7], $0x7FFFF;
	_ =	strace $0x90000046  }
0xb4: {  	s29 =	simm.s32 $0x9;
	_ =	strace $0x80000048  }
0xb5: {  	_ =	swait.ge [sflag:s29], $0x1  }
0xb6: {  	[sflag:s29] =	ssyncadd.s32 $0xFFFFFFFF  }
0xb7: {  	_ =	strace $0x90000048  }
0xb8: {  	_ =	sfence  }
0xb9: {  	s30 =	sld [smem:$0x0];
	_ =	sdelay $0x2  }
0xba: {  	s31 =	sshll.u32 s1, $0xD;
	s1 =	sshrl.u32 s1, $0x2  }
0xbb: {  	s3 =	sand.u32 $0x4000, s31;
	s1 =	sadd.s32 s1, s30  }
0xbc: {  	s0 =	sor.u32 s3, s0;
	s1 =	sshll.u32 s1, $0x11  }
0xbd: {  	s0 =	sor.u32 s1, s0  }
0xbe: {  	s0 =	sadd.s32 $0x8F2B, s0  }
0xbf: {  	[sflag:s0] =	ssyncadd.remote.s32 $0x1  }
0xc0: {  	_ =	sfence.sel $0xFFFF  }
0xc1: {  	[dreg:$0x0] =	wrdreg $0xFFFFFFFF;
	(pc) =	sbr.abs _section_cstart, $3  }
0xc2: {  	[dreg:$0x1] =	wrdreg $0xFFFFFFFF  }
0xc3: {  	_ =	task.clear_ibuf [dreg:s7], $0x2FFFF;
	_ =	strace $0x9FFFFFFF  }
0xc4: {  	(tm) =	ssettm $0x7FFFFFFF  }
0xc5: {  	_ =	shalt  }
tec
execute0_lowered:
.L_overlay_start_1:
0x0: {  	(tag) =	ssettag $0x1  }
0x1: {  	s0 =	rddreg [dreg:$0x0]  }
0x2: {  	s1 =	rddreg [dreg:$0x1]  }
0x3: {  	s2 =	rddreg [dreg:$0x2]  }
0x4: {  	s3 =	rddreg [dreg:$0x3];
	s10 =	simm.s32 $0x0  }
0x5: {  	[smem:$0x7FF] =	sst s10;
	s4 =	sadd.s32 $0x3000, s0  }
0x6: {  	s11 =	sadd.s32 $0x9400, s0;
	_ =	strace $0x80000047;
	[dreg:$0x6] =	wrdreg s4  }
0x7: {  	s17 =	srdreg.scid;
	s12 =	sadd.s32 $0xF9E00, s0;
	[dreg:$0x7] =	wrdreg s11  }
0x8: {  	s28 =	simm.s32 $0x3480;
	s13 =	sadd.s32 $0xFA200, s0;
	[dreg:$0x8] =	wrdreg s12  }
0x9: {  	s29 =	simm.s32 $0xB800;
	s14 =	sadd.s32 $0x121400, s0;
	[dreg:$0x9] =	wrdreg s13  }
0xa: {  	s30 =	simm.s32 $0x3500;
	s15 =	sadd.s32 $0x148600, s0;
	[dreg:$0xa] =	wrdreg s14  }
0xb: {  	s31 =	simm.s32 $0xF800;
	s16 =	sadd.s32 $0x16F800, s0;
	[dreg:$0xb] =	wrdreg s15  }
0xc: {  	s7 =	sadd.s32 $0xF800, s0;
	s5 =	sadd.s32 $0x196A00, s0;
	[dreg:$0xc] =	wrdreg s16  }
0xd: {  	s6 =	sadd.s32 $0x1BDC00, s0;
	s19 =	sadd.s32 $0x1E4E00, s0;
	[dreg:$0xd] =	wrdreg s5  }
0xe: {  	s26 =	sadd.s32 $0x121200, s0;
	s11 =	stileid.u32;
	[dreg:$0xe] =	wrdreg s6  }
0xf: {  	s4 =	sand.u32 $0x1, s17;
	[dreg:$0xf] =	wrdreg s19;
	s12 =	sadd.s32 $0x16F600, s0  }
0x10: {  	[dreg:$0x17] =	wrdreg s26;
	s13 =	sadd.s32 $0x196800, s0;
	s15 =	sadd.s32 $0x1BDA00, s0  }
0x11: {  	s16 =	sadd.s32 $0x1E4C00, s0;
	s26 =	sadd.s32 $0x13800, s3;
	[dreg:$0x1a] =	wrdreg s12  }
0x12: {  	s18 =	smul.u32 $0x6000, s11;
	s20 =	ssub.s32 $0x2, s4;
	[dreg:$0x1b] =	wrdreg s13  }
0x13: {  	s9 =	sshll.u32 s11, $0x6;
	s25 =	smul.u32 $0x1800, s11;
	[dreg:$0x1d] =	wrdreg s15  }
0x14: {  	s4 =	smul.u32 $0x7, s4;
	[dreg:$0x1e] =	wrdreg s16;
	p0 =	sne.s32 s11, $0xF  }
0x15: {  	p1 =	slt.u32 s11, $0xD;
	s19 =	smul.u32 $0x30, s11;
	[smem:$0x7FD] =	sst s26  }
0x16: {  	p2 =	sne.s32 s11, $0xD;
	s26 =	simm.s32 $0x7800;
	[dreg:$0x16] =	wrdreg s4  }
0x17: {  	s8 =	sshrl.u32 s20, $0x1;
	s17 =	sor.u32 $0x1C05, s9;
	[smem:$0x7F6] =	sst s19  }
0x18: {  	s6 =	ssub.s32 s20, s8;
	s8 =	sadd.s32 $0x148400, s0;
	[dreg:$0x10] =	wrdreg s17  }
0x19: {  	s11 =	simm.s32 $0x5800;
	s9 =	sadd.s32 s25, s2;
	[dreg:$0x18] =	wrdreg s8  }
0x1a: {  	s12 =	simm.s32 $0x3;
	s14 =	sadd.s32 s25, s3;
	[dreg:$0x19] =	wrdreg s9  }
0x1b: {  	s13 =	simm.s32 $0x13800;
	s0 =	sadd.s32 $0x20BE00, s0;
	[dreg:$0x1c] =	wrdreg s14  }
0x1c: {  	s15 =	simm.s32 $0x3680;
	s20 =	sadd.s32 $0x13800, s2;
	[dreg:$0x1f] =	wrdreg s0  }
0x1d: {  	s5 =	sshrl.u32 s18, $0x2;
	s25 =	sadd.s32 $0x8B800, s2;
	[smem:$0x7F7] =	sst s20  }
0x1e: {  	s5 =	sadd.s32 s5, s2;
	s18 =	smax.u32 s6, $0x1;
	[smem:$0x7FC] =	sst s25  }
0x1f: {  	v3 =	vlaneseq.u32;
	s16 =	simm.s32 $0x3700;
	s21 =	sadd.s32 $0x18000, s5;
	[smem:$0x7F5] =	sst s18  }
0x20: {  	v0 =	vmul.u32 $0x80, v3;
	s4 =	simm.s32 $0x3800;
	s22 =	sadd.s32 $0x30000, s5;
	[dreg:$0x11] =	wrdreg s21  }
0x21: {  	v1 =	vimm.f32 $0.0e+00;
	v2 =	vimm.s32 $0x0;
	v4 =	vimm.s32 $0x2D8;
	s20 =	simm.s32 $0x1400;
	s23 =	sadd.s32 $0x48000, s5;
	[dreg:$0x12] =	wrdreg s22  }
0x22: {  	v3 =	vor.u32 $0xA50, v3;
	v5 =	vor.u32 $0x3, v0;
	v6 =	vor.u32 $0x1, v0;
	s25 =	simm.s32 $0x3400;
	s24 =	sadd.s32 $0x60000, s5;
	[dreg:$0x13] =	wrdreg s23  }
0x23: {  	v7 =	vor.u32 $0x4, v0;
	v8 =	vor.u32 $0x2, v0;
	v9 =	vor.u32 $0x5, v0;
	s0 =	simm.s32 $0x40;
	s5 =	sadd.s32 $0x78000, s5;
	[dreg:$0x14] =	wrdreg s24  }
0x24: {  	v10 =	vor.u32 $0x800, v0;
	v11 =	vor.u32 $0x803, v0;
	v12 =	vor.u32 $0x801, v0;
	s14 =	simm.s32 $0x3600;
	[dreg:$0x15] =	wrdreg s5;
	s21 =	sadd.s32 $0x2B800, s2  }
.Ltmp0:
0x25: {  	v13 =	vor.u32 $0x804, v0;
	v14 =	vor.u32 $0x802, v0;
	v15 =	vor.u32 $0x805, v0;
	s22 =	sadd.s32 $0x43800, s2;
	[smem:$0x7F8] =	sst s21;
	(pc) =	sbr.rel .LBB2_1-.Ltmp0, $4  }
0x26: {  	v16 =	vor.u32 $0x1000, v0;
	v17 =	vor.u32 $0x1003, v0;
	v18 =	vor.u32 $0x1001, v0;
	s9 =	simm.s32 $0x3380;
	s23 =	sadd.s32 $0x5B800, s2;
	[smem:$0x7F9] =	sst s22  }
0x27: {  	v19 =	vor.u32 $0x1004, v0;
	v20 =	vor.u32 $0x1002, v0;
	v21 =	vor.u32 $0x1005, v0;
	s8 =	simm.s32 $0x2;
	s24 =	sadd.s32 $0x73800, s2;
	[smem:$0x7FA] =	sst s23  }
0x28: {  	v22 =	vor.u32 $0x1800, v0;
	v23 =	vor.u32 $0x1803, v0;
	v24 =	vor.u32 $0x1801, v0;
	s18 =	simm.s32 $0x5;
	[smem:$0x7FB] =	sst s24;
	s21 =	simm.s32 $0x1E80  }
0x29: {  	v25 =	vor.u32 $0x1804, v0;
	v26 =	vor.u32 $0x1802, v0;
	v27 =	vor.u32 $0x1805, v0;
	s22 =	simm.s32 $0x2900;
	s23 =	simm.s32 $0x1;
	s24 =	simm.s32 $0x80  }
.LBB2_14:
0x2a: {  	s5 =	sld [smem:$0x7F5]  }
0x2b: {  	s10 =	rddreg [dreg:$0x5]  }
0x2c: {  	s10 =	sadd.s32 $0x1, s10  }
0x2d: {  	p3 =	sne.s32 s10, s5  }
.Ltmp1:
0x2e: {  	_ = 	snop;
	(pc) =	sbr.rel @!p3 .LBB2_15-.Ltmp1, $1  }
0x2f: {  	_ =	sdelay $0x3  }
.LBB2_1:
0x30: {  	[dreg:$0x5] =	wrdreg s10;
	s5 =	simm.s32 $0x0;
	s6 =	simm.s32 $0x200  }
.LBB2_2:
0x31: {  	p3 =	sne.s32 s6, $0x7E00;
	[tilespmem:s5+$0x13870] =	vst v1  }
0x32: {  	[tilespmem:s5+$0x13800] =	vst v1  }
0x33: {  	[tilespmem:s5+$0x13810] =	vst v1  }
.Ltmp2:
0x34: {  	[tilespmem:s5+$0x13820] =	vst v1;
	(pc) =	sbr.rel @p3 .LBB2_2-.Ltmp2, $4  }
0x35: {  	[tilespmem:s5+$0x13830] =	vst v1  }
0x36: {  	[tilespmem:s5+$0x13840] =	vst v1  }
0x37: {  	[tilespmem:s5+$0x13850] =	vst v1  }
0x38: {  	[tilespmem:s5+$0x13860] =	vst v1;
	s5 =	sshra.s32 s6, $0x2;
	s6 =	sadd.s32 $0x200, s6  }
0x39: {  	[tilespmem:s5+$0x13870] =	vst v1  }
0x3a: {  	[tilespmem:s5+$0x13800] =	vst v1  }
0x3b: {  	[tilespmem:s5+$0x13810] =	vst v1  }
.Ltmp3:
0x3c: {  	[tilespmem:s5+$0x13820] =	vst v1;
	(pc) =	sbr.rel .LBB2_4-.Ltmp3, $4  }
0x3d: {  	[tilespmem:s5+$0x13830] =	vst v1  }
0x3e: {  	[tilespmem:s5+$0x13840] =	vst v1  }
0x3f: {  	[tilespmem:s5+$0x13850] =	vst v1  }
0x40: {  	s10 =	simm.s32 $0x0;
	[tilespmem:s5+$0x13860] =	vst v1  }
.LBB2_11:
0x41: {  	s10 =	sld [smem:$0x7F2];
	_ =	sdelay $0x2  }
0x42: {  	p3 =	slt.u32 s10, $0xD  }
0x43: {  	p3 =	por !p0, !p3  }
0x44: {  	p3 =	por !p3, !p3  }
0x45: {  	p3 =	por p1, p3  }
.Ltmp4:
0x46: {  	_ = 	snop;
	(pc) =	sbr.rel @p3 .LBB2_12-.Ltmp4, $3  }
0x47: {  	_ =	sdelay $0x1  }
0x48: {  	[bflag:$0x0] =	sbarrier.arrive $0xFFFF  }
0x49: {  	s17 =	rddreg [dreg:$0x10]  }
.LBB2_13:
0x4a: {  	s5 =	sld [smem:$0x7F7]  }
0x4b: {  	p3 =	sne.s32 @!p2 s10, $0xD  }
0x4c: {  	p3 =	por p3, p2  }
0x4d: {  	s6 =	rddreg [dreg:$0x17];
	s5 =	sshrl.u32 @!p3 s5, $0x3  }
0x4e: {  	[hbm:s6], [sflag:s17] =	dma.local @!p3 [spmem:s5], $0x100  }
0x4f: {  	s5 =	simm.s32 @!p3 $0x5  }
0x50: {  	_ =	swait.ge @!p3 [sflag:s5], $0x100  }
0x51: {  	s6 =	sld [smem:$0x7F8];
	_ =	sdelay $0x1  }
0x52: {  	[sflag:s5] =	ssyncset.done @!p3 $0x0  }
0x53: {  	s10 =	rddreg [dreg:$0x18];
	[sflag:s5] =	ssyncadd.s32 @!p3 $0xFFFFFF00;
	s6 =	sshrl.u32 @!p3 s6, $0x3  }
0x54: {  	[hbm:s10], [sflag:s17] =	dma.local @!p3 [spmem:s6], $0x100  }
0x55: {  	_ =	swait.ge @!p3 [sflag:s5], $0x100  }
0x56: {  	s6 =	sld [smem:$0x7F9];
	_ =	sdelay $0x1  }
0x57: {  	[sflag:s5] =	ssyncset.done @!p3 $0x0  }
0x58: {  	s10 =	rddreg [dreg:$0x1a];
	[sflag:s5] =	ssyncadd.s32 @!p3 $0xFFFFFF00;
	s6 =	sshrl.u32 @!p3 s6, $0x3  }
0x59: {  	[hbm:s10], [sflag:s17] =	dma.local @!p3 [spmem:s6], $0x100  }
0x5a: {  	_ =	swait.ge @!p3 [sflag:s5], $0x100  }
0x5b: {  	s6 =	sld [smem:$0x7FA];
	_ =	sdelay $0x1  }
0x5c: {  	[sflag:s5] =	ssyncset.done @!p3 $0x0  }
0x5d: {  	s10 =	rddreg [dreg:$0x1b];
	[sflag:s5] =	ssyncadd.s32 @!p3 $0xFFFFFF00;
	s6 =	sshrl.u32 @!p3 s6, $0x3  }
0x5e: {  	[hbm:s10], [sflag:s17] =	dma.local @!p3 [spmem:s6], $0x100  }
0x5f: {  	_ =	swait.ge @!p3 [sflag:s5], $0x100  }
0x60: {  	s6 =	sld [smem:$0x7FB];
	_ =	sdelay $0x1  }
0x61: {  	[sflag:s5] =	ssyncset.done @!p3 $0x0  }
0x62: {  	s10 =	rddreg [dreg:$0x1d];
	[sflag:s5] =	ssyncadd.s32 @!p3 $0xFFFFFF00;
	s6 =	sshrl.u32 @!p3 s6, $0x3  }
0x63: {  	[hbm:s10], [sflag:s17] =	dma.local @!p3 [spmem:s6], $0x100  }
0x64: {  	_ =	swait.ge @!p3 [sflag:s5], $0x100  }
0x65: {  	s6 =	sld [smem:$0x7FC];
	_ =	sdelay $0x1  }
0x66: {  	[sflag:s5] =	ssyncset.done @!p3 $0x0  }
0x67: {  	s10 =	rddreg [dreg:$0x1e];
	[sflag:s5] =	ssyncadd.s32 @!p3 $0xFFFFFF00;
	s6 =	sshrl.u32 @!p3 s6, $0x3  }
0x68: {  	[hbm:s10], [sflag:s17] =	dma.local @!p3 [spmem:s6], $0x100  }
0x69: {  	_ =	swait.ge @!p3 [sflag:s5], $0x100  }
0x6a: {  	[sflag:s5] =	ssyncset.done @!p3 $0x0  }
0x6b: {  	[sflag:s5] =	ssyncadd.s32 @!p3 $0xFFFFFF00;
	s5 =	sld [smem:$0x7FD];
	_ =	sdelay $0x2  }
0x6c: {  	s6 =	simm.s32 @!p3 $0x1F44;
	s10 =	rddreg [dreg:$0x1f];
	s5 =	sshrl.u32 @!p3 s5, $0x3  }
0x6d: {  	[hbm:s10], [sflag:s6] =	dma.local @!p3 [spmem:s5], $0x100  }
0x6e: {  	s5 =	simm.s32 @!p3 $0x4  }
0x6f: {  	_ =	swait.ge @!p3 [sflag:s5], $0x100  }
0x70: {  	s19 =	sld [smem:$0x7F1];
	_ =	sdelay $0x2  }
0x71: {  	s10 =	sadd.s32 $0x1, s19  }
0x72: {  	p4 =	sne.s32 s10, $0x7  }
.Ltmp5:
0x73: {  	_ = 	snop;
	(pc) =	sbr.rel @!p4 .LBB2_14-.Ltmp5, $3  }
0x74: {  	_ =	sdelay $0x1  }
0x75: {  	[sflag:s5] =	ssyncset.done @!p3 $0x0  }
0x76: {  	[sflag:s5] =	ssyncadd.s32 @!p3 $0xFFFFFF00  }
.LBB2_4:
0x77: {  	s5 =	rddreg [dreg:$0x19]  }
0x78: {  	s6 =	sshrl.u32 s5, $0x3;
	s5 =	rddreg [dreg:$0x8]  }
0x79: {  	[smem:$0x7EB] =	sst s6  }
0x7a: {  	[spmem:s6], [sflag:s17] =	dma.local [hbm:s5], $0x300  }
0x7b: {  	_ =	swait.ge [sflag:s18], $0x300  }
0x7c: {  	s19 =	rddreg [dreg:$0x11]  }
0x7d: {  	[sflag:s18] =	ssyncset.done $0x0;
	s6 =	sshrl.u32 s19, $0x3  }
0x7e: {  	[sflag:s18] =	ssyncadd.s32 $0xFFFFFD00;
	[smem:$0x7EC] =	sst s6  }
0x7f: {  	[spmem:s6], [sflag:s17] =	dma.local [hbm:s5], $0x300  }
0x80: {  	_ =	swait.ge [sflag:s18], $0x300  }
0x81: {  	s19 =	rddreg [dreg:$0x12]  }
0x82: {  	[sflag:s18] =	ssyncset.done $0x0;
	s6 =	sshrl.u32 s19, $0x3  }
0x83: {  	[sflag:s18] =	ssyncadd.s32 $0xFFFFFD00;
	[smem:$0x7ED] =	sst s6  }
0x84: {  	[spmem:s6], [sflag:s17] =	dma.local [hbm:s5], $0x300  }
0x85: {  	_ =	swait.ge [sflag:s18], $0x300  }
0x86: {  	s19 =	rddreg [dreg:$0x13]  }
0x87: {  	[sflag:s18] =	ssyncset.done $0x0;
	s6 =	sshrl.u32 s19, $0x3  }
0x88: {  	[sflag:s18] =	ssyncadd.s32 $0xFFFFFD00;
	[smem:$0x7EE] =	sst s6  }
0x89: {  	[spmem:s6], [sflag:s17] =	dma.local [hbm:s5], $0x300  }
0x8a: {  	_ =	swait.ge [sflag:s18], $0x300  }
0x8b: {  	s19 =	rddreg [dreg:$0x14]  }
0x8c: {  	[sflag:s18] =	ssyncset.done $0x0;
	s6 =	sshrl.u32 s19, $0x3  }
0x8d: {  	[sflag:s18] =	ssyncadd.s32 $0xFFFFFD00;
	[smem:$0x7EF] =	sst s6  }
0x8e: {  	[spmem:s6], [sflag:s17] =	dma.local [hbm:s5], $0x300  }
0x8f: {  	_ =	swait.ge [sflag:s18], $0x300  }
0x90: {  	s19 =	rddreg [dreg:$0x15]  }
0x91: {  	[sflag:s18] =	ssyncset.done $0x0;
	s6 =	sshrl.u32 s19, $0x3  }
0x92: {  	[sflag:s18] =	ssyncadd.s32 $0xFFFFFD00;
	[smem:$0x7F0] =	sst s6  }
0x93: {  	[spmem:s6], [sflag:s17] =	dma.local [hbm:s5], $0x300  }
0x94: {  	_ =	swait.ge [sflag:s18], $0x300  }
0x95: {  	s19 =	rddreg [dreg:$0x16]  }
0x96: {  	[smem:$0x7F1] =	sst s10  }
0x97: {  	[sflag:s18] =	ssyncset.done $0x0;
	s6 =	sadd.s32 s19, s10;
	s19 =	rddreg [dreg:$0x1c]  }
0x98: {  	[smem:$0x7F2] =	sst s6;
	s10 =	smul.u32 $0x2D0, s6;
	s6 =	sshrl.u32 s19, $0x3  }
0x99: {  	[sflag:s18] =	ssyncadd.s32 $0xFFFFFD00;
	[smem:$0x7F3] =	sst s6  }
0x9a: {  	[spmem:s6], [sflag:s17] =	dma.local [hbm:s5], $0x300  }
.Ltmp6:
0x9b: {  	_ =	swait.ge [sflag:s18], $0x300;
	(pc) =	sbr.rel .LBB2_5-.Ltmp6, $4  }
0x9c: {  	[sflag:s18] =	ssyncset.done $0x0  }
0x9d: {  	s19 =	smin.u32 s10, $0x2440;
	[sflag:s18] =	ssyncadd.s32 $0xFFFFFD00  }
0x9e: {  	s5 =	sadd.s32 $0x2D0, s19;
	[bflag:$0x0] =	sbarrier.arrive $0xFFFF  }
0x9f: {  	v28 =	vmov s10;
	s17 =	simm.s32 $0x0;
	v29 =	vmov s5;
	[smem:$0x7F4] =	sst s10  }
.LBB2_10:
0xa0: {  	s17 =	sadd.s32 $0x1, s17  }
0xa1: {  	p3 =	sne.s32 s17, $0x5  }
.Ltmp7:
0xa2: {  	_ = 	snop;
	(pc) =	sbr.rel @!p3 .LBB2_11-.Ltmp7, $1  }
0xa3: {  	_ =	sdelay $0x3  }
.LBB2_5:
0xa4: {  	s5 =	sshll.u32 s17, $0x4;
	s6 =	stileid.u32  }
0xa5: {  	s5 =	sor.u32 s6, s5  }
0xa6: {  	s6 =	smul.u32 $0x140, s5  }
0xa7: {  	s10 =	rddreg [dreg:$0x6]  }
0xa8: {  	s5 =	simm.s32 $0x0;
	s10 =	sadd.s32 s10, s6  }
0xa9: {  	[tilespmem:s5], [sflag:$0x5] =	stream.linear.gather [hbm4b:s10+s5], $0xA00, $0x38;
	v63 =	vld [tilespmem:$0x0]  }
0xaa: {  	_ =	swait.ge [sflag:s18], $0xA00  }
0xab: {  	[sflag:s18] =	ssyncset.done $0x0;
	s19 =	rddreg [dreg:$0x7]  }
0xac: {  	[sflag:s18] =	ssyncadd.s32 $0xFFFFF600;
	s6 =	sadd.s32 s19, s6;
	s19 =	simm.s32 $0xA00  }
0xad: {  	[tilespmem:s19], [sflag:$0x5] =	stream.linear.gather [hbm4b:s6+s5], $0xA00, $0x38;
	v63 =	vld [tilespmem:$0x0]  }
0xae: {  	_ =	swait.ge [sflag:s18], $0xA00  }
0xaf: {  	[sflag:s18] =	ssyncset.done $0x0  }
0xb0: {  	s19 =	simm.s32 $0x0;
	[sflag:s18] =	ssyncadd.s32 $0xFFFFF600  }
0xb1: {  	v30 =	vld [tilespmem:s19+$0xA00];
	_ =	sdelay $0x4  }
0xb2: {  	vm0 =	vge.s32 v30, v28;
	vm1 =	vlt.s32 v30, v29  }
0xb3: {  	vm0 =	vmand vm0, vm1  }
0xb4: {  	v31 =	vsel vm0, $0x1, v2  }
0xb5: {  	(xrf0) =	vadd.scan.msk.s32 $0xffff, v31;
	_ =	sdelay $0x4  }
0xb6: {  	v31 =	vsel vm0, $0xFFFFFFFF, v2  }
0xb7: {  	v31 =	vadd.s32 s5, v31;
	v32, _, _ =	vpop (xrf0)  }
0xb8: {  	v31 =	vadd.s32 v32, v31;
	v32 =	vxor.u32 $0x80000000, v32  }
0xb9: {  	v33 =	vld [tilespmem:s19+$0x0];
	v31 =	vsel vm0, v31, v3;
	(xrf0) =	vmax.scan.msk.u32 $0xffff, v32;
	_ =	sdelay $0x4  }
0xba: {  	[tilespmem:v31+s20+$0x0] =	vst.idx.msk $0xffff, v33  }
0xbb: {  	v62 =	vsub.s32 v30, v28;
	[tilespmem:v31+s21+$0x0] =	vst.idx.msk $0xffff, v30;
	v30, _, _ =	vpop (xrf0)  }
0xbc: {  	(v2sf) =	vpush v30, $0xF  }
0xbd: {  	s10 =	simm.s32 $0x10;
	[tilespmem:v31+s22+$0x0] =	vst.idx.msk $0xffff, v62  }
0xbe: {  	s6 =	simm.s32 $0x80;
	v30 =	vld [tilespmem:s10+$0x0]  }
.LBB2_6:
0xbf: {  	p3 =	seq.s32 s6, $0x27C0;
	v31 =	vld [tilespmem:s10+$0xA00];
	_ =	sdelay $0x4  }
0xc0: {  	vm0 =	vge.s32 v31, v28;
	vm1 =	vlt.s32 v31, v29;
	v32 =	vsub.s32 v31, v28  }
0xc1: {  	vm0 =	vmand vm0, vm1  }
0xc2: {  	v33 =	vsel vm0, $0xFFFFFFFF, v2;
	v34 =	vsel vm0, $0x1, v2  }
0xc3: {  	(xrf0) =	vadd.scan.msk.s32 $0xffff, v34;
	_ =	sdelay $0x3  }
0xc4: {  	s10 =	spop (v2sf)  }
0xc5: {  	s5 =	sadd.s32 s10, s5  }
0xc6: {  	v34, _, _ =	vpop (xrf0);
	s5 =	sadd.s32 $0x80000000, s5  }
0xc7: {  	v33 =	vadd.s32 s5, v33;
	v35 =	vxor.u32 $0x80000000, v34  }
0xc8: {  	v33 =	vadd.s32 v34, v33;
	(xrf0) =	vmax.scan.msk.u32 $0xffff, v35  }
0xc9: {  	v33 =	vsel vm0, v33, v3;
	_ =	sdelay $0x3  }
.Ltmp8:
0xca: {  	(pc) =	sbr.rel @!p3 .LBB2_6-.Ltmp8, $4  }
0xcb: {  	[tilespmem:v33+s20+$0x0] =	vst.idx.msk $0xffff, v30;
	v30, _, _ =	vpop (xrf0)  }
0xcc: {  	[tilespmem:v33+s21+$0x0] =	vst.idx.msk $0xffff, v31;
	(v2sf) =	vpush v30, $0xF  }
0xcd: {  	s10 =	sshra.s32 s6, $0x2;
	[tilespmem:v33+s22+$0x0] =	vst.idx.msk $0xffff, v32  }
0xce: {  	s6 =	sadd.s32 $0x40, s6;
	v30 =	vld [tilespmem:s10+$0x0]  }
0xcf: {  	v31 =	vld [tilespmem:s10+$0xA00];
	_ =	sdelay $0x4  }
0xd0: {  	vm0 =	vge.s32 v31, v28;
	vm1 =	vlt.s32 v31, v29  }
0xd1: {  	vm0 =	vmand vm0, vm1  }
0xd2: {  	v32 =	vsel vm0, $0x1, v2  }
0xd3: {  	(xrf0) =	vadd.scan.msk.s32 $0xffff, v32;
	_ =	sdelay $0x5  }
0xd4: {  	v32, _, _ =	vpop (xrf0)  }
0xd5: {  	v33 =	vxor.u32 $0x80000000, v32  }
0xd6: {  	(xrf0) =	vmax.scan.msk.u32 $0xffff, v33;
	_ =	sdelay $0x5  }
0xd7: {  	v33, _, _ =	vpop (xrf0)  }
0xd8: {  	(v2sf) =	vpush v33, $0xF;
	_ =	sdelay $0x4  }
0xd9: {  	s6 =	spop (v2sf)  }
0xda: {  	s5 =	sadd.s32 s6, s5  }
0xdb: {  	v62 =	vsel vm0, $0xFFFFFFFF, v2;
	s5 =	sadd.s32 $0x80000000, s5  }
0xdc: {  	v33 =	vadd.s32 s5, v62  }
0xdd: {  	v32 =	vadd.s32 v32, v33  }
0xde: {  	v32 =	vsel vm0, v32, v3;
	_ =	sdelay $0x4  }
0xdf: {  	[tilespmem:v32+s20+$0x0] =	vst.idx.msk $0xffff, v30;
	s10 =	spop (v2sf)  }
0xe0: {  	v30 =	vsub.s32 v31, v28;
	[tilespmem:v32+s21+$0x0] =	vst.idx.msk $0xffff, v31;
	s5 =	sadd.s32 s10, s5  }
0xe1: {  	[tilespmem:v32+s22+$0x0] =	vst.idx.msk $0xffff, v30;
	s5 =	sadd.s32 $0x80000000, s5  }
0xe2: {  	[tilespmem:s5+$0x1400] =	vst v2  }
0xe3: {  	[tilespmem:s5+$0x1E80] =	vst v2  }
0xe4: {  	[tilespmem:s5+$0x2900] =	vst v4;
	s6 =	sadd.s32 $0x3F, s5  }
0xe5: {  	[tilespmem:s5+$0x1410] =	vst v2;
	s19 =	sand.u32 $0x3F, s6  }
0xe6: {  	[tilespmem:s5+$0x1E90] =	vst v2;
	p4 =	slt.s32 s6, $0x1;
	p3 =	sne.s32 s19, $0x0;
	s19 =	sshra.s32 s6, $0x1F  }
0xe7: {  	[tilespmem:s5+$0x2910] =	vst v4;
	s10 =	sshrl.u32 s19, $0x1A;
	p3 =	por !p4, !p3  }
0xe8: {  	[tilespmem:s5+$0x1420] =	vst v2;
	s6 =	sadd.s32 s10, s6;
	p3 =	por !p3, !p3;
	s10 =	simm.s32 $0x1  }
0xe9: {  	[tilespmem:s5+$0x1EA0] =	vst v2;
	s6 =	sshra.s32 s6, $0x6;
	s10 =	simm.s32 @!p3 $0x0  }
0xea: {  	[tilespmem:s5+$0x2920] =	vst v4;
	s10 =	ssub.s32 s6, s10  }
0xeb: {  	[tilespmem:s5+$0x1430] =	vst v2;
	p3 =	sgt.s32 s10, $0x0  }
.Ltmp9:
0xec: {  	[tilespmem:s5+$0x1EB0] =	vst v2;
	(pc) =	sbr.rel @!p3 .LBB2_10-.Ltmp9, $4  }
0xed: {  	[tilespmem:s5+$0x2930] =	vst v4  }
0xee: {  	[tilespmem:s5+$0x1440] =	vst v2  }
0xef: {  	[tilespmem:s5+$0x1EC0] =	vst v2  }
0xf0: {  	[tilespmem:s5+$0x2940] =	vst v4  }
0xf1: {  	s19 =	simm.s32 $0x1E80;
	s5 =	simm.s32 $0x1400;
	s6 =	simm.s32 $0x2920  }
.LBB2_9:
0xf2: {  	v30 =	vld [tilespmem:s6+$0xFFFFFFE0]  }
0xf3: {  	v31 =	vld [tilespmem:s5+$0x0];
	_ =	sdelay $0x3  }
0xf4: {  	[tilespmem:$0x3380] =	vst v30  }
0xf5: {  	[tilespmem:$0x3400] =	vst v31  }
0xf6: {  	[tilespmem:$0x3600] =	vst v30;
	v32 =	vadd.s32 $0x2710, v31  }
0xf7: {  	v59 =	vadd.s32 $0x300, v30;
	[tilespmem:$0x3440] =	vst v32  }
0xf8: {  	v60 =	vadd.s32 $0x4E20, v31;
	[tilespmem:$0x3640] =	vst v59  }
0xf9: {  	v61 =	vadd.s32 $0x600, v30;
	[tilespmem:$0x3480] =	vst v60  }
0xfa: {  	v62 =	vadd.s32 $0x7530, v31;
	[tilespmem:$0x3680] =	vst v61  }
0xfb: {  	v36 =	vadd.s32 $0x900, v30;
	[tilespmem:$0x34C0] =	vst v62  }
0xfc: {  	v37 =	vadd.s32 $0x9C40, v31;
	[tilespmem:$0x36C0] =	vst v36  }
0xfd: {  	v38 =	vadd.s32 $0xC00, v30;
	[tilespmem:$0x3500] =	vst v37  }
0xfe: {  	v31 =	vadd.s32 $0xC350, v31;
	[tilespmem:$0x3700] =	vst v38  }
0xff: {  	v30 =	vadd.s32 $0xF00, v30;
	[tilespmem:$0x3540] =	vst v31  }
0x100: {  	[tilespmem:$0x3740] =	vst v30  }
0x101: {  	v30 =	vld [tilespmem:s6+$0xFFFFFFF0]  }
0x102: {  	v31 =	vld [tilespmem:s5+$0x10];
	_ =	sdelay $0x3  }
0x103: {  	[tilespmem:$0x3390] =	vst v30  }
0x104: {  	[tilespmem:$0x3410] =	vst v31  }
0x105: {  	[tilespmem:$0x3610] =	vst v30;
	v39 =	vadd.s32 $0x2710, v31  }
0x106: {  	v40 =	vadd.s32 $0x300, v30;
	[tilespmem:$0x3450] =	vst v39  }
0x107: {  	v41 =	vadd.s32 $0x4E20, v31;
	[tilespmem:$0x3650] =	vst v40  }
0x108: {  	v42 =	vadd.s32 $0x600, v30;
	[tilespmem:$0x3490] =	vst v41  }
0x109: {  	v43 =	vadd.s32 $0x7530, v31;
	[tilespmem:$0x3690] =	vst v42  }
0x10a: {  	v44 =	vadd.s32 $0x900, v30;
	[tilespmem:$0x34D0] =	vst v43  }
0x10b: {  	v45 =	vadd.s32 $0x9C40, v31;
	[tilespmem:$0x36D0] =	vst v44  }
0x10c: {  	v46 =	vadd.s32 $0xC00, v30;
	[tilespmem:$0x3510] =	vst v45  }
0x10d: {  	v31 =	vadd.s32 $0xC350, v31;
	[tilespmem:$0x3710] =	vst v46  }
0x10e: {  	v30 =	vadd.s32 $0xF00, v30;
	[tilespmem:$0x3550] =	vst v31  }
0x10f: {  	[tilespmem:$0x3750] =	vst v30  }
0x110: {  	v30 =	vld [tilespmem:s6+$0x0]  }
0x111: {  	v31 =	vld [tilespmem:s5+$0x20];
	_ =	sdelay $0x3  }
0x112: {  	[tilespmem:$0x33A0] =	vst v30  }
0x113: {  	[tilespmem:$0x3420] =	vst v31  }
0x114: {  	[tilespmem:$0x3620] =	vst v30;
	v47 =	vadd.s32 $0x2710, v31  }
0x115: {  	v48 =	vadd.s32 $0x300, v30;
	[tilespmem:$0x3460] =	vst v47  }
0x116: {  	v49 =	vadd.s32 $0x4E20, v31;
	[tilespmem:$0x3660] =	vst v48  }
0x117: {  	v50 =	vadd.s32 $0x600, v30;
	[tilespmem:$0x34A0] =	vst v49  }
0x118: {  	v51 =	vadd.s32 $0x7530, v31;
	[tilespmem:$0x36A0] =	vst v50  }
0x119: {  	v52 =	vadd.s32 $0x900, v30;
	[tilespmem:$0x34E0] =	vst v51  }
0x11a: {  	v53 =	vadd.s32 $0x9C40, v31;
	[tilespmem:$0x36E0] =	vst v52  }
0x11b: {  	v54 =	vadd.s32 $0xC00, v30;
	[tilespmem:$0x3520] =	vst v53  }
0x11c: {  	v31 =	vadd.s32 $0xC350, v31;
	[tilespmem:$0x3720] =	vst v54  }
0x11d: {  	v30 =	vadd.s32 $0xF00, v30;
	[tilespmem:$0x3560] =	vst v31  }
0x11e: {  	[tilespmem:$0x3760] =	vst v30  }
0x11f: {  	v30 =	vld [tilespmem:s6+$0x10]  }
0x120: {  	v31 =	vld [tilespmem:s5+$0x30];
	_ =	sdelay $0x3  }
0x121: {  	[tilespmem:$0x33B0] =	vst v30  }
0x122: {  	[tilespmem:$0x3430] =	vst v31  }
0x123: {  	[tilespmem:$0x3630] =	vst v30;
	v55 =	vadd.s32 $0x2710, v31  }
0x124: {  	v56 =	vadd.s32 $0x300, v30;
	[tilespmem:$0x3470] =	vst v55  }
0x125: {  	v57 =	vadd.s32 $0x4E20, v31;
	[tilespmem:$0x3670] =	vst v56  }
0x126: {  	v58 =	vadd.s32 $0x600, v30;
	[tilespmem:$0x34B0] =	vst v57  }
0x127: {  	v59 =	vadd.s32 $0x7530, v31;
	[tilespmem:$0x36B0] =	vst v58  }
0x128: {  	v60 =	vadd.s32 $0x900, v30;
	[tilespmem:$0x34F0] =	vst v59  }
0x129: {  	v61 =	vadd.s32 $0x9C40, v31;
	[tilespmem:$0x36F0] =	vst v60  }
0x12a: {  	v62 =	vadd.s32 $0xC00, v30;
	[tilespmem:$0x3530] =	vst v61  }
0x12b: {  	v31 =	vadd.s32 $0xC350, v31;
	[tilespmem:$0x3730] =	vst v62  }
0x12c: {  	v30 =	vadd.s32 $0xF00, v30;
	[tilespmem:$0x3570] =	vst v31  }
0x12d: {  	[tilespmem:$0x3770] =	vst v30  }
0x12e: {  	[tilespmem:s26], [sflag:$0x1] =	stream.indirect.gather [hbm4b:s7+s24], $0x80, s25, s24, $0xb8;
	v63 =	vld [tilespmem:$0x0]  }
0x12f: {  	_ = 	snop  }
0x130: {  	[tilespmem:s29], [sflag:$0x1] =	stream.indirect.gather [hbm4b:s7+s24], $0x80, s28, s24, $0xb8;
	v63 =	vld [tilespmem:$0x0]  }
0x131: {  	_ = 	snop  }
0x132: {  	[tilespmem:s31], [sflag:$0x1] =	stream.indirect.gather [hbm4b:s7+s24], $0x80, s30, s24, $0xb8;
	v63 =	vld [tilespmem:$0x0]  }
0x133: {  	_ = 	snop  }
0x134: {  	[tilespmem:s4], [sflag:$0x3] =	stream.indirect.gather [hbm4b:s1+s0], $0x80, s5, s0, $0xb8;
	v63 =	vld [tilespmem:$0x0]  }
0x135: {  	_ = 	snop  }
0x136: {  	[tilespmem:s11], [sflag:$0x3] =	stream.indirect.gather [hbm4b:s1+s0], $0x80, s19, s0, $0xb8;
	v63 =	vld [tilespmem:$0x0]  }
0x137: {  	_ =	swait.ge [sflag:s12], $0x2000  }
0x138: {  	[sflag:s12] =	ssyncset.done $0x0  }
0x139: {  	[sflag:s12] =	ssyncadd.s32 $0xFFFFE000  }
0x13a: {  	_ =	swait.ge [sflag:s12], $0x2000  }
0x13b: {  	[sflag:s12] =	ssyncset.done $0x0  }
0x13c: {  	[sflag:s12] =	ssyncadd.s32 $0xFFFFE000  }
0x13d: {  	v30 =	vld.idx.msk [tilespmem:v0+s4+$0x0], $0xffff  }
0x13e: {  	v31 =	vld.idx.msk [tilespmem:v5+s11+$0x0], $0xffff;
	_ =	sdelay $0x4  }
0x13f: {  	v30 =	vadd.f32 v31, v30;
	_ =	sdelay $0x1  }
0x140: {  	v31 =	vmul.f32 $2.000000030e-01, v30  }
0x141: {  	vm0 =	vge.f32 v30, $0.0e+00  }
0x142: {  	v30 =	vsel vm0, v30, v31  }
0x143: {  	v30 =	vmul.f32 $1.442695020e+00, v30;
	_ =	sdelay $0x1  }
0x144: {  	(erf) = vpow2.f32 v30;
	_ =	sdelay $0x8  }
0x145: {  	v30 =	vpop (erf)  }
0x146: {  	[tilespmem:v0+s13+$0x0] =	vst.idx.msk $0xffff, v30  }
0x147: {  	v30 =	vld.idx.msk [tilespmem:v6+s4+$0x0], $0xffff  }
0x148: {  	v31 =	vld.idx.msk [tilespmem:v7+s11+$0x0], $0xffff;
	_ =	sdelay $0x4  }
0x149: {  	v30 =	vadd.f32 v31, v30;
	_ =	sdelay $0x1  }
0x14a: {  	v31 =	vmul.f32 $2.000000030e-01, v30  }
0x14b: {  	vm5 =	vge.f32 v30, $0.0e+00  }
0x14c: {  	v30 =	vsel vm5, v30, v31  }
0x14d: {  	v30 =	vmul.f32 $1.442695020e+00, v30;
	_ =	sdelay $0x1  }
0x14e: {  	(erf) = vpow2.f32 v30;
	_ =	sdelay $0x8  }
0x14f: {  	v30 =	vpop (erf)  }
0x150: {  	[tilespmem:v6+s13+$0x0] =	vst.idx.msk $0xffff, v30  }
0x151: {  	v30 =	vld.idx.msk [tilespmem:v8+s4+$0x0], $0xffff  }
0x152: {  	v31 =	vld.idx.msk [tilespmem:v9+s11+$0x0], $0xffff;
	_ =	sdelay $0x4  }
0x153: {  	v30 =	vadd.f32 v31, v30;
	_ =	sdelay $0x1  }
0x154: {  	v31 =	vmul.f32 $2.000000030e-01, v30  }
0x155: {  	vm6 =	vge.f32 v30, $0.0e+00  }
0x156: {  	v30 =	vsel vm6, v30, v31  }
0x157: {  	v30 =	vmul.f32 $1.442695020e+00, v30;
	_ =	sdelay $0x1  }
0x158: {  	(erf) = vpow2.f32 v30;
	_ =	sdelay $0x8  }
0x159: {  	v30 =	vpop (erf)  }
0x15a: {  	[tilespmem:v8+s13+$0x0] =	vst.idx.msk $0xffff, v30  }
0x15b: {  	v30 =	vld.idx.msk [tilespmem:v10+s4+$0x0], $0xffff  }
0x15c: {  	v31 =	vld.idx.msk [tilespmem:v11+s11+$0x0], $0xffff;
	_ =	sdelay $0x4  }
0x15d: {  	v30 =	vadd.f32 v31, v30;
	_ =	sdelay $0x1  }
0x15e: {  	v31 =	vmul.f32 $2.000000030e-01, v30  }
0x15f: {  	vm7 =	vge.f32 v30, $0.0e+00  }
0x160: {  	v30 =	vsel vm7, v30, v31  }
0x161: {  	v30 =	vmul.f32 $1.442695020e+00, v30;
	_ =	sdelay $0x1  }
0x162: {  	(erf) = vpow2.f32 v30;
	_ =	sdelay $0x8  }
0x163: {  	v30 =	vpop (erf)  }
0x164: {  	[tilespmem:v10+s13+$0x0] =	vst.idx.msk $0xffff, v30  }
0x165: {  	v30 =	vld.idx.msk [tilespmem:v12+s4+$0x0], $0xffff  }
0x166: {  	v31 =	vld.idx.msk [tilespmem:v13+s11+$0x0], $0xffff;
	_ =	sdelay $0x4  }
0x167: {  	v30 =	vadd.f32 v31, v30;
	_ =	sdelay $0x1  }
0x168: {  	v31 =	vmul.f32 $2.000000030e-01, v30  }
0x169: {  	vm8 =	vge.f32 v30, $0.0e+00  }
0x16a: {  	v30 =	vsel vm8, v30, v31  }
0x16b: {  	v30 =	vmul.f32 $1.442695020e+00, v30;
	_ =	sdelay $0x1  }
0x16c: {  	(erf) = vpow2.f32 v30;
	_ =	sdelay $0x8  }
0x16d: {  	v30 =	vpop (erf)  }
0x16e: {  	[tilespmem:v12+s13+$0x0] =	vst.idx.msk $0xffff, v30  }
0x16f: {  	v30 =	vld.idx.msk [tilespmem:v14+s4+$0x0], $0xffff  }
0x170: {  	v31 =	vld.idx.msk [tilespmem:v15+s11+$0x0], $0xffff;
	_ =	sdelay $0x4  }
0x171: {  	v30 =	vadd.f32 v31, v30;
	_ =	sdelay $0x1  }
0x172: {  	v31 =	vmul.f32 $2.000000030e-01, v30  }
0x173: {  	vm9 =	vge.f32 v30, $0.0e+00  }
0x174: {  	v30 =	vsel vm9, v30, v31  }
0x175: {  	v30 =	vmul.f32 $1.442695020e+00, v30;
	_ =	sdelay $0x1  }
0x176: {  	(erf) = vpow2.f32 v30;
	_ =	sdelay $0x8  }
0x177: {  	v30 =	vpop (erf)  }
0x178: {  	[tilespmem:v14+s13+$0x0] =	vst.idx.msk $0xffff, v30  }
0x179: {  	v30 =	vld.idx.msk [tilespmem:v16+s4+$0x0], $0xffff  }
0x17a: {  	v31 =	vld.idx.msk [tilespmem:v17+s11+$0x0], $0xffff;
	_ =	sdelay $0x4  }
0x17b: {  	v30 =	vadd.f32 v31, v30;
	_ =	sdelay $0x1  }
0x17c: {  	v31 =	vmul.f32 $2.000000030e-01, v30  }
0x17d: {  	vm10 =	vge.f32 v30, $0.0e+00  }
0x17e: {  	v30 =	vsel vm10, v30, v31  }
0x17f: {  	v30 =	vmul.f32 $1.442695020e+00, v30;
	_ =	sdelay $0x1  }
0x180: {  	(erf) = vpow2.f32 v30;
	_ =	sdelay $0x8  }
0x181: {  	v30 =	vpop (erf)  }
0x182: {  	[tilespmem:v16+s13+$0x0] =	vst.idx.msk $0xffff, v30  }
0x183: {  	v30 =	vld.idx.msk [tilespmem:v18+s4+$0x0], $0xffff  }
0x184: {  	v31 =	vld.idx.msk [tilespmem:v19+s11+$0x0], $0xffff;
	_ =	sdelay $0x4  }
0x185: {  	v30 =	vadd.f32 v31, v30;
	_ =	sdelay $0x1  }
0x186: {  	v31 =	vmul.f32 $2.000000030e-01, v30  }
0x187: {  	vm11 =	vge.f32 v30, $0.0e+00  }
0x188: {  	v30 =	vsel vm11, v30, v31  }
0x189: {  	v30 =	vmul.f32 $1.442695020e+00, v30;
	_ =	sdelay $0x1  }
0x18a: {  	(erf) = vpow2.f32 v30;
	_ =	sdelay $0x8  }
0x18b: {  	v30 =	vpop (erf)  }
0x18c: {  	[tilespmem:v18+s13+$0x0] =	vst.idx.msk $0xffff, v30  }
0x18d: {  	v30 =	vld.idx.msk [tilespmem:v20+s4+$0x0], $0xffff  }
0x18e: {  	v31 =	vld.idx.msk [tilespmem:v21+s11+$0x0], $0xffff;
	_ =	sdelay $0x4  }
0x18f: {  	v30 =	vadd.f32 v31, v30;
	_ =	sdelay $0x1  }
0x190: {  	v31 =	vmul.f32 $2.000000030e-01, v30  }
0x191: {  	vm12 =	vge.f32 v30, $0.0e+00  }
0x192: {  	v30 =	vsel vm12, v30, v31  }
0x193: {  	v30 =	vmul.f32 $1.442695020e+00, v30;
	_ =	sdelay $0x1  }
0x194: {  	(erf) = vpow2.f32 v30;
	_ =	sdelay $0x8  }
0x195: {  	v30 =	vpop (erf)  }
0x196: {  	[tilespmem:v20+s13+$0x0] =	vst.idx.msk $0xffff, v30  }
0x197: {  	v30 =	vld.idx.msk [tilespmem:v22+s4+$0x0], $0xffff  }
0x198: {  	v31 =	vld.idx.msk [tilespmem:v23+s11+$0x0], $0xffff;
	_ =	sdelay $0x4  }
0x199: {  	v30 =	vadd.f32 v31, v30;
	_ =	sdelay $0x1  }
0x19a: {  	v31 =	vmul.f32 $2.000000030e-01, v30  }
0x19b: {  	vm13 =	vge.f32 v30, $0.0e+00  }
0x19c: {  	v30 =	vsel vm13, v30, v31  }
0x19d: {  	v30 =	vmul.f32 $1.442695020e+00, v30;
	_ =	sdelay $0x1  }
0x19e: {  	(erf) = vpow2.f32 v30;
	_ =	sdelay $0x8  }
0x19f: {  	v30 =	vpop (erf)  }
0x1a0: {  	[tilespmem:v22+s13+$0x0] =	vst.idx.msk $0xffff, v30  }
0x1a1: {  	v30 =	vld.idx.msk [tilespmem:v24+s4+$0x0], $0xffff  }
0x1a2: {  	v31 =	vld.idx.msk [tilespmem:v25+s11+$0x0], $0xffff;
	_ =	sdelay $0x4  }
0x1a3: {  	v30 =	vadd.f32 v31, v30;
	_ =	sdelay $0x1  }
0x1a4: {  	v31 =	vmul.f32 $2.000000030e-01, v30  }
0x1a5: {  	vm14 =	vge.f32 v30, $0.0e+00  }
0x1a6: {  	v30 =	vsel vm14, v30, v31  }
0x1a7: {  	v30 =	vmul.f32 $1.442695020e+00, v30;
	_ =	sdelay $0x1  }
0x1a8: {  	(erf) = vpow2.f32 v30;
	_ =	sdelay $0x8  }
0x1a9: {  	v30 =	vpop (erf)  }
0x1aa: {  	[tilespmem:v24+s13+$0x0] =	vst.idx.msk $0xffff, v30  }
0x1ab: {  	v30 =	vld.idx.msk [tilespmem:v26+s4+$0x0], $0xffff  }
0x1ac: {  	v31 =	vld.idx.msk [tilespmem:v27+s11+$0x0], $0xffff;
	_ =	sdelay $0x4  }
0x1ad: {  	v30 =	vadd.f32 v31, v30;
	_ =	sdelay $0x1  }
0x1ae: {  	v31 =	vmul.f32 $2.000000030e-01, v30  }
0x1af: {  	vm15 =	vge.f32 v30, $0.0e+00  }
0x1b0: {  	v30 =	vsel vm15, v30, v31  }
0x1b1: {  	v30 =	vmul.f32 $1.442695020e+00, v30;
	_ =	sdelay $0x1  }
0x1b2: {  	(erf) = vpow2.f32 v30;
	_ =	sdelay $0x8  }
0x1b3: {  	v30 =	vpop (erf)  }
0x1b4: {  	[tilespmem:v26+s13+$0x0] =	vst.idx.msk $0xffff, v30  }
0x1b5: {  	_ =	swait.ge [sflag:s23], $0x4000  }
0x1b6: {  	[sflag:s23] =	ssyncset.done $0x0  }
0x1b7: {  	[sflag:s23] =	ssyncadd.s32 $0xFFFFC000  }
0x1b8: {  	_ =	swait.ge [sflag:s23], $0x4000  }
0x1b9: {  	[sflag:s23] =	ssyncset.done $0x0  }
0x1ba: {  	[sflag:s23] =	ssyncadd.s32 $0xFFFFC000  }
0x1bb: {  	_ =	swait.ge [sflag:s23], $0x4000  }
0x1bc: {  	[sflag:s23] =	ssyncset.done $0x0  }
0x1bd: {  	[sflag:s23] =	ssyncadd.s32 $0xFFFFC000  }
0x1be: {  	[spmem:s2] =	stream.indirect.scatter.add.f32 [tilespmem:s26], [sflag:$0x2], $0x80, s14, s24, $0xb8;
	v63 =	vld [tilespmem:$0x0]  }
0x1bf: {  	_ = 	snop  }
0x1c0: {  	[spmem:s2] =	stream.indirect.scatter.add.f32 [tilespmem:s29], [sflag:$0x2], $0x80, s15, s24, $0xb8;
	v63 =	vld [tilespmem:$0x0]  }
0x1c1: {  	_ = 	snop  }
0x1c2: {  	[spmem:s2] =	stream.indirect.scatter.add.f32 [tilespmem:s31], [sflag:$0x2], $0x80, s16, s24, $0xb8;
	v63 =	vld [tilespmem:$0x0]  }
0x1c3: {  	_ = 	snop  }
0x1c4: {  	[spmem:s3] =	stream.indirect.scatter.add.f32 [tilespmem:s13], [sflag:$0x2], $0x80, s9, s0, $0xb8;
	v63 =	vld [tilespmem:$0x0]  }
0x1c5: {  	_ =	swait.ge [sflag:s8], $0x4000  }
0x1c6: {  	[sflag:s8] =	ssyncset.done $0x0  }
0x1c7: {  	[sflag:s8] =	ssyncadd.s32 $0xFFFFC000  }
0x1c8: {  	_ =	swait.ge [sflag:s8], $0x4000  }
0x1c9: {  	[sflag:s8] =	ssyncset.done $0x0  }
0x1ca: {  	[sflag:s8] =	ssyncadd.s32 $0xFFFFC000  }
0x1cb: {  	p3 =	sne.s32 s10, $0x1;
	_ =	swait.ge [sflag:s8], $0x4000  }
.Ltmp10:
0x1cc: {  	[sflag:s8] =	ssyncset.done $0x0;
	(pc) =	sbr.rel @p3 .LBB2_9-.Ltmp10, $4  }
0x1cd: {  	[sflag:s8] =	ssyncadd.s32 $0xFFFFC000  }
0x1ce: {  	_ =	swait.ge [sflag:s8], $0x2000  }
0x1cf: {  	s10 =	sadd.s32 $0xFFFFFFFF, s10;
	s6 =	sadd.s32 $0x40, s6;
	[sflag:s8] =	ssyncset.done $0x0  }
0x1d0: {  	s5 =	sadd.s32 $0x40, s5;
	s19 =	sadd.s32 $0x40, s19;
	[sflag:s8] =	ssyncadd.s32 $0xFFFFE000  }
.Ltmp11:
0x1d1: {  	_ = 	snop;
	(pc) =	sbr.rel .LBB2_10-.Ltmp11, $1  }
0x1d2: {  	_ =	sdelay $0x3  }
.LBB2_12:
0x1d3: {  	s5 =	sld [smem:$0x7F6]  }
0x1d4: {  	s6 =	sld [smem:$0x7F4];
	_ =	sdelay $0x2  }
0x1d5: {  	s5 =	sadd.s32 s5, s6  }
0x1d6: {  	s19 =	rddreg [dreg:$0x9];
	s5 =	sshll.u32 s5, $0x4  }
0x1d7: {  	s6 =	sadd.s32 s19, s5;
	s19 =	sld [smem:$0x7EB];
	_ =	sdelay $0x2  }
0x1d8: {  	[hbm:s6], [sflag:s17] =	dma.local [spmem:s19], $0x300  }
0x1d9: {  	_ =	swait.ge [sflag:s18], $0x300  }
0x1da: {  	s19 =	rddreg [dreg:$0xa]  }
0x1db: {  	s6 =	sadd.s32 s19, s5;
	s19 =	sld [smem:$0x7EC]  }
0x1dc: {  	[sflag:s18] =	ssyncset.done $0x0  }
0x1dd: {  	[sflag:s18] =	ssyncadd.s32 $0xFFFFFD00  }
0x1de: {  	[hbm:s6], [sflag:s17] =	dma.local [spmem:s19], $0x300  }
0x1df: {  	_ =	swait.ge [sflag:s18], $0x300  }
0x1e0: {  	s19 =	rddreg [dreg:$0xb]  }
0x1e1: {  	s6 =	sadd.s32 s19, s5;
	s19 =	sld [smem:$0x7ED]  }
0x1e2: {  	[sflag:s18] =	ssyncset.done $0x0  }
0x1e3: {  	[sflag:s18] =	ssyncadd.s32 $0xFFFFFD00  }
0x1e4: {  	[hbm:s6], [sflag:s17] =	dma.local [spmem:s19], $0x300  }
0x1e5: {  	_ =	swait.ge [sflag:s18], $0x300  }
0x1e6: {  	s19 =	rddreg [dreg:$0xc]  }
0x1e7: {  	s6 =	sadd.s32 s19, s5;
	s19 =	sld [smem:$0x7EE]  }
0x1e8: {  	[sflag:s18] =	ssyncset.done $0x0  }
0x1e9: {  	[sflag:s18] =	ssyncadd.s32 $0xFFFFFD00  }
0x1ea: {  	[hbm:s6], [sflag:s17] =	dma.local [spmem:s19], $0x300  }
0x1eb: {  	_ =	swait.ge [sflag:s18], $0x300  }
0x1ec: {  	s19 =	rddreg [dreg:$0xd]  }
0x1ed: {  	s6 =	sadd.s32 s19, s5;
	s19 =	sld [smem:$0x7EF]  }
0x1ee: {  	[sflag:s18] =	ssyncset.done $0x0  }
0x1ef: {  	[sflag:s18] =	ssyncadd.s32 $0xFFFFFD00  }
0x1f0: {  	[hbm:s6], [sflag:s17] =	dma.local [spmem:s19], $0x300  }
0x1f1: {  	_ =	swait.ge [sflag:s18], $0x300  }
0x1f2: {  	s19 =	rddreg [dreg:$0xe]  }
0x1f3: {  	s6 =	sadd.s32 s19, s5;
	s19 =	sld [smem:$0x7F0]  }
0x1f4: {  	[sflag:s18] =	ssyncset.done $0x0  }
0x1f5: {  	[sflag:s18] =	ssyncadd.s32 $0xFFFFFD00  }
0x1f6: {  	[hbm:s6], [sflag:s17] =	dma.local [spmem:s19], $0x300  }
0x1f7: {  	_ =	swait.ge [sflag:s18], $0x300  }
0x1f8: {  	s19 =	rddreg [dreg:$0xf]  }
0x1f9: {  	s5 =	sadd.s32 s19, s5;
	s19 =	sld [smem:$0x7F3]  }
0x1fa: {  	[sflag:s18] =	ssyncset.done $0x0  }
.Ltmp12:
0x1fb: {  	[sflag:s18] =	ssyncadd.s32 $0xFFFFFD00;
	(pc) =	sbr.rel .LBB2_13-.Ltmp12, $4  }
0x1fc: {  	[hbm:s5], [sflag:s17] =	dma.local [spmem:s19], $0x300  }
0x1fd: {  	_ =	swait.ge [sflag:s18], $0x300  }
0x1fe: {  	[sflag:s18] =	ssyncset.done $0x0  }
0x1ff: {  	[sflag:s18] =	ssyncadd.s32 $0xFFFFFD00  }
.LBB2_15:
0x200: {  	_ =	sfence.sel $0x180000  }
0x201: {  	[bflag:$0x0] =	sbarrier.arrive $0xFFFF  }
0x202: {  	_ =	strace $0x90000047  }
0x203: {  	s0 =	stileid.u32;
	[bflag:$0x2] =	sbarrier.arrive $0xFFFF  }
0x204: {  	p0 =	sne.s32 s0, $0x0;
	s0 =	rddreg [dreg:$0x4]  }
0x205: {  	s0 =	sadd.s32 @!p0 $0x100000, s0  }
0x206: {  	[sflag:s0] =	ssyncadd.tile.s32 @!p0 $0x1;
	_ =	shalt  }
.Lfunc_end2:
_tile_overlayer_lowered:
.L_overlay_start_2:
0x207: {  	(tag) =	ssettag $0x2  }
0x208: {  	s0 =	rddreg [dreg:$0x0];
	s2 =	stileid.u32  }
0x209: {  	s1 =	rddreg [dreg:$0x1];
	p0 =	sne.s32 s2, $0x0  }
0x20a: {  	s3 =	rddreg [dreg:$0x2];
	[bflag:$0x3] =	sbarrier.arrive $0xFFFF;
	s2 =	simm.s32 @!p0 $0x1C04  }
0x20b: {  	[timem:s3], [sflag:s2] =	dma.local @!p0 [hbm:s0], s1  }
0x20c: {  	s0 =	simm.s32 @!p0 $0x4  }
0x20d: {  	_ =	swait.ge @!p0 [sflag:s0], s1  }
0x20e: {  	s1 =	ssub.s32 @!p0 $0x0, s1;
	[sflag:s0] =	ssyncset.done @!p0 $0x0  }
0x20f: {  	[sflag:s0] =	ssyncadd.s32 @!p0 s1  }
0x210: {  	[bflag:$0x3] =	sbarrier.arrive $0xFFFF  }
0x211: {  	_ =	shalt  }

</sc_bundles>
